<compile_context>
chip_gen: v7x
topology: tpu7x:2x2x1
jax: 0.10.2.dev20260603
libtpu: 0.0.44.dev20260713+nightly
codegen_flags: <defaults>
</compile_context>

<pallas_src>
import functools

import jax
import jax.numpy as jnp
from jax import lax
from jax.experimental import pallas as pl
from jax.experimental.pallas import tpu as pltpu
from jax.experimental.pallas import tpu_sc as plsc

_FIELD_DIM = 100000
_B = 16384
_F = 26
_D = 16
_NC = 2
_NS = 16
_NW = _NC * _NS
_RPW = _B // _NW
_CHUNK = 64
_NCH = _RPW // _CHUNK
_FS = 32
_CIDX = _CHUNK * _FS


def _sc_body(table_hbm, idx_hbm, wvec_hbm, out_hbm,
             idx0, idx1, g0, g1, p0, p1, wvec_v, sem0, sem1, osem):
    cid = lax.axis_index("c")
    sid = lax.axis_index("s")
    wid = sid * _NC + cid

    pltpu.sync_copy(wvec_hbm, wvec_v)
    wv = wvec_v[...]

    idx_bufs = (idx0, idx1)
    g_bufs = (g0, g1)
    p_bufs = (p0, p1)
    sems = (sem0, sem1)

    def load_chunk(c, buf):
        row0 = wid * _RPW + c * _CHUNK
        pltpu.sync_copy(idx_hbm.at[pl.ds(row0, _CHUNK), :], idx_bufs[buf])

        def fire(r, carry, buf=buf):
            pltpu.async_copy(
                table_hbm.at[idx_bufs[buf].at[r, pl.ds(0, _FS)]],
                g_bufs[buf].at[pl.ds(r * _FS, _FS), :],
                sems[buf])
            return carry

        lax.fori_loop(0, _CHUNK, fire, 0)

    def wait_chunk(buf):
        pltpu.make_async_copy(
            table_hbm.at[pl.ds(0, _CIDX), :], g_bufs[buf],
            sems[buf]).wait()

    load_chunk(0, 0)
    out_cps = []
    for c in range(_NCH):
        buf = c & 1
        wait_chunk(buf)
        if c + 1 < _NCH:
            load_chunk(c + 1, 1 - buf)

        gath_v = g_bufs[buf]
        prod_v = p_bufs[buf]
        if c >= 2:
            out_cps[c - 2].wait()

        def row_fn(r, carry, gath_v=gath_v, prod_v=prod_v):
            acc = gath_v[r * _FS, :]
            for f in range(1, _F):
                acc = acc + gath_v[r * _FS + f, :]
            prod_v[r // 8, pl.ds((r % 8) * 16, 16)] = acc * wv
            return carry

        lax.fori_loop(0, _CHUNK, row_fn, 0)

        out_cps.append(pltpu.async_copy(
            prod_v,
            out_hbm.at[pl.ds((wid * _RPW + c * _CHUNK) * _D // 128,
                             _CHUNK * _D // 128), :],
            osem))
    for cp in out_cps[-2:]:
        cp.wait()


def _tc_body(p_ref, b_ref, o_ref):
    p3 = p_ref[...].reshape(128, 16, 128)
    ll = lax.broadcasted_iota(jnp.int32, (128, 128), 0)
    jj = lax.broadcasted_iota(jnp.int32, (128, 128), 1)
    acc = jnp.zeros((128, 128), jnp.float32)
    for k in range(16):
        mk = ((jj // 8 == k) & (ll // 16 == jj - 8 * k)).astype(jnp.float32)
        acc = acc + jnp.dot(p3[:, k, :], mk,
                            preferred_element_type=jnp.float32)
    o_ref[...] = jax.nn.sigmoid(acc + b_ref[0])


@functools.partial(jax.jit, donate_argnums=())
def _run(table, idx, wvec, b):
    mesh = plsc.VectorSubcoreMesh(core_axis_name="c", subcore_axis_name="s")
    f = pl.kernel(
        _sc_body,
        out_type=jax.ShapeDtypeStruct((_B * _D // 128, 128), jnp.float32),
        mesh=mesh,
        compiler_params=pltpu.CompilerParams(use_tc_tiling_on_sc=False),
        scratch_types=[
            pltpu.VMEM((_CHUNK, 128), jnp.int32),
            pltpu.VMEM((_CHUNK, 128), jnp.int32),
            pltpu.VMEM((_CIDX, _D), jnp.float32),
            pltpu.VMEM((_CIDX, _D), jnp.float32),
            pltpu.VMEM((_CHUNK * _D // 128, 128), jnp.float32),
            pltpu.VMEM((_CHUNK * _D // 128, 128), jnp.float32),
            pltpu.VMEM((16,), jnp.float32),
            pltpu.SemaphoreType.DMA,
            pltpu.SemaphoreType.DMA,
            pltpu.SemaphoreType.DMA,
        ],
    )
    prod = f(table, idx, wvec)
    out2d = pl.pallas_call(
        _tc_body,
        out_shape=jax.ShapeDtypeStruct((_B // 128, 128), jnp.float32),
        in_specs=[
            pl.BlockSpec(memory_space=pltpu.VMEM),
            pl.BlockSpec(memory_space=pltpu.SMEM),
        ],
        out_specs=pl.BlockSpec(memory_space=pltpu.VMEM),
    )(prod, b)
    return out2d.reshape(_B)


def kernel(features, mask, mask_value, table, W, b):
    del mask, mask_value
    offsets = (jnp.arange(_F, dtype=jnp.int32) * _FIELD_DIM)[None, :]
    base = features + offsets
    idx = jnp.pad(jnp.concatenate([base, base[:, :_FS - _F]], axis=1),
                  ((0, 0), (0, 128 - _FS)))
    wvec = W[:, 0].astype(jnp.float32)
    return _run(table, idx, wvec, b.astype(jnp.float32))

# --- scband reference (transcript-rebuilt; emitter-appended) ---
"""Pipeline reference for scband-lr-71674414235766 (READ-ONLY COPY).

The authoritative reference and input builder live on the scoring server;
editing this copy changes nothing except your own understanding.
"""

import jax, jax.numpy as jnp
import numpy as np

FIELD_DIMS = [100000] * 26
EMBED_DIM = 16
BATCH = 16384
N_MASK = 13


def setup_inputs(seed: int = 0) -> dict:
    key = jax.random.key(seed)
    k1, k2, k3, k4, k5 = jax.random.split(key, 5)
    features = jax.random.randint(k1, (BATCH, len(FIELD_DIMS)), 0, FIELD_DIMS[0], dtype=jnp.int32)
    mask = jax.random.randint(k2, (BATCH, N_MASK), 0, len(FIELD_DIMS), dtype=jnp.int32)
    mask_value = jax.random.uniform(k3, (BATCH, N_MASK), dtype=jnp.float32)
    table = jax.random.normal(k4, (int(np.sum(FIELD_DIMS)), EMBED_DIM), dtype=jnp.float32) * 0.01
    W = jax.random.normal(k5, (EMBED_DIM, 1), dtype=jnp.float32) * 0.1
    b = jnp.zeros((1,), dtype=jnp.float32)
    return {"features": features, "mask": mask, "mask_value": mask_value, "table": table, "W": W, "b": b}


def reference(features, mask, mask_value, table, W, b):
    # FeaturesEmbedding: per-field offsets into a single fused table, then gather
    offsets = jnp.asarray(np.concatenate(([0], np.cumsum(FIELD_DIMS)[:-1])).astype(np.int32))
    x = jnp.take(table, features + offsets[None, :], axis=0)  # (B, F, D)
    # mask loop: if pd.isnull(mask_value[i][j]): x[i][mask[i][j]] *= mask_value[i][j]
    # Faithful vectorization: multiplicative scatter with factor mask_value where NaN, else 1.
    scale = jnp.where(jnp.isnan(mask_value), mask_value, jnp.ones_like(mask_value))
    rows = jnp.broadcast_to(jnp.arange(features.shape[0])[:, None], mask.shape)
    factors = jnp.ones(features.shape, dtype=x.dtype).at[rows, mask].multiply(scale)
    x = x * factors[:, :, None]
    # FeaturesLinear(embed_dim): sum over fields then linear to scalar
    lin = jnp.sum(x, axis=1) @ W + b  # (B, 1)
    return jax.nn.sigmoid(lin[:, 0])

if __name__ == "__main__":
    import jax
    _d = setup_inputs()
    print(jax.jit(kernel)(*tuple(_d.values())))

</pallas_src>

<mosaic_0001>
#map = affine_map<(d0, d1) -> (0, 0)>
#map1 = affine_map<(d0, d1) -> (0)>
module attributes {stable_mosaic.version = 14 : i64} {
  func.func @_sc_body(%arg0: i32, %arg1: i32, %arg2: memref<2600000x16xf32, #tpu.memory_space<hbm>>, %arg3: memref<16384x128xi32, #tpu.memory_space<hbm>>, %arg4: memref<16xf32, #tpu.memory_space<hbm>>, %arg5: memref<2048x128xf32, #tpu.memory_space<hbm>>, %arg6: memref<64x128xi32, #tpu.memory_space<vmem>>, %arg7: memref<64x128xi32, #tpu.memory_space<vmem>>, %arg8: memref<2048x16xf32, #tpu.memory_space<vmem>>, %arg9: memref<2048x16xf32, #tpu.memory_space<vmem>>, %arg10: memref<8x128xf32, #tpu.memory_space<vmem>>, %arg11: memref<8x128xf32, #tpu.memory_space<vmem>>, %arg12: memref<16xf32, #tpu.memory_space<vmem>>, %arg13: memref<!tpu.dma_semaphore, #tpu.memory_space<semaphore_mem>>, %arg14: memref<!tpu.dma_semaphore, #tpu.memory_space<semaphore_mem>>, %arg15: memref<!tpu.dma_semaphore, #tpu.memory_space<semaphore_mem>>) attributes {dimension_semantics = [#tpu.dimension_semantics<core_parallel>, #tpu.dimension_semantics<subcore_parallel>], iteration_bounds = array<i64: 2, 16>, scalar_prefetch = 0 : i64, scratch_operands = 10 : i64, tpu.core_type = #tpu.core_type<sc_vector_subcore>, window_params = [{transform_indices = #map}, {transform_indices = #map}, {transform_indices = #map1}, {transform_indices = #map}]} {
    %mul3A = arith.constant 2 : i32
    %mul3A_0 = arith.muli %arg1, %mul3A : i32
    %add3A = arith.addi %mul3A_0, %arg0 : i32
    "tpu.region"() ({
      %run_scoped3A = tpu.sem_alloc : memref<!tpu.dma_semaphore, #tpu.memory_space<semaphore_mem>>
      tpu.enqueue_dma source(%arg4 : memref<16xf32, #tpu.memory_space<hbm>>) target(%arg12 : memref<16xf32, #tpu.memory_space<vmem>>) target_semaphore(%run_scoped3A : memref<!tpu.dma_semaphore, #tpu.memory_space<semaphore_mem>>)
      tpu.wait_dma2 semaphore(%run_scoped3A : memref<!tpu.dma_semaphore, #tpu.memory_space<semaphore_mem>>) src(%arg4 : memref<16xf32, #tpu.memory_space<hbm>>) dst(%arg12 : memref<16xf32, #tpu.memory_space<vmem>>)
      tpu.yield
    }) : () -> ()
    %get3A = arith.constant 0 : index
    %get3A_1 = tpu.vector_load %arg12[%get3A] {strides = array<i32>} : memref<16xf32, #tpu.memory_space<vmem>>, vector<16xf32>,
    %get3A_2 = vector.shape_cast %get3A_1 : vector<16xf32> to vector<16xf32>
    %mul3A_3 = arith.constant 512 : i32
    %mul3A_4 = arith.muli %add3A, %mul3A_3 : i32
    %add3A_5 = arith.constant 0 : i32
    %add3A_6 = arith.addi %mul3A_4, %add3A_5 : i32
    "tpu.region"() ({
      %run_scoped3A = tpu.sem_alloc : memref<!tpu.dma_semaphore, #tpu.memory_space<semaphore_mem>>
      %dma_start3A_472 = arith.constant 0 : i32
      %dma_start3A_473 = tpu.memref_slice %arg3[%add3A_6, %dma_start3A_472] : memref<16384x128xi32, #tpu.memory_space<hbm>> -> memref<64x128xi32, #tpu.memory_space<hbm>>
      %dma_start3A_474 = arith.constant 0 : i32
      %dma_start3A_475 = tpu.memref_slice %arg3[%add3A_6, %dma_start3A_474] : memref<16384x128xi32, #tpu.memory_space<hbm>> -> memref<64x128xi32, #tpu.memory_space<hbm>>
      tpu.enqueue_dma source(%dma_start3A_475 : memref<64x128xi32, #tpu.memory_space<hbm>>) target(%arg6 : memref<64x128xi32, #tpu.memory_space<vmem>>) target_semaphore(%run_scoped3A : memref<!tpu.dma_semaphore, #tpu.memory_space<semaphore_mem>>)
      %dma_wait3A_476 = arith.constant 0 : i32
      %dma_wait3A_477 = tpu.memref_slice %arg3[%add3A_6, %dma_wait3A_476] : memref<16384x128xi32, #tpu.memory_space<hbm>> -> memref<64x128xi32, #tpu.memory_space<hbm>>
      %dma_wait3A_478 = arith.constant 0 : i32
      %dma_wait3A_479 = tpu.memref_slice %arg3[%add3A_6, %dma_wait3A_478] : memref<16384x128xi32, #tpu.memory_space<hbm>> -> memref<64x128xi32, #tpu.memory_space<hbm>>
      tpu.wait_dma2 semaphore(%run_scoped3A : memref<!tpu.dma_semaphore, #tpu.memory_space<semaphore_mem>>) src(%dma_wait3A_479 : memref<64x128xi32, #tpu.memory_space<hbm>>) dst(%arg6 : memref<64x128xi32, #tpu.memory_space<vmem>>)
      tpu.yield
    }) : () -> ()
    %scan3A = arith.constant 0 : i32
    %scan3A_7 = arith.constant 0 : i32
    %scan3A_8 = arith.constant 64 : i32
    %scan3A_9 = arith.addi %scan3A_7, %scan3A_8 : i32
    %scan3A_10 = arith.constant 1 : i32
    scf.for %scan3A_472 = %scan3A_7 to %scan3A_9 step %scan3A_10  : i32 {
      %mul3A_473 = arith.constant 32 : i32
      %mul3A_474 = arith.muli %scan3A_472, %mul3A_473 : i32
      %dma_start3A_475 = arith.constant 0 : i32
      %dma_start3A_476 = tpu.memref_slice %arg8[%mul3A_474, %dma_start3A_475] : memref<2048x16xf32, #tpu.memory_space<vmem>> -> memref<32x16xf32, #tpu.memory_space<vmem>>
      %dma_start3A_477 = arith.constant 0 : i32
      %dma_start3A_478 = tpu.memref_slice %arg6[%scan3A_472, %dma_start3A_477] : memref<64x128xi32, #tpu.memory_space<vmem>> -> memref<1x32xi32, #tpu.memory_space<vmem>>
      %dma_start3A_479 = tpu.memref_squeeze %dma_start3A_478 : memref<1x32xi32, #tpu.memory_space<vmem>> -> memref<32xi32, #tpu.memory_space<vmem>>
      %dma_start3A_480 = arith.constant 0 : i32
      %dma_start3A_481 = arith.constant 0 : i32
      %dma_start3A_482 = tpu.memref_slice %arg2[%dma_start3A_480, %dma_start3A_481] : memref<2600000x16xf32, #tpu.memory_space<hbm>> -> memref<2600000x16xf32, #tpu.memory_space<hbm>>
      tpu.enqueue_indirect_dma source(%dma_start3A_482 : memref<2600000x16xf32, #tpu.memory_space<hbm>>) target(%dma_start3A_476 : memref<32x16xf32, #tpu.memory_space<vmem>>) offsets(%dma_start3A_479 : memref<32xi32, #tpu.memory_space<vmem>>) semaphore(%arg13 : memref<!tpu.dma_semaphore, #tpu.memory_space<semaphore_mem>>)
    }
    %scan3A_11 = arith.constant 64 : i32
    %dma_wait3A = arith.constant 0 : i32
    %dma_wait3A_12 = arith.constant 0 : i32
    %dma_wait3A_13 = tpu.memref_slice %arg2[%dma_wait3A, %dma_wait3A_12] : memref<2600000x16xf32, #tpu.memory_space<hbm>> -> memref<2048x16xf32, #tpu.memory_space<hbm>>
    %dma_wait3A_14 = arith.constant 0 : i32
    %dma_wait3A_15 = arith.constant 0 : i32
    %dma_wait3A_16 = tpu.memref_slice %arg2[%dma_wait3A_14, %dma_wait3A_15] : memref<2600000x16xf32, #tpu.memory_space<hbm>> -> memref<2048x16xf32, #tpu.memory_space<hbm>>
    tpu.wait_dma2 semaphore(%arg13 : memref<!tpu.dma_semaphore, #tpu.memory_space<semaphore_mem>>) src(%dma_wait3A_16 : memref<2048x16xf32, #tpu.memory_space<hbm>>) dst(%arg8 : memref<2048x16xf32, #tpu.memory_space<vmem>>)
    %mul3A_17 = arith.constant 512 : i32
    %mul3A_18 = arith.muli %add3A, %mul3A_17 : i32
    %add3A_19 = arith.constant 64 : i32
    %add3A_20 = arith.addi %mul3A_18, %add3A_19 : i32
    "tpu.region"() ({
      %run_scoped3A = tpu.sem_alloc : memref<!tpu.dma_semaphore, #tpu.memory_space<semaphore_mem>>
      %dma_start3A_472 = arith.constant 0 : i32
      %dma_start3A_473 = tpu.memref_slice %arg3[%add3A_20, %dma_start3A_472] : memref<16384x128xi32, #tpu.memory_space<hbm>> -> memref<64x128xi32, #tpu.memory_space<hbm>>
      %dma_start3A_474 = arith.constant 0 : i32
      %dma_start3A_475 = tpu.memref_slice %arg3[%add3A_20, %dma_start3A_474] : memref<16384x128xi32, #tpu.memory_space<hbm>> -> memref<64x128xi32, #tpu.memory_space<hbm>>
      tpu.enqueue_dma source(%dma_start3A_475 : memref<64x128xi32, #tpu.memory_space<hbm>>) target(%arg7 : memref<64x128xi32, #tpu.memory_space<vmem>>) target_semaphore(%run_scoped3A : memref<!tpu.dma_semaphore, #tpu.memory_space<semaphore_mem>>)
      %dma_wait3A_476 = arith.constant 0 : i32
      %dma_wait3A_477 = tpu.memref_slice %arg3[%add3A_20, %dma_wait3A_476] : memref<16384x128xi32, #tpu.memory_space<hbm>> -> memref<64x128xi32, #tpu.memory_space<hbm>>
      %dma_wait3A_478 = arith.constant 0 : i32
      %dma_wait3A_479 = tpu.memref_slice %arg3[%add3A_20, %dma_wait3A_478] : memref<16384x128xi32, #tpu.memory_space<hbm>> -> memref<64x128xi32, #tpu.memory_space<hbm>>
      tpu.wait_dma2 semaphore(%run_scoped3A : memref<!tpu.dma_semaphore, #tpu.memory_space<semaphore_mem>>) src(%dma_wait3A_479 : memref<64x128xi32, #tpu.memory_space<hbm>>) dst(%arg7 : memref<64x128xi32, #tpu.memory_space<vmem>>)
      tpu.yield
    }) : () -> ()
    %scan3A_21 = arith.constant 0 : i32
    %scan3A_22 = arith.constant 0 : i32
    %scan3A_23 = arith.constant 64 : i32
    %scan3A_24 = arith.addi %scan3A_22, %scan3A_23 : i32
    %scan3A_25 = arith.constant 1 : i32
    scf.for %scan3A_472 = %scan3A_22 to %scan3A_24 step %scan3A_25  : i32 {
      %mul3A_473 = arith.constant 32 : i32
      %mul3A_474 = arith.muli %scan3A_472, %mul3A_473 : i32
      %dma_start3A_475 = arith.constant 0 : i32
      %dma_start3A_476 = tpu.memref_slice %arg9[%mul3A_474, %dma_start3A_475] : memref<2048x16xf32, #tpu.memory_space<vmem>> -> memref<32x16xf32, #tpu.memory_space<vmem>>
      %dma_start3A_477 = arith.constant 0 : i32
      %dma_start3A_478 = tpu.memref_slice %arg7[%scan3A_472, %dma_start3A_477] : memref<64x128xi32, #tpu.memory_space<vmem>> -> memref<1x32xi32, #tpu.memory_space<vmem>>
      %dma_start3A_479 = tpu.memref_squeeze %dma_start3A_478 : memref<1x32xi32, #tpu.memory_space<vmem>> -> memref<32xi32, #tpu.memory_space<vmem>>
      %dma_start3A_480 = arith.constant 0 : i32
      %dma_start3A_481 = arith.constant 0 : i32
      %dma_start3A_482 = tpu.memref_slice %arg2[%dma_start3A_480, %dma_start3A_481] : memref<2600000x16xf32, #tpu.memory_space<hbm>> -> memref<2600000x16xf32, #tpu.memory_space<hbm>>
      tpu.enqueue_indirect_dma source(%dma_start3A_482 : memref<2600000x16xf32, #tpu.memory_space<hbm>>) target(%dma_start3A_476 : memref<32x16xf32, #tpu.memory_space<vmem>>) offsets(%dma_start3A_479 : memref<32xi32, #tpu.memory_space<vmem>>) semaphore(%arg14 : memref<!tpu.dma_semaphore, #tpu.memory_space<semaphore_mem>>)
    }
    %scan3A_26 = arith.constant 64 : i32
    %scan3A_27 = arith.constant 0 : i32
    %scan3A_28 = arith.constant 0 : i32
    %scan3A_29 = arith.constant 64 : i32
    %scan3A_30 = arith.addi %scan3A_28, %scan3A_29 : i32
    %scan3A_31 = arith.constant 1 : i32
    scf.for %scan3A_472 = %scan3A_28 to %scan3A_30 step %scan3A_31  : i32 {
      %mul3A_473 = arith.constant 32 : i32
      %mul3A_474 = arith.muli %scan3A_472, %mul3A_473 : i32
      %get3A_475 = arith.index_cast %mul3A_474 : i32 to index
      %get3A_476 = arith.constant 0 : index
      %get3A_477 = tpu.vector_load %arg8[%get3A_475, %get3A_476] {strides = array<i32>} : memref<2048x16xf32, #tpu.memory_space<vmem>>, vector<1x16xf32>,
      %get3A_478 = vector.shape_cast %get3A_477 : vector<1x16xf32> to vector<16xf32>
      %mul3A_479 = arith.constant 32 : i32
      %mul3A_480 = arith.muli %scan3A_472, %mul3A_479 : i32
      %add3A_481 = arith.constant 1 : i32
      %add3A_482 = arith.addi %mul3A_480, %add3A_481 : i32
      %get3A_483 = arith.index_cast %add3A_482 : i32 to index
      %get3A_484 = arith.constant 0 : index
      %get3A_485 = tpu.vector_load %arg8[%get3A_483, %get3A_484] {strides = array<i32>} : memref<2048x16xf32, #tpu.memory_space<vmem>>, vector<1x16xf32>,
      %get3A_486 = vector.shape_cast %get3A_485 : vector<1x16xf32> to vector<16xf32>
      %add3A_487 = arith.addf %get3A_478, %get3A_486 : vector<16xf32>
      %mul3A_488 = arith.constant 32 : i32
      %mul3A_489 = arith.muli %scan3A_472, %mul3A_488 : i32
      %add3A_490 = arith.constant 2 : i32
      %add3A_491 = arith.addi %mul3A_489, %add3A_490 : i32
      %get3A_492 = arith.index_cast %add3A_491 : i32 to index
      %get3A_493 = arith.constant 0 : index
      %get3A_494 = tpu.vector_load %arg8[%get3A_492, %get3A_493] {strides = array<i32>} : memref<2048x16xf32, #tpu.memory_space<vmem>>, vector<1x16xf32>,
      %get3A_495 = vector.shape_cast %get3A_494 : vector<1x16xf32> to vector<16xf32>
      %add3A_496 = arith.addf %add3A_487, %get3A_495 : vector<16xf32>
      %mul3A_497 = arith.constant 32 : i32
      %mul3A_498 = arith.muli %scan3A_472, %mul3A_497 : i32
      %add3A_499 = arith.constant 3 : i32
      %add3A_500 = arith.addi %mul3A_498, %add3A_499 : i32
      %get3A_501 = arith.index_cast %add3A_500 : i32 to index
      %get3A_502 = arith.constant 0 : index
      %get3A_503 = tpu.vector_load %arg8[%get3A_501, %get3A_502] {strides = array<i32>} : memref<2048x16xf32, #tpu.memory_space<vmem>>, vector<1x16xf32>,
      %get3A_504 = vector.shape_cast %get3A_503 : vector<1x16xf32> to vector<16xf32>
      %add3A_505 = arith.addf %add3A_496, %get3A_504 : vector<16xf32>
      %mul3A_506 = arith.constant 32 : i32
      %mul3A_507 = arith.muli %scan3A_472, %mul3A_506 : i32
      %add3A_508 = arith.constant 4 : i32
      %add3A_509 = arith.addi %mul3A_507, %add3A_508 : i32
      %get3A_510 = arith.index_cast %add3A_509 : i32 to index
      %get3A_511 = arith.constant 0 : index
      %get3A_512 = tpu.vector_load %arg8[%get3A_510, %get3A_511] {strides = array<i32>} : memref<2048x16xf32, #tpu.memory_space<vmem>>, vector<1x16xf32>,
      %get3A_513 = vector.shape_cast %get3A_512 : vector<1x16xf32> to vector<16xf32>
      %add3A_514 = arith.addf %add3A_505, %get3A_513 : vector<16xf32>
      %mul3A_515 = arith.constant 32 : i32
      %mul3A_516 = arith.muli %scan3A_472, %mul3A_515 : i32
      %add3A_517 = arith.constant 5 : i32
      %add3A_518 = arith.addi %mul3A_516, %add3A_517 : i32
      %get3A_519 = arith.index_cast %add3A_518 : i32 to index
      %get3A_520 = arith.constant 0 : index
      %get3A_521 = tpu.vector_load %arg8[%get3A_519, %get3A_520] {strides = array<i32>} : memref<2048x16xf32, #tpu.memory_space<vmem>>, vector<1x16xf32>,
      %get3A_522 = vector.shape_cast %get3A_521 : vector<1x16xf32> to vector<16xf32>
      %add3A_523 = arith.addf %add3A_514, %get3A_522 : vector<16xf32>
      %mul3A_524 = arith.constant 32 : i32
      %mul3A_525 = arith.muli %scan3A_472, %mul3A_524 : i32
      %add3A_526 = arith.constant 6 : i32
      %add3A_527 = arith.addi %mul3A_525, %add3A_526 : i32
      %get3A_528 = arith.index_cast %add3A_527 : i32 to index
      %get3A_529 = arith.constant 0 : index
      %get3A_530 = tpu.vector_load %arg8[%get3A_528, %get3A_529] {strides = array<i32>} : memref<2048x16xf32, #tpu.memory_space<vmem>>, vector<1x16xf32>,
      %get3A_531 = vector.shape_cast %get3A_530 : vector<1x16xf32> to vector<16xf32>
      %add3A_532 = arith.addf %add3A_523, %get3A_531 : vector<16xf32>
      %mul3A_533 = arith.constant 32 : i32
      %mul3A_534 = arith.muli %scan3A_472, %mul3A_533 : i32
      %add3A_535 = arith.constant 7 : i32
      %add3A_536 = arith.addi %mul3A_534, %add3A_535 : i32
      %get3A_537 = arith.index_cast %add3A_536 : i32 to index
      %get3A_538 = arith.constant 0 : index
      %get3A_539 = tpu.vector_load %arg8[%get3A_537, %get3A_538] {strides = array<i32>} : memref<2048x16xf32, #tpu.memory_space<vmem>>, vector<1x16xf32>,
      %get3A_540 = vector.shape_cast %get3A_539 : vector<1x16xf32> to vector<16xf32>
      %add3A_541 = arith.addf %add3A_532, %get3A_540 : vector<16xf32>
      %mul3A_542 = arith.constant 32 : i32
      %mul3A_543 = arith.muli %scan3A_472, %mul3A_542 : i32
      %add3A_544 = arith.constant 8 : i32
      %add3A_545 = arith.addi %mul3A_543, %add3A_544 : i32
      %get3A_546 = arith.index_cast %add3A_545 : i32 to index
      %get3A_547 = arith.constant 0 : index
      %get3A_548 = tpu.vector_load %arg8[%get3A_546, %get3A_547] {strides = array<i32>} : memref<2048x16xf32, #tpu.memory_space<vmem>>, vector<1x16xf32>,
      %get3A_549 = vector.shape_cast %get3A_548 : vector<1x16xf32> to vector<16xf32>
      %add3A_550 = arith.addf %add3A_541, %get3A_549 : vector<16xf32>
      %mul3A_551 = arith.constant 32 : i32
      %mul3A_552 = arith.muli %scan3A_472, %mul3A_551 : i32
      %add3A_553 = arith.constant 9 : i32
      %add3A_554 = arith.addi %mul3A_552, %add3A_553 : i32
      %get3A_555 = arith.index_cast %add3A_554 : i32 to index
      %get3A_556 = arith.constant 0 : index
      %get3A_557 = tpu.vector_load %arg8[%get3A_555, %get3A_556] {strides = array<i32>} : memref<2048x16xf32, #tpu.memory_space<vmem>>, vector<1x16xf32>,
      %get3A_558 = vector.shape_cast %get3A_557 : vector<1x16xf32> to vector<16xf32>
      %add3A_559 = arith.addf %add3A_550, %get3A_558 : vector<16xf32>
      %mul3A_560 = arith.constant 32 : i32
      %mul3A_561 = arith.muli %scan3A_472, %mul3A_560 : i32
      %add3A_562 = arith.constant 10 : i32
      %add3A_563 = arith.addi %mul3A_561, %add3A_562 : i32
      %get3A_564 = arith.index_cast %add3A_563 : i32 to index
      %get3A_565 = arith.constant 0 : index
      %get3A_566 = tpu.vector_load %arg8[%get3A_564, %get3A_565] {strides = array<i32>} : memref<2048x16xf32, #tpu.memory_space<vmem>>, vector<1x16xf32>,
      %get3A_567 = vector.shape_cast %get3A_566 : vector<1x16xf32> to vector<16xf32>
      %add3A_568 = arith.addf %add3A_559, %get3A_567 : vector<16xf32>
      %mul3A_569 = arith.constant 32 : i32
      %mul3A_570 = arith.muli %scan3A_472, %mul3A_569 : i32
      %add3A_571 = arith.constant 11 : i32
      %add3A_572 = arith.addi %mul3A_570, %add3A_571 : i32
      %get3A_573 = arith.index_cast %add3A_572 : i32 to index
      %get3A_574 = arith.constant 0 : index
      %get3A_575 = tpu.vector_load %arg8[%get3A_573, %get3A_574] {strides = array<i32>} : memref<2048x16xf32, #tpu.memory_space<vmem>>, vector<1x16xf32>,
      %get3A_576 = vector.shape_cast %get3A_575 : vector<1x16xf32> to vector<16xf32>
      %add3A_577 = arith.addf %add3A_568, %get3A_576 : vector<16xf32>
      %mul3A_578 = arith.constant 32 : i32
      %mul3A_579 = arith.muli %scan3A_472, %mul3A_578 : i32
      %add3A_580 = arith.constant 12 : i32
      %add3A_581 = arith.addi %mul3A_579, %add3A_580 : i32
      %get3A_582 = arith.index_cast %add3A_581 : i32 to index
      %get3A_583 = arith.constant 0 : index
      %get3A_584 = tpu.vector_load %arg8[%get3A_582, %get3A_583] {strides = array<i32>} : memref<2048x16xf32, #tpu.memory_space<vmem>>, vector<1x16xf32>,
      %get3A_585 = vector.shape_cast %get3A_584 : vector<1x16xf32> to vector<16xf32>
      %add3A_586 = arith.addf %add3A_577, %get3A_585 : vector<16xf32>
      %mul3A_587 = arith.constant 32 : i32
      %mul3A_588 = arith.muli %scan3A_472, %mul3A_587 : i32
      %add3A_589 = arith.constant 13 : i32
      %add3A_590 = arith.addi %mul3A_588, %add3A_589 : i32
      %get3A_591 = arith.index_cast %add3A_590 : i32 to index
      %get3A_592 = arith.constant 0 : index
      %get3A_593 = tpu.vector_load %arg8[%get3A_591, %get3A_592] {strides = array<i32>} : memref<2048x16xf32, #tpu.memory_space<vmem>>, vector<1x16xf32>,
      %get3A_594 = vector.shape_cast %get3A_593 : vector<1x16xf32> to vector<16xf32>
      %add3A_595 = arith.addf %add3A_586, %get3A_594 : vector<16xf32>
      %mul3A_596 = arith.constant 32 : i32
      %mul3A_597 = arith.muli %scan3A_472, %mul3A_596 : i32
      %add3A_598 = arith.constant 14 : i32
      %add3A_599 = arith.addi %mul3A_597, %add3A_598 : i32
      %get3A_600 = arith.index_cast %add3A_599 : i32 to index
      %get3A_601 = arith.constant 0 : index
      %get3A_602 = tpu.vector_load %arg8[%get3A_600, %get3A_601] {strides = array<i32>} : memref<2048x16xf32, #tpu.memory_space<vmem>>, vector<1x16xf32>,
      %get3A_603 = vector.shape_cast %get3A_602 : vector<1x16xf32> to vector<16xf32>
      %add3A_604 = arith.addf %add3A_595, %get3A_603 : vector<16xf32>
      %mul3A_605 = arith.constant 32 : i32
      %mul3A_606 = arith.muli %scan3A_472, %mul3A_605 : i32
      %add3A_607 = arith.constant 15 : i32
      %add3A_608 = arith.addi %mul3A_606, %add3A_607 : i32
      %get3A_609 = arith.index_cast %add3A_608 : i32 to index
      %get3A_610 = arith.constant 0 : index
      %get3A_611 = tpu.vector_load %arg8[%get3A_609, %get3A_610] {strides = array<i32>} : memref<2048x16xf32, #tpu.memory_space<vmem>>, vector<1x16xf32>,
      %get3A_612 = vector.shape_cast %get3A_611 : vector<1x16xf32> to vector<16xf32>
      %add3A_613 = arith.addf %add3A_604, %get3A_612 : vector<16xf32>
      %mul3A_614 = arith.constant 32 : i32
      %mul3A_615 = arith.muli %scan3A_472, %mul3A_614 : i32
      %add3A_616 = arith.constant 16 : i32
      %add3A_617 = arith.addi %mul3A_615, %add3A_616 : i32
      %get3A_618 = arith.index_cast %add3A_617 : i32 to index
      %get3A_619 = arith.constant 0 : index
      %get3A_620 = tpu.vector_load %arg8[%get3A_618, %get3A_619] {strides = array<i32>} : memref<2048x16xf32, #tpu.memory_space<vmem>>, vector<1x16xf32>,
      %get3A_621 = vector.shape_cast %get3A_620 : vector<1x16xf32> to vector<16xf32>
      %add3A_622 = arith.addf %add3A_613, %get3A_621 : vector<16xf32>
      %mul3A_623 = arith.constant 32 : i32
      %mul3A_624 = arith.muli %scan3A_472, %mul3A_623 : i32
      %add3A_625 = arith.constant 17 : i32
      %add3A_626 = arith.addi %mul3A_624, %add3A_625 : i32
      %get3A_627 = arith.index_cast %add3A_626 : i32 to index
      %get3A_628 = arith.constant 0 : index
      %get3A_629 = tpu.vector_load %arg8[%get3A_627, %get3A_628] {strides = array<i32>} : memref<2048x16xf32, #tpu.memory_space<vmem>>, vector<1x16xf32>,
      %get3A_630 = vector.shape_cast %get3A_629 : vector<1x16xf32> to vector<16xf32>
      %add3A_631 = arith.addf %add3A_622, %get3A_630 : vector<16xf32>
      %mul3A_632 = arith.constant 32 : i32
      %mul3A_633 = arith.muli %scan3A_472, %mul3A_632 : i32
      %add3A_634 = arith.constant 18 : i32
      %add3A_635 = arith.addi %mul3A_633, %add3A_634 : i32
      %get3A_636 = arith.index_cast %add3A_635 : i32 to index
      %get3A_637 = arith.constant 0 : index
      %get3A_638 = tpu.vector_load %arg8[%get3A_636, %get3A_637] {strides = array<i32>} : memref<2048x16xf32, #tpu.memory_space<vmem>>, vector<1x16xf32>,
      %get3A_639 = vector.shape_cast %get3A_638 : vector<1x16xf32> to vector<16xf32>
      %add3A_640 = arith.addf %add3A_631, %get3A_639 : vector<16xf32>
      %mul3A_641 = arith.constant 32 : i32
      %mul3A_642 = arith.muli %scan3A_472, %mul3A_641 : i32
      %add3A_643 = arith.constant 19 : i32
      %add3A_644 = arith.addi %mul3A_642, %add3A_643 : i32
      %get3A_645 = arith.index_cast %add3A_644 : i32 to index
      %get3A_646 = arith.constant 0 : index
      %get3A_647 = tpu.vector_load %arg8[%get3A_645, %get3A_646] {strides = array<i32>} : memref<2048x16xf32, #tpu.memory_space<vmem>>, vector<1x16xf32>,
      %get3A_648 = vector.shape_cast %get3A_647 : vector<1x16xf32> to vector<16xf32>
      %add3A_649 = arith.addf %add3A_640, %get3A_648 : vector<16xf32>
      %mul3A_650 = arith.constant 32 : i32
      %mul3A_651 = arith.muli %scan3A_472, %mul3A_650 : i32
      %add3A_652 = arith.constant 20 : i32
      %add3A_653 = arith.addi %mul3A_651, %add3A_652 : i32
      %get3A_654 = arith.index_cast %add3A_653 : i32 to index
      %get3A_655 = arith.constant 0 : index
      %get3A_656 = tpu.vector_load %arg8[%get3A_654, %get3A_655] {strides = array<i32>} : memref<2048x16xf32, #tpu.memory_space<vmem>>, vector<1x16xf32>,
      %get3A_657 = vector.shape_cast %get3A_656 : vector<1x16xf32> to vector<16xf32>
      %add3A_658 = arith.addf %add3A_649, %get3A_657 : vector<16xf32>
      %mul3A_659 = arith.constant 32 : i32
      %mul3A_660 = arith.muli %scan3A_472, %mul3A_659 : i32
      %add3A_661 = arith.constant 21 : i32
      %add3A_662 = arith.addi %mul3A_660, %add3A_661 : i32
      %get3A_663 = arith.index_cast %add3A_662 : i32 to index
      %get3A_664 = arith.constant 0 : index
      %get3A_665 = tpu.vector_load %arg8[%get3A_663, %get3A_664] {strides = array<i32>} : memref<2048x16xf32, #tpu.memory_space<vmem>>, vector<1x16xf32>,
      %get3A_666 = vector.shape_cast %get3A_665 : vector<1x16xf32> to vector<16xf32>
      %add3A_667 = arith.addf %add3A_658, %get3A_666 : vector<16xf32>
      %mul3A_668 = arith.constant 32 : i32
      %mul3A_669 = arith.muli %scan3A_472, %mul3A_668 : i32
      %add3A_670 = arith.constant 22 : i32
      %add3A_671 = arith.addi %mul3A_669, %add3A_670 : i32
      %get3A_672 = arith.index_cast %add3A_671 : i32 to index
      %get3A_673 = arith.constant 0 : index
      %get3A_674 = tpu.vector_load %arg8[%get3A_672, %get3A_673] {strides = array<i32>} : memref<2048x16xf32, #tpu.memory_space<vmem>>, vector<1x16xf32>,
      %get3A_675 = vector.shape_cast %get3A_674 : vector<1x16xf32> to vector<16xf32>
      %add3A_676 = arith.addf %add3A_667, %get3A_675 : vector<16xf32>
      %mul3A_677 = arith.constant 32 : i32
      %mul3A_678 = arith.muli %scan3A_472, %mul3A_677 : i32
      %add3A_679 = arith.constant 23 : i32
      %add3A_680 = arith.addi %mul3A_678, %add3A_679 : i32
      %get3A_681 = arith.index_cast %add3A_680 : i32 to index
      %get3A_682 = arith.constant 0 : index
      %get3A_683 = tpu.vector_load %arg8[%get3A_681, %get3A_682] {strides = array<i32>} : memref<2048x16xf32, #tpu.memory_space<vmem>>, vector<1x16xf32>,
      %get3A_684 = vector.shape_cast %get3A_683 : vector<1x16xf32> to vector<16xf32>
      %add3A_685 = arith.addf %add3A_676, %get3A_684 : vector<16xf32>
      %mul3A_686 = arith.constant 32 : i32
      %mul3A_687 = arith.muli %scan3A_472, %mul3A_686 : i32
      %add3A_688 = arith.constant 24 : i32
      %add3A_689 = arith.addi %mul3A_687, %add3A_688 : i32
      %get3A_690 = arith.index_cast %add3A_689 : i32 to index
      %get3A_691 = arith.constant 0 : index
      %get3A_692 = tpu.vector_load %arg8[%get3A_690, %get3A_691] {strides = array<i32>} : memref<2048x16xf32, #tpu.memory_space<vmem>>, vector<1x16xf32>,
      %get3A_693 = vector.shape_cast %get3A_692 : vector<1x16xf32> to vector<16xf32>
      %add3A_694 = arith.addf %add3A_685, %get3A_693 : vector<16xf32>
      %mul3A_695 = arith.constant 32 : i32
      %mul3A_696 = arith.muli %scan3A_472, %mul3A_695 : i32
      %add3A_697 = arith.constant 25 : i32
      %add3A_698 = arith.addi %mul3A_696, %add3A_697 : i32
      %get3A_699 = arith.index_cast %add3A_698 : i32 to index
      %get3A_700 = arith.constant 0 : index
      %get3A_701 = tpu.vector_load %arg8[%get3A_699, %get3A_700] {strides = array<i32>} : memref<2048x16xf32, #tpu.memory_space<vmem>>, vector<1x16xf32>,
      %get3A_702 = vector.shape_cast %get3A_701 : vector<1x16xf32> to vector<16xf32>
      %add3A_703 = arith.addf %add3A_694, %get3A_702 : vector<16xf32>
      %mul3A_704 = arith.mulf %add3A_703, %get3A_2 : vector<16xf32>
      %jit3A_705 = arith.constant 8 : i32
      %div3A_706 = arith.divsi %scan3A_472, %jit3A_705 : i32
      %sign3A_707 = arith.constant 0 : i32
      %sign3A_708 = arith.cmpi sgt, %scan3A_472, %sign3A_707 : i32
      %sign3A_709 = arith.extui %sign3A_708 : i1 to i32
      %sign3A_710 = arith.constant 0 : i32
      %sign3A_711 = arith.cmpi slt, %scan3A_472, %sign3A_710 : i32
      %sign3A_712 = arith.extui %sign3A_711 : i1 to i32
      %sign3A_713 = arith.subi %sign3A_709, %sign3A_712 : i32
      %sign3A_714 = arith.constant 0 : i32
      %sign3A_715 = arith.cmpi sgt, %jit3A_705, %sign3A_714 : i32
      %sign3A_716 = arith.extui %sign3A_715 : i1 to i32
      %sign3A_717 = arith.constant 0 : i32
      %sign3A_718 = arith.cmpi slt, %jit3A_705, %sign3A_717 : i32
      %sign3A_719 = arith.extui %sign3A_718 : i1 to i32
      %sign3A_720 = arith.subi %sign3A_716, %sign3A_719 : i32
      %ne3A_721 = arith.cmpi ne, %sign3A_713, %sign3A_720 : i32
      %rem3A_722 = arith.remsi %scan3A_472, %jit3A_705 : i32
      %ne3A_723 = arith.constant 0 : i32
      %ne3A_724 = arith.cmpi ne, %rem3A_722, %ne3A_723 : i32
      %and3A_725 = arith.andi %ne3A_721, %ne3A_724 : i1
      %sub3A_726 = arith.constant 1 : i32
      %sub3A_727 = arith.subi %div3A_706, %sub3A_726 : i32
      %select_n3A_728 = arith.select %and3A_725, %sub3A_727, %div3A_706 : i32
      %jit3A_729 = arith.constant 8 : i32
      %eq3A = arith.constant 0 : i32
      %eq3A_730 = arith.cmpi eq, %jit3A_729, %eq3A : i32
      %jit3A_731 = arith.constant 1 : i32
      %select_n3A_732 = arith.select %eq3A_730, %jit3A_731, %jit3A_729 : i32
      %rem3A_733 = arith.remsi %scan3A_472, %select_n3A_732 : i32
      %ne3A_734 = arith.constant 0 : i32
      %ne3A_735 = arith.cmpi ne, %rem3A_733, %ne3A_734 : i32
      %lt3A = arith.constant 0 : i32
      %lt3A_736 = arith.cmpi slt, %rem3A_733, %lt3A : i32
      %lt3A_737 = arith.constant 0 : i32
      %lt3A_738 = arith.cmpi slt, %select_n3A_732, %lt3A_737 : i32
      %ne3A_739 = arith.xori %lt3A_736, %lt3A_738 : i1
      %and3A_740 = arith.andi %ne3A_739, %ne3A_735 : i1
      %add3A_741 = arith.addi %rem3A_733, %select_n3A_732 : i32
      %select_n3A_742 = arith.select %and3A_740, %add3A_741, %rem3A_733 : i32
      %mul3A_743 = arith.constant 16 : i32
      %mul3A_744 = arith.muli %select_n3A_742, %mul3A_743 : i32
      %swap3A = arith.index_cast %select_n3A_728 : i32 to index
      %swap3A_745 = arith.index_cast %mul3A_744 : i32 to index
      %swap3A_746 = tpu.vector_load %arg10[%swap3A, %swap3A_745] {strides = array<i32>} : memref<8x128xf32, #tpu.memory_space<vmem>>, vector<1x16xf32>,
      %swap3A_747 = vector.shape_cast %swap3A_746 : vector<1x16xf32> to vector<16xf32>
      %swap3A_748 = vector.shape_cast %mul3A_704 : vector<16xf32> to vector<1x16xf32>
      tpu.vector_store %arg10[%swap3A, %swap3A_745], %swap3A_748 {strides = array<i32>} : memref<8x128xf32, #tpu.memory_space<vmem>>, vector<1x16xf32>,
    }
    %scan3A_32 = arith.constant 64 : i32
    %mul3A_33 = arith.constant 512 : i32
    %mul3A_34 = arith.muli %add3A, %mul3A_33 : i32
    %add3A_35 = arith.constant 0 : i32
    %add3A_36 = arith.addi %mul3A_34, %add3A_35 : i32
    %mul3A_37 = arith.constant 16 : i32
    %mul3A_38 = arith.muli %add3A_36, %mul3A_37 : i32
    %jit3A = arith.constant 128 : i32
    %div3A = arith.divsi %mul3A_38, %jit3A : i32
    %sign3A = arith.constant 0 : i32
    %sign3A_39 = arith.cmpi sgt, %mul3A_38, %sign3A : i32
    %sign3A_40 = arith.extui %sign3A_39 : i1 to i32
    %sign3A_41 = arith.constant 0 : i32
    %sign3A_42 = arith.cmpi slt, %mul3A_38, %sign3A_41 : i32
    %sign3A_43 = arith.extui %sign3A_42 : i1 to i32
    %sign3A_44 = arith.subi %sign3A_40, %sign3A_43 : i32
    %sign3A_45 = arith.constant 0 : i32
    %sign3A_46 = arith.cmpi sgt, %jit3A, %sign3A_45 : i32
    %sign3A_47 = arith.extui %sign3A_46 : i1 to i32
    %sign3A_48 = arith.constant 0 : i32
    %sign3A_49 = arith.cmpi slt, %jit3A, %sign3A_48 : i32
    %sign3A_50 = arith.extui %sign3A_49 : i1 to i32
    %sign3A_51 = arith.subi %sign3A_47, %sign3A_50 : i32
    %ne3A = arith.cmpi ne, %sign3A_44, %sign3A_51 : i32
    %rem3A = arith.remsi %mul3A_38, %jit3A : i32
    %ne3A_52 = arith.constant 0 : i32
    %ne3A_53 = arith.cmpi ne, %rem3A, %ne3A_52 : i32
    %and3A = arith.andi %ne3A, %ne3A_53 : i1
    %sub3A = arith.constant 1 : i32
    %sub3A_54 = arith.subi %div3A, %sub3A : i32
    %select_n3A = arith.select %and3A, %sub3A_54, %div3A : i32
    %dma_start3A = arith.constant 0 : i32
    %dma_start3A_55 = tpu.memref_slice %arg5[%select_n3A, %dma_start3A] : memref<2048x128xf32, #tpu.memory_space<hbm>> -> memref<8x128xf32, #tpu.memory_space<hbm>>
    %dma_start3A_56 = arith.constant 0 : i32
    %dma_start3A_57 = tpu.memref_slice %arg5[%select_n3A, %dma_start3A_56] : memref<2048x128xf32, #tpu.memory_space<hbm>> -> memref<8x128xf32, #tpu.memory_space<hbm>>
    tpu.enqueue_dma source(%arg10 : memref<8x128xf32, #tpu.memory_space<vmem>>) target(%dma_start3A_57 : memref<8x128xf32, #tpu.memory_space<hbm>>) target_semaphore(%arg15 : memref<!tpu.dma_semaphore, #tpu.memory_space<semaphore_mem>>)
    %dma_wait3A_58 = arith.constant 0 : i32
    %dma_wait3A_59 = arith.constant 0 : i32
    %dma_wait3A_60 = tpu.memref_slice %arg2[%dma_wait3A_58, %dma_wait3A_59] : memref<2600000x16xf32, #tpu.memory_space<hbm>> -> memref<2048x16xf32, #tpu.memory_space<hbm>>
    %dma_wait3A_61 = arith.constant 0 : i32
    %dma_wait3A_62 = arith.constant 0 : i32
    %dma_wait3A_63 = tpu.memref_slice %arg2[%dma_wait3A_61, %dma_wait3A_62] : memref<2600000x16xf32, #tpu.memory_space<hbm>> -> memref<2048x16xf32, #tpu.memory_space<hbm>>
    tpu.wait_dma2 semaphore(%arg14 : memref<!tpu.dma_semaphore, #tpu.memory_space<semaphore_mem>>) src(%dma_wait3A_63 : memref<2048x16xf32, #tpu.memory_space<hbm>>) dst(%arg9 : memref<2048x16xf32, #tpu.memory_space<vmem>>)
    %mul3A_64 = arith.constant 512 : i32
    %mul3A_65 = arith.muli %add3A, %mul3A_64 : i32
    %add3A_66 = arith.constant 128 : i32
    %add3A_67 = arith.addi %mul3A_65, %add3A_66 : i32
    "tpu.region"() ({
      %run_scoped3A = tpu.sem_alloc : memref<!tpu.dma_semaphore, #tpu.memory_space<semaphore_mem>>
      %dma_start3A_472 = arith.constant 0 : i32
      %dma_start3A_473 = tpu.memref_slice %arg3[%add3A_67, %dma_start3A_472] : memref<16384x128xi32, #tpu.memory_space<hbm>> -> memref<64x128xi32, #tpu.memory_space<hbm>>
      %dma_start3A_474 = arith.constant 0 : i32
      %dma_start3A_475 = tpu.memref_slice %arg3[%add3A_67, %dma_start3A_474] : memref<16384x128xi32, #tpu.memory_space<hbm>> -> memref<64x128xi32, #tpu.memory_space<hbm>>
      tpu.enqueue_dma source(%dma_start3A_475 : memref<64x128xi32, #tpu.memory_space<hbm>>) target(%arg6 : memref<64x128xi32, #tpu.memory_space<vmem>>) target_semaphore(%run_scoped3A : memref<!tpu.dma_semaphore, #tpu.memory_space<semaphore_mem>>)
      %dma_wait3A_476 = arith.constant 0 : i32
      %dma_wait3A_477 = tpu.memref_slice %arg3[%add3A_67, %dma_wait3A_476] : memref<16384x128xi32, #tpu.memory_space<hbm>> -> memref<64x128xi32, #tpu.memory_space<hbm>>
      %dma_wait3A_478 = arith.constant 0 : i32
      %dma_wait3A_479 = tpu.memref_slice %arg3[%add3A_67, %dma_wait3A_478] : memref<16384x128xi32, #tpu.memory_space<hbm>> -> memref<64x128xi32, #tpu.memory_space<hbm>>
      tpu.wait_dma2 semaphore(%run_scoped3A : memref<!tpu.dma_semaphore, #tpu.memory_space<semaphore_mem>>) src(%dma_wait3A_479 : memref<64x128xi32, #tpu.memory_space<hbm>>) dst(%arg6 : memref<64x128xi32, #tpu.memory_space<vmem>>)
      tpu.yield
    }) : () -> ()
    %scan3A_68 = arith.constant 0 : i32
    %scan3A_69 = arith.constant 0 : i32
    %scan3A_70 = arith.constant 64 : i32
    %scan3A_71 = arith.addi %scan3A_69, %scan3A_70 : i32
    %scan3A_72 = arith.constant 1 : i32
    scf.for %scan3A_472 = %scan3A_69 to %scan3A_71 step %scan3A_72  : i32 {
      %mul3A_473 = arith.constant 32 : i32
      %mul3A_474 = arith.muli %scan3A_472, %mul3A_473 : i32
      %dma_start3A_475 = arith.constant 0 : i32
      %dma_start3A_476 = tpu.memref_slice %arg8[%mul3A_474, %dma_start3A_475] : memref<2048x16xf32, #tpu.memory_space<vmem>> -> memref<32x16xf32, #tpu.memory_space<vmem>>
      %dma_start3A_477 = arith.constant 0 : i32
      %dma_start3A_478 = tpu.memref_slice %arg6[%scan3A_472, %dma_start3A_477] : memref<64x128xi32, #tpu.memory_space<vmem>> -> memref<1x32xi32, #tpu.memory_space<vmem>>
      %dma_start3A_479 = tpu.memref_squeeze %dma_start3A_478 : memref<1x32xi32, #tpu.memory_space<vmem>> -> memref<32xi32, #tpu.memory_space<vmem>>
      %dma_start3A_480 = arith.constant 0 : i32
      %dma_start3A_481 = arith.constant 0 : i32
      %dma_start3A_482 = tpu.memref_slice %arg2[%dma_start3A_480, %dma_start3A_481] : memref<2600000x16xf32, #tpu.memory_space<hbm>> -> memref<2600000x16xf32, #tpu.memory_space<hbm>>
      tpu.enqueue_indirect_dma source(%dma_start3A_482 : memref<2600000x16xf32, #tpu.memory_space<hbm>>) target(%dma_start3A_476 : memref<32x16xf32, #tpu.memory_space<vmem>>) offsets(%dma_start3A_479 : memref<32xi32, #tpu.memory_space<vmem>>) semaphore(%arg13 : memref<!tpu.dma_semaphore, #tpu.memory_space<semaphore_mem>>)
    }
    %scan3A_73 = arith.constant 64 : i32
    %scan3A_74 = arith.constant 0 : i32
    %scan3A_75 = arith.constant 0 : i32
    %scan3A_76 = arith.constant 64 : i32
    %scan3A_77 = arith.addi %scan3A_75, %scan3A_76 : i32
    %scan3A_78 = arith.constant 1 : i32
    scf.for %scan3A_472 = %scan3A_75 to %scan3A_77 step %scan3A_78  : i32 {
      %mul3A_473 = arith.constant 32 : i32
      %mul3A_474 = arith.muli %scan3A_472, %mul3A_473 : i32
      %get3A_475 = arith.index_cast %mul3A_474 : i32 to index
      %get3A_476 = arith.constant 0 : index
      %get3A_477 = tpu.vector_load %arg9[%get3A_475, %get3A_476] {strides = array<i32>} : memref<2048x16xf32, #tpu.memory_space<vmem>>, vector<1x16xf32>,
      %get3A_478 = vector.shape_cast %get3A_477 : vector<1x16xf32> to vector<16xf32>
      %mul3A_479 = arith.constant 32 : i32
      %mul3A_480 = arith.muli %scan3A_472, %mul3A_479 : i32
      %add3A_481 = arith.constant 1 : i32
      %add3A_482 = arith.addi %mul3A_480, %add3A_481 : i32
      %get3A_483 = arith.index_cast %add3A_482 : i32 to index
      %get3A_484 = arith.constant 0 : index
      %get3A_485 = tpu.vector_load %arg9[%get3A_483, %get3A_484] {strides = array<i32>} : memref<2048x16xf32, #tpu.memory_space<vmem>>, vector<1x16xf32>,
      %get3A_486 = vector.shape_cast %get3A_485 : vector<1x16xf32> to vector<16xf32>
      %add3A_487 = arith.addf %get3A_478, %get3A_486 : vector<16xf32>
      %mul3A_488 = arith.constant 32 : i32
      %mul3A_489 = arith.muli %scan3A_472, %mul3A_488 : i32
      %add3A_490 = arith.constant 2 : i32
      %add3A_491 = arith.addi %mul3A_489, %add3A_490 : i32
      %get3A_492 = arith.index_cast %add3A_491 : i32 to index
      %get3A_493 = arith.constant 0 : index
      %get3A_494 = tpu.vector_load %arg9[%get3A_492, %get3A_493] {strides = array<i32>} : memref<2048x16xf32, #tpu.memory_space<vmem>>, vector<1x16xf32>,
      %get3A_495 = vector.shape_cast %get3A_494 : vector<1x16xf32> to vector<16xf32>
      %add3A_496 = arith.addf %add3A_487, %get3A_495 : vector<16xf32>
      %mul3A_497 = arith.constant 32 : i32
      %mul3A_498 = arith.muli %scan3A_472, %mul3A_497 : i32
      %add3A_499 = arith.constant 3 : i32
      %add3A_500 = arith.addi %mul3A_498, %add3A_499 : i32
      %get3A_501 = arith.index_cast %add3A_500 : i32 to index
      %get3A_502 = arith.constant 0 : index
      %get3A_503 = tpu.vector_load %arg9[%get3A_501, %get3A_502] {strides = array<i32>} : memref<2048x16xf32, #tpu.memory_space<vmem>>, vector<1x16xf32>,
      %get3A_504 = vector.shape_cast %get3A_503 : vector<1x16xf32> to vector<16xf32>
      %add3A_505 = arith.addf %add3A_496, %get3A_504 : vector<16xf32>
      %mul3A_506 = arith.constant 32 : i32
      %mul3A_507 = arith.muli %scan3A_472, %mul3A_506 : i32
      %add3A_508 = arith.constant 4 : i32
      %add3A_509 = arith.addi %mul3A_507, %add3A_508 : i32
      %get3A_510 = arith.index_cast %add3A_509 : i32 to index
      %get3A_511 = arith.constant 0 : index
      %get3A_512 = tpu.vector_load %arg9[%get3A_510, %get3A_511] {strides = array<i32>} : memref<2048x16xf32, #tpu.memory_space<vmem>>, vector<1x16xf32>,
      %get3A_513 = vector.shape_cast %get3A_512 : vector<1x16xf32> to vector<16xf32>
      %add3A_514 = arith.addf %add3A_505, %get3A_513 : vector<16xf32>
      %mul3A_515 = arith.constant 32 : i32
      %mul3A_516 = arith.muli %scan3A_472, %mul3A_515 : i32
      %add3A_517 = arith.constant 5 : i32
      %add3A_518 = arith.addi %mul3A_516, %add3A_517 : i32
      %get3A_519 = arith.index_cast %add3A_518 : i32 to index
      %get3A_520 = arith.constant 0 : index
      %get3A_521 = tpu.vector_load %arg9[%get3A_519, %get3A_520] {strides = array<i32>} : memref<2048x16xf32, #tpu.memory_space<vmem>>, vector<1x16xf32>,
      %get3A_522 = vector.shape_cast %get3A_521 : vector<1x16xf32> to vector<16xf32>
      %add3A_523 = arith.addf %add3A_514, %get3A_522 : vector<16xf32>
      %mul3A_524 = arith.constant 32 : i32
      %mul3A_525 = arith.muli %scan3A_472, %mul3A_524 : i32
      %add3A_526 = arith.constant 6 : i32
      %add3A_527 = arith.addi %mul3A_525, %add3A_526 : i32
      %get3A_528 = arith.index_cast %add3A_527 : i32 to index
      %get3A_529 = arith.constant 0 : index
      %get3A_530 = tpu.vector_load %arg9[%get3A_528, %get3A_529] {strides = array<i32>} : memref<2048x16xf32, #tpu.memory_space<vmem>>, vector<1x16xf32>,
      %get3A_531 = vector.shape_cast %get3A_530 : vector<1x16xf32> to vector<16xf32>
      %add3A_532 = arith.addf %add3A_523, %get3A_531 : vector<16xf32>
      %mul3A_533 = arith.constant 32 : i32
      %mul3A_534 = arith.muli %scan3A_472, %mul3A_533 : i32
      %add3A_535 = arith.constant 7 : i32
      %add3A_536 = arith.addi %mul3A_534, %add3A_535 : i32
      %get3A_537 = arith.index_cast %add3A_536 : i32 to index
      %get3A_538 = arith.constant 0 : index
      %get3A_539 = tpu.vector_load %arg9[%get3A_537, %get3A_538] {strides = array<i32>} : memref<2048x16xf32, #tpu.memory_space<vmem>>, vector<1x16xf32>,
      %get3A_540 = vector.shape_cast %get3A_539 : vector<1x16xf32> to vector<16xf32>
      %add3A_541 = arith.addf %add3A_532, %get3A_540 : vector<16xf32>
      %mul3A_542 = arith.constant 32 : i32
      %mul3A_543 = arith.muli %scan3A_472, %mul3A_542 : i32
      %add3A_544 = arith.constant 8 : i32
      %add3A_545 = arith.addi %mul3A_543, %add3A_544 : i32
      %get3A_546 = arith.index_cast %add3A_545 : i32 to index
      %get3A_547 = arith.constant 0 : index
      %get3A_548 = tpu.vector_load %arg9[%get3A_546, %get3A_547] {strides = array<i32>} : memref<2048x16xf32, #tpu.memory_space<vmem>>, vector<1x16xf32>,
      %get3A_549 = vector.shape_cast %get3A_548 : vector<1x16xf32> to vector<16xf32>
      %add3A_550 = arith.addf %add3A_541, %get3A_549 : vector<16xf32>
      %mul3A_551 = arith.constant 32 : i32
      %mul3A_552 = arith.muli %scan3A_472, %mul3A_551 : i32
      %add3A_553 = arith.constant 9 : i32
      %add3A_554 = arith.addi %mul3A_552, %add3A_553 : i32
      %get3A_555 = arith.index_cast %add3A_554 : i32 to index
      %get3A_556 = arith.constant 0 : index
      %get3A_557 = tpu.vector_load %arg9[%get3A_555, %get3A_556] {strides = array<i32>} : memref<2048x16xf32, #tpu.memory_space<vmem>>, vector<1x16xf32>,
      %get3A_558 = vector.shape_cast %get3A_557 : vector<1x16xf32> to vector<16xf32>
      %add3A_559 = arith.addf %add3A_550, %get3A_558 : vector<16xf32>
      %mul3A_560 = arith.constant 32 : i32
      %mul3A_561 = arith.muli %scan3A_472, %mul3A_560 : i32
      %add3A_562 = arith.constant 10 : i32
      %add3A_563 = arith.addi %mul3A_561, %add3A_562 : i32
      %get3A_564 = arith.index_cast %add3A_563 : i32 to index
      %get3A_565 = arith.constant 0 : index
      %get3A_566 = tpu.vector_load %arg9[%get3A_564, %get3A_565] {strides = array<i32>} : memref<2048x16xf32, #tpu.memory_space<vmem>>, vector<1x16xf32>,
      %get3A_567 = vector.shape_cast %get3A_566 : vector<1x16xf32> to vector<16xf32>
      %add3A_568 = arith.addf %add3A_559, %get3A_567 : vector<16xf32>
      %mul3A_569 = arith.constant 32 : i32
      %mul3A_570 = arith.muli %scan3A_472, %mul3A_569 : i32
      %add3A_571 = arith.constant 11 : i32
      %add3A_572 = arith.addi %mul3A_570, %add3A_571 : i32
      %get3A_573 = arith.index_cast %add3A_572 : i32 to index
      %get3A_574 = arith.constant 0 : index
      %get3A_575 = tpu.vector_load %arg9[%get3A_573, %get3A_574] {strides = array<i32>} : memref<2048x16xf32, #tpu.memory_space<vmem>>, vector<1x16xf32>,
      %get3A_576 = vector.shape_cast %get3A_575 : vector<1x16xf32> to vector<16xf32>
      %add3A_577 = arith.addf %add3A_568, %get3A_576 : vector<16xf32>
      %mul3A_578 = arith.constant 32 : i32
      %mul3A_579 = arith.muli %scan3A_472, %mul3A_578 : i32
      %add3A_580 = arith.constant 12 : i32
      %add3A_581 = arith.addi %mul3A_579, %add3A_580 : i32
      %get3A_582 = arith.index_cast %add3A_581 : i32 to index
      %get3A_583 = arith.constant 0 : index
      %get3A_584 = tpu.vector_load %arg9[%get3A_582, %get3A_583] {strides = array<i32>} : memref<2048x16xf32, #tpu.memory_space<vmem>>, vector<1x16xf32>,
      %get3A_585 = vector.shape_cast %get3A_584 : vector<1x16xf32> to vector<16xf32>
      %add3A_586 = arith.addf %add3A_577, %get3A_585 : vector<16xf32>
      %mul3A_587 = arith.constant 32 : i32
      %mul3A_588 = arith.muli %scan3A_472, %mul3A_587 : i32
      %add3A_589 = arith.constant 13 : i32
      %add3A_590 = arith.addi %mul3A_588, %add3A_589 : i32
      %get3A_591 = arith.index_cast %add3A_590 : i32 to index
      %get3A_592 = arith.constant 0 : index
      %get3A_593 = tpu.vector_load %arg9[%get3A_591, %get3A_592] {strides = array<i32>} : memref<2048x16xf32, #tpu.memory_space<vmem>>, vector<1x16xf32>,
      %get3A_594 = vector.shape_cast %get3A_593 : vector<1x16xf32> to vector<16xf32>
      %add3A_595 = arith.addf %add3A_586, %get3A_594 : vector<16xf32>
      %mul3A_596 = arith.constant 32 : i32
      %mul3A_597 = arith.muli %scan3A_472, %mul3A_596 : i32
      %add3A_598 = arith.constant 14 : i32
      %add3A_599 = arith.addi %mul3A_597, %add3A_598 : i32
      %get3A_600 = arith.index_cast %add3A_599 : i32 to index
      %get3A_601 = arith.constant 0 : index
      %get3A_602 = tpu.vector_load %arg9[%get3A_600, %get3A_601] {strides = array<i32>} : memref<2048x16xf32, #tpu.memory_space<vmem>>, vector<1x16xf32>,
      %get3A_603 = vector.shape_cast %get3A_602 : vector<1x16xf32> to vector<16xf32>
      %add3A_604 = arith.addf %add3A_595, %get3A_603 : vector<16xf32>
      %mul3A_605 = arith.constant 32 : i32
      %mul3A_606 = arith.muli %scan3A_472, %mul3A_605 : i32
      %add3A_607 = arith.constant 15 : i32
      %add3A_608 = arith.addi %mul3A_606, %add3A_607 : i32
      %get3A_609 = arith.index_cast %add3A_608 : i32 to index
      %get3A_610 = arith.constant 0 : index
      %get3A_611 = tpu.vector_load %arg9[%get3A_609, %get3A_610] {strides = array<i32>} : memref<2048x16xf32, #tpu.memory_space<vmem>>, vector<1x16xf32>,
      %get3A_612 = vector.shape_cast %get3A_611 : vector<1x16xf32> to vector<16xf32>
      %add3A_613 = arith.addf %add3A_604, %get3A_612 : vector<16xf32>
      %mul3A_614 = arith.constant 32 : i32
      %mul3A_615 = arith.muli %scan3A_472, %mul3A_614 : i32
      %add3A_616 = arith.constant 16 : i32
      %add3A_617 = arith.addi %mul3A_615, %add3A_616 : i32
      %get3A_618 = arith.index_cast %add3A_617 : i32 to index
      %get3A_619 = arith.constant 0 : index
      %get3A_620 = tpu.vector_load %arg9[%get3A_618, %get3A_619] {strides = array<i32>} : memref<2048x16xf32, #tpu.memory_space<vmem>>, vector<1x16xf32>,
      %get3A_621 = vector.shape_cast %get3A_620 : vector<1x16xf32> to vector<16xf32>
      %add3A_622 = arith.addf %add3A_613, %get3A_621 : vector<16xf32>
      %mul3A_623 = arith.constant 32 : i32
      %mul3A_624 = arith.muli %scan3A_472, %mul3A_623 : i32
      %add3A_625 = arith.constant 17 : i32
      %add3A_626 = arith.addi %mul3A_624, %add3A_625 : i32
      %get3A_627 = arith.index_cast %add3A_626 : i32 to index
      %get3A_628 = arith.constant 0 : index
      %get3A_629 = tpu.vector_load %arg9[%get3A_627, %get3A_628] {strides = array<i32>} : memref<2048x16xf32, #tpu.memory_space<vmem>>, vector<1x16xf32>,
      %get3A_630 = vector.shape_cast %get3A_629 : vector<1x16xf32> to vector<16xf32>
      %add3A_631 = arith.addf %add3A_622, %get3A_630 : vector<16xf32>
      %mul3A_632 = arith.constant 32 : i32
      %mul3A_633 = arith.muli %scan3A_472, %mul3A_632 : i32
      %add3A_634 = arith.constant 18 : i32
      %add3A_635 = arith.addi %mul3A_633, %add3A_634 : i32
      %get3A_636 = arith.index_cast %add3A_635 : i32 to index
      %get3A_637 = arith.constant 0 : index
      %get3A_638 = tpu.vector_load %arg9[%get3A_636, %get3A_637] {strides = array<i32>} : memref<2048x16xf32, #tpu.memory_space<vmem>>, vector<1x16xf32>,
      %get3A_639 = vector.shape_cast %get3A_638 : vector<1x16xf32> to vector<16xf32>
      %add3A_640 = arith.addf %add3A_631, %get3A_639 : vector<16xf32>
      %mul3A_641 = arith.constant 32 : i32
      %mul3A_642 = arith.muli %scan3A_472, %mul3A_641 : i32
      %add3A_643 = arith.constant 19 : i32
      %add3A_644 = arith.addi %mul3A_642, %add3A_643 : i32
      %get3A_645 = arith.index_cast %add3A_644 : i32 to index
      %get3A_646 = arith.constant 0 : index
      %get3A_647 = tpu.vector_load %arg9[%get3A_645, %get3A_646] {strides = array<i32>} : memref<2048x16xf32, #tpu.memory_space<vmem>>, vector<1x16xf32>,
      %get3A_648 = vector.shape_cast %get3A_647 : vector<1x16xf32> to vector<16xf32>
      %add3A_649 = arith.addf %add3A_640, %get3A_648 : vector<16xf32>
      %mul3A_650 = arith.constant 32 : i32
      %mul3A_651 = arith.muli %scan3A_472, %mul3A_650 : i32
      %add3A_652 = arith.constant 20 : i32
      %add3A_653 = arith.addi %mul3A_651, %add3A_652 : i32
      %get3A_654 = arith.index_cast %add3A_653 : i32 to index
      %get3A_655 = arith.constant 0 : index
      %get3A_656 = tpu.vector_load %arg9[%get3A_654, %get3A_655] {strides = array<i32>} : memref<2048x16xf32, #tpu.memory_space<vmem>>, vector<1x16xf32>,
      %get3A_657 = vector.shape_cast %get3A_656 : vector<1x16xf32> to vector<16xf32>
      %add3A_658 = arith.addf %add3A_649, %get3A_657 : vector<16xf32>
      %mul3A_659 = arith.constant 32 : i32
      %mul3A_660 = arith.muli %scan3A_472, %mul3A_659 : i32
      %add3A_661 = arith.constant 21 : i32
      %add3A_662 = arith.addi %mul3A_660, %add3A_661 : i32
      %get3A_663 = arith.index_cast %add3A_662 : i32 to index
      %get3A_664 = arith.constant 0 : index
      %get3A_665 = tpu.vector_load %arg9[%get3A_663, %get3A_664] {strides = array<i32>} : memref<2048x16xf32, #tpu.memory_space<vmem>>, vector<1x16xf32>,
      %get3A_666 = vector.shape_cast %get3A_665 : vector<1x16xf32> to vector<16xf32>
      %add3A_667 = arith.addf %add3A_658, %get3A_666 : vector<16xf32>
      %mul3A_668 = arith.constant 32 : i32
      %mul3A_669 = arith.muli %scan3A_472, %mul3A_668 : i32
      %add3A_670 = arith.constant 22 : i32
      %add3A_671 = arith.addi %mul3A_669, %add3A_670 : i32
      %get3A_672 = arith.index_cast %add3A_671 : i32 to index
      %get3A_673 = arith.constant 0 : index
      %get3A_674 = tpu.vector_load %arg9[%get3A_672, %get3A_673] {strides = array<i32>} : memref<2048x16xf32, #tpu.memory_space<vmem>>, vector<1x16xf32>,
      %get3A_675 = vector.shape_cast %get3A_674 : vector<1x16xf32> to vector<16xf32>
      %add3A_676 = arith.addf %add3A_667, %get3A_675 : vector<16xf32>
      %mul3A_677 = arith.constant 32 : i32
      %mul3A_678 = arith.muli %scan3A_472, %mul3A_677 : i32
      %add3A_679 = arith.constant 23 : i32
      %add3A_680 = arith.addi %mul3A_678, %add3A_679 : i32
      %get3A_681 = arith.index_cast %add3A_680 : i32 to index
      %get3A_682 = arith.constant 0 : index
      %get3A_683 = tpu.vector_load %arg9[%get3A_681, %get3A_682] {strides = array<i32>} : memref<2048x16xf32, #tpu.memory_space<vmem>>, vector<1x16xf32>,
      %get3A_684 = vector.shape_cast %get3A_683 : vector<1x16xf32> to vector<16xf32>
      %add3A_685 = arith.addf %add3A_676, %get3A_684 : vector<16xf32>
      %mul3A_686 = arith.constant 32 : i32
      %mul3A_687 = arith.muli %scan3A_472, %mul3A_686 : i32
      %add3A_688 = arith.constant 24 : i32
      %add3A_689 = arith.addi %mul3A_687, %add3A_688 : i32
      %get3A_690 = arith.index_cast %add3A_689 : i32 to index
      %get3A_691 = arith.constant 0 : index
      %get3A_692 = tpu.vector_load %arg9[%get3A_690, %get3A_691] {strides = array<i32>} : memref<2048x16xf32, #tpu.memory_space<vmem>>, vector<1x16xf32>,
      %get3A_693 = vector.shape_cast %get3A_692 : vector<1x16xf32> to vector<16xf32>
      %add3A_694 = arith.addf %add3A_685, %get3A_693 : vector<16xf32>
      %mul3A_695 = arith.constant 32 : i32
      %mul3A_696 = arith.muli %scan3A_472, %mul3A_695 : i32
      %add3A_697 = arith.constant 25 : i32
      %add3A_698 = arith.addi %mul3A_696, %add3A_697 : i32
      %get3A_699 = arith.index_cast %add3A_698 : i32 to index
      %get3A_700 = arith.constant 0 : index
      %get3A_701 = tpu.vector_load %arg9[%get3A_699, %get3A_700] {strides = array<i32>} : memref<2048x16xf32, #tpu.memory_space<vmem>>, vector<1x16xf32>,
      %get3A_702 = vector.shape_cast %get3A_701 : vector<1x16xf32> to vector<16xf32>
      %add3A_703 = arith.addf %add3A_694, %get3A_702 : vector<16xf32>
      %mul3A_704 = arith.mulf %add3A_703, %get3A_2 : vector<16xf32>
      %jit3A_705 = arith.constant 8 : i32
      %div3A_706 = arith.divsi %scan3A_472, %jit3A_705 : i32
      %sign3A_707 = arith.constant 0 : i32
      %sign3A_708 = arith.cmpi sgt, %scan3A_472, %sign3A_707 : i32
      %sign3A_709 = arith.extui %sign3A_708 : i1 to i32
      %sign3A_710 = arith.constant 0 : i32
      %sign3A_711 = arith.cmpi slt, %scan3A_472, %sign3A_710 : i32
      %sign3A_712 = arith.extui %sign3A_711 : i1 to i32
      %sign3A_713 = arith.subi %sign3A_709, %sign3A_712 : i32
      %sign3A_714 = arith.constant 0 : i32
      %sign3A_715 = arith.cmpi sgt, %jit3A_705, %sign3A_714 : i32
      %sign3A_716 = arith.extui %sign3A_715 : i1 to i32
      %sign3A_717 = arith.constant 0 : i32
      %sign3A_718 = arith.cmpi slt, %jit3A_705, %sign3A_717 : i32
      %sign3A_719 = arith.extui %sign3A_718 : i1 to i32
      %sign3A_720 = arith.subi %sign3A_716, %sign3A_719 : i32
      %ne3A_721 = arith.cmpi ne, %sign3A_713, %sign3A_720 : i32
      %rem3A_722 = arith.remsi %scan3A_472, %jit3A_705 : i32
      %ne3A_723 = arith.constant 0 : i32
      %ne3A_724 = arith.cmpi ne, %rem3A_722, %ne3A_723 : i32
      %and3A_725 = arith.andi %ne3A_721, %ne3A_724 : i1
      %sub3A_726 = arith.constant 1 : i32
      %sub3A_727 = arith.subi %div3A_706, %sub3A_726 : i32
      %select_n3A_728 = arith.select %and3A_725, %sub3A_727, %div3A_706 : i32
      %jit3A_729 = arith.constant 8 : i32
      %eq3A = arith.constant 0 : i32
      %eq3A_730 = arith.cmpi eq, %jit3A_729, %eq3A : i32
      %jit3A_731 = arith.constant 1 : i32
      %select_n3A_732 = arith.select %eq3A_730, %jit3A_731, %jit3A_729 : i32
      %rem3A_733 = arith.remsi %scan3A_472, %select_n3A_732 : i32
      %ne3A_734 = arith.constant 0 : i32
      %ne3A_735 = arith.cmpi ne, %rem3A_733, %ne3A_734 : i32
      %lt3A = arith.constant 0 : i32
      %lt3A_736 = arith.cmpi slt, %rem3A_733, %lt3A : i32
      %lt3A_737 = arith.constant 0 : i32
      %lt3A_738 = arith.cmpi slt, %select_n3A_732, %lt3A_737 : i32
      %ne3A_739 = arith.xori %lt3A_736, %lt3A_738 : i1
      %and3A_740 = arith.andi %ne3A_739, %ne3A_735 : i1
      %add3A_741 = arith.addi %rem3A_733, %select_n3A_732 : i32
      %select_n3A_742 = arith.select %and3A_740, %add3A_741, %rem3A_733 : i32
      %mul3A_743 = arith.constant 16 : i32
      %mul3A_744 = arith.muli %select_n3A_742, %mul3A_743 : i32
      %swap3A = arith.index_cast %select_n3A_728 : i32 to index
      %swap3A_745 = arith.index_cast %mul3A_744 : i32 to index
      %swap3A_746 = tpu.vector_load %arg11[%swap3A, %swap3A_745] {strides = array<i32>} : memref<8x128xf32, #tpu.memory_space<vmem>>, vector<1x16xf32>,
      %swap3A_747 = vector.shape_cast %swap3A_746 : vector<1x16xf32> to vector<16xf32>
      %swap3A_748 = vector.shape_cast %mul3A_704 : vector<16xf32> to vector<1x16xf32>
      tpu.vector_store %arg11[%swap3A, %swap3A_745], %swap3A_748 {strides = array<i32>} : memref<8x128xf32, #tpu.memory_space<vmem>>, vector<1x16xf32>,
    }
    %scan3A_79 = arith.constant 64 : i32
    %mul3A_80 = arith.constant 512 : i32
    %mul3A_81 = arith.muli %add3A, %mul3A_80 : i32
    %add3A_82 = arith.constant 64 : i32
    %add3A_83 = arith.addi %mul3A_81, %add3A_82 : i32
    %mul3A_84 = arith.constant 16 : i32
    %mul3A_85 = arith.muli %add3A_83, %mul3A_84 : i32
    %jit3A_86 = arith.constant 128 : i32
    %div3A_87 = arith.divsi %mul3A_85, %jit3A_86 : i32
    %sign3A_88 = arith.constant 0 : i32
    %sign3A_89 = arith.cmpi sgt, %mul3A_85, %sign3A_88 : i32
    %sign3A_90 = arith.extui %sign3A_89 : i1 to i32
    %sign3A_91 = arith.constant 0 : i32
    %sign3A_92 = arith.cmpi slt, %mul3A_85, %sign3A_91 : i32
    %sign3A_93 = arith.extui %sign3A_92 : i1 to i32
    %sign3A_94 = arith.subi %sign3A_90, %sign3A_93 : i32
    %sign3A_95 = arith.constant 0 : i32
    %sign3A_96 = arith.cmpi sgt, %jit3A_86, %sign3A_95 : i32
    %sign3A_97 = arith.extui %sign3A_96 : i1 to i32
    %sign3A_98 = arith.constant 0 : i32
    %sign3A_99 = arith.cmpi slt, %jit3A_86, %sign3A_98 : i32
    %sign3A_100 = arith.extui %sign3A_99 : i1 to i32
    %sign3A_101 = arith.subi %sign3A_97, %sign3A_100 : i32
    %ne3A_102 = arith.cmpi ne, %sign3A_94, %sign3A_101 : i32
    %rem3A_103 = arith.remsi %mul3A_85, %jit3A_86 : i32
    %ne3A_104 = arith.constant 0 : i32
    %ne3A_105 = arith.cmpi ne, %rem3A_103, %ne3A_104 : i32
    %and3A_106 = arith.andi %ne3A_102, %ne3A_105 : i1
    %sub3A_107 = arith.constant 1 : i32
    %sub3A_108 = arith.subi %div3A_87, %sub3A_107 : i32
    %select_n3A_109 = arith.select %and3A_106, %sub3A_108, %div3A_87 : i32
    %dma_start3A_110 = arith.constant 0 : i32
    %dma_start3A_111 = tpu.memref_slice %arg5[%select_n3A_109, %dma_start3A_110] : memref<2048x128xf32, #tpu.memory_space<hbm>> -> memref<8x128xf32, #tpu.memory_space<hbm>>
    %dma_start3A_112 = arith.constant 0 : i32
    %dma_start3A_113 = tpu.memref_slice %arg5[%select_n3A_109, %dma_start3A_112] : memref<2048x128xf32, #tpu.memory_space<hbm>> -> memref<8x128xf32, #tpu.memory_space<hbm>>
    tpu.enqueue_dma source(%arg11 : memref<8x128xf32, #tpu.memory_space<vmem>>) target(%dma_start3A_113 : memref<8x128xf32, #tpu.memory_space<hbm>>) target_semaphore(%arg15 : memref<!tpu.dma_semaphore, #tpu.memory_space<semaphore_mem>>)
    %dma_wait3A_114 = arith.constant 0 : i32
    %dma_wait3A_115 = arith.constant 0 : i32
    %dma_wait3A_116 = tpu.memref_slice %arg2[%dma_wait3A_114, %dma_wait3A_115] : memref<2600000x16xf32, #tpu.memory_space<hbm>> -> memref<2048x16xf32, #tpu.memory_space<hbm>>
    %dma_wait3A_117 = arith.constant 0 : i32
    %dma_wait3A_118 = arith.constant 0 : i32
    %dma_wait3A_119 = tpu.memref_slice %arg2[%dma_wait3A_117, %dma_wait3A_118] : memref<2600000x16xf32, #tpu.memory_space<hbm>> -> memref<2048x16xf32, #tpu.memory_space<hbm>>
    tpu.wait_dma2 semaphore(%arg13 : memref<!tpu.dma_semaphore, #tpu.memory_space<semaphore_mem>>) src(%dma_wait3A_119 : memref<2048x16xf32, #tpu.memory_space<hbm>>) dst(%arg8 : memref<2048x16xf32, #tpu.memory_space<vmem>>)
    %mul3A_120 = arith.constant 512 : i32
    %mul3A_121 = arith.muli %add3A, %mul3A_120 : i32
    %add3A_122 = arith.constant 192 : i32
    %add3A_123 = arith.addi %mul3A_121, %add3A_122 : i32
    "tpu.region"() ({
      %run_scoped3A = tpu.sem_alloc : memref<!tpu.dma_semaphore, #tpu.memory_space<semaphore_mem>>
      %dma_start3A_472 = arith.constant 0 : i32
      %dma_start3A_473 = tpu.memref_slice %arg3[%add3A_123, %dma_start3A_472] : memref<16384x128xi32, #tpu.memory_space<hbm>> -> memref<64x128xi32, #tpu.memory_space<hbm>>
      %dma_start3A_474 = arith.constant 0 : i32
      %dma_start3A_475 = tpu.memref_slice %arg3[%add3A_123, %dma_start3A_474] : memref<16384x128xi32, #tpu.memory_space<hbm>> -> memref<64x128xi32, #tpu.memory_space<hbm>>
      tpu.enqueue_dma source(%dma_start3A_475 : memref<64x128xi32, #tpu.memory_space<hbm>>) target(%arg7 : memref<64x128xi32, #tpu.memory_space<vmem>>) target_semaphore(%run_scoped3A : memref<!tpu.dma_semaphore, #tpu.memory_space<semaphore_mem>>)
      %dma_wait3A_476 = arith.constant 0 : i32
      %dma_wait3A_477 = tpu.memref_slice %arg3[%add3A_123, %dma_wait3A_476] : memref<16384x128xi32, #tpu.memory_space<hbm>> -> memref<64x128xi32, #tpu.memory_space<hbm>>
      %dma_wait3A_478 = arith.constant 0 : i32
      %dma_wait3A_479 = tpu.memref_slice %arg3[%add3A_123, %dma_wait3A_478] : memref<16384x128xi32, #tpu.memory_space<hbm>> -> memref<64x128xi32, #tpu.memory_space<hbm>>
      tpu.wait_dma2 semaphore(%run_scoped3A : memref<!tpu.dma_semaphore, #tpu.memory_space<semaphore_mem>>) src(%dma_wait3A_479 : memref<64x128xi32, #tpu.memory_space<hbm>>) dst(%arg7 : memref<64x128xi32, #tpu.memory_space<vmem>>)
      tpu.yield
    }) : () -> ()
    %scan3A_124 = arith.constant 0 : i32
    %scan3A_125 = arith.constant 0 : i32
    %scan3A_126 = arith.constant 64 : i32
    %scan3A_127 = arith.addi %scan3A_125, %scan3A_126 : i32
    %scan3A_128 = arith.constant 1 : i32
    scf.for %scan3A_472 = %scan3A_125 to %scan3A_127 step %scan3A_128  : i32 {
      %mul3A_473 = arith.constant 32 : i32
      %mul3A_474 = arith.muli %scan3A_472, %mul3A_473 : i32
      %dma_start3A_475 = arith.constant 0 : i32
      %dma_start3A_476 = tpu.memref_slice %arg9[%mul3A_474, %dma_start3A_475] : memref<2048x16xf32, #tpu.memory_space<vmem>> -> memref<32x16xf32, #tpu.memory_space<vmem>>
      %dma_start3A_477 = arith.constant 0 : i32
      %dma_start3A_478 = tpu.memref_slice %arg7[%scan3A_472, %dma_start3A_477] : memref<64x128xi32, #tpu.memory_space<vmem>> -> memref<1x32xi32, #tpu.memory_space<vmem>>
      %dma_start3A_479 = tpu.memref_squeeze %dma_start3A_478 : memref<1x32xi32, #tpu.memory_space<vmem>> -> memref<32xi32, #tpu.memory_space<vmem>>
      %dma_start3A_480 = arith.constant 0 : i32
      %dma_start3A_481 = arith.constant 0 : i32
      %dma_start3A_482 = tpu.memref_slice %arg2[%dma_start3A_480, %dma_start3A_481] : memref<2600000x16xf32, #tpu.memory_space<hbm>> -> memref<2600000x16xf32, #tpu.memory_space<hbm>>
      tpu.enqueue_indirect_dma source(%dma_start3A_482 : memref<2600000x16xf32, #tpu.memory_space<hbm>>) target(%dma_start3A_476 : memref<32x16xf32, #tpu.memory_space<vmem>>) offsets(%dma_start3A_479 : memref<32xi32, #tpu.memory_space<vmem>>) semaphore(%arg14 : memref<!tpu.dma_semaphore, #tpu.memory_space<semaphore_mem>>)
    }
    %scan3A_129 = arith.constant 64 : i32
    %dma_wait3A_130 = arith.constant 0 : i32
    %dma_wait3A_131 = tpu.memref_slice %arg5[%select_n3A, %dma_wait3A_130] : memref<2048x128xf32, #tpu.memory_space<hbm>> -> memref<8x128xf32, #tpu.memory_space<hbm>>
    %dma_wait3A_132 = arith.constant 0 : i32
    %dma_wait3A_133 = tpu.memref_slice %arg5[%select_n3A, %dma_wait3A_132] : memref<2048x128xf32, #tpu.memory_space<hbm>> -> memref<8x128xf32, #tpu.memory_space<hbm>>
    tpu.wait_dma2 semaphore(%arg15 : memref<!tpu.dma_semaphore, #tpu.memory_space<semaphore_mem>>) src(%arg10 : memref<8x128xf32, #tpu.memory_space<vmem>>) dst(%dma_wait3A_133 : memref<8x128xf32, #tpu.memory_space<hbm>>)
    %scan3A_134 = arith.constant 0 : i32
    %scan3A_135 = arith.constant 0 : i32
    %scan3A_136 = arith.constant 64 : i32
    %scan3A_137 = arith.addi %scan3A_135, %scan3A_136 : i32
    %scan3A_138 = arith.constant 1 : i32
    scf.for %scan3A_472 = %scan3A_135 to %scan3A_137 step %scan3A_138  : i32 {
      %mul3A_473 = arith.constant 32 : i32
      %mul3A_474 = arith.muli %scan3A_472, %mul3A_473 : i32
      %get3A_475 = arith.index_cast %mul3A_474 : i32 to index
      %get3A_476 = arith.constant 0 : index
      %get3A_477 = tpu.vector_load %arg8[%get3A_475, %get3A_476] {strides = array<i32>} : memref<2048x16xf32, #tpu.memory_space<vmem>>, vector<1x16xf32>,
      %get3A_478 = vector.shape_cast %get3A_477 : vector<1x16xf32> to vector<16xf32>
      %mul3A_479 = arith.constant 32 : i32
      %mul3A_480 = arith.muli %scan3A_472, %mul3A_479 : i32
      %add3A_481 = arith.constant 1 : i32
      %add3A_482 = arith.addi %mul3A_480, %add3A_481 : i32
      %get3A_483 = arith.index_cast %add3A_482 : i32 to index
      %get3A_484 = arith.constant 0 : index
      %get3A_485 = tpu.vector_load %arg8[%get3A_483, %get3A_484] {strides = array<i32>} : memref<2048x16xf32, #tpu.memory_space<vmem>>, vector<1x16xf32>,
      %get3A_486 = vector.shape_cast %get3A_485 : vector<1x16xf32> to vector<16xf32>
      %add3A_487 = arith.addf %get3A_478, %get3A_486 : vector<16xf32>
      %mul3A_488 = arith.constant 32 : i32
      %mul3A_489 = arith.muli %scan3A_472, %mul3A_488 : i32
      %add3A_490 = arith.constant 2 : i32
      %add3A_491 = arith.addi %mul3A_489, %add3A_490 : i32
      %get3A_492 = arith.index_cast %add3A_491 : i32 to index
      %get3A_493 = arith.constant 0 : index
      %get3A_494 = tpu.vector_load %arg8[%get3A_492, %get3A_493] {strides = array<i32>} : memref<2048x16xf32, #tpu.memory_space<vmem>>, vector<1x16xf32>,
      %get3A_495 = vector.shape_cast %get3A_494 : vector<1x16xf32> to vector<16xf32>
      %add3A_496 = arith.addf %add3A_487, %get3A_495 : vector<16xf32>
      %mul3A_497 = arith.constant 32 : i32
      %mul3A_498 = arith.muli %scan3A_472, %mul3A_497 : i32
      %add3A_499 = arith.constant 3 : i32
      %add3A_500 = arith.addi %mul3A_498, %add3A_499 : i32
      %get3A_501 = arith.index_cast %add3A_500 : i32 to index
      %get3A_502 = arith.constant 0 : index
      %get3A_503 = tpu.vector_load %arg8[%get3A_501, %get3A_502] {strides = array<i32>} : memref<2048x16xf32, #tpu.memory_space<vmem>>, vector<1x16xf32>,
      %get3A_504 = vector.shape_cast %get3A_503 : vector<1x16xf32> to vector<16xf32>
      %add3A_505 = arith.addf %add3A_496, %get3A_504 : vector<16xf32>
      %mul3A_506 = arith.constant 32 : i32
      %mul3A_507 = arith.muli %scan3A_472, %mul3A_506 : i32
      %add3A_508 = arith.constant 4 : i32
      %add3A_509 = arith.addi %mul3A_507, %add3A_508 : i32
      %get3A_510 = arith.index_cast %add3A_509 : i32 to index
      %get3A_511 = arith.constant 0 : index
      %get3A_512 = tpu.vector_load %arg8[%get3A_510, %get3A_511] {strides = array<i32>} : memref<2048x16xf32, #tpu.memory_space<vmem>>, vector<1x16xf32>,
      %get3A_513 = vector.shape_cast %get3A_512 : vector<1x16xf32> to vector<16xf32>
      %add3A_514 = arith.addf %add3A_505, %get3A_513 : vector<16xf32>
      %mul3A_515 = arith.constant 32 : i32
      %mul3A_516 = arith.muli %scan3A_472, %mul3A_515 : i32
      %add3A_517 = arith.constant 5 : i32
      %add3A_518 = arith.addi %mul3A_516, %add3A_517 : i32
      %get3A_519 = arith.index_cast %add3A_518 : i32 to index
      %get3A_520 = arith.constant 0 : index
      %get3A_521 = tpu.vector_load %arg8[%get3A_519, %get3A_520] {strides = array<i32>} : memref<2048x16xf32, #tpu.memory_space<vmem>>, vector<1x16xf32>,
      %get3A_522 = vector.shape_cast %get3A_521 : vector<1x16xf32> to vector<16xf32>
      %add3A_523 = arith.addf %add3A_514, %get3A_522 : vector<16xf32>
      %mul3A_524 = arith.constant 32 : i32
      %mul3A_525 = arith.muli %scan3A_472, %mul3A_524 : i32
      %add3A_526 = arith.constant 6 : i32
      %add3A_527 = arith.addi %mul3A_525, %add3A_526 : i32
      %get3A_528 = arith.index_cast %add3A_527 : i32 to index
      %get3A_529 = arith.constant 0 : index
      %get3A_530 = tpu.vector_load %arg8[%get3A_528, %get3A_529] {strides = array<i32>} : memref<2048x16xf32, #tpu.memory_space<vmem>>, vector<1x16xf32>,
      %get3A_531 = vector.shape_cast %get3A_530 : vector<1x16xf32> to vector<16xf32>
      %add3A_532 = arith.addf %add3A_523, %get3A_531 : vector<16xf32>
      %mul3A_533 = arith.constant 32 : i32
      %mul3A_534 = arith.muli %scan3A_472, %mul3A_533 : i32
      %add3A_535 = arith.constant 7 : i32
      %add3A_536 = arith.addi %mul3A_534, %add3A_535 : i32
      %get3A_537 = arith.index_cast %add3A_536 : i32 to index
      %get3A_538 = arith.constant 0 : index
      %get3A_539 = tpu.vector_load %arg8[%get3A_537, %get3A_538] {strides = array<i32>} : memref<2048x16xf32, #tpu.memory_space<vmem>>, vector<1x16xf32>,
      %get3A_540 = vector.shape_cast %get3A_539 : vector<1x16xf32> to vector<16xf32>
      %add3A_541 = arith.addf %add3A_532, %get3A_540 : vector<16xf32>
      %mul3A_542 = arith.constant 32 : i32
      %mul3A_543 = arith.muli %scan3A_472, %mul3A_542 : i32
      %add3A_544 = arith.constant 8 : i32
      %add3A_545 = arith.addi %mul3A_543, %add3A_544 : i32
      %get3A_546 = arith.index_cast %add3A_545 : i32 to index
      %get3A_547 = arith.constant 0 : index
      %get3A_548 = tpu.vector_load %arg8[%get3A_546, %get3A_547] {strides = array<i32>} : memref<2048x16xf32, #tpu.memory_space<vmem>>, vector<1x16xf32>,
      %get3A_549 = vector.shape_cast %get3A_548 : vector<1x16xf32> to vector<16xf32>
      %add3A_550 = arith.addf %add3A_541, %get3A_549 : vector<16xf32>
      %mul3A_551 = arith.constant 32 : i32
      %mul3A_552 = arith.muli %scan3A_472, %mul3A_551 : i32
      %add3A_553 = arith.constant 9 : i32
      %add3A_554 = arith.addi %mul3A_552, %add3A_553 : i32
      %get3A_555 = arith.index_cast %add3A_554 : i32 to index
      %get3A_556 = arith.constant 0 : index
      %get3A_557 = tpu.vector_load %arg8[%get3A_555, %get3A_556] {strides = array<i32>} : memref<2048x16xf32, #tpu.memory_space<vmem>>, vector<1x16xf32>,
      %get3A_558 = vector.shape_cast %get3A_557 : vector<1x16xf32> to vector<16xf32>
      %add3A_559 = arith.addf %add3A_550, %get3A_558 : vector<16xf32>
      %mul3A_560 = arith.constant 32 : i32
      %mul3A_561 = arith.muli %scan3A_472, %mul3A_560 : i32
      %add3A_562 = arith.constant 10 : i32
      %add3A_563 = arith.addi %mul3A_561, %add3A_562 : i32
      %get3A_564 = arith.index_cast %add3A_563 : i32 to index
      %get3A_565 = arith.constant 0 : index
      %get3A_566 = tpu.vector_load %arg8[%get3A_564, %get3A_565] {strides = array<i32>} : memref<2048x16xf32, #tpu.memory_space<vmem>>, vector<1x16xf32>,
      %get3A_567 = vector.shape_cast %get3A_566 : vector<1x16xf32> to vector<16xf32>
      %add3A_568 = arith.addf %add3A_559, %get3A_567 : vector<16xf32>
      %mul3A_569 = arith.constant 32 : i32
      %mul3A_570 = arith.muli %scan3A_472, %mul3A_569 : i32
      %add3A_571 = arith.constant 11 : i32
      %add3A_572 = arith.addi %mul3A_570, %add3A_571 : i32
      %get3A_573 = arith.index_cast %add3A_572 : i32 to index
      %get3A_574 = arith.constant 0 : index
      %get3A_575 = tpu.vector_load %arg8[%get3A_573, %get3A_574] {strides = array<i32>} : memref<2048x16xf32, #tpu.memory_space<vmem>>, vector<1x16xf32>,
      %get3A_576 = vector.shape_cast %get3A_575 : vector<1x16xf32> to vector<16xf32>
      %add3A_577 = arith.addf %add3A_568, %get3A_576 : vector<16xf32>
      %mul3A_578 = arith.constant 32 : i32
      %mul3A_579 = arith.muli %scan3A_472, %mul3A_578 : i32
      %add3A_580 = arith.constant 12 : i32
      %add3A_581 = arith.addi %mul3A_579, %add3A_580 : i32
      %get3A_582 = arith.index_cast %add3A_581 : i32 to index
      %get3A_583 = arith.constant 0 : index
      %get3A_584 = tpu.vector_load %arg8[%get3A_582, %get3A_583] {strides = array<i32>} : memref<2048x16xf32, #tpu.memory_space<vmem>>, vector<1x16xf32>,
      %get3A_585 = vector.shape_cast %get3A_584 : vector<1x16xf32> to vector<16xf32>
      %add3A_586 = arith.addf %add3A_577, %get3A_585 : vector<16xf32>
      %mul3A_587 = arith.constant 32 : i32
      %mul3A_588 = arith.muli %scan3A_472, %mul3A_587 : i32
      %add3A_589 = arith.constant 13 : i32
      %add3A_590 = arith.addi %mul3A_588, %add3A_589 : i32
      %get3A_591 = arith.index_cast %add3A_590 : i32 to index
      %get3A_592 = arith.constant 0 : index
      %get3A_593 = tpu.vector_load %arg8[%get3A_591, %get3A_592] {strides = array<i32>} : memref<2048x16xf32, #tpu.memory_space<vmem>>, vector<1x16xf32>,
      %get3A_594 = vector.shape_cast %get3A_593 : vector<1x16xf32> to vector<16xf32>
      %add3A_595 = arith.addf %add3A_586, %get3A_594 : vector<16xf32>
      %mul3A_596 = arith.constant 32 : i32
      %mul3A_597 = arith.muli %scan3A_472, %mul3A_596 : i32
      %add3A_598 = arith.constant 14 : i32
      %add3A_599 = arith.addi %mul3A_597, %add3A_598 : i32
      %get3A_600 = arith.index_cast %add3A_599 : i32 to index
      %get3A_601 = arith.constant 0 : index
      %get3A_602 = tpu.vector_load %arg8[%get3A_600, %get3A_601] {strides = array<i32>} : memref<2048x16xf32, #tpu.memory_space<vmem>>, vector<1x16xf32>,
      %get3A_603 = vector.shape_cast %get3A_602 : vector<1x16xf32> to vector<16xf32>
      %add3A_604 = arith.addf %add3A_595, %get3A_603 : vector<16xf32>
      %mul3A_605 = arith.constant 32 : i32
      %mul3A_606 = arith.muli %scan3A_472, %mul3A_605 : i32
      %add3A_607 = arith.constant 15 : i32
      %add3A_608 = arith.addi %mul3A_606, %add3A_607 : i32
      %get3A_609 = arith.index_cast %add3A_608 : i32 to index
      %get3A_610 = arith.constant 0 : index
      %get3A_611 = tpu.vector_load %arg8[%get3A_609, %get3A_610] {strides = array<i32>} : memref<2048x16xf32, #tpu.memory_space<vmem>>, vector<1x16xf32>,
      %get3A_612 = vector.shape_cast %get3A_611 : vector<1x16xf32> to vector<16xf32>
      %add3A_613 = arith.addf %add3A_604, %get3A_612 : vector<16xf32>
      %mul3A_614 = arith.constant 32 : i32
      %mul3A_615 = arith.muli %scan3A_472, %mul3A_614 : i32
      %add3A_616 = arith.constant 16 : i32
      %add3A_617 = arith.addi %mul3A_615, %add3A_616 : i32
      %get3A_618 = arith.index_cast %add3A_617 : i32 to index
      %get3A_619 = arith.constant 0 : index
      %get3A_620 = tpu.vector_load %arg8[%get3A_618, %get3A_619] {strides = array<i32>} : memref<2048x16xf32, #tpu.memory_space<vmem>>, vector<1x16xf32>,
      %get3A_621 = vector.shape_cast %get3A_620 : vector<1x16xf32> to vector<16xf32>
      %add3A_622 = arith.addf %add3A_613, %get3A_621 : vector<16xf32>
      %mul3A_623 = arith.constant 32 : i32
      %mul3A_624 = arith.muli %scan3A_472, %mul3A_623 : i32
      %add3A_625 = arith.constant 17 : i32
      %add3A_626 = arith.addi %mul3A_624, %add3A_625 : i32
      %get3A_627 = arith.index_cast %add3A_626 : i32 to index
      %get3A_628 = arith.constant 0 : index
      %get3A_629 = tpu.vector_load %arg8[%get3A_627, %get3A_628] {strides = array<i32>} : memref<2048x16xf32, #tpu.memory_space<vmem>>, vector<1x16xf32>,
      %get3A_630 = vector.shape_cast %get3A_629 : vector<1x16xf32> to vector<16xf32>
      %add3A_631 = arith.addf %add3A_622, %get3A_630 : vector<16xf32>
      %mul3A_632 = arith.constant 32 : i32
      %mul3A_633 = arith.muli %scan3A_472, %mul3A_632 : i32
      %add3A_634 = arith.constant 18 : i32
      %add3A_635 = arith.addi %mul3A_633, %add3A_634 : i32
      %get3A_636 = arith.index_cast %add3A_635 : i32 to index
      %get3A_637 = arith.constant 0 : index
      %get3A_638 = tpu.vector_load %arg8[%get3A_636, %get3A_637] {strides = array<i32>} : memref<2048x16xf32, #tpu.memory_space<vmem>>, vector<1x16xf32>,
      %get3A_639 = vector.shape_cast %get3A_638 : vector<1x16xf32> to vector<16xf32>
      %add3A_640 = arith.addf %add3A_631, %get3A_639 : vector<16xf32>
      %mul3A_641 = arith.constant 32 : i32
      %mul3A_642 = arith.muli %scan3A_472, %mul3A_641 : i32
      %add3A_643 = arith.constant 19 : i32
      %add3A_644 = arith.addi %mul3A_642, %add3A_643 : i32
      %get3A_645 = arith.index_cast %add3A_644 : i32 to index
      %get3A_646 = arith.constant 0 : index
      %get3A_647 = tpu.vector_load %arg8[%get3A_645, %get3A_646] {strides = array<i32>} : memref<2048x16xf32, #tpu.memory_space<vmem>>, vector<1x16xf32>,
      %get3A_648 = vector.shape_cast %get3A_647 : vector<1x16xf32> to vector<16xf32>
      %add3A_649 = arith.addf %add3A_640, %get3A_648 : vector<16xf32>
      %mul3A_650 = arith.constant 32 : i32
      %mul3A_651 = arith.muli %scan3A_472, %mul3A_650 : i32
      %add3A_652 = arith.constant 20 : i32
      %add3A_653 = arith.addi %mul3A_651, %add3A_652 : i32
      %get3A_654 = arith.index_cast %add3A_653 : i32 to index
      %get3A_655 = arith.constant 0 : index
      %get3A_656 = tpu.vector_load %arg8[%get3A_654, %get3A_655] {strides = array<i32>} : memref<2048x16xf32, #tpu.memory_space<vmem>>, vector<1x16xf32>,
      %get3A_657 = vector.shape_cast %get3A_656 : vector<1x16xf32> to vector<16xf32>
      %add3A_658 = arith.addf %add3A_649, %get3A_657 : vector<16xf32>
      %mul3A_659 = arith.constant 32 : i32
      %mul3A_660 = arith.muli %scan3A_472, %mul3A_659 : i32
      %add3A_661 = arith.constant 21 : i32
      %add3A_662 = arith.addi %mul3A_660, %add3A_661 : i32
      %get3A_663 = arith.index_cast %add3A_662 : i32 to index
      %get3A_664 = arith.constant 0 : index
      %get3A_665 = tpu.vector_load %arg8[%get3A_663, %get3A_664] {strides = array<i32>} : memref<2048x16xf32, #tpu.memory_space<vmem>>, vector<1x16xf32>,
      %get3A_666 = vector.shape_cast %get3A_665 : vector<1x16xf32> to vector<16xf32>
      %add3A_667 = arith.addf %add3A_658, %get3A_666 : vector<16xf32>
      %mul3A_668 = arith.constant 32 : i32
      %mul3A_669 = arith.muli %scan3A_472, %mul3A_668 : i32
      %add3A_670 = arith.constant 22 : i32
      %add3A_671 = arith.addi %mul3A_669, %add3A_670 : i32
      %get3A_672 = arith.index_cast %add3A_671 : i32 to index
      %get3A_673 = arith.constant 0 : index
      %get3A_674 = tpu.vector_load %arg8[%get3A_672, %get3A_673] {strides = array<i32>} : memref<2048x16xf32, #tpu.memory_space<vmem>>, vector<1x16xf32>,
      %get3A_675 = vector.shape_cast %get3A_674 : vector<1x16xf32> to vector<16xf32>
      %add3A_676 = arith.addf %add3A_667, %get3A_675 : vector<16xf32>
      %mul3A_677 = arith.constant 32 : i32
      %mul3A_678 = arith.muli %scan3A_472, %mul3A_677 : i32
      %add3A_679 = arith.constant 23 : i32
      %add3A_680 = arith.addi %mul3A_678, %add3A_679 : i32
      %get3A_681 = arith.index_cast %add3A_680 : i32 to index
      %get3A_682 = arith.constant 0 : index
      %get3A_683 = tpu.vector_load %arg8[%get3A_681, %get3A_682] {strides = array<i32>} : memref<2048x16xf32, #tpu.memory_space<vmem>>, vector<1x16xf32>,
      %get3A_684 = vector.shape_cast %get3A_683 : vector<1x16xf32> to vector<16xf32>
      %add3A_685 = arith.addf %add3A_676, %get3A_684 : vector<16xf32>
      %mul3A_686 = arith.constant 32 : i32
      %mul3A_687 = arith.muli %scan3A_472, %mul3A_686 : i32
      %add3A_688 = arith.constant 24 : i32
      %add3A_689 = arith.addi %mul3A_687, %add3A_688 : i32
      %get3A_690 = arith.index_cast %add3A_689 : i32 to index
      %get3A_691 = arith.constant 0 : index
      %get3A_692 = tpu.vector_load %arg8[%get3A_690, %get3A_691] {strides = array<i32>} : memref<2048x16xf32, #tpu.memory_space<vmem>>, vector<1x16xf32>,
      %get3A_693 = vector.shape_cast %get3A_692 : vector<1x16xf32> to vector<16xf32>
      %add3A_694 = arith.addf %add3A_685, %get3A_693 : vector<16xf32>
      %mul3A_695 = arith.constant 32 : i32
      %mul3A_696 = arith.muli %scan3A_472, %mul3A_695 : i32
      %add3A_697 = arith.constant 25 : i32
      %add3A_698 = arith.addi %mul3A_696, %add3A_697 : i32
      %get3A_699 = arith.index_cast %add3A_698 : i32 to index
      %get3A_700 = arith.constant 0 : index
      %get3A_701 = tpu.vector_load %arg8[%get3A_699, %get3A_700] {strides = array<i32>} : memref<2048x16xf32, #tpu.memory_space<vmem>>, vector<1x16xf32>,
      %get3A_702 = vector.shape_cast %get3A_701 : vector<1x16xf32> to vector<16xf32>
      %add3A_703 = arith.addf %add3A_694, %get3A_702 : vector<16xf32>
      %mul3A_704 = arith.mulf %add3A_703, %get3A_2 : vector<16xf32>
      %jit3A_705 = arith.constant 8 : i32
      %div3A_706 = arith.divsi %scan3A_472, %jit3A_705 : i32
      %sign3A_707 = arith.constant 0 : i32
      %sign3A_708 = arith.cmpi sgt, %scan3A_472, %sign3A_707 : i32
      %sign3A_709 = arith.extui %sign3A_708 : i1 to i32
      %sign3A_710 = arith.constant 0 : i32
      %sign3A_711 = arith.cmpi slt, %scan3A_472, %sign3A_710 : i32
      %sign3A_712 = arith.extui %sign3A_711 : i1 to i32
      %sign3A_713 = arith.subi %sign3A_709, %sign3A_712 : i32
      %sign3A_714 = arith.constant 0 : i32
      %sign3A_715 = arith.cmpi sgt, %jit3A_705, %sign3A_714 : i32
      %sign3A_716 = arith.extui %sign3A_715 : i1 to i32
      %sign3A_717 = arith.constant 0 : i32
      %sign3A_718 = arith.cmpi slt, %jit3A_705, %sign3A_717 : i32
      %sign3A_719 = arith.extui %sign3A_718 : i1 to i32
      %sign3A_720 = arith.subi %sign3A_716, %sign3A_719 : i32
      %ne3A_721 = arith.cmpi ne, %sign3A_713, %sign3A_720 : i32
      %rem3A_722 = arith.remsi %scan3A_472, %jit3A_705 : i32
      %ne3A_723 = arith.constant 0 : i32
      %ne3A_724 = arith.cmpi ne, %rem3A_722, %ne3A_723 : i32
      %and3A_725 = arith.andi %ne3A_721, %ne3A_724 : i1
      %sub3A_726 = arith.constant 1 : i32
      %sub3A_727 = arith.subi %div3A_706, %sub3A_726 : i32
      %select_n3A_728 = arith.select %and3A_725, %sub3A_727, %div3A_706 : i32
      %jit3A_729 = arith.constant 8 : i32
      %eq3A = arith.constant 0 : i32
      %eq3A_730 = arith.cmpi eq, %jit3A_729, %eq3A : i32
      %jit3A_731 = arith.constant 1 : i32
      %select_n3A_732 = arith.select %eq3A_730, %jit3A_731, %jit3A_729 : i32
      %rem3A_733 = arith.remsi %scan3A_472, %select_n3A_732 : i32
      %ne3A_734 = arith.constant 0 : i32
      %ne3A_735 = arith.cmpi ne, %rem3A_733, %ne3A_734 : i32
      %lt3A = arith.constant 0 : i32
      %lt3A_736 = arith.cmpi slt, %rem3A_733, %lt3A : i32
      %lt3A_737 = arith.constant 0 : i32
      %lt3A_738 = arith.cmpi slt, %select_n3A_732, %lt3A_737 : i32
      %ne3A_739 = arith.xori %lt3A_736, %lt3A_738 : i1
      %and3A_740 = arith.andi %ne3A_739, %ne3A_735 : i1
      %add3A_741 = arith.addi %rem3A_733, %select_n3A_732 : i32
      %select_n3A_742 = arith.select %and3A_740, %add3A_741, %rem3A_733 : i32
      %mul3A_743 = arith.constant 16 : i32
      %mul3A_744 = arith.muli %select_n3A_742, %mul3A_743 : i32
      %swap3A = arith.index_cast %select_n3A_728 : i32 to index
      %swap3A_745 = arith.index_cast %mul3A_744 : i32 to index
      %swap3A_746 = tpu.vector_load %arg10[%swap3A, %swap3A_745] {strides = array<i32>} : memref<8x128xf32, #tpu.memory_space<vmem>>, vector<1x16xf32>,
      %swap3A_747 = vector.shape_cast %swap3A_746 : vector<1x16xf32> to vector<16xf32>
      %swap3A_748 = vector.shape_cast %mul3A_704 : vector<16xf32> to vector<1x16xf32>
      tpu.vector_store %arg10[%swap3A, %swap3A_745], %swap3A_748 {strides = array<i32>} : memref<8x128xf32, #tpu.memory_space<vmem>>, vector<1x16xf32>,
    }
    %scan3A_139 = arith.constant 64 : i32
    %mul3A_140 = arith.constant 512 : i32
    %mul3A_141 = arith.muli %add3A, %mul3A_140 : i32
    %add3A_142 = arith.constant 128 : i32
    %add3A_143 = arith.addi %mul3A_141, %add3A_142 : i32
    %mul3A_144 = arith.constant 16 : i32
    %mul3A_145 = arith.muli %add3A_143, %mul3A_144 : i32
    %jit3A_146 = arith.constant 128 : i32
    %div3A_147 = arith.divsi %mul3A_145, %jit3A_146 : i32
    %sign3A_148 = arith.constant 0 : i32
    %sign3A_149 = arith.cmpi sgt, %mul3A_145, %sign3A_148 : i32
    %sign3A_150 = arith.extui %sign3A_149 : i1 to i32
    %sign3A_151 = arith.constant 0 : i32
    %sign3A_152 = arith.cmpi slt, %mul3A_145, %sign3A_151 : i32
    %sign3A_153 = arith.extui %sign3A_152 : i1 to i32
    %sign3A_154 = arith.subi %sign3A_150, %sign3A_153 : i32
    %sign3A_155 = arith.constant 0 : i32
    %sign3A_156 = arith.cmpi sgt, %jit3A_146, %sign3A_155 : i32
    %sign3A_157 = arith.extui %sign3A_156 : i1 to i32
    %sign3A_158 = arith.constant 0 : i32
    %sign3A_159 = arith.cmpi slt, %jit3A_146, %sign3A_158 : i32
    %sign3A_160 = arith.extui %sign3A_159 : i1 to i32
    %sign3A_161 = arith.subi %sign3A_157, %sign3A_160 : i32
    %ne3A_162 = arith.cmpi ne, %sign3A_154, %sign3A_161 : i32
    %rem3A_163 = arith.remsi %mul3A_145, %jit3A_146 : i32
    %ne3A_164 = arith.constant 0 : i32
    %ne3A_165 = arith.cmpi ne, %rem3A_163, %ne3A_164 : i32
    %and3A_166 = arith.andi %ne3A_162, %ne3A_165 : i1
    %sub3A_167 = arith.constant 1 : i32
    %sub3A_168 = arith.subi %div3A_147, %sub3A_167 : i32
    %select_n3A_169 = arith.select %and3A_166, %sub3A_168, %div3A_147 : i32
    %dma_start3A_170 = arith.constant 0 : i32
    %dma_start3A_171 = tpu.memref_slice %arg5[%select_n3A_169, %dma_start3A_170] : memref<2048x128xf32, #tpu.memory_space<hbm>> -> memref<8x128xf32, #tpu.memory_space<hbm>>
    %dma_start3A_172 = arith.constant 0 : i32
    %dma_start3A_173 = tpu.memref_slice %arg5[%select_n3A_169, %dma_start3A_172] : memref<2048x128xf32, #tpu.memory_space<hbm>> -> memref<8x128xf32, #tpu.memory_space<hbm>>
    tpu.enqueue_dma source(%arg10 : memref<8x128xf32, #tpu.memory_space<vmem>>) target(%dma_start3A_173 : memref<8x128xf32, #tpu.memory_space<hbm>>) target_semaphore(%arg15 : memref<!tpu.dma_semaphore, #tpu.memory_space<semaphore_mem>>)
    %dma_wait3A_174 = arith.constant 0 : i32
    %dma_wait3A_175 = arith.constant 0 : i32
    %dma_wait3A_176 = tpu.memref_slice %arg2[%dma_wait3A_174, %dma_wait3A_175] : memref<2600000x16xf32, #tpu.memory_space<hbm>> -> memref<2048x16xf32, #tpu.memory_space<hbm>>
    %dma_wait3A_177 = arith.constant 0 : i32
    %dma_wait3A_178 = arith.constant 0 : i32
    %dma_wait3A_179 = tpu.memref_slice %arg2[%dma_wait3A_177, %dma_wait3A_178] : memref<2600000x16xf32, #tpu.memory_space<hbm>> -> memref<2048x16xf32, #tpu.memory_space<hbm>>
    tpu.wait_dma2 semaphore(%arg14 : memref<!tpu.dma_semaphore, #tpu.memory_space<semaphore_mem>>) src(%dma_wait3A_179 : memref<2048x16xf32, #tpu.memory_space<hbm>>) dst(%arg9 : memref<2048x16xf32, #tpu.memory_space<vmem>>)
    %mul3A_180 = arith.constant 512 : i32
    %mul3A_181 = arith.muli %add3A, %mul3A_180 : i32
    %add3A_182 = arith.constant 256 : i32
    %add3A_183 = arith.addi %mul3A_181, %add3A_182 : i32
    "tpu.region"() ({
      %run_scoped3A = tpu.sem_alloc : memref<!tpu.dma_semaphore, #tpu.memory_space<semaphore_mem>>
      %dma_start3A_472 = arith.constant 0 : i32
      %dma_start3A_473 = tpu.memref_slice %arg3[%add3A_183, %dma_start3A_472] : memref<16384x128xi32, #tpu.memory_space<hbm>> -> memref<64x128xi32, #tpu.memory_space<hbm>>
      %dma_start3A_474 = arith.constant 0 : i32
      %dma_start3A_475 = tpu.memref_slice %arg3[%add3A_183, %dma_start3A_474] : memref<16384x128xi32, #tpu.memory_space<hbm>> -> memref<64x128xi32, #tpu.memory_space<hbm>>
      tpu.enqueue_dma source(%dma_start3A_475 : memref<64x128xi32, #tpu.memory_space<hbm>>) target(%arg6 : memref<64x128xi32, #tpu.memory_space<vmem>>) target_semaphore(%run_scoped3A : memref<!tpu.dma_semaphore, #tpu.memory_space<semaphore_mem>>)
      %dma_wait3A_476 = arith.constant 0 : i32
      %dma_wait3A_477 = tpu.memref_slice %arg3[%add3A_183, %dma_wait3A_476] : memref<16384x128xi32, #tpu.memory_space<hbm>> -> memref<64x128xi32, #tpu.memory_space<hbm>>
      %dma_wait3A_478 = arith.constant 0 : i32
      %dma_wait3A_479 = tpu.memref_slice %arg3[%add3A_183, %dma_wait3A_478] : memref<16384x128xi32, #tpu.memory_space<hbm>> -> memref<64x128xi32, #tpu.memory_space<hbm>>
      tpu.wait_dma2 semaphore(%run_scoped3A : memref<!tpu.dma_semaphore, #tpu.memory_space<semaphore_mem>>) src(%dma_wait3A_479 : memref<64x128xi32, #tpu.memory_space<hbm>>) dst(%arg6 : memref<64x128xi32, #tpu.memory_space<vmem>>)
      tpu.yield
    }) : () -> ()
    %scan3A_184 = arith.constant 0 : i32
    %scan3A_185 = arith.constant 0 : i32
    %scan3A_186 = arith.constant 64 : i32
    %scan3A_187 = arith.addi %scan3A_185, %scan3A_186 : i32
    %scan3A_188 = arith.constant 1 : i32
    scf.for %scan3A_472 = %scan3A_185 to %scan3A_187 step %scan3A_188  : i32 {
      %mul3A_473 = arith.constant 32 : i32
      %mul3A_474 = arith.muli %scan3A_472, %mul3A_473 : i32
      %dma_start3A_475 = arith.constant 0 : i32
      %dma_start3A_476 = tpu.memref_slice %arg8[%mul3A_474, %dma_start3A_475] : memref<2048x16xf32, #tpu.memory_space<vmem>> -> memref<32x16xf32, #tpu.memory_space<vmem>>
      %dma_start3A_477 = arith.constant 0 : i32
      %dma_start3A_478 = tpu.memref_slice %arg6[%scan3A_472, %dma_start3A_477] : memref<64x128xi32, #tpu.memory_space<vmem>> -> memref<1x32xi32, #tpu.memory_space<vmem>>
      %dma_start3A_479 = tpu.memref_squeeze %dma_start3A_478 : memref<1x32xi32, #tpu.memory_space<vmem>> -> memref<32xi32, #tpu.memory_space<vmem>>
      %dma_start3A_480 = arith.constant 0 : i32
      %dma_start3A_481 = arith.constant 0 : i32
      %dma_start3A_482 = tpu.memref_slice %arg2[%dma_start3A_480, %dma_start3A_481] : memref<2600000x16xf32, #tpu.memory_space<hbm>> -> memref<2600000x16xf32, #tpu.memory_space<hbm>>
      tpu.enqueue_indirect_dma source(%dma_start3A_482 : memref<2600000x16xf32, #tpu.memory_space<hbm>>) target(%dma_start3A_476 : memref<32x16xf32, #tpu.memory_space<vmem>>) offsets(%dma_start3A_479 : memref<32xi32, #tpu.memory_space<vmem>>) semaphore(%arg13 : memref<!tpu.dma_semaphore, #tpu.memory_space<semaphore_mem>>)
    }
    %scan3A_189 = arith.constant 64 : i32
    %dma_wait3A_190 = arith.constant 0 : i32
    %dma_wait3A_191 = tpu.memref_slice %arg5[%select_n3A_109, %dma_wait3A_190] : memref<2048x128xf32, #tpu.memory_space<hbm>> -> memref<8x128xf32, #tpu.memory_space<hbm>>
    %dma_wait3A_192 = arith.constant 0 : i32
    %dma_wait3A_193 = tpu.memref_slice %arg5[%select_n3A_109, %dma_wait3A_192] : memref<2048x128xf32, #tpu.memory_space<hbm>> -> memref<8x128xf32, #tpu.memory_space<hbm>>
    tpu.wait_dma2 semaphore(%arg15 : memref<!tpu.dma_semaphore, #tpu.memory_space<semaphore_mem>>) src(%arg11 : memref<8x128xf32, #tpu.memory_space<vmem>>) dst(%dma_wait3A_193 : memref<8x128xf32, #tpu.memory_space<hbm>>)
    %scan3A_194 = arith.constant 0 : i32
    %scan3A_195 = arith.constant 0 : i32
    %scan3A_196 = arith.constant 64 : i32
    %scan3A_197 = arith.addi %scan3A_195, %scan3A_196 : i32
    %scan3A_198 = arith.constant 1 : i32
    scf.for %scan3A_472 = %scan3A_195 to %scan3A_197 step %scan3A_198  : i32 {
      %mul3A_473 = arith.constant 32 : i32
      %mul3A_474 = arith.muli %scan3A_472, %mul3A_473 : i32
      %get3A_475 = arith.index_cast %mul3A_474 : i32 to index
      %get3A_476 = arith.constant 0 : index
      %get3A_477 = tpu.vector_load %arg9[%get3A_475, %get3A_476] {strides = array<i32>} : memref<2048x16xf32, #tpu.memory_space<vmem>>, vector<1x16xf32>,
      %get3A_478 = vector.shape_cast %get3A_477 : vector<1x16xf32> to vector<16xf32>
      %mul3A_479 = arith.constant 32 : i32
      %mul3A_480 = arith.muli %scan3A_472, %mul3A_479 : i32
      %add3A_481 = arith.constant 1 : i32
      %add3A_482 = arith.addi %mul3A_480, %add3A_481 : i32
      %get3A_483 = arith.index_cast %add3A_482 : i32 to index
      %get3A_484 = arith.constant 0 : index
      %get3A_485 = tpu.vector_load %arg9[%get3A_483, %get3A_484] {strides = array<i32>} : memref<2048x16xf32, #tpu.memory_space<vmem>>, vector<1x16xf32>,
      %get3A_486 = vector.shape_cast %get3A_485 : vector<1x16xf32> to vector<16xf32>
      %add3A_487 = arith.addf %get3A_478, %get3A_486 : vector<16xf32>
      %mul3A_488 = arith.constant 32 : i32
      %mul3A_489 = arith.muli %scan3A_472, %mul3A_488 : i32
      %add3A_490 = arith.constant 2 : i32
      %add3A_491 = arith.addi %mul3A_489, %add3A_490 : i32
      %get3A_492 = arith.index_cast %add3A_491 : i32 to index
      %get3A_493 = arith.constant 0 : index
      %get3A_494 = tpu.vector_load %arg9[%get3A_492, %get3A_493] {strides = array<i32>} : memref<2048x16xf32, #tpu.memory_space<vmem>>, vector<1x16xf32>,
      %get3A_495 = vector.shape_cast %get3A_494 : vector<1x16xf32> to vector<16xf32>
      %add3A_496 = arith.addf %add3A_487, %get3A_495 : vector<16xf32>
      %mul3A_497 = arith.constant 32 : i32
      %mul3A_498 = arith.muli %scan3A_472, %mul3A_497 : i32
      %add3A_499 = arith.constant 3 : i32
      %add3A_500 = arith.addi %mul3A_498, %add3A_499 : i32
      %get3A_501 = arith.index_cast %add3A_500 : i32 to index
      %get3A_502 = arith.constant 0 : index
      %get3A_503 = tpu.vector_load %arg9[%get3A_501, %get3A_502] {strides = array<i32>} : memref<2048x16xf32, #tpu.memory_space<vmem>>, vector<1x16xf32>,
      %get3A_504 = vector.shape_cast %get3A_503 : vector<1x16xf32> to vector<16xf32>
      %add3A_505 = arith.addf %add3A_496, %get3A_504 : vector<16xf32>
      %mul3A_506 = arith.constant 32 : i32
      %mul3A_507 = arith.muli %scan3A_472, %mul3A_506 : i32
      %add3A_508 = arith.constant 4 : i32
      %add3A_509 = arith.addi %mul3A_507, %add3A_508 : i32
      %get3A_510 = arith.index_cast %add3A_509 : i32 to index
      %get3A_511 = arith.constant 0 : index
      %get3A_512 = tpu.vector_load %arg9[%get3A_510, %get3A_511] {strides = array<i32>} : memref<2048x16xf32, #tpu.memory_space<vmem>>, vector<1x16xf32>,
      %get3A_513 = vector.shape_cast %get3A_512 : vector<1x16xf32> to vector<16xf32>
      %add3A_514 = arith.addf %add3A_505, %get3A_513 : vector<16xf32>
      %mul3A_515 = arith.constant 32 : i32
      %mul3A_516 = arith.muli %scan3A_472, %mul3A_515 : i32
      %add3A_517 = arith.constant 5 : i32
      %add3A_518 = arith.addi %mul3A_516, %add3A_517 : i32
      %get3A_519 = arith.index_cast %add3A_518 : i32 to index
      %get3A_520 = arith.constant 0 : index
      %get3A_521 = tpu.vector_load %arg9[%get3A_519, %get3A_520] {strides = array<i32>} : memref<2048x16xf32, #tpu.memory_space<vmem>>, vector<1x16xf32>,
      %get3A_522 = vector.shape_cast %get3A_521 : vector<1x16xf32> to vector<16xf32>
      %add3A_523 = arith.addf %add3A_514, %get3A_522 : vector<16xf32>
      %mul3A_524 = arith.constant 32 : i32
      %mul3A_525 = arith.muli %scan3A_472, %mul3A_524 : i32
      %add3A_526 = arith.constant 6 : i32
      %add3A_527 = arith.addi %mul3A_525, %add3A_526 : i32
      %get3A_528 = arith.index_cast %add3A_527 : i32 to index
      %get3A_529 = arith.constant 0 : index
      %get3A_530 = tpu.vector_load %arg9[%get3A_528, %get3A_529] {strides = array<i32>} : memref<2048x16xf32, #tpu.memory_space<vmem>>, vector<1x16xf32>,
      %get3A_531 = vector.shape_cast %get3A_530 : vector<1x16xf32> to vector<16xf32>
      %add3A_532 = arith.addf %add3A_523, %get3A_531 : vector<16xf32>
      %mul3A_533 = arith.constant 32 : i32
      %mul3A_534 = arith.muli %scan3A_472, %mul3A_533 : i32
      %add3A_535 = arith.constant 7 : i32
      %add3A_536 = arith.addi %mul3A_534, %add3A_535 : i32
      %get3A_537 = arith.index_cast %add3A_536 : i32 to index
      %get3A_538 = arith.constant 0 : index
      %get3A_539 = tpu.vector_load %arg9[%get3A_537, %get3A_538] {strides = array<i32>} : memref<2048x16xf32, #tpu.memory_space<vmem>>, vector<1x16xf32>,
      %get3A_540 = vector.shape_cast %get3A_539 : vector<1x16xf32> to vector<16xf32>
      %add3A_541 = arith.addf %add3A_532, %get3A_540 : vector<16xf32>
      %mul3A_542 = arith.constant 32 : i32
      %mul3A_543 = arith.muli %scan3A_472, %mul3A_542 : i32
      %add3A_544 = arith.constant 8 : i32
      %add3A_545 = arith.addi %mul3A_543, %add3A_544 : i32
      %get3A_546 = arith.index_cast %add3A_545 : i32 to index
      %get3A_547 = arith.constant 0 : index
      %get3A_548 = tpu.vector_load %arg9[%get3A_546, %get3A_547] {strides = array<i32>} : memref<2048x16xf32, #tpu.memory_space<vmem>>, vector<1x16xf32>,
      %get3A_549 = vector.shape_cast %get3A_548 : vector<1x16xf32> to vector<16xf32>
      %add3A_550 = arith.addf %add3A_541, %get3A_549 : vector<16xf32>
      %mul3A_551 = arith.constant 32 : i32
      %mul3A_552 = arith.muli %scan3A_472, %mul3A_551 : i32
      %add3A_553 = arith.constant 9 : i32
      %add3A_554 = arith.addi %mul3A_552, %add3A_553 : i32
      %get3A_555 = arith.index_cast %add3A_554 : i32 to index
      %get3A_556 = arith.constant 0 : index
      %get3A_557 = tpu.vector_load %arg9[%get3A_555, %get3A_556] {strides = array<i32>} : memref<2048x16xf32, #tpu.memory_space<vmem>>, vector<1x16xf32>,
      %get3A_558 = vector.shape_cast %get3A_557 : vector<1x16xf32> to vector<16xf32>
      %add3A_559 = arith.addf %add3A_550, %get3A_558 : vector<16xf32>
      %mul3A_560 = arith.constant 32 : i32
      %mul3A_561 = arith.muli %scan3A_472, %mul3A_560 : i32
      %add3A_562 = arith.constant 10 : i32
      %add3A_563 = arith.addi %mul3A_561, %add3A_562 : i32
      %get3A_564 = arith.index_cast %add3A_563 : i32 to index
      %get3A_565 = arith.constant 0 : index
      %get3A_566 = tpu.vector_load %arg9[%get3A_564, %get3A_565] {strides = array<i32>} : memref<2048x16xf32, #tpu.memory_space<vmem>>, vector<1x16xf32>,
      %get3A_567 = vector.shape_cast %get3A_566 : vector<1x16xf32> to vector<16xf32>
      %add3A_568 = arith.addf %add3A_559, %get3A_567 : vector<16xf32>
      %mul3A_569 = arith.constant 32 : i32
      %mul3A_570 = arith.muli %scan3A_472, %mul3A_569 : i32
      %add3A_571 = arith.constant 11 : i32
      %add3A_572 = arith.addi %mul3A_570, %add3A_571 : i32
      %get3A_573 = arith.index_cast %add3A_572 : i32 to index
      %get3A_574 = arith.constant 0 : index
      %get3A_575 = tpu.vector_load %arg9[%get3A_573, %get3A_574] {strides = array<i32>} : memref<2048x16xf32, #tpu.memory_space<vmem>>, vector<1x16xf32>,
      %get3A_576 = vector.shape_cast %get3A_575 : vector<1x16xf32> to vector<16xf32>
      %add3A_577 = arith.addf %add3A_568, %get3A_576 : vector<16xf32>
      %mul3A_578 = arith.constant 32 : i32
      %mul3A_579 = arith.muli %scan3A_472, %mul3A_578 : i32
      %add3A_580 = arith.constant 12 : i32
      %add3A_581 = arith.addi %mul3A_579, %add3A_580 : i32
      %get3A_582 = arith.index_cast %add3A_581 : i32 to index
      %get3A_583 = arith.constant 0 : index
      %get3A_584 = tpu.vector_load %arg9[%get3A_582, %get3A_583] {strides = array<i32>} : memref<2048x16xf32, #tpu.memory_space<vmem>>, vector<1x16xf32>,
      %get3A_585 = vector.shape_cast %get3A_584 : vector<1x16xf32> to vector<16xf32>
      %add3A_586 = arith.addf %add3A_577, %get3A_585 : vector<16xf32>
      %mul3A_587 = arith.constant 32 : i32
      %mul3A_588 = arith.muli %scan3A_472, %mul3A_587 : i32
      %add3A_589 = arith.constant 13 : i32
      %add3A_590 = arith.addi %mul3A_588, %add3A_589 : i32
      %get3A_591 = arith.index_cast %add3A_590 : i32 to index
      %get3A_592 = arith.constant 0 : index
      %get3A_593 = tpu.vector_load %arg9[%get3A_591, %get3A_592] {strides = array<i32>} : memref<2048x16xf32, #tpu.memory_space<vmem>>, vector<1x16xf32>,
      %get3A_594 = vector.shape_cast %get3A_593 : vector<1x16xf32> to vector<16xf32>
      %add3A_595 = arith.addf %add3A_586, %get3A_594 : vector<16xf32>
      %mul3A_596 = arith.constant 32 : i32
      %mul3A_597 = arith.muli %scan3A_472, %mul3A_596 : i32
      %add3A_598 = arith.constant 14 : i32
      %add3A_599 = arith.addi %mul3A_597, %add3A_598 : i32
      %get3A_600 = arith.index_cast %add3A_599 : i32 to index
      %get3A_601 = arith.constant 0 : index
      %get3A_602 = tpu.vector_load %arg9[%get3A_600, %get3A_601] {strides = array<i32>} : memref<2048x16xf32, #tpu.memory_space<vmem>>, vector<1x16xf32>,
      %get3A_603 = vector.shape_cast %get3A_602 : vector<1x16xf32> to vector<16xf32>
      %add3A_604 = arith.addf %add3A_595, %get3A_603 : vector<16xf32>
      %mul3A_605 = arith.constant 32 : i32
      %mul3A_606 = arith.muli %scan3A_472, %mul3A_605 : i32
      %add3A_607 = arith.constant 15 : i32
      %add3A_608 = arith.addi %mul3A_606, %add3A_607 : i32
      %get3A_609 = arith.index_cast %add3A_608 : i32 to index
      %get3A_610 = arith.constant 0 : index
      %get3A_611 = tpu.vector_load %arg9[%get3A_609, %get3A_610] {strides = array<i32>} : memref<2048x16xf32, #tpu.memory_space<vmem>>, vector<1x16xf32>,
      %get3A_612 = vector.shape_cast %get3A_611 : vector<1x16xf32> to vector<16xf32>
      %add3A_613 = arith.addf %add3A_604, %get3A_612 : vector<16xf32>
      %mul3A_614 = arith.constant 32 : i32
      %mul3A_615 = arith.muli %scan3A_472, %mul3A_614 : i32
      %add3A_616 = arith.constant 16 : i32
      %add3A_617 = arith.addi %mul3A_615, %add3A_616 : i32
      %get3A_618 = arith.index_cast %add3A_617 : i32 to index
      %get3A_619 = arith.constant 0 : index
      %get3A_620 = tpu.vector_load %arg9[%get3A_618, %get3A_619] {strides = array<i32>} : memref<2048x16xf32, #tpu.memory_space<vmem>>, vector<1x16xf32>,
      %get3A_621 = vector.shape_cast %get3A_620 : vector<1x16xf32> to vector<16xf32>
      %add3A_622 = arith.addf %add3A_613, %get3A_621 : vector<16xf32>
      %mul3A_623 = arith.constant 32 : i32
      %mul3A_624 = arith.muli %scan3A_472, %mul3A_623 : i32
      %add3A_625 = arith.constant 17 : i32
      %add3A_626 = arith.addi %mul3A_624, %add3A_625 : i32
      %get3A_627 = arith.index_cast %add3A_626 : i32 to index
      %get3A_628 = arith.constant 0 : index
      %get3A_629 = tpu.vector_load %arg9[%get3A_627, %get3A_628] {strides = array<i32>} : memref<2048x16xf32, #tpu.memory_space<vmem>>, vector<1x16xf32>,
      %get3A_630 = vector.shape_cast %get3A_629 : vector<1x16xf32> to vector<16xf32>
      %add3A_631 = arith.addf %add3A_622, %get3A_630 : vector<16xf32>
      %mul3A_632 = arith.constant 32 : i32
      %mul3A_633 = arith.muli %scan3A_472, %mul3A_632 : i32
      %add3A_634 = arith.constant 18 : i32
      %add3A_635 = arith.addi %mul3A_633, %add3A_634 : i32
      %get3A_636 = arith.index_cast %add3A_635 : i32 to index
      %get3A_637 = arith.constant 0 : index
      %get3A_638 = tpu.vector_load %arg9[%get3A_636, %get3A_637] {strides = array<i32>} : memref<2048x16xf32, #tpu.memory_space<vmem>>, vector<1x16xf32>,
      %get3A_639 = vector.shape_cast %get3A_638 : vector<1x16xf32> to vector<16xf32>
      %add3A_640 = arith.addf %add3A_631, %get3A_639 : vector<16xf32>
      %mul3A_641 = arith.constant 32 : i32
      %mul3A_642 = arith.muli %scan3A_472, %mul3A_641 : i32
      %add3A_643 = arith.constant 19 : i32
      %add3A_644 = arith.addi %mul3A_642, %add3A_643 : i32
      %get3A_645 = arith.index_cast %add3A_644 : i32 to index
      %get3A_646 = arith.constant 0 : index
      %get3A_647 = tpu.vector_load %arg9[%get3A_645, %get3A_646] {strides = array<i32>} : memref<2048x16xf32, #tpu.memory_space<vmem>>, vector<1x16xf32>,
      %get3A_648 = vector.shape_cast %get3A_647 : vector<1x16xf32> to vector<16xf32>
      %add3A_649 = arith.addf %add3A_640, %get3A_648 : vector<16xf32>
      %mul3A_650 = arith.constant 32 : i32
      %mul3A_651 = arith.muli %scan3A_472, %mul3A_650 : i32
      %add3A_652 = arith.constant 20 : i32
      %add3A_653 = arith.addi %mul3A_651, %add3A_652 : i32
      %get3A_654 = arith.index_cast %add3A_653 : i32 to index
      %get3A_655 = arith.constant 0 : index
      %get3A_656 = tpu.vector_load %arg9[%get3A_654, %get3A_655] {strides = array<i32>} : memref<2048x16xf32, #tpu.memory_space<vmem>>, vector<1x16xf32>,
      %get3A_657 = vector.shape_cast %get3A_656 : vector<1x16xf32> to vector<16xf32>
      %add3A_658 = arith.addf %add3A_649, %get3A_657 : vector<16xf32>
      %mul3A_659 = arith.constant 32 : i32
      %mul3A_660 = arith.muli %scan3A_472, %mul3A_659 : i32
      %add3A_661 = arith.constant 21 : i32
      %add3A_662 = arith.addi %mul3A_660, %add3A_661 : i32
      %get3A_663 = arith.index_cast %add3A_662 : i32 to index
      %get3A_664 = arith.constant 0 : index
      %get3A_665 = tpu.vector_load %arg9[%get3A_663, %get3A_664] {strides = array<i32>} : memref<2048x16xf32, #tpu.memory_space<vmem>>, vector<1x16xf32>,
      %get3A_666 = vector.shape_cast %get3A_665 : vector<1x16xf32> to vector<16xf32>
      %add3A_667 = arith.addf %add3A_658, %get3A_666 : vector<16xf32>
      %mul3A_668 = arith.constant 32 : i32
      %mul3A_669 = arith.muli %scan3A_472, %mul3A_668 : i32
      %add3A_670 = arith.constant 22 : i32
      %add3A_671 = arith.addi %mul3A_669, %add3A_670 : i32
      %get3A_672 = arith.index_cast %add3A_671 : i32 to index
      %get3A_673 = arith.constant 0 : index
      %get3A_674 = tpu.vector_load %arg9[%get3A_672, %get3A_673] {strides = array<i32>} : memref<2048x16xf32, #tpu.memory_space<vmem>>, vector<1x16xf32>,
      %get3A_675 = vector.shape_cast %get3A_674 : vector<1x16xf32> to vector<16xf32>
      %add3A_676 = arith.addf %add3A_667, %get3A_675 : vector<16xf32>
      %mul3A_677 = arith.constant 32 : i32
      %mul3A_678 = arith.muli %scan3A_472, %mul3A_677 : i32
      %add3A_679 = arith.constant 23 : i32
      %add3A_680 = arith.addi %mul3A_678, %add3A_679 : i32
      %get3A_681 = arith.index_cast %add3A_680 : i32 to index
      %get3A_682 = arith.constant 0 : index
      %get3A_683 = tpu.vector_load %arg9[%get3A_681, %get3A_682] {strides = array<i32>} : memref<2048x16xf32, #tpu.memory_space<vmem>>, vector<1x16xf32>,
      %get3A_684 = vector.shape_cast %get3A_683 : vector<1x16xf32> to vector<16xf32>
      %add3A_685 = arith.addf %add3A_676, %get3A_684 : vector<16xf32>
      %mul3A_686 = arith.constant 32 : i32
      %mul3A_687 = arith.muli %scan3A_472, %mul3A_686 : i32
      %add3A_688 = arith.constant 24 : i32
      %add3A_689 = arith.addi %mul3A_687, %add3A_688 : i32
      %get3A_690 = arith.index_cast %add3A_689 : i32 to index
      %get3A_691 = arith.constant 0 : index
      %get3A_692 = tpu.vector_load %arg9[%get3A_690, %get3A_691] {strides = array<i32>} : memref<2048x16xf32, #tpu.memory_space<vmem>>, vector<1x16xf32>,
      %get3A_693 = vector.shape_cast %get3A_692 : vector<1x16xf32> to vector<16xf32>
      %add3A_694 = arith.addf %add3A_685, %get3A_693 : vector<16xf32>
      %mul3A_695 = arith.constant 32 : i32
      %mul3A_696 = arith.muli %scan3A_472, %mul3A_695 : i32
      %add3A_697 = arith.constant 25 : i32
      %add3A_698 = arith.addi %mul3A_696, %add3A_697 : i32
      %get3A_699 = arith.index_cast %add3A_698 : i32 to index
      %get3A_700 = arith.constant 0 : index
      %get3A_701 = tpu.vector_load %arg9[%get3A_699, %get3A_700] {strides = array<i32>} : memref<2048x16xf32, #tpu.memory_space<vmem>>, vector<1x16xf32>,
      %get3A_702 = vector.shape_cast %get3A_701 : vector<1x16xf32> to vector<16xf32>
      %add3A_703 = arith.addf %add3A_694, %get3A_702 : vector<16xf32>
      %mul3A_704 = arith.mulf %add3A_703, %get3A_2 : vector<16xf32>
      %jit3A_705 = arith.constant 8 : i32
      %div3A_706 = arith.divsi %scan3A_472, %jit3A_705 : i32
      %sign3A_707 = arith.constant 0 : i32
      %sign3A_708 = arith.cmpi sgt, %scan3A_472, %sign3A_707 : i32
      %sign3A_709 = arith.extui %sign3A_708 : i1 to i32
      %sign3A_710 = arith.constant 0 : i32
      %sign3A_711 = arith.cmpi slt, %scan3A_472, %sign3A_710 : i32
      %sign3A_712 = arith.extui %sign3A_711 : i1 to i32
      %sign3A_713 = arith.subi %sign3A_709, %sign3A_712 : i32
      %sign3A_714 = arith.constant 0 : i32
      %sign3A_715 = arith.cmpi sgt, %jit3A_705, %sign3A_714 : i32
      %sign3A_716 = arith.extui %sign3A_715 : i1 to i32
      %sign3A_717 = arith.constant 0 : i32
      %sign3A_718 = arith.cmpi slt, %jit3A_705, %sign3A_717 : i32
      %sign3A_719 = arith.extui %sign3A_718 : i1 to i32
      %sign3A_720 = arith.subi %sign3A_716, %sign3A_719 : i32
      %ne3A_721 = arith.cmpi ne, %sign3A_713, %sign3A_720 : i32
      %rem3A_722 = arith.remsi %scan3A_472, %jit3A_705 : i32
      %ne3A_723 = arith.constant 0 : i32
      %ne3A_724 = arith.cmpi ne, %rem3A_722, %ne3A_723 : i32
      %and3A_725 = arith.andi %ne3A_721, %ne3A_724 : i1
      %sub3A_726 = arith.constant 1 : i32
      %sub3A_727 = arith.subi %div3A_706, %sub3A_726 : i32
      %select_n3A_728 = arith.select %and3A_725, %sub3A_727, %div3A_706 : i32
      %jit3A_729 = arith.constant 8 : i32
      %eq3A = arith.constant 0 : i32
      %eq3A_730 = arith.cmpi eq, %jit3A_729, %eq3A : i32
      %jit3A_731 = arith.constant 1 : i32
      %select_n3A_732 = arith.select %eq3A_730, %jit3A_731, %jit3A_729 : i32
      %rem3A_733 = arith.remsi %scan3A_472, %select_n3A_732 : i32
      %ne3A_734 = arith.constant 0 : i32
      %ne3A_735 = arith.cmpi ne, %rem3A_733, %ne3A_734 : i32
      %lt3A = arith.constant 0 : i32
      %lt3A_736 = arith.cmpi slt, %rem3A_733, %lt3A : i32
      %lt3A_737 = arith.constant 0 : i32
      %lt3A_738 = arith.cmpi slt, %select_n3A_732, %lt3A_737 : i32
      %ne3A_739 = arith.xori %lt3A_736, %lt3A_738 : i1
      %and3A_740 = arith.andi %ne3A_739, %ne3A_735 : i1
      %add3A_741 = arith.addi %rem3A_733, %select_n3A_732 : i32
      %select_n3A_742 = arith.select %and3A_740, %add3A_741, %rem3A_733 : i32
      %mul3A_743 = arith.constant 16 : i32
      %mul3A_744 = arith.muli %select_n3A_742, %mul3A_743 : i32
      %swap3A = arith.index_cast %select_n3A_728 : i32 to index
      %swap3A_745 = arith.index_cast %mul3A_744 : i32 to index
      %swap3A_746 = tpu.vector_load %arg11[%swap3A, %swap3A_745] {strides = array<i32>} : memref<8x128xf32, #tpu.memory_space<vmem>>, vector<1x16xf32>,
      %swap3A_747 = vector.shape_cast %swap3A_746 : vector<1x16xf32> to vector<16xf32>
      %swap3A_748 = vector.shape_cast %mul3A_704 : vector<16xf32> to vector<1x16xf32>
      tpu.vector_store %arg11[%swap3A, %swap3A_745], %swap3A_748 {strides = array<i32>} : memref<8x128xf32, #tpu.memory_space<vmem>>, vector<1x16xf32>,
    }
    %scan3A_199 = arith.constant 64 : i32
    %mul3A_200 = arith.constant 512 : i32
    %mul3A_201 = arith.muli %add3A, %mul3A_200 : i32
    %add3A_202 = arith.constant 192 : i32
    %add3A_203 = arith.addi %mul3A_201, %add3A_202 : i32
    %mul3A_204 = arith.constant 16 : i32
    %mul3A_205 = arith.muli %add3A_203, %mul3A_204 : i32
    %jit3A_206 = arith.constant 128 : i32
    %div3A_207 = arith.divsi %mul3A_205, %jit3A_206 : i32
    %sign3A_208 = arith.constant 0 : i32
    %sign3A_209 = arith.cmpi sgt, %mul3A_205, %sign3A_208 : i32
    %sign3A_210 = arith.extui %sign3A_209 : i1 to i32
    %sign3A_211 = arith.constant 0 : i32
    %sign3A_212 = arith.cmpi slt, %mul3A_205, %sign3A_211 : i32
    %sign3A_213 = arith.extui %sign3A_212 : i1 to i32
    %sign3A_214 = arith.subi %sign3A_210, %sign3A_213 : i32
    %sign3A_215 = arith.constant 0 : i32
    %sign3A_216 = arith.cmpi sgt, %jit3A_206, %sign3A_215 : i32
    %sign3A_217 = arith.extui %sign3A_216 : i1 to i32
    %sign3A_218 = arith.constant 0 : i32
    %sign3A_219 = arith.cmpi slt, %jit3A_206, %sign3A_218 : i32
    %sign3A_220 = arith.extui %sign3A_219 : i1 to i32
    %sign3A_221 = arith.subi %sign3A_217, %sign3A_220 : i32
    %ne3A_222 = arith.cmpi ne, %sign3A_214, %sign3A_221 : i32
    %rem3A_223 = arith.remsi %mul3A_205, %jit3A_206 : i32
    %ne3A_224 = arith.constant 0 : i32
    %ne3A_225 = arith.cmpi ne, %rem3A_223, %ne3A_224 : i32
    %and3A_226 = arith.andi %ne3A_222, %ne3A_225 : i1
    %sub3A_227 = arith.constant 1 : i32
    %sub3A_228 = arith.subi %div3A_207, %sub3A_227 : i32
    %select_n3A_229 = arith.select %and3A_226, %sub3A_228, %div3A_207 : i32
    %dma_start3A_230 = arith.constant 0 : i32
    %dma_start3A_231 = tpu.memref_slice %arg5[%select_n3A_229, %dma_start3A_230] : memref<2048x128xf32, #tpu.memory_space<hbm>> -> memref<8x128xf32, #tpu.memory_space<hbm>>
    %dma_start3A_232 = arith.constant 0 : i32
    %dma_start3A_233 = tpu.memref_slice %arg5[%select_n3A_229, %dma_start3A_232] : memref<2048x128xf32, #tpu.memory_space<hbm>> -> memref<8x128xf32, #tpu.memory_space<hbm>>
    tpu.enqueue_dma source(%arg11 : memref<8x128xf32, #tpu.memory_space<vmem>>) target(%dma_start3A_233 : memref<8x128xf32, #tpu.memory_space<hbm>>) target_semaphore(%arg15 : memref<!tpu.dma_semaphore, #tpu.memory_space<semaphore_mem>>)
    %dma_wait3A_234 = arith.constant 0 : i32
    %dma_wait3A_235 = arith.constant 0 : i32
    %dma_wait3A_236 = tpu.memref_slice %arg2[%dma_wait3A_234, %dma_wait3A_235] : memref<2600000x16xf32, #tpu.memory_space<hbm>> -> memref<2048x16xf32, #tpu.memory_space<hbm>>
    %dma_wait3A_237 = arith.constant 0 : i32
    %dma_wait3A_238 = arith.constant 0 : i32
    %dma_wait3A_239 = tpu.memref_slice %arg2[%dma_wait3A_237, %dma_wait3A_238] : memref<2600000x16xf32, #tpu.memory_space<hbm>> -> memref<2048x16xf32, #tpu.memory_space<hbm>>
    tpu.wait_dma2 semaphore(%arg13 : memref<!tpu.dma_semaphore, #tpu.memory_space<semaphore_mem>>) src(%dma_wait3A_239 : memref<2048x16xf32, #tpu.memory_space<hbm>>) dst(%arg8 : memref<2048x16xf32, #tpu.memory_space<vmem>>)
    %mul3A_240 = arith.constant 512 : i32
    %mul3A_241 = arith.muli %add3A, %mul3A_240 : i32
    %add3A_242 = arith.constant 320 : i32
    %add3A_243 = arith.addi %mul3A_241, %add3A_242 : i32
    "tpu.region"() ({
      %run_scoped3A = tpu.sem_alloc : memref<!tpu.dma_semaphore, #tpu.memory_space<semaphore_mem>>
      %dma_start3A_472 = arith.constant 0 : i32
      %dma_start3A_473 = tpu.memref_slice %arg3[%add3A_243, %dma_start3A_472] : memref<16384x128xi32, #tpu.memory_space<hbm>> -> memref<64x128xi32, #tpu.memory_space<hbm>>
      %dma_start3A_474 = arith.constant 0 : i32
      %dma_start3A_475 = tpu.memref_slice %arg3[%add3A_243, %dma_start3A_474] : memref<16384x128xi32, #tpu.memory_space<hbm>> -> memref<64x128xi32, #tpu.memory_space<hbm>>
      tpu.enqueue_dma source(%dma_start3A_475 : memref<64x128xi32, #tpu.memory_space<hbm>>) target(%arg7 : memref<64x128xi32, #tpu.memory_space<vmem>>) target_semaphore(%run_scoped3A : memref<!tpu.dma_semaphore, #tpu.memory_space<semaphore_mem>>)
      %dma_wait3A_476 = arith.constant 0 : i32
      %dma_wait3A_477 = tpu.memref_slice %arg3[%add3A_243, %dma_wait3A_476] : memref<16384x128xi32, #tpu.memory_space<hbm>> -> memref<64x128xi32, #tpu.memory_space<hbm>>
      %dma_wait3A_478 = arith.constant 0 : i32
      %dma_wait3A_479 = tpu.memref_slice %arg3[%add3A_243, %dma_wait3A_478] : memref<16384x128xi32, #tpu.memory_space<hbm>> -> memref<64x128xi32, #tpu.memory_space<hbm>>
      tpu.wait_dma2 semaphore(%run_scoped3A : memref<!tpu.dma_semaphore, #tpu.memory_space<semaphore_mem>>) src(%dma_wait3A_479 : memref<64x128xi32, #tpu.memory_space<hbm>>) dst(%arg7 : memref<64x128xi32, #tpu.memory_space<vmem>>)
      tpu.yield
    }) : () -> ()
    %scan3A_244 = arith.constant 0 : i32
    %scan3A_245 = arith.constant 0 : i32
    %scan3A_246 = arith.constant 64 : i32
    %scan3A_247 = arith.addi %scan3A_245, %scan3A_246 : i32
    %scan3A_248 = arith.constant 1 : i32
    scf.for %scan3A_472 = %scan3A_245 to %scan3A_247 step %scan3A_248  : i32 {
      %mul3A_473 = arith.constant 32 : i32
      %mul3A_474 = arith.muli %scan3A_472, %mul3A_473 : i32
      %dma_start3A_475 = arith.constant 0 : i32
      %dma_start3A_476 = tpu.memref_slice %arg9[%mul3A_474, %dma_start3A_475] : memref<2048x16xf32, #tpu.memory_space<vmem>> -> memref<32x16xf32, #tpu.memory_space<vmem>>
      %dma_start3A_477 = arith.constant 0 : i32
      %dma_start3A_478 = tpu.memref_slice %arg7[%scan3A_472, %dma_start3A_477] : memref<64x128xi32, #tpu.memory_space<vmem>> -> memref<1x32xi32, #tpu.memory_space<vmem>>
      %dma_start3A_479 = tpu.memref_squeeze %dma_start3A_478 : memref<1x32xi32, #tpu.memory_space<vmem>> -> memref<32xi32, #tpu.memory_space<vmem>>
      %dma_start3A_480 = arith.constant 0 : i32
      %dma_start3A_481 = arith.constant 0 : i32
      %dma_start3A_482 = tpu.memref_slice %arg2[%dma_start3A_480, %dma_start3A_481] : memref<2600000x16xf32, #tpu.memory_space<hbm>> -> memref<2600000x16xf32, #tpu.memory_space<hbm>>
      tpu.enqueue_indirect_dma source(%dma_start3A_482 : memref<2600000x16xf32, #tpu.memory_space<hbm>>) target(%dma_start3A_476 : memref<32x16xf32, #tpu.memory_space<vmem>>) offsets(%dma_start3A_479 : memref<32xi32, #tpu.memory_space<vmem>>) semaphore(%arg14 : memref<!tpu.dma_semaphore, #tpu.memory_space<semaphore_mem>>)
    }
    %scan3A_249 = arith.constant 64 : i32
    %dma_wait3A_250 = arith.constant 0 : i32
    %dma_wait3A_251 = tpu.memref_slice %arg5[%select_n3A_169, %dma_wait3A_250] : memref<2048x128xf32, #tpu.memory_space<hbm>> -> memref<8x128xf32, #tpu.memory_space<hbm>>
    %dma_wait3A_252 = arith.constant 0 : i32
    %dma_wait3A_253 = tpu.memref_slice %arg5[%select_n3A_169, %dma_wait3A_252] : memref<2048x128xf32, #tpu.memory_space<hbm>> -> memref<8x128xf32, #tpu.memory_space<hbm>>
    tpu.wait_dma2 semaphore(%arg15 : memref<!tpu.dma_semaphore, #tpu.memory_space<semaphore_mem>>) src(%arg10 : memref<8x128xf32, #tpu.memory_space<vmem>>) dst(%dma_wait3A_253 : memref<8x128xf32, #tpu.memory_space<hbm>>)
    %scan3A_254 = arith.constant 0 : i32
    %scan3A_255 = arith.constant 0 : i32
    %scan3A_256 = arith.constant 64 : i32
    %scan3A_257 = arith.addi %scan3A_255, %scan3A_256 : i32
    %scan3A_258 = arith.constant 1 : i32
    scf.for %scan3A_472 = %scan3A_255 to %scan3A_257 step %scan3A_258  : i32 {
      %mul3A_473 = arith.constant 32 : i32
      %mul3A_474 = arith.muli %scan3A_472, %mul3A_473 : i32
      %get3A_475 = arith.index_cast %mul3A_474 : i32 to index
      %get3A_476 = arith.constant 0 : index
      %get3A_477 = tpu.vector_load %arg8[%get3A_475, %get3A_476] {strides = array<i32>} : memref<2048x16xf32, #tpu.memory_space<vmem>>, vector<1x16xf32>,
      %get3A_478 = vector.shape_cast %get3A_477 : vector<1x16xf32> to vector<16xf32>
      %mul3A_479 = arith.constant 32 : i32
      %mul3A_480 = arith.muli %scan3A_472, %mul3A_479 : i32
      %add3A_481 = arith.constant 1 : i32
      %add3A_482 = arith.addi %mul3A_480, %add3A_481 : i32
      %get3A_483 = arith.index_cast %add3A_482 : i32 to index
      %get3A_484 = arith.constant 0 : index
      %get3A_485 = tpu.vector_load %arg8[%get3A_483, %get3A_484] {strides = array<i32>} : memref<2048x16xf32, #tpu.memory_space<vmem>>, vector<1x16xf32>,
      %get3A_486 = vector.shape_cast %get3A_485 : vector<1x16xf32> to vector<16xf32>
      %add3A_487 = arith.addf %get3A_478, %get3A_486 : vector<16xf32>
      %mul3A_488 = arith.constant 32 : i32
      %mul3A_489 = arith.muli %scan3A_472, %mul3A_488 : i32
      %add3A_490 = arith.constant 2 : i32
      %add3A_491 = arith.addi %mul3A_489, %add3A_490 : i32
      %get3A_492 = arith.index_cast %add3A_491 : i32 to index
      %get3A_493 = arith.constant 0 : index
      %get3A_494 = tpu.vector_load %arg8[%get3A_492, %get3A_493] {strides = array<i32>} : memref<2048x16xf32, #tpu.memory_space<vmem>>, vector<1x16xf32>,
      %get3A_495 = vector.shape_cast %get3A_494 : vector<1x16xf32> to vector<16xf32>
      %add3A_496 = arith.addf %add3A_487, %get3A_495 : vector<16xf32>
      %mul3A_497 = arith.constant 32 : i32
      %mul3A_498 = arith.muli %scan3A_472, %mul3A_497 : i32
      %add3A_499 = arith.constant 3 : i32
      %add3A_500 = arith.addi %mul3A_498, %add3A_499 : i32
      %get3A_501 = arith.index_cast %add3A_500 : i32 to index
      %get3A_502 = arith.constant 0 : index
      %get3A_503 = tpu.vector_load %arg8[%get3A_501, %get3A_502] {strides = array<i32>} : memref<2048x16xf32, #tpu.memory_space<vmem>>, vector<1x16xf32>,
      %get3A_504 = vector.shape_cast %get3A_503 : vector<1x16xf32> to vector<16xf32>
      %add3A_505 = arith.addf %add3A_496, %get3A_504 : vector<16xf32>
      %mul3A_506 = arith.constant 32 : i32
      %mul3A_507 = arith.muli %scan3A_472, %mul3A_506 : i32
      %add3A_508 = arith.constant 4 : i32
      %add3A_509 = arith.addi %mul3A_507, %add3A_508 : i32
      %get3A_510 = arith.index_cast %add3A_509 : i32 to index
      %get3A_511 = arith.constant 0 : index
      %get3A_512 = tpu.vector_load %arg8[%get3A_510, %get3A_511] {strides = array<i32>} : memref<2048x16xf32, #tpu.memory_space<vmem>>, vector<1x16xf32>,
      %get3A_513 = vector.shape_cast %get3A_512 : vector<1x16xf32> to vector<16xf32>
      %add3A_514 = arith.addf %add3A_505, %get3A_513 : vector<16xf32>
      %mul3A_515 = arith.constant 32 : i32
      %mul3A_516 = arith.muli %scan3A_472, %mul3A_515 : i32
      %add3A_517 = arith.constant 5 : i32
      %add3A_518 = arith.addi %mul3A_516, %add3A_517 : i32
      %get3A_519 = arith.index_cast %add3A_518 : i32 to index
      %get3A_520 = arith.constant 0 : index
      %get3A_521 = tpu.vector_load %arg8[%get3A_519, %get3A_520] {strides = array<i32>} : memref<2048x16xf32, #tpu.memory_space<vmem>>, vector<1x16xf32>,
      %get3A_522 = vector.shape_cast %get3A_521 : vector<1x16xf32> to vector<16xf32>
      %add3A_523 = arith.addf %add3A_514, %get3A_522 : vector<16xf32>
      %mul3A_524 = arith.constant 32 : i32
      %mul3A_525 = arith.muli %scan3A_472, %mul3A_524 : i32
      %add3A_526 = arith.constant 6 : i32
      %add3A_527 = arith.addi %mul3A_525, %add3A_526 : i32
      %get3A_528 = arith.index_cast %add3A_527 : i32 to index
      %get3A_529 = arith.constant 0 : index
      %get3A_530 = tpu.vector_load %arg8[%get3A_528, %get3A_529] {strides = array<i32>} : memref<2048x16xf32, #tpu.memory_space<vmem>>, vector<1x16xf32>,
      %get3A_531 = vector.shape_cast %get3A_530 : vector<1x16xf32> to vector<16xf32>
      %add3A_532 = arith.addf %add3A_523, %get3A_531 : vector<16xf32>
      %mul3A_533 = arith.constant 32 : i32
      %mul3A_534 = arith.muli %scan3A_472, %mul3A_533 : i32
      %add3A_535 = arith.constant 7 : i32
      %add3A_536 = arith.addi %mul3A_534, %add3A_535 : i32
      %get3A_537 = arith.index_cast %add3A_536 : i32 to index
      %get3A_538 = arith.constant 0 : index
      %get3A_539 = tpu.vector_load %arg8[%get3A_537, %get3A_538] {strides = array<i32>} : memref<2048x16xf32, #tpu.memory_space<vmem>>, vector<1x16xf32>,
      %get3A_540 = vector.shape_cast %get3A_539 : vector<1x16xf32> to vector<16xf32>
      %add3A_541 = arith.addf %add3A_532, %get3A_540 : vector<16xf32>
      %mul3A_542 = arith.constant 32 : i32
      %mul3A_543 = arith.muli %scan3A_472, %mul3A_542 : i32
      %add3A_544 = arith.constant 8 : i32
      %add3A_545 = arith.addi %mul3A_543, %add3A_544 : i32
      %get3A_546 = arith.index_cast %add3A_545 : i32 to index
      %get3A_547 = arith.constant 0 : index
      %get3A_548 = tpu.vector_load %arg8[%get3A_546, %get3A_547] {strides = array<i32>} : memref<2048x16xf32, #tpu.memory_space<vmem>>, vector<1x16xf32>,
      %get3A_549 = vector.shape_cast %get3A_548 : vector<1x16xf32> to vector<16xf32>
      %add3A_550 = arith.addf %add3A_541, %get3A_549 : vector<16xf32>
      %mul3A_551 = arith.constant 32 : i32
      %mul3A_552 = arith.muli %scan3A_472, %mul3A_551 : i32
      %add3A_553 = arith.constant 9 : i32
      %add3A_554 = arith.addi %mul3A_552, %add3A_553 : i32
      %get3A_555 = arith.index_cast %add3A_554 : i32 to index
      %get3A_556 = arith.constant 0 : index
      %get3A_557 = tpu.vector_load %arg8[%get3A_555, %get3A_556] {strides = array<i32>} : memref<2048x16xf32, #tpu.memory_space<vmem>>, vector<1x16xf32>,
      %get3A_558 = vector.shape_cast %get3A_557 : vector<1x16xf32> to vector<16xf32>
      %add3A_559 = arith.addf %add3A_550, %get3A_558 : vector<16xf32>
      %mul3A_560 = arith.constant 32 : i32
      %mul3A_561 = arith.muli %scan3A_472, %mul3A_560 : i32
      %add3A_562 = arith.constant 10 : i32
      %add3A_563 = arith.addi %mul3A_561, %add3A_562 : i32
      %get3A_564 = arith.index_cast %add3A_563 : i32 to index
      %get3A_565 = arith.constant 0 : index
      %get3A_566 = tpu.vector_load %arg8[%get3A_564, %get3A_565] {strides = array<i32>} : memref<2048x16xf32, #tpu.memory_space<vmem>>, vector<1x16xf32>,
      %get3A_567 = vector.shape_cast %get3A_566 : vector<1x16xf32> to vector<16xf32>
      %add3A_568 = arith.addf %add3A_559, %get3A_567 : vector<16xf32>
      %mul3A_569 = arith.constant 32 : i32
      %mul3A_570 = arith.muli %scan3A_472, %mul3A_569 : i32
      %add3A_571 = arith.constant 11 : i32
      %add3A_572 = arith.addi %mul3A_570, %add3A_571 : i32
      %get3A_573 = arith.index_cast %add3A_572 : i32 to index
      %get3A_574 = arith.constant 0 : index
      %get3A_575 = tpu.vector_load %arg8[%get3A_573, %get3A_574] {strides = array<i32>} : memref<2048x16xf32, #tpu.memory_space<vmem>>, vector<1x16xf32>,
      %get3A_576 = vector.shape_cast %get3A_575 : vector<1x16xf32> to vector<16xf32>
      %add3A_577 = arith.addf %add3A_568, %get3A_576 : vector<16xf32>
      %mul3A_578 = arith.constant 32 : i32
      %mul3A_579 = arith.muli %scan3A_472, %mul3A_578 : i32
      %add3A_580 = arith.constant 12 : i32
      %add3A_581 = arith.addi %mul3A_579, %add3A_580 : i32
      %get3A_582 = arith.index_cast %add3A_581 : i32 to index
      %get3A_583 = arith.constant 0 : index
      %get3A_584 = tpu.vector_load %arg8[%get3A_582, %get3A_583] {strides = array<i32>} : memref<2048x16xf32, #tpu.memory_space<vmem>>, vector<1x16xf32>,
      %get3A_585 = vector.shape_cast %get3A_584 : vector<1x16xf32> to vector<16xf32>
      %add3A_586 = arith.addf %add3A_577, %get3A_585 : vector<16xf32>
      %mul3A_587 = arith.constant 32 : i32
      %mul3A_588 = arith.muli %scan3A_472, %mul3A_587 : i32
      %add3A_589 = arith.constant 13 : i32
      %add3A_590 = arith.addi %mul3A_588, %add3A_589 : i32
      %get3A_591 = arith.index_cast %add3A_590 : i32 to index
      %get3A_592 = arith.constant 0 : index
      %get3A_593 = tpu.vector_load %arg8[%get3A_591, %get3A_592] {strides = array<i32>} : memref<2048x16xf32, #tpu.memory_space<vmem>>, vector<1x16xf32>,
      %get3A_594 = vector.shape_cast %get3A_593 : vector<1x16xf32> to vector<16xf32>
      %add3A_595 = arith.addf %add3A_586, %get3A_594 : vector<16xf32>
      %mul3A_596 = arith.constant 32 : i32
      %mul3A_597 = arith.muli %scan3A_472, %mul3A_596 : i32
      %add3A_598 = arith.constant 14 : i32
      %add3A_599 = arith.addi %mul3A_597, %add3A_598 : i32
      %get3A_600 = arith.index_cast %add3A_599 : i32 to index
      %get3A_601 = arith.constant 0 : index
      %get3A_602 = tpu.vector_load %arg8[%get3A_600, %get3A_601] {strides = array<i32>} : memref<2048x16xf32, #tpu.memory_space<vmem>>, vector<1x16xf32>,
      %get3A_603 = vector.shape_cast %get3A_602 : vector<1x16xf32> to vector<16xf32>
      %add3A_604 = arith.addf %add3A_595, %get3A_603 : vector<16xf32>
      %mul3A_605 = arith.constant 32 : i32
      %mul3A_606 = arith.muli %scan3A_472, %mul3A_605 : i32
      %add3A_607 = arith.constant 15 : i32
      %add3A_608 = arith.addi %mul3A_606, %add3A_607 : i32
      %get3A_609 = arith.index_cast %add3A_608 : i32 to index
      %get3A_610 = arith.constant 0 : index
      %get3A_611 = tpu.vector_load %arg8[%get3A_609, %get3A_610] {strides = array<i32>} : memref<2048x16xf32, #tpu.memory_space<vmem>>, vector<1x16xf32>,
      %get3A_612 = vector.shape_cast %get3A_611 : vector<1x16xf32> to vector<16xf32>
      %add3A_613 = arith.addf %add3A_604, %get3A_612 : vector<16xf32>
      %mul3A_614 = arith.constant 32 : i32
      %mul3A_615 = arith.muli %scan3A_472, %mul3A_614 : i32
      %add3A_616 = arith.constant 16 : i32
      %add3A_617 = arith.addi %mul3A_615, %add3A_616 : i32
      %get3A_618 = arith.index_cast %add3A_617 : i32 to index
      %get3A_619 = arith.constant 0 : index
      %get3A_620 = tpu.vector_load %arg8[%get3A_618, %get3A_619] {strides = array<i32>} : memref<2048x16xf32, #tpu.memory_space<vmem>>, vector<1x16xf32>,
      %get3A_621 = vector.shape_cast %get3A_620 : vector<1x16xf32> to vector<16xf32>
      %add3A_622 = arith.addf %add3A_613, %get3A_621 : vector<16xf32>
      %mul3A_623 = arith.constant 32 : i32
      %mul3A_624 = arith.muli %scan3A_472, %mul3A_623 : i32
      %add3A_625 = arith.constant 17 : i32
      %add3A_626 = arith.addi %mul3A_624, %add3A_625 : i32
      %get3A_627 = arith.index_cast %add3A_626 : i32 to index
      %get3A_628 = arith.constant 0 : index
      %get3A_629 = tpu.vector_load %arg8[%get3A_627, %get3A_628] {strides = array<i32>} : memref<2048x16xf32, #tpu.memory_space<vmem>>, vector<1x16xf32>,
      %get3A_630 = vector.shape_cast %get3A_629 : vector<1x16xf32> to vector<16xf32>
      %add3A_631 = arith.addf %add3A_622, %get3A_630 : vector<16xf32>
      %mul3A_632 = arith.constant 32 : i32
      %mul3A_633 = arith.muli %scan3A_472, %mul3A_632 : i32
      %add3A_634 = arith.constant 18 : i32
      %add3A_635 = arith.addi %mul3A_633, %add3A_634 : i32
      %get3A_636 = arith.index_cast %add3A_635 : i32 to index
      %get3A_637 = arith.constant 0 : index
      %get3A_638 = tpu.vector_load %arg8[%get3A_636, %get3A_637] {strides = array<i32>} : memref<2048x16xf32, #tpu.memory_space<vmem>>, vector<1x16xf32>,
      %get3A_639 = vector.shape_cast %get3A_638 : vector<1x16xf32> to vector<16xf32>
      %add3A_640 = arith.addf %add3A_631, %get3A_639 : vector<16xf32>
      %mul3A_641 = arith.constant 32 : i32
      %mul3A_642 = arith.muli %scan3A_472, %mul3A_641 : i32
      %add3A_643 = arith.constant 19 : i32
      %add3A_644 = arith.addi %mul3A_642, %add3A_643 : i32
      %get3A_645 = arith.index_cast %add3A_644 : i32 to index
      %get3A_646 = arith.constant 0 : index
      %get3A_647 = tpu.vector_load %arg8[%get3A_645, %get3A_646] {strides = array<i32>} : memref<2048x16xf32, #tpu.memory_space<vmem>>, vector<1x16xf32>,
      %get3A_648 = vector.shape_cast %get3A_647 : vector<1x16xf32> to vector<16xf32>
      %add3A_649 = arith.addf %add3A_640, %get3A_648 : vector<16xf32>
      %mul3A_650 = arith.constant 32 : i32
      %mul3A_651 = arith.muli %scan3A_472, %mul3A_650 : i32
      %add3A_652 = arith.constant 20 : i32
      %add3A_653 = arith.addi %mul3A_651, %add3A_652 : i32
      %get3A_654 = arith.index_cast %add3A_653 : i32 to index
      %get3A_655 = arith.constant 0 : index
      %get3A_656 = tpu.vector_load %arg8[%get3A_654, %get3A_655] {strides = array<i32>} : memref<2048x16xf32, #tpu.memory_space<vmem>>, vector<1x16xf32>,
      %get3A_657 = vector.shape_cast %get3A_656 : vector<1x16xf32> to vector<16xf32>
      %add3A_658 = arith.addf %add3A_649, %get3A_657 : vector<16xf32>
      %mul3A_659 = arith.constant 32 : i32
      %mul3A_660 = arith.muli %scan3A_472, %mul3A_659 : i32
      %add3A_661 = arith.constant 21 : i32
      %add3A_662 = arith.addi %mul3A_660, %add3A_661 : i32
      %get3A_663 = arith.index_cast %add3A_662 : i32 to index
      %get3A_664 = arith.constant 0 : index
      %get3A_665 = tpu.vector_load %arg8[%get3A_663, %get3A_664] {strides = array<i32>} : memref<2048x16xf32, #tpu.memory_space<vmem>>, vector<1x16xf32>,
      %get3A_666 = vector.shape_cast %get3A_665 : vector<1x16xf32> to vector<16xf32>
      %add3A_667 = arith.addf %add3A_658, %get3A_666 : vector<16xf32>
      %mul3A_668 = arith.constant 32 : i32
      %mul3A_669 = arith.muli %scan3A_472, %mul3A_668 : i32
      %add3A_670 = arith.constant 22 : i32
      %add3A_671 = arith.addi %mul3A_669, %add3A_670 : i32
      %get3A_672 = arith.index_cast %add3A_671 : i32 to index
      %get3A_673 = arith.constant 0 : index
      %get3A_674 = tpu.vector_load %arg8[%get3A_672, %get3A_673] {strides = array<i32>} : memref<2048x16xf32, #tpu.memory_space<vmem>>, vector<1x16xf32>,
      %get3A_675 = vector.shape_cast %get3A_674 : vector<1x16xf32> to vector<16xf32>
      %add3A_676 = arith.addf %add3A_667, %get3A_675 : vector<16xf32>
      %mul3A_677 = arith.constant 32 : i32
      %mul3A_678 = arith.muli %scan3A_472, %mul3A_677 : i32
      %add3A_679 = arith.constant 23 : i32
      %add3A_680 = arith.addi %mul3A_678, %add3A_679 : i32
      %get3A_681 = arith.index_cast %add3A_680 : i32 to index
      %get3A_682 = arith.constant 0 : index
      %get3A_683 = tpu.vector_load %arg8[%get3A_681, %get3A_682] {strides = array<i32>} : memref<2048x16xf32, #tpu.memory_space<vmem>>, vector<1x16xf32>,
      %get3A_684 = vector.shape_cast %get3A_683 : vector<1x16xf32> to vector<16xf32>
      %add3A_685 = arith.addf %add3A_676, %get3A_684 : vector<16xf32>
      %mul3A_686 = arith.constant 32 : i32
      %mul3A_687 = arith.muli %scan3A_472, %mul3A_686 : i32
      %add3A_688 = arith.constant 24 : i32
      %add3A_689 = arith.addi %mul3A_687, %add3A_688 : i32
      %get3A_690 = arith.index_cast %add3A_689 : i32 to index
      %get3A_691 = arith.constant 0 : index
      %get3A_692 = tpu.vector_load %arg8[%get3A_690, %get3A_691] {strides = array<i32>} : memref<2048x16xf32, #tpu.memory_space<vmem>>, vector<1x16xf32>,
      %get3A_693 = vector.shape_cast %get3A_692 : vector<1x16xf32> to vector<16xf32>
      %add3A_694 = arith.addf %add3A_685, %get3A_693 : vector<16xf32>
      %mul3A_695 = arith.constant 32 : i32
      %mul3A_696 = arith.muli %scan3A_472, %mul3A_695 : i32
      %add3A_697 = arith.constant 25 : i32
      %add3A_698 = arith.addi %mul3A_696, %add3A_697 : i32
      %get3A_699 = arith.index_cast %add3A_698 : i32 to index
      %get3A_700 = arith.constant 0 : index
      %get3A_701 = tpu.vector_load %arg8[%get3A_699, %get3A_700] {strides = array<i32>} : memref<2048x16xf32, #tpu.memory_space<vmem>>, vector<1x16xf32>,
      %get3A_702 = vector.shape_cast %get3A_701 : vector<1x16xf32> to vector<16xf32>
      %add3A_703 = arith.addf %add3A_694, %get3A_702 : vector<16xf32>
      %mul3A_704 = arith.mulf %add3A_703, %get3A_2 : vector<16xf32>
      %jit3A_705 = arith.constant 8 : i32
      %div3A_706 = arith.divsi %scan3A_472, %jit3A_705 : i32
      %sign3A_707 = arith.constant 0 : i32
      %sign3A_708 = arith.cmpi sgt, %scan3A_472, %sign3A_707 : i32
      %sign3A_709 = arith.extui %sign3A_708 : i1 to i32
      %sign3A_710 = arith.constant 0 : i32
      %sign3A_711 = arith.cmpi slt, %scan3A_472, %sign3A_710 : i32
      %sign3A_712 = arith.extui %sign3A_711 : i1 to i32
      %sign3A_713 = arith.subi %sign3A_709, %sign3A_712 : i32
      %sign3A_714 = arith.constant 0 : i32
      %sign3A_715 = arith.cmpi sgt, %jit3A_705, %sign3A_714 : i32
      %sign3A_716 = arith.extui %sign3A_715 : i1 to i32
      %sign3A_717 = arith.constant 0 : i32
      %sign3A_718 = arith.cmpi slt, %jit3A_705, %sign3A_717 : i32
      %sign3A_719 = arith.extui %sign3A_718 : i1 to i32
      %sign3A_720 = arith.subi %sign3A_716, %sign3A_719 : i32
      %ne3A_721 = arith.cmpi ne, %sign3A_713, %sign3A_720 : i32
      %rem3A_722 = arith.remsi %scan3A_472, %jit3A_705 : i32
      %ne3A_723 = arith.constant 0 : i32
      %ne3A_724 = arith.cmpi ne, %rem3A_722, %ne3A_723 : i32
      %and3A_725 = arith.andi %ne3A_721, %ne3A_724 : i1
      %sub3A_726 = arith.constant 1 : i32
      %sub3A_727 = arith.subi %div3A_706, %sub3A_726 : i32
      %select_n3A_728 = arith.select %and3A_725, %sub3A_727, %div3A_706 : i32
      %jit3A_729 = arith.constant 8 : i32
      %eq3A = arith.constant 0 : i32
      %eq3A_730 = arith.cmpi eq, %jit3A_729, %eq3A : i32
      %jit3A_731 = arith.constant 1 : i32
      %select_n3A_732 = arith.select %eq3A_730, %jit3A_731, %jit3A_729 : i32
      %rem3A_733 = arith.remsi %scan3A_472, %select_n3A_732 : i32
      %ne3A_734 = arith.constant 0 : i32
      %ne3A_735 = arith.cmpi ne, %rem3A_733, %ne3A_734 : i32
      %lt3A = arith.constant 0 : i32
      %lt3A_736 = arith.cmpi slt, %rem3A_733, %lt3A : i32
      %lt3A_737 = arith.constant 0 : i32
      %lt3A_738 = arith.cmpi slt, %select_n3A_732, %lt3A_737 : i32
      %ne3A_739 = arith.xori %lt3A_736, %lt3A_738 : i1
      %and3A_740 = arith.andi %ne3A_739, %ne3A_735 : i1
      %add3A_741 = arith.addi %rem3A_733, %select_n3A_732 : i32
      %select_n3A_742 = arith.select %and3A_740, %add3A_741, %rem3A_733 : i32
      %mul3A_743 = arith.constant 16 : i32
      %mul3A_744 = arith.muli %select_n3A_742, %mul3A_743 : i32
      %swap3A = arith.index_cast %select_n3A_728 : i32 to index
      %swap3A_745 = arith.index_cast %mul3A_744 : i32 to index
      %swap3A_746 = tpu.vector_load %arg10[%swap3A, %swap3A_745] {strides = array<i32>} : memref<8x128xf32, #tpu.memory_space<vmem>>, vector<1x16xf32>,
      %swap3A_747 = vector.shape_cast %swap3A_746 : vector<1x16xf32> to vector<16xf32>
      %swap3A_748 = vector.shape_cast %mul3A_704 : vector<16xf32> to vector<1x16xf32>
      tpu.vector_store %arg10[%swap3A, %swap3A_745], %swap3A_748 {strides = array<i32>} : memref<8x128xf32, #tpu.memory_space<vmem>>, vector<1x16xf32>,
    }
    %scan3A_259 = arith.constant 64 : i32
    %mul3A_260 = arith.constant 512 : i32
    %mul3A_261 = arith.muli %add3A, %mul3A_260 : i32
    %add3A_262 = arith.constant 256 : i32
    %add3A_263 = arith.addi %mul3A_261, %add3A_262 : i32
    %mul3A_264 = arith.constant 16 : i32
    %mul3A_265 = arith.muli %add3A_263, %mul3A_264 : i32
    %jit3A_266 = arith.constant 128 : i32
    %div3A_267 = arith.divsi %mul3A_265, %jit3A_266 : i32
    %sign3A_268 = arith.constant 0 : i32
    %sign3A_269 = arith.cmpi sgt, %mul3A_265, %sign3A_268 : i32
    %sign3A_270 = arith.extui %sign3A_269 : i1 to i32
    %sign3A_271 = arith.constant 0 : i32
    %sign3A_272 = arith.cmpi slt, %mul3A_265, %sign3A_271 : i32
    %sign3A_273 = arith.extui %sign3A_272 : i1 to i32
    %sign3A_274 = arith.subi %sign3A_270, %sign3A_273 : i32
    %sign3A_275 = arith.constant 0 : i32
    %sign3A_276 = arith.cmpi sgt, %jit3A_266, %sign3A_275 : i32
    %sign3A_277 = arith.extui %sign3A_276 : i1 to i32
    %sign3A_278 = arith.constant 0 : i32
    %sign3A_279 = arith.cmpi slt, %jit3A_266, %sign3A_278 : i32
    %sign3A_280 = arith.extui %sign3A_279 : i1 to i32
    %sign3A_281 = arith.subi %sign3A_277, %sign3A_280 : i32
    %ne3A_282 = arith.cmpi ne, %sign3A_274, %sign3A_281 : i32
    %rem3A_283 = arith.remsi %mul3A_265, %jit3A_266 : i32
    %ne3A_284 = arith.constant 0 : i32
    %ne3A_285 = arith.cmpi ne, %rem3A_283, %ne3A_284 : i32
    %and3A_286 = arith.andi %ne3A_282, %ne3A_285 : i1
    %sub3A_287 = arith.constant 1 : i32
    %sub3A_288 = arith.subi %div3A_267, %sub3A_287 : i32
    %select_n3A_289 = arith.select %and3A_286, %sub3A_288, %div3A_267 : i32
    %dma_start3A_290 = arith.constant 0 : i32
    %dma_start3A_291 = tpu.memref_slice %arg5[%select_n3A_289, %dma_start3A_290] : memref<2048x128xf32, #tpu.memory_space<hbm>> -> memref<8x128xf32, #tpu.memory_space<hbm>>
    %dma_start3A_292 = arith.constant 0 : i32
    %dma_start3A_293 = tpu.memref_slice %arg5[%select_n3A_289, %dma_start3A_292] : memref<2048x128xf32, #tpu.memory_space<hbm>> -> memref<8x128xf32, #tpu.memory_space<hbm>>
    tpu.enqueue_dma source(%arg10 : memref<8x128xf32, #tpu.memory_space<vmem>>) target(%dma_start3A_293 : memref<8x128xf32, #tpu.memory_space<hbm>>) target_semaphore(%arg15 : memref<!tpu.dma_semaphore, #tpu.memory_space<semaphore_mem>>)
    %dma_wait3A_294 = arith.constant 0 : i32
    %dma_wait3A_295 = arith.constant 0 : i32
    %dma_wait3A_296 = tpu.memref_slice %arg2[%dma_wait3A_294, %dma_wait3A_295] : memref<2600000x16xf32, #tpu.memory_space<hbm>> -> memref<2048x16xf32, #tpu.memory_space<hbm>>
    %dma_wait3A_297 = arith.constant 0 : i32
    %dma_wait3A_298 = arith.constant 0 : i32
    %dma_wait3A_299 = tpu.memref_slice %arg2[%dma_wait3A_297, %dma_wait3A_298] : memref<2600000x16xf32, #tpu.memory_space<hbm>> -> memref<2048x16xf32, #tpu.memory_space<hbm>>
    tpu.wait_dma2 semaphore(%arg14 : memref<!tpu.dma_semaphore, #tpu.memory_space<semaphore_mem>>) src(%dma_wait3A_299 : memref<2048x16xf32, #tpu.memory_space<hbm>>) dst(%arg9 : memref<2048x16xf32, #tpu.memory_space<vmem>>)
    %mul3A_300 = arith.constant 512 : i32
    %mul3A_301 = arith.muli %add3A, %mul3A_300 : i32
    %add3A_302 = arith.constant 384 : i32
    %add3A_303 = arith.addi %mul3A_301, %add3A_302 : i32
    "tpu.region"() ({
      %run_scoped3A = tpu.sem_alloc : memref<!tpu.dma_semaphore, #tpu.memory_space<semaphore_mem>>
      %dma_start3A_472 = arith.constant 0 : i32
      %dma_start3A_473 = tpu.memref_slice %arg3[%add3A_303, %dma_start3A_472] : memref<16384x128xi32, #tpu.memory_space<hbm>> -> memref<64x128xi32, #tpu.memory_space<hbm>>
      %dma_start3A_474 = arith.constant 0 : i32
      %dma_start3A_475 = tpu.memref_slice %arg3[%add3A_303, %dma_start3A_474] : memref<16384x128xi32, #tpu.memory_space<hbm>> -> memref<64x128xi32, #tpu.memory_space<hbm>>
      tpu.enqueue_dma source(%dma_start3A_475 : memref<64x128xi32, #tpu.memory_space<hbm>>) target(%arg6 : memref<64x128xi32, #tpu.memory_space<vmem>>) target_semaphore(%run_scoped3A : memref<!tpu.dma_semaphore, #tpu.memory_space<semaphore_mem>>)
      %dma_wait3A_476 = arith.constant 0 : i32
      %dma_wait3A_477 = tpu.memref_slice %arg3[%add3A_303, %dma_wait3A_476] : memref<16384x128xi32, #tpu.memory_space<hbm>> -> memref<64x128xi32, #tpu.memory_space<hbm>>
      %dma_wait3A_478 = arith.constant 0 : i32
      %dma_wait3A_479 = tpu.memref_slice %arg3[%add3A_303, %dma_wait3A_478] : memref<16384x128xi32, #tpu.memory_space<hbm>> -> memref<64x128xi32, #tpu.memory_space<hbm>>
      tpu.wait_dma2 semaphore(%run_scoped3A : memref<!tpu.dma_semaphore, #tpu.memory_space<semaphore_mem>>) src(%dma_wait3A_479 : memref<64x128xi32, #tpu.memory_space<hbm>>) dst(%arg6 : memref<64x128xi32, #tpu.memory_space<vmem>>)
      tpu.yield
    }) : () -> ()
    %scan3A_304 = arith.constant 0 : i32
    %scan3A_305 = arith.constant 0 : i32
    %scan3A_306 = arith.constant 64 : i32
    %scan3A_307 = arith.addi %scan3A_305, %scan3A_306 : i32
    %scan3A_308 = arith.constant 1 : i32
    scf.for %scan3A_472 = %scan3A_305 to %scan3A_307 step %scan3A_308  : i32 {
      %mul3A_473 = arith.constant 32 : i32
      %mul3A_474 = arith.muli %scan3A_472, %mul3A_473 : i32
      %dma_start3A_475 = arith.constant 0 : i32
      %dma_start3A_476 = tpu.memref_slice %arg8[%mul3A_474, %dma_start3A_475] : memref<2048x16xf32, #tpu.memory_space<vmem>> -> memref<32x16xf32, #tpu.memory_space<vmem>>
      %dma_start3A_477 = arith.constant 0 : i32
      %dma_start3A_478 = tpu.memref_slice %arg6[%scan3A_472, %dma_start3A_477] : memref<64x128xi32, #tpu.memory_space<vmem>> -> memref<1x32xi32, #tpu.memory_space<vmem>>
      %dma_start3A_479 = tpu.memref_squeeze %dma_start3A_478 : memref<1x32xi32, #tpu.memory_space<vmem>> -> memref<32xi32, #tpu.memory_space<vmem>>
      %dma_start3A_480 = arith.constant 0 : i32
      %dma_start3A_481 = arith.constant 0 : i32
      %dma_start3A_482 = tpu.memref_slice %arg2[%dma_start3A_480, %dma_start3A_481] : memref<2600000x16xf32, #tpu.memory_space<hbm>> -> memref<2600000x16xf32, #tpu.memory_space<hbm>>
      tpu.enqueue_indirect_dma source(%dma_start3A_482 : memref<2600000x16xf32, #tpu.memory_space<hbm>>) target(%dma_start3A_476 : memref<32x16xf32, #tpu.memory_space<vmem>>) offsets(%dma_start3A_479 : memref<32xi32, #tpu.memory_space<vmem>>) semaphore(%arg13 : memref<!tpu.dma_semaphore, #tpu.memory_space<semaphore_mem>>)
    }
    %scan3A_309 = arith.constant 64 : i32
    %dma_wait3A_310 = arith.constant 0 : i32
    %dma_wait3A_311 = tpu.memref_slice %arg5[%select_n3A_229, %dma_wait3A_310] : memref<2048x128xf32, #tpu.memory_space<hbm>> -> memref<8x128xf32, #tpu.memory_space<hbm>>
    %dma_wait3A_312 = arith.constant 0 : i32
    %dma_wait3A_313 = tpu.memref_slice %arg5[%select_n3A_229, %dma_wait3A_312] : memref<2048x128xf32, #tpu.memory_space<hbm>> -> memref<8x128xf32, #tpu.memory_space<hbm>>
    tpu.wait_dma2 semaphore(%arg15 : memref<!tpu.dma_semaphore, #tpu.memory_space<semaphore_mem>>) src(%arg11 : memref<8x128xf32, #tpu.memory_space<vmem>>) dst(%dma_wait3A_313 : memref<8x128xf32, #tpu.memory_space<hbm>>)
    %scan3A_314 = arith.constant 0 : i32
    %scan3A_315 = arith.constant 0 : i32
    %scan3A_316 = arith.constant 64 : i32
    %scan3A_317 = arith.addi %scan3A_315, %scan3A_316 : i32
    %scan3A_318 = arith.constant 1 : i32
    scf.for %scan3A_472 = %scan3A_315 to %scan3A_317 step %scan3A_318  : i32 {
      %mul3A_473 = arith.constant 32 : i32
      %mul3A_474 = arith.muli %scan3A_472, %mul3A_473 : i32
      %get3A_475 = arith.index_cast %mul3A_474 : i32 to index
      %get3A_476 = arith.constant 0 : index
      %get3A_477 = tpu.vector_load %arg9[%get3A_475, %get3A_476] {strides = array<i32>} : memref<2048x16xf32, #tpu.memory_space<vmem>>, vector<1x16xf32>,
      %get3A_478 = vector.shape_cast %get3A_477 : vector<1x16xf32> to vector<16xf32>
      %mul3A_479 = arith.constant 32 : i32
      %mul3A_480 = arith.muli %scan3A_472, %mul3A_479 : i32
      %add3A_481 = arith.constant 1 : i32
      %add3A_482 = arith.addi %mul3A_480, %add3A_481 : i32
      %get3A_483 = arith.index_cast %add3A_482 : i32 to index
      %get3A_484 = arith.constant 0 : index
      %get3A_485 = tpu.vector_load %arg9[%get3A_483, %get3A_484] {strides = array<i32>} : memref<2048x16xf32, #tpu.memory_space<vmem>>, vector<1x16xf32>,
      %get3A_486 = vector.shape_cast %get3A_485 : vector<1x16xf32> to vector<16xf32>
      %add3A_487 = arith.addf %get3A_478, %get3A_486 : vector<16xf32>
      %mul3A_488 = arith.constant 32 : i32
      %mul3A_489 = arith.muli %scan3A_472, %mul3A_488 : i32
      %add3A_490 = arith.constant 2 : i32
      %add3A_491 = arith.addi %mul3A_489, %add3A_490 : i32
      %get3A_492 = arith.index_cast %add3A_491 : i32 to index
      %get3A_493 = arith.constant 0 : index
      %get3A_494 = tpu.vector_load %arg9[%get3A_492, %get3A_493] {strides = array<i32>} : memref<2048x16xf32, #tpu.memory_space<vmem>>, vector<1x16xf32>,
      %get3A_495 = vector.shape_cast %get3A_494 : vector<1x16xf32> to vector<16xf32>
      %add3A_496 = arith.addf %add3A_487, %get3A_495 : vector<16xf32>
      %mul3A_497 = arith.constant 32 : i32
      %mul3A_498 = arith.muli %scan3A_472, %mul3A_497 : i32
      %add3A_499 = arith.constant 3 : i32
      %add3A_500 = arith.addi %mul3A_498, %add3A_499 : i32
      %get3A_501 = arith.index_cast %add3A_500 : i32 to index
      %get3A_502 = arith.constant 0 : index
      %get3A_503 = tpu.vector_load %arg9[%get3A_501, %get3A_502] {strides = array<i32>} : memref<2048x16xf32, #tpu.memory_space<vmem>>, vector<1x16xf32>,
      %get3A_504 = vector.shape_cast %get3A_503 : vector<1x16xf32> to vector<16xf32>
      %add3A_505 = arith.addf %add3A_496, %get3A_504 : vector<16xf32>
      %mul3A_506 = arith.constant 32 : i32
      %mul3A_507 = arith.muli %scan3A_472, %mul3A_506 : i32
      %add3A_508 = arith.constant 4 : i32
      %add3A_509 = arith.addi %mul3A_507, %add3A_508 : i32
      %get3A_510 = arith.index_cast %add3A_509 : i32 to index
      %get3A_511 = arith.constant 0 : index
      %get3A_512 = tpu.vector_load %arg9[%get3A_510, %get3A_511] {strides = array<i32>} : memref<2048x16xf32, #tpu.memory_space<vmem>>, vector<1x16xf32>,
      %get3A_513 = vector.shape_cast %get3A_512 : vector<1x16xf32> to vector<16xf32>
      %add3A_514 = arith.addf %add3A_505, %get3A_513 : vector<16xf32>
      %mul3A_515 = arith.constant 32 : i32
      %mul3A_516 = arith.muli %scan3A_472, %mul3A_515 : i32
      %add3A_517 = arith.constant 5 : i32
      %add3A_518 = arith.addi %mul3A_516, %add3A_517 : i32
      %get3A_519 = arith.index_cast %add3A_518 : i32 to index
      %get3A_520 = arith.constant 0 : index
      %get3A_521 = tpu.vector_load %arg9[%get3A_519, %get3A_520] {strides = array<i32>} : memref<2048x16xf32, #tpu.memory_space<vmem>>, vector<1x16xf32>,
      %get3A_522 = vector.shape_cast %get3A_521 : vector<1x16xf32> to vector<16xf32>
      %add3A_523 = arith.addf %add3A_514, %get3A_522 : vector<16xf32>
      %mul3A_524 = arith.constant 32 : i32
      %mul3A_525 = arith.muli %scan3A_472, %mul3A_524 : i32
      %add3A_526 = arith.constant 6 : i32
      %add3A_527 = arith.addi %mul3A_525, %add3A_526 : i32
      %get3A_528 = arith.index_cast %add3A_527 : i32 to index
      %get3A_529 = arith.constant 0 : index
      %get3A_530 = tpu.vector_load %arg9[%get3A_528, %get3A_529] {strides = array<i32>} : memref<2048x16xf32, #tpu.memory_space<vmem>>, vector<1x16xf32>,
      %get3A_531 = vector.shape_cast %get3A_530 : vector<1x16xf32> to vector<16xf32>
      %add3A_532 = arith.addf %add3A_523, %get3A_531 : vector<16xf32>
      %mul3A_533 = arith.constant 32 : i32
      %mul3A_534 = arith.muli %scan3A_472, %mul3A_533 : i32
      %add3A_535 = arith.constant 7 : i32
      %add3A_536 = arith.addi %mul3A_534, %add3A_535 : i32
      %get3A_537 = arith.index_cast %add3A_536 : i32 to index
      %get3A_538 = arith.constant 0 : index
      %get3A_539 = tpu.vector_load %arg9[%get3A_537, %get3A_538] {strides = array<i32>} : memref<2048x16xf32, #tpu.memory_space<vmem>>, vector<1x16xf32>,
      %get3A_540 = vector.shape_cast %get3A_539 : vector<1x16xf32> to vector<16xf32>
      %add3A_541 = arith.addf %add3A_532, %get3A_540 : vector<16xf32>
      %mul3A_542 = arith.constant 32 : i32
      %mul3A_543 = arith.muli %scan3A_472, %mul3A_542 : i32
      %add3A_544 = arith.constant 8 : i32
      %add3A_545 = arith.addi %mul3A_543, %add3A_544 : i32
      %get3A_546 = arith.index_cast %add3A_545 : i32 to index
      %get3A_547 = arith.constant 0 : index
      %get3A_548 = tpu.vector_load %arg9[%get3A_546, %get3A_547] {strides = array<i32>} : memref<2048x16xf32, #tpu.memory_space<vmem>>, vector<1x16xf32>,
      %get3A_549 = vector.shape_cast %get3A_548 : vector<1x16xf32> to vector<16xf32>
      %add3A_550 = arith.addf %add3A_541, %get3A_549 : vector<16xf32>
      %mul3A_551 = arith.constant 32 : i32
      %mul3A_552 = arith.muli %scan3A_472, %mul3A_551 : i32
      %add3A_553 = arith.constant 9 : i32
      %add3A_554 = arith.addi %mul3A_552, %add3A_553 : i32
      %get3A_555 = arith.index_cast %add3A_554 : i32 to index
      %get3A_556 = arith.constant 0 : index
      %get3A_557 = tpu.vector_load %arg9[%get3A_555, %get3A_556] {strides = array<i32>} : memref<2048x16xf32, #tpu.memory_space<vmem>>, vector<1x16xf32>,
      %get3A_558 = vector.shape_cast %get3A_557 : vector<1x16xf32> to vector<16xf32>
      %add3A_559 = arith.addf %add3A_550, %get3A_558 : vector<16xf32>
      %mul3A_560 = arith.constant 32 : i32
      %mul3A_561 = arith.muli %scan3A_472, %mul3A_560 : i32
      %add3A_562 = arith.constant 10 : i32
      %add3A_563 = arith.addi %mul3A_561, %add3A_562 : i32
      %get3A_564 = arith.index_cast %add3A_563 : i32 to index
      %get3A_565 = arith.constant 0 : index
      %get3A_566 = tpu.vector_load %arg9[%get3A_564, %get3A_565] {strides = array<i32>} : memref<2048x16xf32, #tpu.memory_space<vmem>>, vector<1x16xf32>,
      %get3A_567 = vector.shape_cast %get3A_566 : vector<1x16xf32> to vector<16xf32>
      %add3A_568 = arith.addf %add3A_559, %get3A_567 : vector<16xf32>
      %mul3A_569 = arith.constant 32 : i32
      %mul3A_570 = arith.muli %scan3A_472, %mul3A_569 : i32
      %add3A_571 = arith.constant 11 : i32
      %add3A_572 = arith.addi %mul3A_570, %add3A_571 : i32
      %get3A_573 = arith.index_cast %add3A_572 : i32 to index
      %get3A_574 = arith.constant 0 : index
      %get3A_575 = tpu.vector_load %arg9[%get3A_573, %get3A_574] {strides = array<i32>} : memref<2048x16xf32, #tpu.memory_space<vmem>>, vector<1x16xf32>,
      %get3A_576 = vector.shape_cast %get3A_575 : vector<1x16xf32> to vector<16xf32>
      %add3A_577 = arith.addf %add3A_568, %get3A_576 : vector<16xf32>
      %mul3A_578 = arith.constant 32 : i32
      %mul3A_579 = arith.muli %scan3A_472, %mul3A_578 : i32
      %add3A_580 = arith.constant 12 : i32
      %add3A_581 = arith.addi %mul3A_579, %add3A_580 : i32
      %get3A_582 = arith.index_cast %add3A_581 : i32 to index
      %get3A_583 = arith.constant 0 : index
      %get3A_584 = tpu.vector_load %arg9[%get3A_582, %get3A_583] {strides = array<i32>} : memref<2048x16xf32, #tpu.memory_space<vmem>>, vector<1x16xf32>,
      %get3A_585 = vector.shape_cast %get3A_584 : vector<1x16xf32> to vector<16xf32>
      %add3A_586 = arith.addf %add3A_577, %get3A_585 : vector<16xf32>
      %mul3A_587 = arith.constant 32 : i32
      %mul3A_588 = arith.muli %scan3A_472, %mul3A_587 : i32
      %add3A_589 = arith.constant 13 : i32
      %add3A_590 = arith.addi %mul3A_588, %add3A_589 : i32
      %get3A_591 = arith.index_cast %add3A_590 : i32 to index
      %get3A_592 = arith.constant 0 : index
      %get3A_593 = tpu.vector_load %arg9[%get3A_591, %get3A_592] {strides = array<i32>} : memref<2048x16xf32, #tpu.memory_space<vmem>>, vector<1x16xf32>,
      %get3A_594 = vector.shape_cast %get3A_593 : vector<1x16xf32> to vector<16xf32>
      %add3A_595 = arith.addf %add3A_586, %get3A_594 : vector<16xf32>
      %mul3A_596 = arith.constant 32 : i32
      %mul3A_597 = arith.muli %scan3A_472, %mul3A_596 : i32
      %add3A_598 = arith.constant 14 : i32
      %add3A_599 = arith.addi %mul3A_597, %add3A_598 : i32
      %get3A_600 = arith.index_cast %add3A_599 : i32 to index
      %get3A_601 = arith.constant 0 : index
      %get3A_602 = tpu.vector_load %arg9[%get3A_600, %get3A_601] {strides = array<i32>} : memref<2048x16xf32, #tpu.memory_space<vmem>>, vector<1x16xf32>,
      %get3A_603 = vector.shape_cast %get3A_602 : vector<1x16xf32> to vector<16xf32>
      %add3A_604 = arith.addf %add3A_595, %get3A_603 : vector<16xf32>
      %mul3A_605 = arith.constant 32 : i32
      %mul3A_606 = arith.muli %scan3A_472, %mul3A_605 : i32
      %add3A_607 = arith.constant 15 : i32
      %add3A_608 = arith.addi %mul3A_606, %add3A_607 : i32
      %get3A_609 = arith.index_cast %add3A_608 : i32 to index
      %get3A_610 = arith.constant 0 : index
      %get3A_611 = tpu.vector_load %arg9[%get3A_609, %get3A_610] {strides = array<i32>} : memref<2048x16xf32, #tpu.memory_space<vmem>>, vector<1x16xf32>,
      %get3A_612 = vector.shape_cast %get3A_611 : vector<1x16xf32> to vector<16xf32>
      %add3A_613 = arith.addf %add3A_604, %get3A_612 : vector<16xf32>
      %mul3A_614 = arith.constant 32 : i32
      %mul3A_615 = arith.muli %scan3A_472, %mul3A_614 : i32
      %add3A_616 = arith.constant 16 : i32
      %add3A_617 = arith.addi %mul3A_615, %add3A_616 : i32
      %get3A_618 = arith.index_cast %add3A_617 : i32 to index
      %get3A_619 = arith.constant 0 : index
      %get3A_620 = tpu.vector_load %arg9[%get3A_618, %get3A_619] {strides = array<i32>} : memref<2048x16xf32, #tpu.memory_space<vmem>>, vector<1x16xf32>,
      %get3A_621 = vector.shape_cast %get3A_620 : vector<1x16xf32> to vector<16xf32>
      %add3A_622 = arith.addf %add3A_613, %get3A_621 : vector<16xf32>
      %mul3A_623 = arith.constant 32 : i32
      %mul3A_624 = arith.muli %scan3A_472, %mul3A_623 : i32
      %add3A_625 = arith.constant 17 : i32
      %add3A_626 = arith.addi %mul3A_624, %add3A_625 : i32
      %get3A_627 = arith.index_cast %add3A_626 : i32 to index
      %get3A_628 = arith.constant 0 : index
      %get3A_629 = tpu.vector_load %arg9[%get3A_627, %get3A_628] {strides = array<i32>} : memref<2048x16xf32, #tpu.memory_space<vmem>>, vector<1x16xf32>,
      %get3A_630 = vector.shape_cast %get3A_629 : vector<1x16xf32> to vector<16xf32>
      %add3A_631 = arith.addf %add3A_622, %get3A_630 : vector<16xf32>
      %mul3A_632 = arith.constant 32 : i32
      %mul3A_633 = arith.muli %scan3A_472, %mul3A_632 : i32
      %add3A_634 = arith.constant 18 : i32
      %add3A_635 = arith.addi %mul3A_633, %add3A_634 : i32
      %get3A_636 = arith.index_cast %add3A_635 : i32 to index
      %get3A_637 = arith.constant 0 : index
      %get3A_638 = tpu.vector_load %arg9[%get3A_636, %get3A_637] {strides = array<i32>} : memref<2048x16xf32, #tpu.memory_space<vmem>>, vector<1x16xf32>,
      %get3A_639 = vector.shape_cast %get3A_638 : vector<1x16xf32> to vector<16xf32>
      %add3A_640 = arith.addf %add3A_631, %get3A_639 : vector<16xf32>
      %mul3A_641 = arith.constant 32 : i32
      %mul3A_642 = arith.muli %scan3A_472, %mul3A_641 : i32
      %add3A_643 = arith.constant 19 : i32
      %add3A_644 = arith.addi %mul3A_642, %add3A_643 : i32
      %get3A_645 = arith.index_cast %add3A_644 : i32 to index
      %get3A_646 = arith.constant 0 : index
      %get3A_647 = tpu.vector_load %arg9[%get3A_645, %get3A_646] {strides = array<i32>} : memref<2048x16xf32, #tpu.memory_space<vmem>>, vector<1x16xf32>,
      %get3A_648 = vector.shape_cast %get3A_647 : vector<1x16xf32> to vector<16xf32>
      %add3A_649 = arith.addf %add3A_640, %get3A_648 : vector<16xf32>
      %mul3A_650 = arith.constant 32 : i32
      %mul3A_651 = arith.muli %scan3A_472, %mul3A_650 : i32
      %add3A_652 = arith.constant 20 : i32
      %add3A_653 = arith.addi %mul3A_651, %add3A_652 : i32
      %get3A_654 = arith.index_cast %add3A_653 : i32 to index
      %get3A_655 = arith.constant 0 : index
      %get3A_656 = tpu.vector_load %arg9[%get3A_654, %get3A_655] {strides = array<i32>} : memref<2048x16xf32, #tpu.memory_space<vmem>>, vector<1x16xf32>,
      %get3A_657 = vector.shape_cast %get3A_656 : vector<1x16xf32> to vector<16xf32>
      %add3A_658 = arith.addf %add3A_649, %get3A_657 : vector<16xf32>
      %mul3A_659 = arith.constant 32 : i32
      %mul3A_660 = arith.muli %scan3A_472, %mul3A_659 : i32
      %add3A_661 = arith.constant 21 : i32
      %add3A_662 = arith.addi %mul3A_660, %add3A_661 : i32
      %get3A_663 = arith.index_cast %add3A_662 : i32 to index
      %get3A_664 = arith.constant 0 : index
      %get3A_665 = tpu.vector_load %arg9[%get3A_663, %get3A_664] {strides = array<i32>} : memref<2048x16xf32, #tpu.memory_space<vmem>>, vector<1x16xf32>,
      %get3A_666 = vector.shape_cast %get3A_665 : vector<1x16xf32> to vector<16xf32>
      %add3A_667 = arith.addf %add3A_658, %get3A_666 : vector<16xf32>
      %mul3A_668 = arith.constant 32 : i32
      %mul3A_669 = arith.muli %scan3A_472, %mul3A_668 : i32
      %add3A_670 = arith.constant 22 : i32
      %add3A_671 = arith.addi %mul3A_669, %add3A_670 : i32
      %get3A_672 = arith.index_cast %add3A_671 : i32 to index
      %get3A_673 = arith.constant 0 : index
      %get3A_674 = tpu.vector_load %arg9[%get3A_672, %get3A_673] {strides = array<i32>} : memref<2048x16xf32, #tpu.memory_space<vmem>>, vector<1x16xf32>,
      %get3A_675 = vector.shape_cast %get3A_674 : vector<1x16xf32> to vector<16xf32>
      %add3A_676 = arith.addf %add3A_667, %get3A_675 : vector<16xf32>
      %mul3A_677 = arith.constant 32 : i32
      %mul3A_678 = arith.muli %scan3A_472, %mul3A_677 : i32
      %add3A_679 = arith.constant 23 : i32
      %add3A_680 = arith.addi %mul3A_678, %add3A_679 : i32
      %get3A_681 = arith.index_cast %add3A_680 : i32 to index
      %get3A_682 = arith.constant 0 : index
      %get3A_683 = tpu.vector_load %arg9[%get3A_681, %get3A_682] {strides = array<i32>} : memref<2048x16xf32, #tpu.memory_space<vmem>>, vector<1x16xf32>,
      %get3A_684 = vector.shape_cast %get3A_683 : vector<1x16xf32> to vector<16xf32>
      %add3A_685 = arith.addf %add3A_676, %get3A_684 : vector<16xf32>
      %mul3A_686 = arith.constant 32 : i32
      %mul3A_687 = arith.muli %scan3A_472, %mul3A_686 : i32
      %add3A_688 = arith.constant 24 : i32
      %add3A_689 = arith.addi %mul3A_687, %add3A_688 : i32
      %get3A_690 = arith.index_cast %add3A_689 : i32 to index
      %get3A_691 = arith.constant 0 : index
      %get3A_692 = tpu.vector_load %arg9[%get3A_690, %get3A_691] {strides = array<i32>} : memref<2048x16xf32, #tpu.memory_space<vmem>>, vector<1x16xf32>,
      %get3A_693 = vector.shape_cast %get3A_692 : vector<1x16xf32> to vector<16xf32>
      %add3A_694 = arith.addf %add3A_685, %get3A_693 : vector<16xf32>
      %mul3A_695 = arith.constant 32 : i32
      %mul3A_696 = arith.muli %scan3A_472, %mul3A_695 : i32
      %add3A_697 = arith.constant 25 : i32
      %add3A_698 = arith.addi %mul3A_696, %add3A_697 : i32
      %get3A_699 = arith.index_cast %add3A_698 : i32 to index
      %get3A_700 = arith.constant 0 : index
      %get3A_701 = tpu.vector_load %arg9[%get3A_699, %get3A_700] {strides = array<i32>} : memref<2048x16xf32, #tpu.memory_space<vmem>>, vector<1x16xf32>,
      %get3A_702 = vector.shape_cast %get3A_701 : vector<1x16xf32> to vector<16xf32>
      %add3A_703 = arith.addf %add3A_694, %get3A_702 : vector<16xf32>
      %mul3A_704 = arith.mulf %add3A_703, %get3A_2 : vector<16xf32>
      %jit3A_705 = arith.constant 8 : i32
      %div3A_706 = arith.divsi %scan3A_472, %jit3A_705 : i32
      %sign3A_707 = arith.constant 0 : i32
      %sign3A_708 = arith.cmpi sgt, %scan3A_472, %sign3A_707 : i32
      %sign3A_709 = arith.extui %sign3A_708 : i1 to i32
      %sign3A_710 = arith.constant 0 : i32
      %sign3A_711 = arith.cmpi slt, %scan3A_472, %sign3A_710 : i32
      %sign3A_712 = arith.extui %sign3A_711 : i1 to i32
      %sign3A_713 = arith.subi %sign3A_709, %sign3A_712 : i32
      %sign3A_714 = arith.constant 0 : i32
      %sign3A_715 = arith.cmpi sgt, %jit3A_705, %sign3A_714 : i32
      %sign3A_716 = arith.extui %sign3A_715 : i1 to i32
      %sign3A_717 = arith.constant 0 : i32
      %sign3A_718 = arith.cmpi slt, %jit3A_705, %sign3A_717 : i32
      %sign3A_719 = arith.extui %sign3A_718 : i1 to i32
      %sign3A_720 = arith.subi %sign3A_716, %sign3A_719 : i32
      %ne3A_721 = arith.cmpi ne, %sign3A_713, %sign3A_720 : i32
      %rem3A_722 = arith.remsi %scan3A_472, %jit3A_705 : i32
      %ne3A_723 = arith.constant 0 : i32
      %ne3A_724 = arith.cmpi ne, %rem3A_722, %ne3A_723 : i32
      %and3A_725 = arith.andi %ne3A_721, %ne3A_724 : i1
      %sub3A_726 = arith.constant 1 : i32
      %sub3A_727 = arith.subi %div3A_706, %sub3A_726 : i32
      %select_n3A_728 = arith.select %and3A_725, %sub3A_727, %div3A_706 : i32
      %jit3A_729 = arith.constant 8 : i32
      %eq3A = arith.constant 0 : i32
      %eq3A_730 = arith.cmpi eq, %jit3A_729, %eq3A : i32
      %jit3A_731 = arith.constant 1 : i32
      %select_n3A_732 = arith.select %eq3A_730, %jit3A_731, %jit3A_729 : i32
      %rem3A_733 = arith.remsi %scan3A_472, %select_n3A_732 : i32
      %ne3A_734 = arith.constant 0 : i32
      %ne3A_735 = arith.cmpi ne, %rem3A_733, %ne3A_734 : i32
      %lt3A = arith.constant 0 : i32
      %lt3A_736 = arith.cmpi slt, %rem3A_733, %lt3A : i32
      %lt3A_737 = arith.constant 0 : i32
      %lt3A_738 = arith.cmpi slt, %select_n3A_732, %lt3A_737 : i32
      %ne3A_739 = arith.xori %lt3A_736, %lt3A_738 : i1
      %and3A_740 = arith.andi %ne3A_739, %ne3A_735 : i1
      %add3A_741 = arith.addi %rem3A_733, %select_n3A_732 : i32
      %select_n3A_742 = arith.select %and3A_740, %add3A_741, %rem3A_733 : i32
      %mul3A_743 = arith.constant 16 : i32
      %mul3A_744 = arith.muli %select_n3A_742, %mul3A_743 : i32
      %swap3A = arith.index_cast %select_n3A_728 : i32 to index
      %swap3A_745 = arith.index_cast %mul3A_744 : i32 to index
      %swap3A_746 = tpu.vector_load %arg11[%swap3A, %swap3A_745] {strides = array<i32>} : memref<8x128xf32, #tpu.memory_space<vmem>>, vector<1x16xf32>,
      %swap3A_747 = vector.shape_cast %swap3A_746 : vector<1x16xf32> to vector<16xf32>
      %swap3A_748 = vector.shape_cast %mul3A_704 : vector<16xf32> to vector<1x16xf32>
      tpu.vector_store %arg11[%swap3A, %swap3A_745], %swap3A_748 {strides = array<i32>} : memref<8x128xf32, #tpu.memory_space<vmem>>, vector<1x16xf32>,
    }
    %scan3A_319 = arith.constant 64 : i32
    %mul3A_320 = arith.constant 512 : i32
    %mul3A_321 = arith.muli %add3A, %mul3A_320 : i32
    %add3A_322 = arith.constant 320 : i32
    %add3A_323 = arith.addi %mul3A_321, %add3A_322 : i32
    %mul3A_324 = arith.constant 16 : i32
    %mul3A_325 = arith.muli %add3A_323, %mul3A_324 : i32
    %jit3A_326 = arith.constant 128 : i32
    %div3A_327 = arith.divsi %mul3A_325, %jit3A_326 : i32
    %sign3A_328 = arith.constant 0 : i32
    %sign3A_329 = arith.cmpi sgt, %mul3A_325, %sign3A_328 : i32
    %sign3A_330 = arith.extui %sign3A_329 : i1 to i32
    %sign3A_331 = arith.constant 0 : i32
    %sign3A_332 = arith.cmpi slt, %mul3A_325, %sign3A_331 : i32
    %sign3A_333 = arith.extui %sign3A_332 : i1 to i32
    %sign3A_334 = arith.subi %sign3A_330, %sign3A_333 : i32
    %sign3A_335 = arith.constant 0 : i32
    %sign3A_336 = arith.cmpi sgt, %jit3A_326, %sign3A_335 : i32
    %sign3A_337 = arith.extui %sign3A_336 : i1 to i32
    %sign3A_338 = arith.constant 0 : i32
    %sign3A_339 = arith.cmpi slt, %jit3A_326, %sign3A_338 : i32
    %sign3A_340 = arith.extui %sign3A_339 : i1 to i32
    %sign3A_341 = arith.subi %sign3A_337, %sign3A_340 : i32
    %ne3A_342 = arith.cmpi ne, %sign3A_334, %sign3A_341 : i32
    %rem3A_343 = arith.remsi %mul3A_325, %jit3A_326 : i32
    %ne3A_344 = arith.constant 0 : i32
    %ne3A_345 = arith.cmpi ne, %rem3A_343, %ne3A_344 : i32
    %and3A_346 = arith.andi %ne3A_342, %ne3A_345 : i1
    %sub3A_347 = arith.constant 1 : i32
    %sub3A_348 = arith.subi %div3A_327, %sub3A_347 : i32
    %select_n3A_349 = arith.select %and3A_346, %sub3A_348, %div3A_327 : i32
    %dma_start3A_350 = arith.constant 0 : i32
    %dma_start3A_351 = tpu.memref_slice %arg5[%select_n3A_349, %dma_start3A_350] : memref<2048x128xf32, #tpu.memory_space<hbm>> -> memref<8x128xf32, #tpu.memory_space<hbm>>
    %dma_start3A_352 = arith.constant 0 : i32
    %dma_start3A_353 = tpu.memref_slice %arg5[%select_n3A_349, %dma_start3A_352] : memref<2048x128xf32, #tpu.memory_space<hbm>> -> memref<8x128xf32, #tpu.memory_space<hbm>>
    tpu.enqueue_dma source(%arg11 : memref<8x128xf32, #tpu.memory_space<vmem>>) target(%dma_start3A_353 : memref<8x128xf32, #tpu.memory_space<hbm>>) target_semaphore(%arg15 : memref<!tpu.dma_semaphore, #tpu.memory_space<semaphore_mem>>)
    %dma_wait3A_354 = arith.constant 0 : i32
    %dma_wait3A_355 = arith.constant 0 : i32
    %dma_wait3A_356 = tpu.memref_slice %arg2[%dma_wait3A_354, %dma_wait3A_355] : memref<2600000x16xf32, #tpu.memory_space<hbm>> -> memref<2048x16xf32, #tpu.memory_space<hbm>>
    %dma_wait3A_357 = arith.constant 0 : i32
    %dma_wait3A_358 = arith.constant 0 : i32
    %dma_wait3A_359 = tpu.memref_slice %arg2[%dma_wait3A_357, %dma_wait3A_358] : memref<2600000x16xf32, #tpu.memory_space<hbm>> -> memref<2048x16xf32, #tpu.memory_space<hbm>>
    tpu.wait_dma2 semaphore(%arg13 : memref<!tpu.dma_semaphore, #tpu.memory_space<semaphore_mem>>) src(%dma_wait3A_359 : memref<2048x16xf32, #tpu.memory_space<hbm>>) dst(%arg8 : memref<2048x16xf32, #tpu.memory_space<vmem>>)
    %mul3A_360 = arith.constant 512 : i32
    %mul3A_361 = arith.muli %add3A, %mul3A_360 : i32
    %add3A_362 = arith.constant 448 : i32
    %add3A_363 = arith.addi %mul3A_361, %add3A_362 : i32
    "tpu.region"() ({
      %run_scoped3A = tpu.sem_alloc : memref<!tpu.dma_semaphore, #tpu.memory_space<semaphore_mem>>
      %dma_start3A_472 = arith.constant 0 : i32
      %dma_start3A_473 = tpu.memref_slice %arg3[%add3A_363, %dma_start3A_472] : memref<16384x128xi32, #tpu.memory_space<hbm>> -> memref<64x128xi32, #tpu.memory_space<hbm>>
      %dma_start3A_474 = arith.constant 0 : i32
      %dma_start3A_475 = tpu.memref_slice %arg3[%add3A_363, %dma_start3A_474] : memref<16384x128xi32, #tpu.memory_space<hbm>> -> memref<64x128xi32, #tpu.memory_space<hbm>>
      tpu.enqueue_dma source(%dma_start3A_475 : memref<64x128xi32, #tpu.memory_space<hbm>>) target(%arg7 : memref<64x128xi32, #tpu.memory_space<vmem>>) target_semaphore(%run_scoped3A : memref<!tpu.dma_semaphore, #tpu.memory_space<semaphore_mem>>)
      %dma_wait3A_476 = arith.constant 0 : i32
      %dma_wait3A_477 = tpu.memref_slice %arg3[%add3A_363, %dma_wait3A_476] : memref<16384x128xi32, #tpu.memory_space<hbm>> -> memref<64x128xi32, #tpu.memory_space<hbm>>
      %dma_wait3A_478 = arith.constant 0 : i32
      %dma_wait3A_479 = tpu.memref_slice %arg3[%add3A_363, %dma_wait3A_478] : memref<16384x128xi32, #tpu.memory_space<hbm>> -> memref<64x128xi32, #tpu.memory_space<hbm>>
      tpu.wait_dma2 semaphore(%run_scoped3A : memref<!tpu.dma_semaphore, #tpu.memory_space<semaphore_mem>>) src(%dma_wait3A_479 : memref<64x128xi32, #tpu.memory_space<hbm>>) dst(%arg7 : memref<64x128xi32, #tpu.memory_space<vmem>>)
      tpu.yield
    }) : () -> ()
    %scan3A_364 = arith.constant 0 : i32
    %scan3A_365 = arith.constant 0 : i32
    %scan3A_366 = arith.constant 64 : i32
    %scan3A_367 = arith.addi %scan3A_365, %scan3A_366 : i32
    %scan3A_368 = arith.constant 1 : i32
    scf.for %scan3A_472 = %scan3A_365 to %scan3A_367 step %scan3A_368  : i32 {
      %mul3A_473 = arith.constant 32 : i32
      %mul3A_474 = arith.muli %scan3A_472, %mul3A_473 : i32
      %dma_start3A_475 = arith.constant 0 : i32
      %dma_start3A_476 = tpu.memref_slice %arg9[%mul3A_474, %dma_start3A_475] : memref<2048x16xf32, #tpu.memory_space<vmem>> -> memref<32x16xf32, #tpu.memory_space<vmem>>
      %dma_start3A_477 = arith.constant 0 : i32
      %dma_start3A_478 = tpu.memref_slice %arg7[%scan3A_472, %dma_start3A_477] : memref<64x128xi32, #tpu.memory_space<vmem>> -> memref<1x32xi32, #tpu.memory_space<vmem>>
      %dma_start3A_479 = tpu.memref_squeeze %dma_start3A_478 : memref<1x32xi32, #tpu.memory_space<vmem>> -> memref<32xi32, #tpu.memory_space<vmem>>
      %dma_start3A_480 = arith.constant 0 : i32
      %dma_start3A_481 = arith.constant 0 : i32
      %dma_start3A_482 = tpu.memref_slice %arg2[%dma_start3A_480, %dma_start3A_481] : memref<2600000x16xf32, #tpu.memory_space<hbm>> -> memref<2600000x16xf32, #tpu.memory_space<hbm>>
      tpu.enqueue_indirect_dma source(%dma_start3A_482 : memref<2600000x16xf32, #tpu.memory_space<hbm>>) target(%dma_start3A_476 : memref<32x16xf32, #tpu.memory_space<vmem>>) offsets(%dma_start3A_479 : memref<32xi32, #tpu.memory_space<vmem>>) semaphore(%arg14 : memref<!tpu.dma_semaphore, #tpu.memory_space<semaphore_mem>>)
    }
    %scan3A_369 = arith.constant 64 : i32
    %dma_wait3A_370 = arith.constant 0 : i32
    %dma_wait3A_371 = tpu.memref_slice %arg5[%select_n3A_289, %dma_wait3A_370] : memref<2048x128xf32, #tpu.memory_space<hbm>> -> memref<8x128xf32, #tpu.memory_space<hbm>>
    %dma_wait3A_372 = arith.constant 0 : i32
    %dma_wait3A_373 = tpu.memref_slice %arg5[%select_n3A_289, %dma_wait3A_372] : memref<2048x128xf32, #tpu.memory_space<hbm>> -> memref<8x128xf32, #tpu.memory_space<hbm>>
    tpu.wait_dma2 semaphore(%arg15 : memref<!tpu.dma_semaphore, #tpu.memory_space<semaphore_mem>>) src(%arg10 : memref<8x128xf32, #tpu.memory_space<vmem>>) dst(%dma_wait3A_373 : memref<8x128xf32, #tpu.memory_space<hbm>>)
    %scan3A_374 = arith.constant 0 : i32
    %scan3A_375 = arith.constant 0 : i32
    %scan3A_376 = arith.constant 64 : i32
    %scan3A_377 = arith.addi %scan3A_375, %scan3A_376 : i32
    %scan3A_378 = arith.constant 1 : i32
    scf.for %scan3A_472 = %scan3A_375 to %scan3A_377 step %scan3A_378  : i32 {
      %mul3A_473 = arith.constant 32 : i32
      %mul3A_474 = arith.muli %scan3A_472, %mul3A_473 : i32
      %get3A_475 = arith.index_cast %mul3A_474 : i32 to index
      %get3A_476 = arith.constant 0 : index
      %get3A_477 = tpu.vector_load %arg8[%get3A_475, %get3A_476] {strides = array<i32>} : memref<2048x16xf32, #tpu.memory_space<vmem>>, vector<1x16xf32>,
      %get3A_478 = vector.shape_cast %get3A_477 : vector<1x16xf32> to vector<16xf32>
      %mul3A_479 = arith.constant 32 : i32
      %mul3A_480 = arith.muli %scan3A_472, %mul3A_479 : i32
      %add3A_481 = arith.constant 1 : i32
      %add3A_482 = arith.addi %mul3A_480, %add3A_481 : i32
      %get3A_483 = arith.index_cast %add3A_482 : i32 to index
      %get3A_484 = arith.constant 0 : index
      %get3A_485 = tpu.vector_load %arg8[%get3A_483, %get3A_484] {strides = array<i32>} : memref<2048x16xf32, #tpu.memory_space<vmem>>, vector<1x16xf32>,
      %get3A_486 = vector.shape_cast %get3A_485 : vector<1x16xf32> to vector<16xf32>
      %add3A_487 = arith.addf %get3A_478, %get3A_486 : vector<16xf32>
      %mul3A_488 = arith.constant 32 : i32
      %mul3A_489 = arith.muli %scan3A_472, %mul3A_488 : i32
      %add3A_490 = arith.constant 2 : i32
      %add3A_491 = arith.addi %mul3A_489, %add3A_490 : i32
      %get3A_492 = arith.index_cast %add3A_491 : i32 to index
      %get3A_493 = arith.constant 0 : index
      %get3A_494 = tpu.vector_load %arg8[%get3A_492, %get3A_493] {strides = array<i32>} : memref<2048x16xf32, #tpu.memory_space<vmem>>, vector<1x16xf32>,
      %get3A_495 = vector.shape_cast %get3A_494 : vector<1x16xf32> to vector<16xf32>
      %add3A_496 = arith.addf %add3A_487, %get3A_495 : vector<16xf32>
      %mul3A_497 = arith.constant 32 : i32
      %mul3A_498 = arith.muli %scan3A_472, %mul3A_497 : i32
      %add3A_499 = arith.constant 3 : i32
      %add3A_500 = arith.addi %mul3A_498, %add3A_499 : i32
      %get3A_501 = arith.index_cast %add3A_500 : i32 to index
      %get3A_502 = arith.constant 0 : index
      %get3A_503 = tpu.vector_load %arg8[%get3A_501, %get3A_502] {strides = array<i32>} : memref<2048x16xf32, #tpu.memory_space<vmem>>, vector<1x16xf32>,
      %get3A_504 = vector.shape_cast %get3A_503 : vector<1x16xf32> to vector<16xf32>
      %add3A_505 = arith.addf %add3A_496, %get3A_504 : vector<16xf32>
      %mul3A_506 = arith.constant 32 : i32
      %mul3A_507 = arith.muli %scan3A_472, %mul3A_506 : i32
      %add3A_508 = arith.constant 4 : i32
      %add3A_509 = arith.addi %mul3A_507, %add3A_508 : i32
      %get3A_510 = arith.index_cast %add3A_509 : i32 to index
      %get3A_511 = arith.constant 0 : index
      %get3A_512 = tpu.vector_load %arg8[%get3A_510, %get3A_511] {strides = array<i32>} : memref<2048x16xf32, #tpu.memory_space<vmem>>, vector<1x16xf32>,
      %get3A_513 = vector.shape_cast %get3A_512 : vector<1x16xf32> to vector<16xf32>
      %add3A_514 = arith.addf %add3A_505, %get3A_513 : vector<16xf32>
      %mul3A_515 = arith.constant 32 : i32
      %mul3A_516 = arith.muli %scan3A_472, %mul3A_515 : i32
      %add3A_517 = arith.constant 5 : i32
      %add3A_518 = arith.addi %mul3A_516, %add3A_517 : i32
      %get3A_519 = arith.index_cast %add3A_518 : i32 to index
      %get3A_520 = arith.constant 0 : index
      %get3A_521 = tpu.vector_load %arg8[%get3A_519, %get3A_520] {strides = array<i32>} : memref<2048x16xf32, #tpu.memory_space<vmem>>, vector<1x16xf32>,
      %get3A_522 = vector.shape_cast %get3A_521 : vector<1x16xf32> to vector<16xf32>
      %add3A_523 = arith.addf %add3A_514, %get3A_522 : vector<16xf32>
      %mul3A_524 = arith.constant 32 : i32
      %mul3A_525 = arith.muli %scan3A_472, %mul3A_524 : i32
      %add3A_526 = arith.constant 6 : i32
      %add3A_527 = arith.addi %mul3A_525, %add3A_526 : i32
      %get3A_528 = arith.index_cast %add3A_527 : i32 to index
      %get3A_529 = arith.constant 0 : index
      %get3A_530 = tpu.vector_load %arg8[%get3A_528, %get3A_529] {strides = array<i32>} : memref<2048x16xf32, #tpu.memory_space<vmem>>, vector<1x16xf32>,
      %get3A_531 = vector.shape_cast %get3A_530 : vector<1x16xf32> to vector<16xf32>
      %add3A_532 = arith.addf %add3A_523, %get3A_531 : vector<16xf32>
      %mul3A_533 = arith.constant 32 : i32
      %mul3A_534 = arith.muli %scan3A_472, %mul3A_533 : i32
      %add3A_535 = arith.constant 7 : i32
      %add3A_536 = arith.addi %mul3A_534, %add3A_535 : i32
      %get3A_537 = arith.index_cast %add3A_536 : i32 to index
      %get3A_538 = arith.constant 0 : index
      %get3A_539 = tpu.vector_load %arg8[%get3A_537, %get3A_538] {strides = array<i32>} : memref<2048x16xf32, #tpu.memory_space<vmem>>, vector<1x16xf32>,
      %get3A_540 = vector.shape_cast %get3A_539 : vector<1x16xf32> to vector<16xf32>
      %add3A_541 = arith.addf %add3A_532, %get3A_540 : vector<16xf32>
      %mul3A_542 = arith.constant 32 : i32
      %mul3A_543 = arith.muli %scan3A_472, %mul3A_542 : i32
      %add3A_544 = arith.constant 8 : i32
      %add3A_545 = arith.addi %mul3A_543, %add3A_544 : i32
      %get3A_546 = arith.index_cast %add3A_545 : i32 to index
      %get3A_547 = arith.constant 0 : index
      %get3A_548 = tpu.vector_load %arg8[%get3A_546, %get3A_547] {strides = array<i32>} : memref<2048x16xf32, #tpu.memory_space<vmem>>, vector<1x16xf32>,
      %get3A_549 = vector.shape_cast %get3A_548 : vector<1x16xf32> to vector<16xf32>
      %add3A_550 = arith.addf %add3A_541, %get3A_549 : vector<16xf32>
      %mul3A_551 = arith.constant 32 : i32
      %mul3A_552 = arith.muli %scan3A_472, %mul3A_551 : i32
      %add3A_553 = arith.constant 9 : i32
      %add3A_554 = arith.addi %mul3A_552, %add3A_553 : i32
      %get3A_555 = arith.index_cast %add3A_554 : i32 to index
      %get3A_556 = arith.constant 0 : index
      %get3A_557 = tpu.vector_load %arg8[%get3A_555, %get3A_556] {strides = array<i32>} : memref<2048x16xf32, #tpu.memory_space<vmem>>, vector<1x16xf32>,
      %get3A_558 = vector.shape_cast %get3A_557 : vector<1x16xf32> to vector<16xf32>
      %add3A_559 = arith.addf %add3A_550, %get3A_558 : vector<16xf32>
      %mul3A_560 = arith.constant 32 : i32
      %mul3A_561 = arith.muli %scan3A_472, %mul3A_560 : i32
      %add3A_562 = arith.constant 10 : i32
      %add3A_563 = arith.addi %mul3A_561, %add3A_562 : i32
      %get3A_564 = arith.index_cast %add3A_563 : i32 to index
      %get3A_565 = arith.constant 0 : index
      %get3A_566 = tpu.vector_load %arg8[%get3A_564, %get3A_565] {strides = array<i32>} : memref<2048x16xf32, #tpu.memory_space<vmem>>, vector<1x16xf32>,
      %get3A_567 = vector.shape_cast %get3A_566 : vector<1x16xf32> to vector<16xf32>
      %add3A_568 = arith.addf %add3A_559, %get3A_567 : vector<16xf32>
      %mul3A_569 = arith.constant 32 : i32
      %mul3A_570 = arith.muli %scan3A_472, %mul3A_569 : i32
      %add3A_571 = arith.constant 11 : i32
      %add3A_572 = arith.addi %mul3A_570, %add3A_571 : i32
      %get3A_573 = arith.index_cast %add3A_572 : i32 to index
      %get3A_574 = arith.constant 0 : index
      %get3A_575 = tpu.vector_load %arg8[%get3A_573, %get3A_574] {strides = array<i32>} : memref<2048x16xf32, #tpu.memory_space<vmem>>, vector<1x16xf32>,
      %get3A_576 = vector.shape_cast %get3A_575 : vector<1x16xf32> to vector<16xf32>
      %add3A_577 = arith.addf %add3A_568, %get3A_576 : vector<16xf32>
      %mul3A_578 = arith.constant 32 : i32
      %mul3A_579 = arith.muli %scan3A_472, %mul3A_578 : i32
      %add3A_580 = arith.constant 12 : i32
      %add3A_581 = arith.addi %mul3A_579, %add3A_580 : i32
      %get3A_582 = arith.index_cast %add3A_581 : i32 to index
      %get3A_583 = arith.constant 0 : index
      %get3A_584 = tpu.vector_load %arg8[%get3A_582, %get3A_583] {strides = array<i32>} : memref<2048x16xf32, #tpu.memory_space<vmem>>, vector<1x16xf32>,
      %get3A_585 = vector.shape_cast %get3A_584 : vector<1x16xf32> to vector<16xf32>
      %add3A_586 = arith.addf %add3A_577, %get3A_585 : vector<16xf32>
      %mul3A_587 = arith.constant 32 : i32
      %mul3A_588 = arith.muli %scan3A_472, %mul3A_587 : i32
      %add3A_589 = arith.constant 13 : i32
      %add3A_590 = arith.addi %mul3A_588, %add3A_589 : i32
      %get3A_591 = arith.index_cast %add3A_590 : i32 to index
      %get3A_592 = arith.constant 0 : index
      %get3A_593 = tpu.vector_load %arg8[%get3A_591, %get3A_592] {strides = array<i32>} : memref<2048x16xf32, #tpu.memory_space<vmem>>, vector<1x16xf32>,
      %get3A_594 = vector.shape_cast %get3A_593 : vector<1x16xf32> to vector<16xf32>
      %add3A_595 = arith.addf %add3A_586, %get3A_594 : vector<16xf32>
      %mul3A_596 = arith.constant 32 : i32
      %mul3A_597 = arith.muli %scan3A_472, %mul3A_596 : i32
      %add3A_598 = arith.constant 14 : i32
      %add3A_599 = arith.addi %mul3A_597, %add3A_598 : i32
      %get3A_600 = arith.index_cast %add3A_599 : i32 to index
      %get3A_601 = arith.constant 0 : index
      %get3A_602 = tpu.vector_load %arg8[%get3A_600, %get3A_601] {strides = array<i32>} : memref<2048x16xf32, #tpu.memory_space<vmem>>, vector<1x16xf32>,
      %get3A_603 = vector.shape_cast %get3A_602 : vector<1x16xf32> to vector<16xf32>
      %add3A_604 = arith.addf %add3A_595, %get3A_603 : vector<16xf32>
      %mul3A_605 = arith.constant 32 : i32
      %mul3A_606 = arith.muli %scan3A_472, %mul3A_605 : i32
      %add3A_607 = arith.constant 15 : i32
      %add3A_608 = arith.addi %mul3A_606, %add3A_607 : i32
      %get3A_609 = arith.index_cast %add3A_608 : i32 to index
      %get3A_610 = arith.constant 0 : index
      %get3A_611 = tpu.vector_load %arg8[%get3A_609, %get3A_610] {strides = array<i32>} : memref<2048x16xf32, #tpu.memory_space<vmem>>, vector<1x16xf32>,
      %get3A_612 = vector.shape_cast %get3A_611 : vector<1x16xf32> to vector<16xf32>
      %add3A_613 = arith.addf %add3A_604, %get3A_612 : vector<16xf32>
      %mul3A_614 = arith.constant 32 : i32
      %mul3A_615 = arith.muli %scan3A_472, %mul3A_614 : i32
      %add3A_616 = arith.constant 16 : i32
      %add3A_617 = arith.addi %mul3A_615, %add3A_616 : i32
      %get3A_618 = arith.index_cast %add3A_617 : i32 to index
      %get3A_619 = arith.constant 0 : index
      %get3A_620 = tpu.vector_load %arg8[%get3A_618, %get3A_619] {strides = array<i32>} : memref<2048x16xf32, #tpu.memory_space<vmem>>, vector<1x16xf32>,
      %get3A_621 = vector.shape_cast %get3A_620 : vector<1x16xf32> to vector<16xf32>
      %add3A_622 = arith.addf %add3A_613, %get3A_621 : vector<16xf32>
      %mul3A_623 = arith.constant 32 : i32
      %mul3A_624 = arith.muli %scan3A_472, %mul3A_623 : i32
      %add3A_625 = arith.constant 17 : i32
      %add3A_626 = arith.addi %mul3A_624, %add3A_625 : i32
      %get3A_627 = arith.index_cast %add3A_626 : i32 to index
      %get3A_628 = arith.constant 0 : index
      %get3A_629 = tpu.vector_load %arg8[%get3A_627, %get3A_628] {strides = array<i32>} : memref<2048x16xf32, #tpu.memory_space<vmem>>, vector<1x16xf32>,
      %get3A_630 = vector.shape_cast %get3A_629 : vector<1x16xf32> to vector<16xf32>
      %add3A_631 = arith.addf %add3A_622, %get3A_630 : vector<16xf32>
      %mul3A_632 = arith.constant 32 : i32
      %mul3A_633 = arith.muli %scan3A_472, %mul3A_632 : i32
      %add3A_634 = arith.constant 18 : i32
      %add3A_635 = arith.addi %mul3A_633, %add3A_634 : i32
      %get3A_636 = arith.index_cast %add3A_635 : i32 to index
      %get3A_637 = arith.constant 0 : index
      %get3A_638 = tpu.vector_load %arg8[%get3A_636, %get3A_637] {strides = array<i32>} : memref<2048x16xf32, #tpu.memory_space<vmem>>, vector<1x16xf32>,
      %get3A_639 = vector.shape_cast %get3A_638 : vector<1x16xf32> to vector<16xf32>
      %add3A_640 = arith.addf %add3A_631, %get3A_639 : vector<16xf32>
      %mul3A_641 = arith.constant 32 : i32
      %mul3A_642 = arith.muli %scan3A_472, %mul3A_641 : i32
      %add3A_643 = arith.constant 19 : i32
      %add3A_644 = arith.addi %mul3A_642, %add3A_643 : i32
      %get3A_645 = arith.index_cast %add3A_644 : i32 to index
      %get3A_646 = arith.constant 0 : index
      %get3A_647 = tpu.vector_load %arg8[%get3A_645, %get3A_646] {strides = array<i32>} : memref<2048x16xf32, #tpu.memory_space<vmem>>, vector<1x16xf32>,
      %get3A_648 = vector.shape_cast %get3A_647 : vector<1x16xf32> to vector<16xf32>
      %add3A_649 = arith.addf %add3A_640, %get3A_648 : vector<16xf32>
      %mul3A_650 = arith.constant 32 : i32
      %mul3A_651 = arith.muli %scan3A_472, %mul3A_650 : i32
      %add3A_652 = arith.constant 20 : i32
      %add3A_653 = arith.addi %mul3A_651, %add3A_652 : i32
      %get3A_654 = arith.index_cast %add3A_653 : i32 to index
      %get3A_655 = arith.constant 0 : index
      %get3A_656 = tpu.vector_load %arg8[%get3A_654, %get3A_655] {strides = array<i32>} : memref<2048x16xf32, #tpu.memory_space<vmem>>, vector<1x16xf32>,
      %get3A_657 = vector.shape_cast %get3A_656 : vector<1x16xf32> to vector<16xf32>
      %add3A_658 = arith.addf %add3A_649, %get3A_657 : vector<16xf32>
      %mul3A_659 = arith.constant 32 : i32
      %mul3A_660 = arith.muli %scan3A_472, %mul3A_659 : i32
      %add3A_661 = arith.constant 21 : i32
      %add3A_662 = arith.addi %mul3A_660, %add3A_661 : i32
      %get3A_663 = arith.index_cast %add3A_662 : i32 to index
      %get3A_664 = arith.constant 0 : index
      %get3A_665 = tpu.vector_load %arg8[%get3A_663, %get3A_664] {strides = array<i32>} : memref<2048x16xf32, #tpu.memory_space<vmem>>, vector<1x16xf32>,
      %get3A_666 = vector.shape_cast %get3A_665 : vector<1x16xf32> to vector<16xf32>
      %add3A_667 = arith.addf %add3A_658, %get3A_666 : vector<16xf32>
      %mul3A_668 = arith.constant 32 : i32
      %mul3A_669 = arith.muli %scan3A_472, %mul3A_668 : i32
      %add3A_670 = arith.constant 22 : i32
      %add3A_671 = arith.addi %mul3A_669, %add3A_670 : i32
      %get3A_672 = arith.index_cast %add3A_671 : i32 to index
      %get3A_673 = arith.constant 0 : index
      %get3A_674 = tpu.vector_load %arg8[%get3A_672, %get3A_673] {strides = array<i32>} : memref<2048x16xf32, #tpu.memory_space<vmem>>, vector<1x16xf32>,
      %get3A_675 = vector.shape_cast %get3A_674 : vector<1x16xf32> to vector<16xf32>
      %add3A_676 = arith.addf %add3A_667, %get3A_675 : vector<16xf32>
      %mul3A_677 = arith.constant 32 : i32
      %mul3A_678 = arith.muli %scan3A_472, %mul3A_677 : i32
      %add3A_679 = arith.constant 23 : i32
      %add3A_680 = arith.addi %mul3A_678, %add3A_679 : i32
      %get3A_681 = arith.index_cast %add3A_680 : i32 to index
      %get3A_682 = arith.constant 0 : index
      %get3A_683 = tpu.vector_load %arg8[%get3A_681, %get3A_682] {strides = array<i32>} : memref<2048x16xf32, #tpu.memory_space<vmem>>, vector<1x16xf32>,
      %get3A_684 = vector.shape_cast %get3A_683 : vector<1x16xf32> to vector<16xf32>
      %add3A_685 = arith.addf %add3A_676, %get3A_684 : vector<16xf32>
      %mul3A_686 = arith.constant 32 : i32
      %mul3A_687 = arith.muli %scan3A_472, %mul3A_686 : i32
      %add3A_688 = arith.constant 24 : i32
      %add3A_689 = arith.addi %mul3A_687, %add3A_688 : i32
      %get3A_690 = arith.index_cast %add3A_689 : i32 to index
      %get3A_691 = arith.constant 0 : index
      %get3A_692 = tpu.vector_load %arg8[%get3A_690, %get3A_691] {strides = array<i32>} : memref<2048x16xf32, #tpu.memory_space<vmem>>, vector<1x16xf32>,
      %get3A_693 = vector.shape_cast %get3A_692 : vector<1x16xf32> to vector<16xf32>
      %add3A_694 = arith.addf %add3A_685, %get3A_693 : vector<16xf32>
      %mul3A_695 = arith.constant 32 : i32
      %mul3A_696 = arith.muli %scan3A_472, %mul3A_695 : i32
      %add3A_697 = arith.constant 25 : i32
      %add3A_698 = arith.addi %mul3A_696, %add3A_697 : i32
      %get3A_699 = arith.index_cast %add3A_698 : i32 to index
      %get3A_700 = arith.constant 0 : index
      %get3A_701 = tpu.vector_load %arg8[%get3A_699, %get3A_700] {strides = array<i32>} : memref<2048x16xf32, #tpu.memory_space<vmem>>, vector<1x16xf32>,
      %get3A_702 = vector.shape_cast %get3A_701 : vector<1x16xf32> to vector<16xf32>
      %add3A_703 = arith.addf %add3A_694, %get3A_702 : vector<16xf32>
      %mul3A_704 = arith.mulf %add3A_703, %get3A_2 : vector<16xf32>
      %jit3A_705 = arith.constant 8 : i32
      %div3A_706 = arith.divsi %scan3A_472, %jit3A_705 : i32
      %sign3A_707 = arith.constant 0 : i32
      %sign3A_708 = arith.cmpi sgt, %scan3A_472, %sign3A_707 : i32
      %sign3A_709 = arith.extui %sign3A_708 : i1 to i32
      %sign3A_710 = arith.constant 0 : i32
      %sign3A_711 = arith.cmpi slt, %scan3A_472, %sign3A_710 : i32
      %sign3A_712 = arith.extui %sign3A_711 : i1 to i32
      %sign3A_713 = arith.subi %sign3A_709, %sign3A_712 : i32
      %sign3A_714 = arith.constant 0 : i32
      %sign3A_715 = arith.cmpi sgt, %jit3A_705, %sign3A_714 : i32
      %sign3A_716 = arith.extui %sign3A_715 : i1 to i32
      %sign3A_717 = arith.constant 0 : i32
      %sign3A_718 = arith.cmpi slt, %jit3A_705, %sign3A_717 : i32
      %sign3A_719 = arith.extui %sign3A_718 : i1 to i32
      %sign3A_720 = arith.subi %sign3A_716, %sign3A_719 : i32
      %ne3A_721 = arith.cmpi ne, %sign3A_713, %sign3A_720 : i32
      %rem3A_722 = arith.remsi %scan3A_472, %jit3A_705 : i32
      %ne3A_723 = arith.constant 0 : i32
      %ne3A_724 = arith.cmpi ne, %rem3A_722, %ne3A_723 : i32
      %and3A_725 = arith.andi %ne3A_721, %ne3A_724 : i1
      %sub3A_726 = arith.constant 1 : i32
      %sub3A_727 = arith.subi %div3A_706, %sub3A_726 : i32
      %select_n3A_728 = arith.select %and3A_725, %sub3A_727, %div3A_706 : i32
      %jit3A_729 = arith.constant 8 : i32
      %eq3A = arith.constant 0 : i32
      %eq3A_730 = arith.cmpi eq, %jit3A_729, %eq3A : i32
      %jit3A_731 = arith.constant 1 : i32
      %select_n3A_732 = arith.select %eq3A_730, %jit3A_731, %jit3A_729 : i32
      %rem3A_733 = arith.remsi %scan3A_472, %select_n3A_732 : i32
      %ne3A_734 = arith.constant 0 : i32
      %ne3A_735 = arith.cmpi ne, %rem3A_733, %ne3A_734 : i32
      %lt3A = arith.constant 0 : i32
      %lt3A_736 = arith.cmpi slt, %rem3A_733, %lt3A : i32
      %lt3A_737 = arith.constant 0 : i32
      %lt3A_738 = arith.cmpi slt, %select_n3A_732, %lt3A_737 : i32
      %ne3A_739 = arith.xori %lt3A_736, %lt3A_738 : i1
      %and3A_740 = arith.andi %ne3A_739, %ne3A_735 : i1
      %add3A_741 = arith.addi %rem3A_733, %select_n3A_732 : i32
      %select_n3A_742 = arith.select %and3A_740, %add3A_741, %rem3A_733 : i32
      %mul3A_743 = arith.constant 16 : i32
      %mul3A_744 = arith.muli %select_n3A_742, %mul3A_743 : i32
      %swap3A = arith.index_cast %select_n3A_728 : i32 to index
      %swap3A_745 = arith.index_cast %mul3A_744 : i32 to index
      %swap3A_746 = tpu.vector_load %arg10[%swap3A, %swap3A_745] {strides = array<i32>} : memref<8x128xf32, #tpu.memory_space<vmem>>, vector<1x16xf32>,
      %swap3A_747 = vector.shape_cast %swap3A_746 : vector<1x16xf32> to vector<16xf32>
      %swap3A_748 = vector.shape_cast %mul3A_704 : vector<16xf32> to vector<1x16xf32>
      tpu.vector_store %arg10[%swap3A, %swap3A_745], %swap3A_748 {strides = array<i32>} : memref<8x128xf32, #tpu.memory_space<vmem>>, vector<1x16xf32>,
    }
    %scan3A_379 = arith.constant 64 : i32
    %mul3A_380 = arith.constant 512 : i32
    %mul3A_381 = arith.muli %add3A, %mul3A_380 : i32
    %add3A_382 = arith.constant 384 : i32
    %add3A_383 = arith.addi %mul3A_381, %add3A_382 : i32
    %mul3A_384 = arith.constant 16 : i32
    %mul3A_385 = arith.muli %add3A_383, %mul3A_384 : i32
    %jit3A_386 = arith.constant 128 : i32
    %div3A_387 = arith.divsi %mul3A_385, %jit3A_386 : i32
    %sign3A_388 = arith.constant 0 : i32
    %sign3A_389 = arith.cmpi sgt, %mul3A_385, %sign3A_388 : i32
    %sign3A_390 = arith.extui %sign3A_389 : i1 to i32
    %sign3A_391 = arith.constant 0 : i32
    %sign3A_392 = arith.cmpi slt, %mul3A_385, %sign3A_391 : i32
    %sign3A_393 = arith.extui %sign3A_392 : i1 to i32
    %sign3A_394 = arith.subi %sign3A_390, %sign3A_393 : i32
    %sign3A_395 = arith.constant 0 : i32
    %sign3A_396 = arith.cmpi sgt, %jit3A_386, %sign3A_395 : i32
    %sign3A_397 = arith.extui %sign3A_396 : i1 to i32
    %sign3A_398 = arith.constant 0 : i32
    %sign3A_399 = arith.cmpi slt, %jit3A_386, %sign3A_398 : i32
    %sign3A_400 = arith.extui %sign3A_399 : i1 to i32
    %sign3A_401 = arith.subi %sign3A_397, %sign3A_400 : i32
    %ne3A_402 = arith.cmpi ne, %sign3A_394, %sign3A_401 : i32
    %rem3A_403 = arith.remsi %mul3A_385, %jit3A_386 : i32
    %ne3A_404 = arith.constant 0 : i32
    %ne3A_405 = arith.cmpi ne, %rem3A_403, %ne3A_404 : i32
    %and3A_406 = arith.andi %ne3A_402, %ne3A_405 : i1
    %sub3A_407 = arith.constant 1 : i32
    %sub3A_408 = arith.subi %div3A_387, %sub3A_407 : i32
    %select_n3A_409 = arith.select %and3A_406, %sub3A_408, %div3A_387 : i32
    %dma_start3A_410 = arith.constant 0 : i32
    %dma_start3A_411 = tpu.memref_slice %arg5[%select_n3A_409, %dma_start3A_410] : memref<2048x128xf32, #tpu.memory_space<hbm>> -> memref<8x128xf32, #tpu.memory_space<hbm>>
    %dma_start3A_412 = arith.constant 0 : i32
    %dma_start3A_413 = tpu.memref_slice %arg5[%select_n3A_409, %dma_start3A_412] : memref<2048x128xf32, #tpu.memory_space<hbm>> -> memref<8x128xf32, #tpu.memory_space<hbm>>
    tpu.enqueue_dma source(%arg10 : memref<8x128xf32, #tpu.memory_space<vmem>>) target(%dma_start3A_413 : memref<8x128xf32, #tpu.memory_space<hbm>>) target_semaphore(%arg15 : memref<!tpu.dma_semaphore, #tpu.memory_space<semaphore_mem>>)
    %dma_wait3A_414 = arith.constant 0 : i32
    %dma_wait3A_415 = arith.constant 0 : i32
    %dma_wait3A_416 = tpu.memref_slice %arg2[%dma_wait3A_414, %dma_wait3A_415] : memref<2600000x16xf32, #tpu.memory_space<hbm>> -> memref<2048x16xf32, #tpu.memory_space<hbm>>
    %dma_wait3A_417 = arith.constant 0 : i32
    %dma_wait3A_418 = arith.constant 0 : i32
    %dma_wait3A_419 = tpu.memref_slice %arg2[%dma_wait3A_417, %dma_wait3A_418] : memref<2600000x16xf32, #tpu.memory_space<hbm>> -> memref<2048x16xf32, #tpu.memory_space<hbm>>
    tpu.wait_dma2 semaphore(%arg14 : memref<!tpu.dma_semaphore, #tpu.memory_space<semaphore_mem>>) src(%dma_wait3A_419 : memref<2048x16xf32, #tpu.memory_space<hbm>>) dst(%arg9 : memref<2048x16xf32, #tpu.memory_space<vmem>>)
    %dma_wait3A_420 = arith.constant 0 : i32
    %dma_wait3A_421 = tpu.memref_slice %arg5[%select_n3A_349, %dma_wait3A_420] : memref<2048x128xf32, #tpu.memory_space<hbm>> -> memref<8x128xf32, #tpu.memory_space<hbm>>
    %dma_wait3A_422 = arith.constant 0 : i32
    %dma_wait3A_423 = tpu.memref_slice %arg5[%select_n3A_349, %dma_wait3A_422] : memref<2048x128xf32, #tpu.memory_space<hbm>> -> memref<8x128xf32, #tpu.memory_space<hbm>>
    tpu.wait_dma2 semaphore(%arg15 : memref<!tpu.dma_semaphore, #tpu.memory_space<semaphore_mem>>) src(%arg11 : memref<8x128xf32, #tpu.memory_space<vmem>>) dst(%dma_wait3A_423 : memref<8x128xf32, #tpu.memory_space<hbm>>)
    %scan3A_424 = arith.constant 0 : i32
    %scan3A_425 = arith.constant 0 : i32
    %scan3A_426 = arith.constant 64 : i32
    %scan3A_427 = arith.addi %scan3A_425, %scan3A_426 : i32
    %scan3A_428 = arith.constant 1 : i32
    scf.for %scan3A_472 = %scan3A_425 to %scan3A_427 step %scan3A_428  : i32 {
      %mul3A_473 = arith.constant 32 : i32
      %mul3A_474 = arith.muli %scan3A_472, %mul3A_473 : i32
      %get3A_475 = arith.index_cast %mul3A_474 : i32 to index
      %get3A_476 = arith.constant 0 : index
      %get3A_477 = tpu.vector_load %arg9[%get3A_475, %get3A_476] {strides = array<i32>} : memref<2048x16xf32, #tpu.memory_space<vmem>>, vector<1x16xf32>,
      %get3A_478 = vector.shape_cast %get3A_477 : vector<1x16xf32> to vector<16xf32>
      %mul3A_479 = arith.constant 32 : i32
      %mul3A_480 = arith.muli %scan3A_472, %mul3A_479 : i32
      %add3A_481 = arith.constant 1 : i32
      %add3A_482 = arith.addi %mul3A_480, %add3A_481 : i32
      %get3A_483 = arith.index_cast %add3A_482 : i32 to index
      %get3A_484 = arith.constant 0 : index
      %get3A_485 = tpu.vector_load %arg9[%get3A_483, %get3A_484] {strides = array<i32>} : memref<2048x16xf32, #tpu.memory_space<vmem>>, vector<1x16xf32>,
      %get3A_486 = vector.shape_cast %get3A_485 : vector<1x16xf32> to vector<16xf32>
      %add3A_487 = arith.addf %get3A_478, %get3A_486 : vector<16xf32>
      %mul3A_488 = arith.constant 32 : i32
      %mul3A_489 = arith.muli %scan3A_472, %mul3A_488 : i32
      %add3A_490 = arith.constant 2 : i32
      %add3A_491 = arith.addi %mul3A_489, %add3A_490 : i32
      %get3A_492 = arith.index_cast %add3A_491 : i32 to index
      %get3A_493 = arith.constant 0 : index
      %get3A_494 = tpu.vector_load %arg9[%get3A_492, %get3A_493] {strides = array<i32>} : memref<2048x16xf32, #tpu.memory_space<vmem>>, vector<1x16xf32>,
      %get3A_495 = vector.shape_cast %get3A_494 : vector<1x16xf32> to vector<16xf32>
      %add3A_496 = arith.addf %add3A_487, %get3A_495 : vector<16xf32>
      %mul3A_497 = arith.constant 32 : i32
      %mul3A_498 = arith.muli %scan3A_472, %mul3A_497 : i32
      %add3A_499 = arith.constant 3 : i32
      %add3A_500 = arith.addi %mul3A_498, %add3A_499 : i32
      %get3A_501 = arith.index_cast %add3A_500 : i32 to index
      %get3A_502 = arith.constant 0 : index
      %get3A_503 = tpu.vector_load %arg9[%get3A_501, %get3A_502] {strides = array<i32>} : memref<2048x16xf32, #tpu.memory_space<vmem>>, vector<1x16xf32>,
      %get3A_504 = vector.shape_cast %get3A_503 : vector<1x16xf32> to vector<16xf32>
      %add3A_505 = arith.addf %add3A_496, %get3A_504 : vector<16xf32>
      %mul3A_506 = arith.constant 32 : i32
      %mul3A_507 = arith.muli %scan3A_472, %mul3A_506 : i32
      %add3A_508 = arith.constant 4 : i32
      %add3A_509 = arith.addi %mul3A_507, %add3A_508 : i32
      %get3A_510 = arith.index_cast %add3A_509 : i32 to index
      %get3A_511 = arith.constant 0 : index
      %get3A_512 = tpu.vector_load %arg9[%get3A_510, %get3A_511] {strides = array<i32>} : memref<2048x16xf32, #tpu.memory_space<vmem>>, vector<1x16xf32>,
      %get3A_513 = vector.shape_cast %get3A_512 : vector<1x16xf32> to vector<16xf32>
      %add3A_514 = arith.addf %add3A_505, %get3A_513 : vector<16xf32>
      %mul3A_515 = arith.constant 32 : i32
      %mul3A_516 = arith.muli %scan3A_472, %mul3A_515 : i32
      %add3A_517 = arith.constant 5 : i32
      %add3A_518 = arith.addi %mul3A_516, %add3A_517 : i32
      %get3A_519 = arith.index_cast %add3A_518 : i32 to index
      %get3A_520 = arith.constant 0 : index
      %get3A_521 = tpu.vector_load %arg9[%get3A_519, %get3A_520] {strides = array<i32>} : memref<2048x16xf32, #tpu.memory_space<vmem>>, vector<1x16xf32>,
      %get3A_522 = vector.shape_cast %get3A_521 : vector<1x16xf32> to vector<16xf32>
      %add3A_523 = arith.addf %add3A_514, %get3A_522 : vector<16xf32>
      %mul3A_524 = arith.constant 32 : i32
      %mul3A_525 = arith.muli %scan3A_472, %mul3A_524 : i32
      %add3A_526 = arith.constant 6 : i32
      %add3A_527 = arith.addi %mul3A_525, %add3A_526 : i32
      %get3A_528 = arith.index_cast %add3A_527 : i32 to index
      %get3A_529 = arith.constant 0 : index
      %get3A_530 = tpu.vector_load %arg9[%get3A_528, %get3A_529] {strides = array<i32>} : memref<2048x16xf32, #tpu.memory_space<vmem>>, vector<1x16xf32>,
      %get3A_531 = vector.shape_cast %get3A_530 : vector<1x16xf32> to vector<16xf32>
      %add3A_532 = arith.addf %add3A_523, %get3A_531 : vector<16xf32>
      %mul3A_533 = arith.constant 32 : i32
      %mul3A_534 = arith.muli %scan3A_472, %mul3A_533 : i32
      %add3A_535 = arith.constant 7 : i32
      %add3A_536 = arith.addi %mul3A_534, %add3A_535 : i32
      %get3A_537 = arith.index_cast %add3A_536 : i32 to index
      %get3A_538 = arith.constant 0 : index
      %get3A_539 = tpu.vector_load %arg9[%get3A_537, %get3A_538] {strides = array<i32>} : memref<2048x16xf32, #tpu.memory_space<vmem>>, vector<1x16xf32>,
      %get3A_540 = vector.shape_cast %get3A_539 : vector<1x16xf32> to vector<16xf32>
      %add3A_541 = arith.addf %add3A_532, %get3A_540 : vector<16xf32>
      %mul3A_542 = arith.constant 32 : i32
      %mul3A_543 = arith.muli %scan3A_472, %mul3A_542 : i32
      %add3A_544 = arith.constant 8 : i32
      %add3A_545 = arith.addi %mul3A_543, %add3A_544 : i32
      %get3A_546 = arith.index_cast %add3A_545 : i32 to index
      %get3A_547 = arith.constant 0 : index
      %get3A_548 = tpu.vector_load %arg9[%get3A_546, %get3A_547] {strides = array<i32>} : memref<2048x16xf32, #tpu.memory_space<vmem>>, vector<1x16xf32>,
      %get3A_549 = vector.shape_cast %get3A_548 : vector<1x16xf32> to vector<16xf32>
      %add3A_550 = arith.addf %add3A_541, %get3A_549 : vector<16xf32>
      %mul3A_551 = arith.constant 32 : i32
      %mul3A_552 = arith.muli %scan3A_472, %mul3A_551 : i32
      %add3A_553 = arith.constant 9 : i32
      %add3A_554 = arith.addi %mul3A_552, %add3A_553 : i32
      %get3A_555 = arith.index_cast %add3A_554 : i32 to index
      %get3A_556 = arith.constant 0 : index
      %get3A_557 = tpu.vector_load %arg9[%get3A_555, %get3A_556] {strides = array<i32>} : memref<2048x16xf32, #tpu.memory_space<vmem>>, vector<1x16xf32>,
      %get3A_558 = vector.shape_cast %get3A_557 : vector<1x16xf32> to vector<16xf32>
      %add3A_559 = arith.addf %add3A_550, %get3A_558 : vector<16xf32>
      %mul3A_560 = arith.constant 32 : i32
      %mul3A_561 = arith.muli %scan3A_472, %mul3A_560 : i32
      %add3A_562 = arith.constant 10 : i32
      %add3A_563 = arith.addi %mul3A_561, %add3A_562 : i32
      %get3A_564 = arith.index_cast %add3A_563 : i32 to index
      %get3A_565 = arith.constant 0 : index
      %get3A_566 = tpu.vector_load %arg9[%get3A_564, %get3A_565] {strides = array<i32>} : memref<2048x16xf32, #tpu.memory_space<vmem>>, vector<1x16xf32>,
      %get3A_567 = vector.shape_cast %get3A_566 : vector<1x16xf32> to vector<16xf32>
      %add3A_568 = arith.addf %add3A_559, %get3A_567 : vector<16xf32>
      %mul3A_569 = arith.constant 32 : i32
      %mul3A_570 = arith.muli %scan3A_472, %mul3A_569 : i32
      %add3A_571 = arith.constant 11 : i32
      %add3A_572 = arith.addi %mul3A_570, %add3A_571 : i32
      %get3A_573 = arith.index_cast %add3A_572 : i32 to index
      %get3A_574 = arith.constant 0 : index
      %get3A_575 = tpu.vector_load %arg9[%get3A_573, %get3A_574] {strides = array<i32>} : memref<2048x16xf32, #tpu.memory_space<vmem>>, vector<1x16xf32>,
      %get3A_576 = vector.shape_cast %get3A_575 : vector<1x16xf32> to vector<16xf32>
      %add3A_577 = arith.addf %add3A_568, %get3A_576 : vector<16xf32>
      %mul3A_578 = arith.constant 32 : i32
      %mul3A_579 = arith.muli %scan3A_472, %mul3A_578 : i32
      %add3A_580 = arith.constant 12 : i32
      %add3A_581 = arith.addi %mul3A_579, %add3A_580 : i32
      %get3A_582 = arith.index_cast %add3A_581 : i32 to index
      %get3A_583 = arith.constant 0 : index
      %get3A_584 = tpu.vector_load %arg9[%get3A_582, %get3A_583] {strides = array<i32>} : memref<2048x16xf32, #tpu.memory_space<vmem>>, vector<1x16xf32>,
      %get3A_585 = vector.shape_cast %get3A_584 : vector<1x16xf32> to vector<16xf32>
      %add3A_586 = arith.addf %add3A_577, %get3A_585 : vector<16xf32>
      %mul3A_587 = arith.constant 32 : i32
      %mul3A_588 = arith.muli %scan3A_472, %mul3A_587 : i32
      %add3A_589 = arith.constant 13 : i32
      %add3A_590 = arith.addi %mul3A_588, %add3A_589 : i32
      %get3A_591 = arith.index_cast %add3A_590 : i32 to index
      %get3A_592 = arith.constant 0 : index
      %get3A_593 = tpu.vector_load %arg9[%get3A_591, %get3A_592] {strides = array<i32>} : memref<2048x16xf32, #tpu.memory_space<vmem>>, vector<1x16xf32>,
      %get3A_594 = vector.shape_cast %get3A_593 : vector<1x16xf32> to vector<16xf32>
      %add3A_595 = arith.addf %add3A_586, %get3A_594 : vector<16xf32>
      %mul3A_596 = arith.constant 32 : i32
      %mul3A_597 = arith.muli %scan3A_472, %mul3A_596 : i32
      %add3A_598 = arith.constant 14 : i32
      %add3A_599 = arith.addi %mul3A_597, %add3A_598 : i32
      %get3A_600 = arith.index_cast %add3A_599 : i32 to index
      %get3A_601 = arith.constant 0 : index
      %get3A_602 = tpu.vector_load %arg9[%get3A_600, %get3A_601] {strides = array<i32>} : memref<2048x16xf32, #tpu.memory_space<vmem>>, vector<1x16xf32>,
      %get3A_603 = vector.shape_cast %get3A_602 : vector<1x16xf32> to vector<16xf32>
      %add3A_604 = arith.addf %add3A_595, %get3A_603 : vector<16xf32>
      %mul3A_605 = arith.constant 32 : i32
      %mul3A_606 = arith.muli %scan3A_472, %mul3A_605 : i32
      %add3A_607 = arith.constant 15 : i32
      %add3A_608 = arith.addi %mul3A_606, %add3A_607 : i32
      %get3A_609 = arith.index_cast %add3A_608 : i32 to index
      %get3A_610 = arith.constant 0 : index
      %get3A_611 = tpu.vector_load %arg9[%get3A_609, %get3A_610] {strides = array<i32>} : memref<2048x16xf32, #tpu.memory_space<vmem>>, vector<1x16xf32>,
      %get3A_612 = vector.shape_cast %get3A_611 : vector<1x16xf32> to vector<16xf32>
      %add3A_613 = arith.addf %add3A_604, %get3A_612 : vector<16xf32>
      %mul3A_614 = arith.constant 32 : i32
      %mul3A_615 = arith.muli %scan3A_472, %mul3A_614 : i32
      %add3A_616 = arith.constant 16 : i32
      %add3A_617 = arith.addi %mul3A_615, %add3A_616 : i32
      %get3A_618 = arith.index_cast %add3A_617 : i32 to index
      %get3A_619 = arith.constant 0 : index
      %get3A_620 = tpu.vector_load %arg9[%get3A_618, %get3A_619] {strides = array<i32>} : memref<2048x16xf32, #tpu.memory_space<vmem>>, vector<1x16xf32>,
      %get3A_621 = vector.shape_cast %get3A_620 : vector<1x16xf32> to vector<16xf32>
      %add3A_622 = arith.addf %add3A_613, %get3A_621 : vector<16xf32>
      %mul3A_623 = arith.constant 32 : i32
      %mul3A_624 = arith.muli %scan3A_472, %mul3A_623 : i32
      %add3A_625 = arith.constant 17 : i32
      %add3A_626 = arith.addi %mul3A_624, %add3A_625 : i32
      %get3A_627 = arith.index_cast %add3A_626 : i32 to index
      %get3A_628 = arith.constant 0 : index
      %get3A_629 = tpu.vector_load %arg9[%get3A_627, %get3A_628] {strides = array<i32>} : memref<2048x16xf32, #tpu.memory_space<vmem>>, vector<1x16xf32>,
      %get3A_630 = vector.shape_cast %get3A_629 : vector<1x16xf32> to vector<16xf32>
      %add3A_631 = arith.addf %add3A_622, %get3A_630 : vector<16xf32>
      %mul3A_632 = arith.constant 32 : i32
      %mul3A_633 = arith.muli %scan3A_472, %mul3A_632 : i32
      %add3A_634 = arith.constant 18 : i32
      %add3A_635 = arith.addi %mul3A_633, %add3A_634 : i32
      %get3A_636 = arith.index_cast %add3A_635 : i32 to index
      %get3A_637 = arith.constant 0 : index
      %get3A_638 = tpu.vector_load %arg9[%get3A_636, %get3A_637] {strides = array<i32>} : memref<2048x16xf32, #tpu.memory_space<vmem>>, vector<1x16xf32>,
      %get3A_639 = vector.shape_cast %get3A_638 : vector<1x16xf32> to vector<16xf32>
      %add3A_640 = arith.addf %add3A_631, %get3A_639 : vector<16xf32>
      %mul3A_641 = arith.constant 32 : i32
      %mul3A_642 = arith.muli %scan3A_472, %mul3A_641 : i32
      %add3A_643 = arith.constant 19 : i32
      %add3A_644 = arith.addi %mul3A_642, %add3A_643 : i32
      %get3A_645 = arith.index_cast %add3A_644 : i32 to index
      %get3A_646 = arith.constant 0 : index
      %get3A_647 = tpu.vector_load %arg9[%get3A_645, %get3A_646] {strides = array<i32>} : memref<2048x16xf32, #tpu.memory_space<vmem>>, vector<1x16xf32>,
      %get3A_648 = vector.shape_cast %get3A_647 : vector<1x16xf32> to vector<16xf32>
      %add3A_649 = arith.addf %add3A_640, %get3A_648 : vector<16xf32>
      %mul3A_650 = arith.constant 32 : i32
      %mul3A_651 = arith.muli %scan3A_472, %mul3A_650 : i32
      %add3A_652 = arith.constant 20 : i32
      %add3A_653 = arith.addi %mul3A_651, %add3A_652 : i32
      %get3A_654 = arith.index_cast %add3A_653 : i32 to index
      %get3A_655 = arith.constant 0 : index
      %get3A_656 = tpu.vector_load %arg9[%get3A_654, %get3A_655] {strides = array<i32>} : memref<2048x16xf32, #tpu.memory_space<vmem>>, vector<1x16xf32>,
      %get3A_657 = vector.shape_cast %get3A_656 : vector<1x16xf32> to vector<16xf32>
      %add3A_658 = arith.addf %add3A_649, %get3A_657 : vector<16xf32>
      %mul3A_659 = arith.constant 32 : i32
      %mul3A_660 = arith.muli %scan3A_472, %mul3A_659 : i32
      %add3A_661 = arith.constant 21 : i32
      %add3A_662 = arith.addi %mul3A_660, %add3A_661 : i32
      %get3A_663 = arith.index_cast %add3A_662 : i32 to index
      %get3A_664 = arith.constant 0 : index
      %get3A_665 = tpu.vector_load %arg9[%get3A_663, %get3A_664] {strides = array<i32>} : memref<2048x16xf32, #tpu.memory_space<vmem>>, vector<1x16xf32>,
      %get3A_666 = vector.shape_cast %get3A_665 : vector<1x16xf32> to vector<16xf32>
      %add3A_667 = arith.addf %add3A_658, %get3A_666 : vector<16xf32>
      %mul3A_668 = arith.constant 32 : i32
      %mul3A_669 = arith.muli %scan3A_472, %mul3A_668 : i32
      %add3A_670 = arith.constant 22 : i32
      %add3A_671 = arith.addi %mul3A_669, %add3A_670 : i32
      %get3A_672 = arith.index_cast %add3A_671 : i32 to index
      %get3A_673 = arith.constant 0 : index
      %get3A_674 = tpu.vector_load %arg9[%get3A_672, %get3A_673] {strides = array<i32>} : memref<2048x16xf32, #tpu.memory_space<vmem>>, vector<1x16xf32>,
      %get3A_675 = vector.shape_cast %get3A_674 : vector<1x16xf32> to vector<16xf32>
      %add3A_676 = arith.addf %add3A_667, %get3A_675 : vector<16xf32>
      %mul3A_677 = arith.constant 32 : i32
      %mul3A_678 = arith.muli %scan3A_472, %mul3A_677 : i32
      %add3A_679 = arith.constant 23 : i32
      %add3A_680 = arith.addi %mul3A_678, %add3A_679 : i32
      %get3A_681 = arith.index_cast %add3A_680 : i32 to index
      %get3A_682 = arith.constant 0 : index
      %get3A_683 = tpu.vector_load %arg9[%get3A_681, %get3A_682] {strides = array<i32>} : memref<2048x16xf32, #tpu.memory_space<vmem>>, vector<1x16xf32>,
      %get3A_684 = vector.shape_cast %get3A_683 : vector<1x16xf32> to vector<16xf32>
      %add3A_685 = arith.addf %add3A_676, %get3A_684 : vector<16xf32>
      %mul3A_686 = arith.constant 32 : i32
      %mul3A_687 = arith.muli %scan3A_472, %mul3A_686 : i32
      %add3A_688 = arith.constant 24 : i32
      %add3A_689 = arith.addi %mul3A_687, %add3A_688 : i32
      %get3A_690 = arith.index_cast %add3A_689 : i32 to index
      %get3A_691 = arith.constant 0 : index
      %get3A_692 = tpu.vector_load %arg9[%get3A_690, %get3A_691] {strides = array<i32>} : memref<2048x16xf32, #tpu.memory_space<vmem>>, vector<1x16xf32>,
      %get3A_693 = vector.shape_cast %get3A_692 : vector<1x16xf32> to vector<16xf32>
      %add3A_694 = arith.addf %add3A_685, %get3A_693 : vector<16xf32>
      %mul3A_695 = arith.constant 32 : i32
      %mul3A_696 = arith.muli %scan3A_472, %mul3A_695 : i32
      %add3A_697 = arith.constant 25 : i32
      %add3A_698 = arith.addi %mul3A_696, %add3A_697 : i32
      %get3A_699 = arith.index_cast %add3A_698 : i32 to index
      %get3A_700 = arith.constant 0 : index
      %get3A_701 = tpu.vector_load %arg9[%get3A_699, %get3A_700] {strides = array<i32>} : memref<2048x16xf32, #tpu.memory_space<vmem>>, vector<1x16xf32>,
      %get3A_702 = vector.shape_cast %get3A_701 : vector<1x16xf32> to vector<16xf32>
      %add3A_703 = arith.addf %add3A_694, %get3A_702 : vector<16xf32>
      %mul3A_704 = arith.mulf %add3A_703, %get3A_2 : vector<16xf32>
      %jit3A_705 = arith.constant 8 : i32
      %div3A_706 = arith.divsi %scan3A_472, %jit3A_705 : i32
      %sign3A_707 = arith.constant 0 : i32
      %sign3A_708 = arith.cmpi sgt, %scan3A_472, %sign3A_707 : i32
      %sign3A_709 = arith.extui %sign3A_708 : i1 to i32
      %sign3A_710 = arith.constant 0 : i32
      %sign3A_711 = arith.cmpi slt, %scan3A_472, %sign3A_710 : i32
      %sign3A_712 = arith.extui %sign3A_711 : i1 to i32
      %sign3A_713 = arith.subi %sign3A_709, %sign3A_712 : i32
      %sign3A_714 = arith.constant 0 : i32
      %sign3A_715 = arith.cmpi sgt, %jit3A_705, %sign3A_714 : i32
      %sign3A_716 = arith.extui %sign3A_715 : i1 to i32
      %sign3A_717 = arith.constant 0 : i32
      %sign3A_718 = arith.cmpi slt, %jit3A_705, %sign3A_717 : i32
      %sign3A_719 = arith.extui %sign3A_718 : i1 to i32
      %sign3A_720 = arith.subi %sign3A_716, %sign3A_719 : i32
      %ne3A_721 = arith.cmpi ne, %sign3A_713, %sign3A_720 : i32
      %rem3A_722 = arith.remsi %scan3A_472, %jit3A_705 : i32
      %ne3A_723 = arith.constant 0 : i32
      %ne3A_724 = arith.cmpi ne, %rem3A_722, %ne3A_723 : i32
      %and3A_725 = arith.andi %ne3A_721, %ne3A_724 : i1
      %sub3A_726 = arith.constant 1 : i32
      %sub3A_727 = arith.subi %div3A_706, %sub3A_726 : i32
      %select_n3A_728 = arith.select %and3A_725, %sub3A_727, %div3A_706 : i32
      %jit3A_729 = arith.constant 8 : i32
      %eq3A = arith.constant 0 : i32
      %eq3A_730 = arith.cmpi eq, %jit3A_729, %eq3A : i32
      %jit3A_731 = arith.constant 1 : i32
      %select_n3A_732 = arith.select %eq3A_730, %jit3A_731, %jit3A_729 : i32
      %rem3A_733 = arith.remsi %scan3A_472, %select_n3A_732 : i32
      %ne3A_734 = arith.constant 0 : i32
      %ne3A_735 = arith.cmpi ne, %rem3A_733, %ne3A_734 : i32
      %lt3A = arith.constant 0 : i32
      %lt3A_736 = arith.cmpi slt, %rem3A_733, %lt3A : i32
      %lt3A_737 = arith.constant 0 : i32
      %lt3A_738 = arith.cmpi slt, %select_n3A_732, %lt3A_737 : i32
      %ne3A_739 = arith.xori %lt3A_736, %lt3A_738 : i1
      %and3A_740 = arith.andi %ne3A_739, %ne3A_735 : i1
      %add3A_741 = arith.addi %rem3A_733, %select_n3A_732 : i32
      %select_n3A_742 = arith.select %and3A_740, %add3A_741, %rem3A_733 : i32
      %mul3A_743 = arith.constant 16 : i32
      %mul3A_744 = arith.muli %select_n3A_742, %mul3A_743 : i32
      %swap3A = arith.index_cast %select_n3A_728 : i32 to index
      %swap3A_745 = arith.index_cast %mul3A_744 : i32 to index
      %swap3A_746 = tpu.vector_load %arg11[%swap3A, %swap3A_745] {strides = array<i32>} : memref<8x128xf32, #tpu.memory_space<vmem>>, vector<1x16xf32>,
      %swap3A_747 = vector.shape_cast %swap3A_746 : vector<1x16xf32> to vector<16xf32>
      %swap3A_748 = vector.shape_cast %mul3A_704 : vector<16xf32> to vector<1x16xf32>
      tpu.vector_store %arg11[%swap3A, %swap3A_745], %swap3A_748 {strides = array<i32>} : memref<8x128xf32, #tpu.memory_space<vmem>>, vector<1x16xf32>,
    }
    %scan3A_429 = arith.constant 64 : i32
    %mul3A_430 = arith.constant 512 : i32
    %mul3A_431 = arith.muli %add3A, %mul3A_430 : i32
    %add3A_432 = arith.constant 448 : i32
    %add3A_433 = arith.addi %mul3A_431, %add3A_432 : i32
    %mul3A_434 = arith.constant 16 : i32
    %mul3A_435 = arith.muli %add3A_433, %mul3A_434 : i32
    %jit3A_436 = arith.constant 128 : i32
    %div3A_437 = arith.divsi %mul3A_435, %jit3A_436 : i32
    %sign3A_438 = arith.constant 0 : i32
    %sign3A_439 = arith.cmpi sgt, %mul3A_435, %sign3A_438 : i32
    %sign3A_440 = arith.extui %sign3A_439 : i1 to i32
    %sign3A_441 = arith.constant 0 : i32
    %sign3A_442 = arith.cmpi slt, %mul3A_435, %sign3A_441 : i32
    %sign3A_443 = arith.extui %sign3A_442 : i1 to i32
    %sign3A_444 = arith.subi %sign3A_440, %sign3A_443 : i32
    %sign3A_445 = arith.constant 0 : i32
    %sign3A_446 = arith.cmpi sgt, %jit3A_436, %sign3A_445 : i32
    %sign3A_447 = arith.extui %sign3A_446 : i1 to i32
    %sign3A_448 = arith.constant 0 : i32
    %sign3A_449 = arith.cmpi slt, %jit3A_436, %sign3A_448 : i32
    %sign3A_450 = arith.extui %sign3A_449 : i1 to i32
    %sign3A_451 = arith.subi %sign3A_447, %sign3A_450 : i32
    %ne3A_452 = arith.cmpi ne, %sign3A_444, %sign3A_451 : i32
    %rem3A_453 = arith.remsi %mul3A_435, %jit3A_436 : i32
    %ne3A_454 = arith.constant 0 : i32
    %ne3A_455 = arith.cmpi ne, %rem3A_453, %ne3A_454 : i32
    %and3A_456 = arith.andi %ne3A_452, %ne3A_455 : i1
    %sub3A_457 = arith.constant 1 : i32
    %sub3A_458 = arith.subi %div3A_437, %sub3A_457 : i32
    %select_n3A_459 = arith.select %and3A_456, %sub3A_458, %div3A_437 : i32
    %dma_start3A_460 = arith.constant 0 : i32
    %dma_start3A_461 = tpu.memref_slice %arg5[%select_n3A_459, %dma_start3A_460] : memref<2048x128xf32, #tpu.memory_space<hbm>> -> memref<8x128xf32, #tpu.memory_space<hbm>>
    %dma_start3A_462 = arith.constant 0 : i32
    %dma_start3A_463 = tpu.memref_slice %arg5[%select_n3A_459, %dma_start3A_462] : memref<2048x128xf32, #tpu.memory_space<hbm>> -> memref<8x128xf32, #tpu.memory_space<hbm>>
    tpu.enqueue_dma source(%arg11 : memref<8x128xf32, #tpu.memory_space<vmem>>) target(%dma_start3A_463 : memref<8x128xf32, #tpu.memory_space<hbm>>) target_semaphore(%arg15 : memref<!tpu.dma_semaphore, #tpu.memory_space<semaphore_mem>>)
    %dma_wait3A_464 = arith.constant 0 : i32
    %dma_wait3A_465 = tpu.memref_slice %arg5[%select_n3A_409, %dma_wait3A_464] : memref<2048x128xf32, #tpu.memory_space<hbm>> -> memref<8x128xf32, #tpu.memory_space<hbm>>
    %dma_wait3A_466 = arith.constant 0 : i32
    %dma_wait3A_467 = tpu.memref_slice %arg5[%select_n3A_409, %dma_wait3A_466] : memref<2048x128xf32, #tpu.memory_space<hbm>> -> memref<8x128xf32, #tpu.memory_space<hbm>>
    tpu.wait_dma2 semaphore(%arg15 : memref<!tpu.dma_semaphore, #tpu.memory_space<semaphore_mem>>) src(%arg10 : memref<8x128xf32, #tpu.memory_space<vmem>>) dst(%dma_wait3A_467 : memref<8x128xf32, #tpu.memory_space<hbm>>)
    %dma_wait3A_468 = arith.constant 0 : i32
    %dma_wait3A_469 = tpu.memref_slice %arg5[%select_n3A_459, %dma_wait3A_468] : memref<2048x128xf32, #tpu.memory_space<hbm>> -> memref<8x128xf32, #tpu.memory_space<hbm>>
    %dma_wait3A_470 = arith.constant 0 : i32
    %dma_wait3A_471 = tpu.memref_slice %arg5[%select_n3A_459, %dma_wait3A_470] : memref<2048x128xf32, #tpu.memory_space<hbm>> -> memref<8x128xf32, #tpu.memory_space<hbm>>
    tpu.wait_dma2 semaphore(%arg15 : memref<!tpu.dma_semaphore, #tpu.memory_space<semaphore_mem>>) src(%arg11 : memref<8x128xf32, #tpu.memory_space<vmem>>) dst(%dma_wait3A_471 : memref<8x128xf32, #tpu.memory_space<hbm>>)
    return
  }
}

module attributes {stable_mosaic.version = 14 : i64} {
  func.func @_tc_body(%arg0: memref<2048x128xf32, #tpu.memory_space<vmem>>, %arg1: memref<1xf32, #tpu.memory_space<smem>>, %arg2: memref<128x128xf32, #tpu.memory_space<vmem>>) attributes {dimension_semantics = [], scalar_prefetch = 0 : i64, scratch_operands = 0 : i64, tpu.core_type = #tpu.core_type<tc>} {
    %get3A = arith.constant 0 : index
    %get3A_0 = arith.constant 0 : index
    %get3A_1 = vector.load %arg0[%get3A, %get3A_0] : memref<2048x128xf32, #tpu.memory_space<vmem>>, vector<2048x128xf32>
    %reshape3A = vector.shape_cast %get3A_1 : vector<2048x128xf32> to vector<128x16x128xf32>
    %iota3A = tpu.iota {dimensions = array<i32: 0>} : vector<128x128xi32>
    %iota3A_2 = tpu.iota {dimensions = array<i32: 1>} : vector<128x128xi32>
    %broadcast_in_dim3A = arith.constant 0.000000e+00 : f32
    %broadcast_in_dim3A_3 = vector.broadcast %broadcast_in_dim3A : f32 to vector<128x128xf32>
    %jit3A = arith.constant 8 : i32
    %div3A = vector.broadcast %jit3A : i32 to vector<128x128xi32>
    %div3A_4 = arith.divsi %iota3A_2, %div3A : vector<128x128xi32>
    %sign3A = arith.constant 0 : i32
    %sign3A_5 = vector.broadcast %sign3A : i32 to vector<128x128xi32>
    %sign3A_6 = arith.cmpi sgt, %iota3A_2, %sign3A_5 : vector<128x128xi32>
    %sign3A_7 = arith.extui %sign3A_6 : vector<128x128xi1> to vector<128x128xi32>
    %sign3A_8 = arith.constant 0 : i32
    %sign3A_9 = vector.broadcast %sign3A_8 : i32 to vector<128x128xi32>
    %sign3A_10 = arith.cmpi slt, %iota3A_2, %sign3A_9 : vector<128x128xi32>
    %sign3A_11 = arith.extui %sign3A_10 : vector<128x128xi1> to vector<128x128xi32>
    %sign3A_12 = arith.subi %sign3A_7, %sign3A_11 : vector<128x128xi32>
    %sign3A_13 = arith.constant 0 : i32
    %sign3A_14 = arith.cmpi sgt, %jit3A, %sign3A_13 : i32
    %sign3A_15 = arith.extui %sign3A_14 : i1 to i32
    %sign3A_16 = arith.constant 0 : i32
    %sign3A_17 = arith.cmpi slt, %jit3A, %sign3A_16 : i32
    %sign3A_18 = arith.extui %sign3A_17 : i1 to i32
    %sign3A_19 = arith.subi %sign3A_15, %sign3A_18 : i32
    %ne3A = vector.broadcast %sign3A_19 : i32 to vector<128x128xi32>
    %ne3A_20 = arith.cmpi ne, %sign3A_12, %ne3A : vector<128x128xi32>
    %rem3A = vector.broadcast %jit3A : i32 to vector<128x128xi32>
    %rem3A_21 = arith.remsi %iota3A_2, %rem3A : vector<128x128xi32>
    %ne3A_22 = arith.constant 0 : i32
    %ne3A_23 = vector.broadcast %ne3A_22 : i32 to vector<128x128xi32>
    %ne3A_24 = arith.cmpi ne, %rem3A_21, %ne3A_23 : vector<128x128xi32>
    %and3A = arith.andi %ne3A_20, %ne3A_24 : vector<128x128xi1>
    %sub3A = arith.constant 1 : i32
    %sub3A_25 = vector.broadcast %sub3A : i32 to vector<128x128xi32>
    %sub3A_26 = arith.subi %div3A_4, %sub3A_25 : vector<128x128xi32>
    %select_n3A = arith.select %and3A, %sub3A_26, %div3A_4 : vector<128x128xi1>, vector<128x128xi32>
    %eq3A = arith.constant 0 : i32
    %eq3A_27 = vector.broadcast %eq3A : i32 to vector<128x128xi32>
    %eq3A_28 = arith.cmpi eq, %select_n3A, %eq3A_27 : vector<128x128xi32>
    %jit3A_29 = arith.constant 16 : i32
    %div3A_30 = vector.broadcast %jit3A_29 : i32 to vector<128x128xi32>
    %div3A_31 = arith.divsi %iota3A, %div3A_30 : vector<128x128xi32>
    %sign3A_32 = arith.constant 0 : i32
    %sign3A_33 = vector.broadcast %sign3A_32 : i32 to vector<128x128xi32>
    %sign3A_34 = arith.cmpi sgt, %iota3A, %sign3A_33 : vector<128x128xi32>
    %sign3A_35 = arith.extui %sign3A_34 : vector<128x128xi1> to vector<128x128xi32>
    %sign3A_36 = arith.constant 0 : i32
    %sign3A_37 = vector.broadcast %sign3A_36 : i32 to vector<128x128xi32>
    %sign3A_38 = arith.cmpi slt, %iota3A, %sign3A_37 : vector<128x128xi32>
    %sign3A_39 = arith.extui %sign3A_38 : vector<128x128xi1> to vector<128x128xi32>
    %sign3A_40 = arith.subi %sign3A_35, %sign3A_39 : vector<128x128xi32>
    %sign3A_41 = arith.constant 0 : i32
    %sign3A_42 = arith.cmpi sgt, %jit3A_29, %sign3A_41 : i32
    %sign3A_43 = arith.extui %sign3A_42 : i1 to i32
    %sign3A_44 = arith.constant 0 : i32
    %sign3A_45 = arith.cmpi slt, %jit3A_29, %sign3A_44 : i32
    %sign3A_46 = arith.extui %sign3A_45 : i1 to i32
    %sign3A_47 = arith.subi %sign3A_43, %sign3A_46 : i32
    %ne3A_48 = vector.broadcast %sign3A_47 : i32 to vector<128x128xi32>
    %ne3A_49 = arith.cmpi ne, %sign3A_40, %ne3A_48 : vector<128x128xi32>
    %rem3A_50 = vector.broadcast %jit3A_29 : i32 to vector<128x128xi32>
    %rem3A_51 = arith.remsi %iota3A, %rem3A_50 : vector<128x128xi32>
    %ne3A_52 = arith.constant 0 : i32
    %ne3A_53 = vector.broadcast %ne3A_52 : i32 to vector<128x128xi32>
    %ne3A_54 = arith.cmpi ne, %rem3A_51, %ne3A_53 : vector<128x128xi32>
    %and3A_55 = arith.andi %ne3A_49, %ne3A_54 : vector<128x128xi1>
    %sub3A_56 = arith.constant 1 : i32
    %sub3A_57 = vector.broadcast %sub3A_56 : i32 to vector<128x128xi32>
    %sub3A_58 = arith.subi %div3A_31, %sub3A_57 : vector<128x128xi32>
    %select_n3A_59 = arith.select %and3A_55, %sub3A_58, %div3A_31 : vector<128x128xi1>, vector<128x128xi32>
    %sub3A_60 = arith.constant 0 : i32
    %sub3A_61 = vector.broadcast %sub3A_60 : i32 to vector<128x128xi32>
    %sub3A_62 = arith.subi %iota3A_2, %sub3A_61 : vector<128x128xi32>
    %eq3A_63 = arith.cmpi eq, %select_n3A_59, %sub3A_62 : vector<128x128xi32>
    %and3A_64 = arith.andi %eq3A_28, %eq3A_63 : vector<128x128xi1>
    %convert_element_type3A = arith.extui %and3A_64 : vector<128x128xi1> to vector<128x128xi32>
    %convert_element_type3A_65 = arith.sitofp %convert_element_type3A : vector<128x128xi32> to vector<128x128xf32>
    %slice3A = vector.extract_strided_slice %reshape3A {offsets = [0, 0, 0], sizes = [128, 1, 128], strides = [1, 1, 1]} : vector<128x16x128xf32> to vector<128x1x128xf32>
    %squeeze3A = vector.shape_cast %slice3A : vector<128x1x128xf32> to vector<128x128xf32>
    %dot_general3A = arith.constant dense<0.000000e+00> : vector<128x128xf32>
    %dot_general3A_66 = tpu.matmul %squeeze3A, %convert_element_type3A_65, %dot_general3A {dimension_numbers = #tpu.dot_dimension_numbers<[1], [0], [0], [1], [0, 0, 1, 1], [], []>, transpose_lhs_hint = false} : vector<128x128xf32>, vector<128x128xf32>, vector<128x128xf32> -> vector<128x128xf32>
    %add3A = arith.addf %broadcast_in_dim3A_3, %dot_general3A_66 : vector<128x128xf32>
    %jit3A_67 = arith.constant 8 : i32
    %div3A_68 = vector.broadcast %jit3A_67 : i32 to vector<128x128xi32>
    %div3A_69 = arith.divsi %iota3A_2, %div3A_68 : vector<128x128xi32>
    %sign3A_70 = arith.constant 0 : i32
    %sign3A_71 = vector.broadcast %sign3A_70 : i32 to vector<128x128xi32>
    %sign3A_72 = arith.cmpi sgt, %iota3A_2, %sign3A_71 : vector<128x128xi32>
    %sign3A_73 = arith.extui %sign3A_72 : vector<128x128xi1> to vector<128x128xi32>
    %sign3A_74 = arith.constant 0 : i32
    %sign3A_75 = vector.broadcast %sign3A_74 : i32 to vector<128x128xi32>
    %sign3A_76 = arith.cmpi slt, %iota3A_2, %sign3A_75 : vector<128x128xi32>
    %sign3A_77 = arith.extui %sign3A_76 : vector<128x128xi1> to vector<128x128xi32>
    %sign3A_78 = arith.subi %sign3A_73, %sign3A_77 : vector<128x128xi32>
    %sign3A_79 = arith.constant 0 : i32
    %sign3A_80 = arith.cmpi sgt, %jit3A_67, %sign3A_79 : i32
    %sign3A_81 = arith.extui %sign3A_80 : i1 to i32
    %sign3A_82 = arith.constant 0 : i32
    %sign3A_83 = arith.cmpi slt, %jit3A_67, %sign3A_82 : i32
    %sign3A_84 = arith.extui %sign3A_83 : i1 to i32
    %sign3A_85 = arith.subi %sign3A_81, %sign3A_84 : i32
    %ne3A_86 = vector.broadcast %sign3A_85 : i32 to vector<128x128xi32>
    %ne3A_87 = arith.cmpi ne, %sign3A_78, %ne3A_86 : vector<128x128xi32>
    %rem3A_88 = vector.broadcast %jit3A_67 : i32 to vector<128x128xi32>
    %rem3A_89 = arith.remsi %iota3A_2, %rem3A_88 : vector<128x128xi32>
    %ne3A_90 = arith.constant 0 : i32
    %ne3A_91 = vector.broadcast %ne3A_90 : i32 to vector<128x128xi32>
    %ne3A_92 = arith.cmpi ne, %rem3A_89, %ne3A_91 : vector<128x128xi32>
    %and3A_93 = arith.andi %ne3A_87, %ne3A_92 : vector<128x128xi1>
    %sub3A_94 = arith.constant 1 : i32
    %sub3A_95 = vector.broadcast %sub3A_94 : i32 to vector<128x128xi32>
    %sub3A_96 = arith.subi %div3A_69, %sub3A_95 : vector<128x128xi32>
    %select_n3A_97 = arith.select %and3A_93, %sub3A_96, %div3A_69 : vector<128x128xi1>, vector<128x128xi32>
    %eq3A_98 = arith.constant 1 : i32
    %eq3A_99 = vector.broadcast %eq3A_98 : i32 to vector<128x128xi32>
    %eq3A_100 = arith.cmpi eq, %select_n3A_97, %eq3A_99 : vector<128x128xi32>
    %jit3A_101 = arith.constant 16 : i32
    %div3A_102 = vector.broadcast %jit3A_101 : i32 to vector<128x128xi32>
    %div3A_103 = arith.divsi %iota3A, %div3A_102 : vector<128x128xi32>
    %sign3A_104 = arith.constant 0 : i32
    %sign3A_105 = vector.broadcast %sign3A_104 : i32 to vector<128x128xi32>
    %sign3A_106 = arith.cmpi sgt, %iota3A, %sign3A_105 : vector<128x128xi32>
    %sign3A_107 = arith.extui %sign3A_106 : vector<128x128xi1> to vector<128x128xi32>
    %sign3A_108 = arith.constant 0 : i32
    %sign3A_109 = vector.broadcast %sign3A_108 : i32 to vector<128x128xi32>
    %sign3A_110 = arith.cmpi slt, %iota3A, %sign3A_109 : vector<128x128xi32>
    %sign3A_111 = arith.extui %sign3A_110 : vector<128x128xi1> to vector<128x128xi32>
    %sign3A_112 = arith.subi %sign3A_107, %sign3A_111 : vector<128x128xi32>
    %sign3A_113 = arith.constant 0 : i32
    %sign3A_114 = arith.cmpi sgt, %jit3A_101, %sign3A_113 : i32
    %sign3A_115 = arith.extui %sign3A_114 : i1 to i32
    %sign3A_116 = arith.constant 0 : i32
    %sign3A_117 = arith.cmpi slt, %jit3A_101, %sign3A_116 : i32
    %sign3A_118 = arith.extui %sign3A_117 : i1 to i32
    %sign3A_119 = arith.subi %sign3A_115, %sign3A_118 : i32
    %ne3A_120 = vector.broadcast %sign3A_119 : i32 to vector<128x128xi32>
    %ne3A_121 = arith.cmpi ne, %sign3A_112, %ne3A_120 : vector<128x128xi32>
    %rem3A_122 = vector.broadcast %jit3A_101 : i32 to vector<128x128xi32>
    %rem3A_123 = arith.remsi %iota3A, %rem3A_122 : vector<128x128xi32>
    %ne3A_124 = arith.constant 0 : i32
    %ne3A_125 = vector.broadcast %ne3A_124 : i32 to vector<128x128xi32>
    %ne3A_126 = arith.cmpi ne, %rem3A_123, %ne3A_125 : vector<128x128xi32>
    %and3A_127 = arith.andi %ne3A_121, %ne3A_126 : vector<128x128xi1>
    %sub3A_128 = arith.constant 1 : i32
    %sub3A_129 = vector.broadcast %sub3A_128 : i32 to vector<128x128xi32>
    %sub3A_130 = arith.subi %div3A_103, %sub3A_129 : vector<128x128xi32>
    %select_n3A_131 = arith.select %and3A_127, %sub3A_130, %div3A_103 : vector<128x128xi1>, vector<128x128xi32>
    %sub3A_132 = arith.constant 8 : i32
    %sub3A_133 = vector.broadcast %sub3A_132 : i32 to vector<128x128xi32>
    %sub3A_134 = arith.subi %iota3A_2, %sub3A_133 : vector<128x128xi32>
    %eq3A_135 = arith.cmpi eq, %select_n3A_131, %sub3A_134 : vector<128x128xi32>
    %and3A_136 = arith.andi %eq3A_100, %eq3A_135 : vector<128x128xi1>
    %convert_element_type3A_137 = arith.extui %and3A_136 : vector<128x128xi1> to vector<128x128xi32>
    %convert_element_type3A_138 = arith.sitofp %convert_element_type3A_137 : vector<128x128xi32> to vector<128x128xf32>
    %slice3A_139 = vector.extract_strided_slice %reshape3A {offsets = [0, 1, 0], sizes = [128, 1, 128], strides = [1, 1, 1]} : vector<128x16x128xf32> to vector<128x1x128xf32>
    %squeeze3A_140 = vector.shape_cast %slice3A_139 : vector<128x1x128xf32> to vector<128x128xf32>
    %dot_general3A_141 = arith.constant dense<0.000000e+00> : vector<128x128xf32>
    %dot_general3A_142 = tpu.matmul %squeeze3A_140, %convert_element_type3A_138, %dot_general3A_141 {dimension_numbers = #tpu.dot_dimension_numbers<[1], [0], [0], [1], [0, 0, 1, 1], [], []>, transpose_lhs_hint = false} : vector<128x128xf32>, vector<128x128xf32>, vector<128x128xf32> -> vector<128x128xf32>
    %add3A_143 = arith.addf %add3A, %dot_general3A_142 : vector<128x128xf32>
    %jit3A_144 = arith.constant 8 : i32
    %div3A_145 = vector.broadcast %jit3A_144 : i32 to vector<128x128xi32>
    %div3A_146 = arith.divsi %iota3A_2, %div3A_145 : vector<128x128xi32>
    %sign3A_147 = arith.constant 0 : i32
    %sign3A_148 = vector.broadcast %sign3A_147 : i32 to vector<128x128xi32>
    %sign3A_149 = arith.cmpi sgt, %iota3A_2, %sign3A_148 : vector<128x128xi32>
    %sign3A_150 = arith.extui %sign3A_149 : vector<128x128xi1> to vector<128x128xi32>
    %sign3A_151 = arith.constant 0 : i32
    %sign3A_152 = vector.broadcast %sign3A_151 : i32 to vector<128x128xi32>
    %sign3A_153 = arith.cmpi slt, %iota3A_2, %sign3A_152 : vector<128x128xi32>
    %sign3A_154 = arith.extui %sign3A_153 : vector<128x128xi1> to vector<128x128xi32>
    %sign3A_155 = arith.subi %sign3A_150, %sign3A_154 : vector<128x128xi32>
    %sign3A_156 = arith.constant 0 : i32
    %sign3A_157 = arith.cmpi sgt, %jit3A_144, %sign3A_156 : i32
    %sign3A_158 = arith.extui %sign3A_157 : i1 to i32
    %sign3A_159 = arith.constant 0 : i32
    %sign3A_160 = arith.cmpi slt, %jit3A_144, %sign3A_159 : i32
    %sign3A_161 = arith.extui %sign3A_160 : i1 to i32
    %sign3A_162 = arith.subi %sign3A_158, %sign3A_161 : i32
    %ne3A_163 = vector.broadcast %sign3A_162 : i32 to vector<128x128xi32>
    %ne3A_164 = arith.cmpi ne, %sign3A_155, %ne3A_163 : vector<128x128xi32>
    %rem3A_165 = vector.broadcast %jit3A_144 : i32 to vector<128x128xi32>
    %rem3A_166 = arith.remsi %iota3A_2, %rem3A_165 : vector<128x128xi32>
    %ne3A_167 = arith.constant 0 : i32
    %ne3A_168 = vector.broadcast %ne3A_167 : i32 to vector<128x128xi32>
    %ne3A_169 = arith.cmpi ne, %rem3A_166, %ne3A_168 : vector<128x128xi32>
    %and3A_170 = arith.andi %ne3A_164, %ne3A_169 : vector<128x128xi1>
    %sub3A_171 = arith.constant 1 : i32
    %sub3A_172 = vector.broadcast %sub3A_171 : i32 to vector<128x128xi32>
    %sub3A_173 = arith.subi %div3A_146, %sub3A_172 : vector<128x128xi32>
    %select_n3A_174 = arith.select %and3A_170, %sub3A_173, %div3A_146 : vector<128x128xi1>, vector<128x128xi32>
    %eq3A_175 = arith.constant 2 : i32
    %eq3A_176 = vector.broadcast %eq3A_175 : i32 to vector<128x128xi32>
    %eq3A_177 = arith.cmpi eq, %select_n3A_174, %eq3A_176 : vector<128x128xi32>
    %jit3A_178 = arith.constant 16 : i32
    %div3A_179 = vector.broadcast %jit3A_178 : i32 to vector<128x128xi32>
    %div3A_180 = arith.divsi %iota3A, %div3A_179 : vector<128x128xi32>
    %sign3A_181 = arith.constant 0 : i32
    %sign3A_182 = vector.broadcast %sign3A_181 : i32 to vector<128x128xi32>
    %sign3A_183 = arith.cmpi sgt, %iota3A, %sign3A_182 : vector<128x128xi32>
    %sign3A_184 = arith.extui %sign3A_183 : vector<128x128xi1> to vector<128x128xi32>
    %sign3A_185 = arith.constant 0 : i32
    %sign3A_186 = vector.broadcast %sign3A_185 : i32 to vector<128x128xi32>
    %sign3A_187 = arith.cmpi slt, %iota3A, %sign3A_186 : vector<128x128xi32>
    %sign3A_188 = arith.extui %sign3A_187 : vector<128x128xi1> to vector<128x128xi32>
    %sign3A_189 = arith.subi %sign3A_184, %sign3A_188 : vector<128x128xi32>
    %sign3A_190 = arith.constant 0 : i32
    %sign3A_191 = arith.cmpi sgt, %jit3A_178, %sign3A_190 : i32
    %sign3A_192 = arith.extui %sign3A_191 : i1 to i32
    %sign3A_193 = arith.constant 0 : i32
    %sign3A_194 = arith.cmpi slt, %jit3A_178, %sign3A_193 : i32
    %sign3A_195 = arith.extui %sign3A_194 : i1 to i32
    %sign3A_196 = arith.subi %sign3A_192, %sign3A_195 : i32
    %ne3A_197 = vector.broadcast %sign3A_196 : i32 to vector<128x128xi32>
    %ne3A_198 = arith.cmpi ne, %sign3A_189, %ne3A_197 : vector<128x128xi32>
    %rem3A_199 = vector.broadcast %jit3A_178 : i32 to vector<128x128xi32>
    %rem3A_200 = arith.remsi %iota3A, %rem3A_199 : vector<128x128xi32>
    %ne3A_201 = arith.constant 0 : i32
    %ne3A_202 = vector.broadcast %ne3A_201 : i32 to vector<128x128xi32>
    %ne3A_203 = arith.cmpi ne, %rem3A_200, %ne3A_202 : vector<128x128xi32>
    %and3A_204 = arith.andi %ne3A_198, %ne3A_203 : vector<128x128xi1>
    %sub3A_205 = arith.constant 1 : i32
    %sub3A_206 = vector.broadcast %sub3A_205 : i32 to vector<128x128xi32>
    %sub3A_207 = arith.subi %div3A_180, %sub3A_206 : vector<128x128xi32>
    %select_n3A_208 = arith.select %and3A_204, %sub3A_207, %div3A_180 : vector<128x128xi1>, vector<128x128xi32>
    %sub3A_209 = arith.constant 16 : i32
    %sub3A_210 = vector.broadcast %sub3A_209 : i32 to vector<128x128xi32>
    %sub3A_211 = arith.subi %iota3A_2, %sub3A_210 : vector<128x128xi32>
    %eq3A_212 = arith.cmpi eq, %select_n3A_208, %sub3A_211 : vector<128x128xi32>
    %and3A_213 = arith.andi %eq3A_177, %eq3A_212 : vector<128x128xi1>
    %convert_element_type3A_214 = arith.extui %and3A_213 : vector<128x128xi1> to vector<128x128xi32>
    %convert_element_type3A_215 = arith.sitofp %convert_element_type3A_214 : vector<128x128xi32> to vector<128x128xf32>
    %slice3A_216 = vector.extract_strided_slice %reshape3A {offsets = [0, 2, 0], sizes = [128, 1, 128], strides = [1, 1, 1]} : vector<128x16x128xf32> to vector<128x1x128xf32>
    %squeeze3A_217 = vector.shape_cast %slice3A_216 : vector<128x1x128xf32> to vector<128x128xf32>
    %dot_general3A_218 = arith.constant dense<0.000000e+00> : vector<128x128xf32>
    %dot_general3A_219 = tpu.matmul %squeeze3A_217, %convert_element_type3A_215, %dot_general3A_218 {dimension_numbers = #tpu.dot_dimension_numbers<[1], [0], [0], [1], [0, 0, 1, 1], [], []>, transpose_lhs_hint = false} : vector<128x128xf32>, vector<128x128xf32>, vector<128x128xf32> -> vector<128x128xf32>
    %add3A_220 = arith.addf %add3A_143, %dot_general3A_219 : vector<128x128xf32>
    %jit3A_221 = arith.constant 8 : i32
    %div3A_222 = vector.broadcast %jit3A_221 : i32 to vector<128x128xi32>
    %div3A_223 = arith.divsi %iota3A_2, %div3A_222 : vector<128x128xi32>
    %sign3A_224 = arith.constant 0 : i32
    %sign3A_225 = vector.broadcast %sign3A_224 : i32 to vector<128x128xi32>
    %sign3A_226 = arith.cmpi sgt, %iota3A_2, %sign3A_225 : vector<128x128xi32>
    %sign3A_227 = arith.extui %sign3A_226 : vector<128x128xi1> to vector<128x128xi32>
    %sign3A_228 = arith.constant 0 : i32
    %sign3A_229 = vector.broadcast %sign3A_228 : i32 to vector<128x128xi32>
    %sign3A_230 = arith.cmpi slt, %iota3A_2, %sign3A_229 : vector<128x128xi32>
    %sign3A_231 = arith.extui %sign3A_230 : vector<128x128xi1> to vector<128x128xi32>
    %sign3A_232 = arith.subi %sign3A_227, %sign3A_231 : vector<128x128xi32>
    %sign3A_233 = arith.constant 0 : i32
    %sign3A_234 = arith.cmpi sgt, %jit3A_221, %sign3A_233 : i32
    %sign3A_235 = arith.extui %sign3A_234 : i1 to i32
    %sign3A_236 = arith.constant 0 : i32
    %sign3A_237 = arith.cmpi slt, %jit3A_221, %sign3A_236 : i32
    %sign3A_238 = arith.extui %sign3A_237 : i1 to i32
    %sign3A_239 = arith.subi %sign3A_235, %sign3A_238 : i32
    %ne3A_240 = vector.broadcast %sign3A_239 : i32 to vector<128x128xi32>
    %ne3A_241 = arith.cmpi ne, %sign3A_232, %ne3A_240 : vector<128x128xi32>
    %rem3A_242 = vector.broadcast %jit3A_221 : i32 to vector<128x128xi32>
    %rem3A_243 = arith.remsi %iota3A_2, %rem3A_242 : vector<128x128xi32>
    %ne3A_244 = arith.constant 0 : i32
    %ne3A_245 = vector.broadcast %ne3A_244 : i32 to vector<128x128xi32>
    %ne3A_246 = arith.cmpi ne, %rem3A_243, %ne3A_245 : vector<128x128xi32>
    %and3A_247 = arith.andi %ne3A_241, %ne3A_246 : vector<128x128xi1>
    %sub3A_248 = arith.constant 1 : i32
    %sub3A_249 = vector.broadcast %sub3A_248 : i32 to vector<128x128xi32>
    %sub3A_250 = arith.subi %div3A_223, %sub3A_249 : vector<128x128xi32>
    %select_n3A_251 = arith.select %and3A_247, %sub3A_250, %div3A_223 : vector<128x128xi1>, vector<128x128xi32>
    %eq3A_252 = arith.constant 3 : i32
    %eq3A_253 = vector.broadcast %eq3A_252 : i32 to vector<128x128xi32>
    %eq3A_254 = arith.cmpi eq, %select_n3A_251, %eq3A_253 : vector<128x128xi32>
    %jit3A_255 = arith.constant 16 : i32
    %div3A_256 = vector.broadcast %jit3A_255 : i32 to vector<128x128xi32>
    %div3A_257 = arith.divsi %iota3A, %div3A_256 : vector<128x128xi32>
    %sign3A_258 = arith.constant 0 : i32
    %sign3A_259 = vector.broadcast %sign3A_258 : i32 to vector<128x128xi32>
    %sign3A_260 = arith.cmpi sgt, %iota3A, %sign3A_259 : vector<128x128xi32>
    %sign3A_261 = arith.extui %sign3A_260 : vector<128x128xi1> to vector<128x128xi32>
    %sign3A_262 = arith.constant 0 : i32
    %sign3A_263 = vector.broadcast %sign3A_262 : i32 to vector<128x128xi32>
    %sign3A_264 = arith.cmpi slt, %iota3A, %sign3A_263 : vector<128x128xi32>
    %sign3A_265 = arith.extui %sign3A_264 : vector<128x128xi1> to vector<128x128xi32>
    %sign3A_266 = arith.subi %sign3A_261, %sign3A_265 : vector<128x128xi32>
    %sign3A_267 = arith.constant 0 : i32
    %sign3A_268 = arith.cmpi sgt, %jit3A_255, %sign3A_267 : i32
    %sign3A_269 = arith.extui %sign3A_268 : i1 to i32
    %sign3A_270 = arith.constant 0 : i32
    %sign3A_271 = arith.cmpi slt, %jit3A_255, %sign3A_270 : i32
    %sign3A_272 = arith.extui %sign3A_271 : i1 to i32
    %sign3A_273 = arith.subi %sign3A_269, %sign3A_272 : i32
    %ne3A_274 = vector.broadcast %sign3A_273 : i32 to vector<128x128xi32>
    %ne3A_275 = arith.cmpi ne, %sign3A_266, %ne3A_274 : vector<128x128xi32>
    %rem3A_276 = vector.broadcast %jit3A_255 : i32 to vector<128x128xi32>
    %rem3A_277 = arith.remsi %iota3A, %rem3A_276 : vector<128x128xi32>
    %ne3A_278 = arith.constant 0 : i32
    %ne3A_279 = vector.broadcast %ne3A_278 : i32 to vector<128x128xi32>
    %ne3A_280 = arith.cmpi ne, %rem3A_277, %ne3A_279 : vector<128x128xi32>
    %and3A_281 = arith.andi %ne3A_275, %ne3A_280 : vector<128x128xi1>
    %sub3A_282 = arith.constant 1 : i32
    %sub3A_283 = vector.broadcast %sub3A_282 : i32 to vector<128x128xi32>
    %sub3A_284 = arith.subi %div3A_257, %sub3A_283 : vector<128x128xi32>
    %select_n3A_285 = arith.select %and3A_281, %sub3A_284, %div3A_257 : vector<128x128xi1>, vector<128x128xi32>
    %sub3A_286 = arith.constant 24 : i32
    %sub3A_287 = vector.broadcast %sub3A_286 : i32 to vector<128x128xi32>
    %sub3A_288 = arith.subi %iota3A_2, %sub3A_287 : vector<128x128xi32>
    %eq3A_289 = arith.cmpi eq, %select_n3A_285, %sub3A_288 : vector<128x128xi32>
    %and3A_290 = arith.andi %eq3A_254, %eq3A_289 : vector<128x128xi1>
    %convert_element_type3A_291 = arith.extui %and3A_290 : vector<128x128xi1> to vector<128x128xi32>
    %convert_element_type3A_292 = arith.sitofp %convert_element_type3A_291 : vector<128x128xi32> to vector<128x128xf32>
    %slice3A_293 = vector.extract_strided_slice %reshape3A {offsets = [0, 3, 0], sizes = [128, 1, 128], strides = [1, 1, 1]} : vector<128x16x128xf32> to vector<128x1x128xf32>
    %squeeze3A_294 = vector.shape_cast %slice3A_293 : vector<128x1x128xf32> to vector<128x128xf32>
    %dot_general3A_295 = arith.constant dense<0.000000e+00> : vector<128x128xf32>
    %dot_general3A_296 = tpu.matmul %squeeze3A_294, %convert_element_type3A_292, %dot_general3A_295 {dimension_numbers = #tpu.dot_dimension_numbers<[1], [0], [0], [1], [0, 0, 1, 1], [], []>, transpose_lhs_hint = false} : vector<128x128xf32>, vector<128x128xf32>, vector<128x128xf32> -> vector<128x128xf32>
    %add3A_297 = arith.addf %add3A_220, %dot_general3A_296 : vector<128x128xf32>
    %jit3A_298 = arith.constant 8 : i32
    %div3A_299 = vector.broadcast %jit3A_298 : i32 to vector<128x128xi32>
    %div3A_300 = arith.divsi %iota3A_2, %div3A_299 : vector<128x128xi32>
    %sign3A_301 = arith.constant 0 : i32
    %sign3A_302 = vector.broadcast %sign3A_301 : i32 to vector<128x128xi32>
    %sign3A_303 = arith.cmpi sgt, %iota3A_2, %sign3A_302 : vector<128x128xi32>
    %sign3A_304 = arith.extui %sign3A_303 : vector<128x128xi1> to vector<128x128xi32>
    %sign3A_305 = arith.constant 0 : i32
    %sign3A_306 = vector.broadcast %sign3A_305 : i32 to vector<128x128xi32>
    %sign3A_307 = arith.cmpi slt, %iota3A_2, %sign3A_306 : vector<128x128xi32>
    %sign3A_308 = arith.extui %sign3A_307 : vector<128x128xi1> to vector<128x128xi32>
    %sign3A_309 = arith.subi %sign3A_304, %sign3A_308 : vector<128x128xi32>
    %sign3A_310 = arith.constant 0 : i32
    %sign3A_311 = arith.cmpi sgt, %jit3A_298, %sign3A_310 : i32
    %sign3A_312 = arith.extui %sign3A_311 : i1 to i32
    %sign3A_313 = arith.constant 0 : i32
    %sign3A_314 = arith.cmpi slt, %jit3A_298, %sign3A_313 : i32
    %sign3A_315 = arith.extui %sign3A_314 : i1 to i32
    %sign3A_316 = arith.subi %sign3A_312, %sign3A_315 : i32
    %ne3A_317 = vector.broadcast %sign3A_316 : i32 to vector<128x128xi32>
    %ne3A_318 = arith.cmpi ne, %sign3A_309, %ne3A_317 : vector<128x128xi32>
    %rem3A_319 = vector.broadcast %jit3A_298 : i32 to vector<128x128xi32>
    %rem3A_320 = arith.remsi %iota3A_2, %rem3A_319 : vector<128x128xi32>
    %ne3A_321 = arith.constant 0 : i32
    %ne3A_322 = vector.broadcast %ne3A_321 : i32 to vector<128x128xi32>
    %ne3A_323 = arith.cmpi ne, %rem3A_320, %ne3A_322 : vector<128x128xi32>
    %and3A_324 = arith.andi %ne3A_318, %ne3A_323 : vector<128x128xi1>
    %sub3A_325 = arith.constant 1 : i32
    %sub3A_326 = vector.broadcast %sub3A_325 : i32 to vector<128x128xi32>
    %sub3A_327 = arith.subi %div3A_300, %sub3A_326 : vector<128x128xi32>
    %select_n3A_328 = arith.select %and3A_324, %sub3A_327, %div3A_300 : vector<128x128xi1>, vector<128x128xi32>
    %eq3A_329 = arith.constant 4 : i32
    %eq3A_330 = vector.broadcast %eq3A_329 : i32 to vector<128x128xi32>
    %eq3A_331 = arith.cmpi eq, %select_n3A_328, %eq3A_330 : vector<128x128xi32>
    %jit3A_332 = arith.constant 16 : i32
    %div3A_333 = vector.broadcast %jit3A_332 : i32 to vector<128x128xi32>
    %div3A_334 = arith.divsi %iota3A, %div3A_333 : vector<128x128xi32>
    %sign3A_335 = arith.constant 0 : i32
    %sign3A_336 = vector.broadcast %sign3A_335 : i32 to vector<128x128xi32>
    %sign3A_337 = arith.cmpi sgt, %iota3A, %sign3A_336 : vector<128x128xi32>
    %sign3A_338 = arith.extui %sign3A_337 : vector<128x128xi1> to vector<128x128xi32>
    %sign3A_339 = arith.constant 0 : i32
    %sign3A_340 = vector.broadcast %sign3A_339 : i32 to vector<128x128xi32>
    %sign3A_341 = arith.cmpi slt, %iota3A, %sign3A_340 : vector<128x128xi32>
    %sign3A_342 = arith.extui %sign3A_341 : vector<128x128xi1> to vector<128x128xi32>
    %sign3A_343 = arith.subi %sign3A_338, %sign3A_342 : vector<128x128xi32>
    %sign3A_344 = arith.constant 0 : i32
    %sign3A_345 = arith.cmpi sgt, %jit3A_332, %sign3A_344 : i32
    %sign3A_346 = arith.extui %sign3A_345 : i1 to i32
    %sign3A_347 = arith.constant 0 : i32
    %sign3A_348 = arith.cmpi slt, %jit3A_332, %sign3A_347 : i32
    %sign3A_349 = arith.extui %sign3A_348 : i1 to i32
    %sign3A_350 = arith.subi %sign3A_346, %sign3A_349 : i32
    %ne3A_351 = vector.broadcast %sign3A_350 : i32 to vector<128x128xi32>
    %ne3A_352 = arith.cmpi ne, %sign3A_343, %ne3A_351 : vector<128x128xi32>
    %rem3A_353 = vector.broadcast %jit3A_332 : i32 to vector<128x128xi32>
    %rem3A_354 = arith.remsi %iota3A, %rem3A_353 : vector<128x128xi32>
    %ne3A_355 = arith.constant 0 : i32
    %ne3A_356 = vector.broadcast %ne3A_355 : i32 to vector<128x128xi32>
    %ne3A_357 = arith.cmpi ne, %rem3A_354, %ne3A_356 : vector<128x128xi32>
    %and3A_358 = arith.andi %ne3A_352, %ne3A_357 : vector<128x128xi1>
    %sub3A_359 = arith.constant 1 : i32
    %sub3A_360 = vector.broadcast %sub3A_359 : i32 to vector<128x128xi32>
    %sub3A_361 = arith.subi %div3A_334, %sub3A_360 : vector<128x128xi32>
    %select_n3A_362 = arith.select %and3A_358, %sub3A_361, %div3A_334 : vector<128x128xi1>, vector<128x128xi32>
    %sub3A_363 = arith.constant 32 : i32
    %sub3A_364 = vector.broadcast %sub3A_363 : i32 to vector<128x128xi32>
    %sub3A_365 = arith.subi %iota3A_2, %sub3A_364 : vector<128x128xi32>
    %eq3A_366 = arith.cmpi eq, %select_n3A_362, %sub3A_365 : vector<128x128xi32>
    %and3A_367 = arith.andi %eq3A_331, %eq3A_366 : vector<128x128xi1>
    %convert_element_type3A_368 = arith.extui %and3A_367 : vector<128x128xi1> to vector<128x128xi32>
    %convert_element_type3A_369 = arith.sitofp %convert_element_type3A_368 : vector<128x128xi32> to vector<128x128xf32>
    %slice3A_370 = vector.extract_strided_slice %reshape3A {offsets = [0, 4, 0], sizes = [128, 1, 128], strides = [1, 1, 1]} : vector<128x16x128xf32> to vector<128x1x128xf32>
    %squeeze3A_371 = vector.shape_cast %slice3A_370 : vector<128x1x128xf32> to vector<128x128xf32>
    %dot_general3A_372 = arith.constant dense<0.000000e+00> : vector<128x128xf32>
    %dot_general3A_373 = tpu.matmul %squeeze3A_371, %convert_element_type3A_369, %dot_general3A_372 {dimension_numbers = #tpu.dot_dimension_numbers<[1], [0], [0], [1], [0, 0, 1, 1], [], []>, transpose_lhs_hint = false} : vector<128x128xf32>, vector<128x128xf32>, vector<128x128xf32> -> vector<128x128xf32>
    %add3A_374 = arith.addf %add3A_297, %dot_general3A_373 : vector<128x128xf32>
    %jit3A_375 = arith.constant 8 : i32
    %div3A_376 = vector.broadcast %jit3A_375 : i32 to vector<128x128xi32>
    %div3A_377 = arith.divsi %iota3A_2, %div3A_376 : vector<128x128xi32>
    %sign3A_378 = arith.constant 0 : i32
    %sign3A_379 = vector.broadcast %sign3A_378 : i32 to vector<128x128xi32>
    %sign3A_380 = arith.cmpi sgt, %iota3A_2, %sign3A_379 : vector<128x128xi32>
    %sign3A_381 = arith.extui %sign3A_380 : vector<128x128xi1> to vector<128x128xi32>
    %sign3A_382 = arith.constant 0 : i32
    %sign3A_383 = vector.broadcast %sign3A_382 : i32 to vector<128x128xi32>
    %sign3A_384 = arith.cmpi slt, %iota3A_2, %sign3A_383 : vector<128x128xi32>
    %sign3A_385 = arith.extui %sign3A_384 : vector<128x128xi1> to vector<128x128xi32>
    %sign3A_386 = arith.subi %sign3A_381, %sign3A_385 : vector<128x128xi32>
    %sign3A_387 = arith.constant 0 : i32
    %sign3A_388 = arith.cmpi sgt, %jit3A_375, %sign3A_387 : i32
    %sign3A_389 = arith.extui %sign3A_388 : i1 to i32
    %sign3A_390 = arith.constant 0 : i32
    %sign3A_391 = arith.cmpi slt, %jit3A_375, %sign3A_390 : i32
    %sign3A_392 = arith.extui %sign3A_391 : i1 to i32
    %sign3A_393 = arith.subi %sign3A_389, %sign3A_392 : i32
    %ne3A_394 = vector.broadcast %sign3A_393 : i32 to vector<128x128xi32>
    %ne3A_395 = arith.cmpi ne, %sign3A_386, %ne3A_394 : vector<128x128xi32>
    %rem3A_396 = vector.broadcast %jit3A_375 : i32 to vector<128x128xi32>
    %rem3A_397 = arith.remsi %iota3A_2, %rem3A_396 : vector<128x128xi32>
    %ne3A_398 = arith.constant 0 : i32
    %ne3A_399 = vector.broadcast %ne3A_398 : i32 to vector<128x128xi32>
    %ne3A_400 = arith.cmpi ne, %rem3A_397, %ne3A_399 : vector<128x128xi32>
    %and3A_401 = arith.andi %ne3A_395, %ne3A_400 : vector<128x128xi1>
    %sub3A_402 = arith.constant 1 : i32
    %sub3A_403 = vector.broadcast %sub3A_402 : i32 to vector<128x128xi32>
    %sub3A_404 = arith.subi %div3A_377, %sub3A_403 : vector<128x128xi32>
    %select_n3A_405 = arith.select %and3A_401, %sub3A_404, %div3A_377 : vector<128x128xi1>, vector<128x128xi32>
    %eq3A_406 = arith.constant 5 : i32
    %eq3A_407 = vector.broadcast %eq3A_406 : i32 to vector<128x128xi32>
    %eq3A_408 = arith.cmpi eq, %select_n3A_405, %eq3A_407 : vector<128x128xi32>
    %jit3A_409 = arith.constant 16 : i32
    %div3A_410 = vector.broadcast %jit3A_409 : i32 to vector<128x128xi32>
    %div3A_411 = arith.divsi %iota3A, %div3A_410 : vector<128x128xi32>
    %sign3A_412 = arith.constant 0 : i32
    %sign3A_413 = vector.broadcast %sign3A_412 : i32 to vector<128x128xi32>
    %sign3A_414 = arith.cmpi sgt, %iota3A, %sign3A_413 : vector<128x128xi32>
    %sign3A_415 = arith.extui %sign3A_414 : vector<128x128xi1> to vector<128x128xi32>
    %sign3A_416 = arith.constant 0 : i32
    %sign3A_417 = vector.broadcast %sign3A_416 : i32 to vector<128x128xi32>
    %sign3A_418 = arith.cmpi slt, %iota3A, %sign3A_417 : vector<128x128xi32>
    %sign3A_419 = arith.extui %sign3A_418 : vector<128x128xi1> to vector<128x128xi32>
    %sign3A_420 = arith.subi %sign3A_415, %sign3A_419 : vector<128x128xi32>
    %sign3A_421 = arith.constant 0 : i32
    %sign3A_422 = arith.cmpi sgt, %jit3A_409, %sign3A_421 : i32
    %sign3A_423 = arith.extui %sign3A_422 : i1 to i32
    %sign3A_424 = arith.constant 0 : i32
    %sign3A_425 = arith.cmpi slt, %jit3A_409, %sign3A_424 : i32
    %sign3A_426 = arith.extui %sign3A_425 : i1 to i32
    %sign3A_427 = arith.subi %sign3A_423, %sign3A_426 : i32
    %ne3A_428 = vector.broadcast %sign3A_427 : i32 to vector<128x128xi32>
    %ne3A_429 = arith.cmpi ne, %sign3A_420, %ne3A_428 : vector<128x128xi32>
    %rem3A_430 = vector.broadcast %jit3A_409 : i32 to vector<128x128xi32>
    %rem3A_431 = arith.remsi %iota3A, %rem3A_430 : vector<128x128xi32>
    %ne3A_432 = arith.constant 0 : i32
    %ne3A_433 = vector.broadcast %ne3A_432 : i32 to vector<128x128xi32>
    %ne3A_434 = arith.cmpi ne, %rem3A_431, %ne3A_433 : vector<128x128xi32>
    %and3A_435 = arith.andi %ne3A_429, %ne3A_434 : vector<128x128xi1>
    %sub3A_436 = arith.constant 1 : i32
    %sub3A_437 = vector.broadcast %sub3A_436 : i32 to vector<128x128xi32>
    %sub3A_438 = arith.subi %div3A_411, %sub3A_437 : vector<128x128xi32>
    %select_n3A_439 = arith.select %and3A_435, %sub3A_438, %div3A_411 : vector<128x128xi1>, vector<128x128xi32>
    %sub3A_440 = arith.constant 40 : i32
    %sub3A_441 = vector.broadcast %sub3A_440 : i32 to vector<128x128xi32>
    %sub3A_442 = arith.subi %iota3A_2, %sub3A_441 : vector<128x128xi32>
    %eq3A_443 = arith.cmpi eq, %select_n3A_439, %sub3A_442 : vector<128x128xi32>
    %and3A_444 = arith.andi %eq3A_408, %eq3A_443 : vector<128x128xi1>
    %convert_element_type3A_445 = arith.extui %and3A_444 : vector<128x128xi1> to vector<128x128xi32>
    %convert_element_type3A_446 = arith.sitofp %convert_element_type3A_445 : vector<128x128xi32> to vector<128x128xf32>
    %slice3A_447 = vector.extract_strided_slice %reshape3A {offsets = [0, 5, 0], sizes = [128, 1, 128], strides = [1, 1, 1]} : vector<128x16x128xf32> to vector<128x1x128xf32>
    %squeeze3A_448 = vector.shape_cast %slice3A_447 : vector<128x1x128xf32> to vector<128x128xf32>
    %dot_general3A_449 = arith.constant dense<0.000000e+00> : vector<128x128xf32>
    %dot_general3A_450 = tpu.matmul %squeeze3A_448, %convert_element_type3A_446, %dot_general3A_449 {dimension_numbers = #tpu.dot_dimension_numbers<[1], [0], [0], [1], [0, 0, 1, 1], [], []>, transpose_lhs_hint = false} : vector<128x128xf32>, vector<128x128xf32>, vector<128x128xf32> -> vector<128x128xf32>
    %add3A_451 = arith.addf %add3A_374, %dot_general3A_450 : vector<128x128xf32>
    %jit3A_452 = arith.constant 8 : i32
    %div3A_453 = vector.broadcast %jit3A_452 : i32 to vector<128x128xi32>
    %div3A_454 = arith.divsi %iota3A_2, %div3A_453 : vector<128x128xi32>
    %sign3A_455 = arith.constant 0 : i32
    %sign3A_456 = vector.broadcast %sign3A_455 : i32 to vector<128x128xi32>
    %sign3A_457 = arith.cmpi sgt, %iota3A_2, %sign3A_456 : vector<128x128xi32>
    %sign3A_458 = arith.extui %sign3A_457 : vector<128x128xi1> to vector<128x128xi32>
    %sign3A_459 = arith.constant 0 : i32
    %sign3A_460 = vector.broadcast %sign3A_459 : i32 to vector<128x128xi32>
    %sign3A_461 = arith.cmpi slt, %iota3A_2, %sign3A_460 : vector<128x128xi32>
    %sign3A_462 = arith.extui %sign3A_461 : vector<128x128xi1> to vector<128x128xi32>
    %sign3A_463 = arith.subi %sign3A_458, %sign3A_462 : vector<128x128xi32>
    %sign3A_464 = arith.constant 0 : i32
    %sign3A_465 = arith.cmpi sgt, %jit3A_452, %sign3A_464 : i32
    %sign3A_466 = arith.extui %sign3A_465 : i1 to i32
    %sign3A_467 = arith.constant 0 : i32
    %sign3A_468 = arith.cmpi slt, %jit3A_452, %sign3A_467 : i32
    %sign3A_469 = arith.extui %sign3A_468 : i1 to i32
    %sign3A_470 = arith.subi %sign3A_466, %sign3A_469 : i32
    %ne3A_471 = vector.broadcast %sign3A_470 : i32 to vector<128x128xi32>
    %ne3A_472 = arith.cmpi ne, %sign3A_463, %ne3A_471 : vector<128x128xi32>
    %rem3A_473 = vector.broadcast %jit3A_452 : i32 to vector<128x128xi32>
    %rem3A_474 = arith.remsi %iota3A_2, %rem3A_473 : vector<128x128xi32>
    %ne3A_475 = arith.constant 0 : i32
    %ne3A_476 = vector.broadcast %ne3A_475 : i32 to vector<128x128xi32>
    %ne3A_477 = arith.cmpi ne, %rem3A_474, %ne3A_476 : vector<128x128xi32>
    %and3A_478 = arith.andi %ne3A_472, %ne3A_477 : vector<128x128xi1>
    %sub3A_479 = arith.constant 1 : i32
    %sub3A_480 = vector.broadcast %sub3A_479 : i32 to vector<128x128xi32>
    %sub3A_481 = arith.subi %div3A_454, %sub3A_480 : vector<128x128xi32>
    %select_n3A_482 = arith.select %and3A_478, %sub3A_481, %div3A_454 : vector<128x128xi1>, vector<128x128xi32>
    %eq3A_483 = arith.constant 6 : i32
    %eq3A_484 = vector.broadcast %eq3A_483 : i32 to vector<128x128xi32>
    %eq3A_485 = arith.cmpi eq, %select_n3A_482, %eq3A_484 : vector<128x128xi32>
    %jit3A_486 = arith.constant 16 : i32
    %div3A_487 = vector.broadcast %jit3A_486 : i32 to vector<128x128xi32>
    %div3A_488 = arith.divsi %iota3A, %div3A_487 : vector<128x128xi32>
    %sign3A_489 = arith.constant 0 : i32
    %sign3A_490 = vector.broadcast %sign3A_489 : i32 to vector<128x128xi32>
    %sign3A_491 = arith.cmpi sgt, %iota3A, %sign3A_490 : vector<128x128xi32>
    %sign3A_492 = arith.extui %sign3A_491 : vector<128x128xi1> to vector<128x128xi32>
    %sign3A_493 = arith.constant 0 : i32
    %sign3A_494 = vector.broadcast %sign3A_493 : i32 to vector<128x128xi32>
    %sign3A_495 = arith.cmpi slt, %iota3A, %sign3A_494 : vector<128x128xi32>
    %sign3A_496 = arith.extui %sign3A_495 : vector<128x128xi1> to vector<128x128xi32>
    %sign3A_497 = arith.subi %sign3A_492, %sign3A_496 : vector<128x128xi32>
    %sign3A_498 = arith.constant 0 : i32
    %sign3A_499 = arith.cmpi sgt, %jit3A_486, %sign3A_498 : i32
    %sign3A_500 = arith.extui %sign3A_499 : i1 to i32
    %sign3A_501 = arith.constant 0 : i32
    %sign3A_502 = arith.cmpi slt, %jit3A_486, %sign3A_501 : i32
    %sign3A_503 = arith.extui %sign3A_502 : i1 to i32
    %sign3A_504 = arith.subi %sign3A_500, %sign3A_503 : i32
    %ne3A_505 = vector.broadcast %sign3A_504 : i32 to vector<128x128xi32>
    %ne3A_506 = arith.cmpi ne, %sign3A_497, %ne3A_505 : vector<128x128xi32>
    %rem3A_507 = vector.broadcast %jit3A_486 : i32 to vector<128x128xi32>
    %rem3A_508 = arith.remsi %iota3A, %rem3A_507 : vector<128x128xi32>
    %ne3A_509 = arith.constant 0 : i32
    %ne3A_510 = vector.broadcast %ne3A_509 : i32 to vector<128x128xi32>
    %ne3A_511 = arith.cmpi ne, %rem3A_508, %ne3A_510 : vector<128x128xi32>
    %and3A_512 = arith.andi %ne3A_506, %ne3A_511 : vector<128x128xi1>
    %sub3A_513 = arith.constant 1 : i32
    %sub3A_514 = vector.broadcast %sub3A_513 : i32 to vector<128x128xi32>
    %sub3A_515 = arith.subi %div3A_488, %sub3A_514 : vector<128x128xi32>
    %select_n3A_516 = arith.select %and3A_512, %sub3A_515, %div3A_488 : vector<128x128xi1>, vector<128x128xi32>
    %sub3A_517 = arith.constant 48 : i32
    %sub3A_518 = vector.broadcast %sub3A_517 : i32 to vector<128x128xi32>
    %sub3A_519 = arith.subi %iota3A_2, %sub3A_518 : vector<128x128xi32>
    %eq3A_520 = arith.cmpi eq, %select_n3A_516, %sub3A_519 : vector<128x128xi32>
    %and3A_521 = arith.andi %eq3A_485, %eq3A_520 : vector<128x128xi1>
    %convert_element_type3A_522 = arith.extui %and3A_521 : vector<128x128xi1> to vector<128x128xi32>
    %convert_element_type3A_523 = arith.sitofp %convert_element_type3A_522 : vector<128x128xi32> to vector<128x128xf32>
    %slice3A_524 = vector.extract_strided_slice %reshape3A {offsets = [0, 6, 0], sizes = [128, 1, 128], strides = [1, 1, 1]} : vector<128x16x128xf32> to vector<128x1x128xf32>
    %squeeze3A_525 = vector.shape_cast %slice3A_524 : vector<128x1x128xf32> to vector<128x128xf32>
    %dot_general3A_526 = arith.constant dense<0.000000e+00> : vector<128x128xf32>
    %dot_general3A_527 = tpu.matmul %squeeze3A_525, %convert_element_type3A_523, %dot_general3A_526 {dimension_numbers = #tpu.dot_dimension_numbers<[1], [0], [0], [1], [0, 0, 1, 1], [], []>, transpose_lhs_hint = false} : vector<128x128xf32>, vector<128x128xf32>, vector<128x128xf32> -> vector<128x128xf32>
    %add3A_528 = arith.addf %add3A_451, %dot_general3A_527 : vector<128x128xf32>
    %jit3A_529 = arith.constant 8 : i32
    %div3A_530 = vector.broadcast %jit3A_529 : i32 to vector<128x128xi32>
    %div3A_531 = arith.divsi %iota3A_2, %div3A_530 : vector<128x128xi32>
    %sign3A_532 = arith.constant 0 : i32
    %sign3A_533 = vector.broadcast %sign3A_532 : i32 to vector<128x128xi32>
    %sign3A_534 = arith.cmpi sgt, %iota3A_2, %sign3A_533 : vector<128x128xi32>
    %sign3A_535 = arith.extui %sign3A_534 : vector<128x128xi1> to vector<128x128xi32>
    %sign3A_536 = arith.constant 0 : i32
    %sign3A_537 = vector.broadcast %sign3A_536 : i32 to vector<128x128xi32>
    %sign3A_538 = arith.cmpi slt, %iota3A_2, %sign3A_537 : vector<128x128xi32>
    %sign3A_539 = arith.extui %sign3A_538 : vector<128x128xi1> to vector<128x128xi32>
    %sign3A_540 = arith.subi %sign3A_535, %sign3A_539 : vector<128x128xi32>
    %sign3A_541 = arith.constant 0 : i32
    %sign3A_542 = arith.cmpi sgt, %jit3A_529, %sign3A_541 : i32
    %sign3A_543 = arith.extui %sign3A_542 : i1 to i32
    %sign3A_544 = arith.constant 0 : i32
    %sign3A_545 = arith.cmpi slt, %jit3A_529, %sign3A_544 : i32
    %sign3A_546 = arith.extui %sign3A_545 : i1 to i32
    %sign3A_547 = arith.subi %sign3A_543, %sign3A_546 : i32
    %ne3A_548 = vector.broadcast %sign3A_547 : i32 to vector<128x128xi32>
    %ne3A_549 = arith.cmpi ne, %sign3A_540, %ne3A_548 : vector<128x128xi32>
    %rem3A_550 = vector.broadcast %jit3A_529 : i32 to vector<128x128xi32>
    %rem3A_551 = arith.remsi %iota3A_2, %rem3A_550 : vector<128x128xi32>
    %ne3A_552 = arith.constant 0 : i32
    %ne3A_553 = vector.broadcast %ne3A_552 : i32 to vector<128x128xi32>
    %ne3A_554 = arith.cmpi ne, %rem3A_551, %ne3A_553 : vector<128x128xi32>
    %and3A_555 = arith.andi %ne3A_549, %ne3A_554 : vector<128x128xi1>
    %sub3A_556 = arith.constant 1 : i32
    %sub3A_557 = vector.broadcast %sub3A_556 : i32 to vector<128x128xi32>
    %sub3A_558 = arith.subi %div3A_531, %sub3A_557 : vector<128x128xi32>
    %select_n3A_559 = arith.select %and3A_555, %sub3A_558, %div3A_531 : vector<128x128xi1>, vector<128x128xi32>
    %eq3A_560 = arith.constant 7 : i32
    %eq3A_561 = vector.broadcast %eq3A_560 : i32 to vector<128x128xi32>
    %eq3A_562 = arith.cmpi eq, %select_n3A_559, %eq3A_561 : vector<128x128xi32>
    %jit3A_563 = arith.constant 16 : i32
    %div3A_564 = vector.broadcast %jit3A_563 : i32 to vector<128x128xi32>
    %div3A_565 = arith.divsi %iota3A, %div3A_564 : vector<128x128xi32>
    %sign3A_566 = arith.constant 0 : i32
    %sign3A_567 = vector.broadcast %sign3A_566 : i32 to vector<128x128xi32>
    %sign3A_568 = arith.cmpi sgt, %iota3A, %sign3A_567 : vector<128x128xi32>
    %sign3A_569 = arith.extui %sign3A_568 : vector<128x128xi1> to vector<128x128xi32>
    %sign3A_570 = arith.constant 0 : i32
    %sign3A_571 = vector.broadcast %sign3A_570 : i32 to vector<128x128xi32>
    %sign3A_572 = arith.cmpi slt, %iota3A, %sign3A_571 : vector<128x128xi32>
    %sign3A_573 = arith.extui %sign3A_572 : vector<128x128xi1> to vector<128x128xi32>
    %sign3A_574 = arith.subi %sign3A_569, %sign3A_573 : vector<128x128xi32>
    %sign3A_575 = arith.constant 0 : i32
    %sign3A_576 = arith.cmpi sgt, %jit3A_563, %sign3A_575 : i32
    %sign3A_577 = arith.extui %sign3A_576 : i1 to i32
    %sign3A_578 = arith.constant 0 : i32
    %sign3A_579 = arith.cmpi slt, %jit3A_563, %sign3A_578 : i32
    %sign3A_580 = arith.extui %sign3A_579 : i1 to i32
    %sign3A_581 = arith.subi %sign3A_577, %sign3A_580 : i32
    %ne3A_582 = vector.broadcast %sign3A_581 : i32 to vector<128x128xi32>
    %ne3A_583 = arith.cmpi ne, %sign3A_574, %ne3A_582 : vector<128x128xi32>
    %rem3A_584 = vector.broadcast %jit3A_563 : i32 to vector<128x128xi32>
    %rem3A_585 = arith.remsi %iota3A, %rem3A_584 : vector<128x128xi32>
    %ne3A_586 = arith.constant 0 : i32
    %ne3A_587 = vector.broadcast %ne3A_586 : i32 to vector<128x128xi32>
    %ne3A_588 = arith.cmpi ne, %rem3A_585, %ne3A_587 : vector<128x128xi32>
    %and3A_589 = arith.andi %ne3A_583, %ne3A_588 : vector<128x128xi1>
    %sub3A_590 = arith.constant 1 : i32
    %sub3A_591 = vector.broadcast %sub3A_590 : i32 to vector<128x128xi32>
    %sub3A_592 = arith.subi %div3A_565, %sub3A_591 : vector<128x128xi32>
    %select_n3A_593 = arith.select %and3A_589, %sub3A_592, %div3A_565 : vector<128x128xi1>, vector<128x128xi32>
    %sub3A_594 = arith.constant 56 : i32
    %sub3A_595 = vector.broadcast %sub3A_594 : i32 to vector<128x128xi32>
    %sub3A_596 = arith.subi %iota3A_2, %sub3A_595 : vector<128x128xi32>
    %eq3A_597 = arith.cmpi eq, %select_n3A_593, %sub3A_596 : vector<128x128xi32>
    %and3A_598 = arith.andi %eq3A_562, %eq3A_597 : vector<128x128xi1>
    %convert_element_type3A_599 = arith.extui %and3A_598 : vector<128x128xi1> to vector<128x128xi32>
    %convert_element_type3A_600 = arith.sitofp %convert_element_type3A_599 : vector<128x128xi32> to vector<128x128xf32>
    %slice3A_601 = vector.extract_strided_slice %reshape3A {offsets = [0, 7, 0], sizes = [128, 1, 128], strides = [1, 1, 1]} : vector<128x16x128xf32> to vector<128x1x128xf32>
    %squeeze3A_602 = vector.shape_cast %slice3A_601 : vector<128x1x128xf32> to vector<128x128xf32>
    %dot_general3A_603 = arith.constant dense<0.000000e+00> : vector<128x128xf32>
    %dot_general3A_604 = tpu.matmul %squeeze3A_602, %convert_element_type3A_600, %dot_general3A_603 {dimension_numbers = #tpu.dot_dimension_numbers<[1], [0], [0], [1], [0, 0, 1, 1], [], []>, transpose_lhs_hint = false} : vector<128x128xf32>, vector<128x128xf32>, vector<128x128xf32> -> vector<128x128xf32>
    %add3A_605 = arith.addf %add3A_528, %dot_general3A_604 : vector<128x128xf32>
    %jit3A_606 = arith.constant 8 : i32
    %div3A_607 = vector.broadcast %jit3A_606 : i32 to vector<128x128xi32>
    %div3A_608 = arith.divsi %iota3A_2, %div3A_607 : vector<128x128xi32>
    %sign3A_609 = arith.constant 0 : i32
    %sign3A_610 = vector.broadcast %sign3A_609 : i32 to vector<128x128xi32>
    %sign3A_611 = arith.cmpi sgt, %iota3A_2, %sign3A_610 : vector<128x128xi32>
    %sign3A_612 = arith.extui %sign3A_611 : vector<128x128xi1> to vector<128x128xi32>
    %sign3A_613 = arith.constant 0 : i32
    %sign3A_614 = vector.broadcast %sign3A_613 : i32 to vector<128x128xi32>
    %sign3A_615 = arith.cmpi slt, %iota3A_2, %sign3A_614 : vector<128x128xi32>
    %sign3A_616 = arith.extui %sign3A_615 : vector<128x128xi1> to vector<128x128xi32>
    %sign3A_617 = arith.subi %sign3A_612, %sign3A_616 : vector<128x128xi32>
    %sign3A_618 = arith.constant 0 : i32
    %sign3A_619 = arith.cmpi sgt, %jit3A_606, %sign3A_618 : i32
    %sign3A_620 = arith.extui %sign3A_619 : i1 to i32
    %sign3A_621 = arith.constant 0 : i32
    %sign3A_622 = arith.cmpi slt, %jit3A_606, %sign3A_621 : i32
    %sign3A_623 = arith.extui %sign3A_622 : i1 to i32
    %sign3A_624 = arith.subi %sign3A_620, %sign3A_623 : i32
    %ne3A_625 = vector.broadcast %sign3A_624 : i32 to vector<128x128xi32>
    %ne3A_626 = arith.cmpi ne, %sign3A_617, %ne3A_625 : vector<128x128xi32>
    %rem3A_627 = vector.broadcast %jit3A_606 : i32 to vector<128x128xi32>
    %rem3A_628 = arith.remsi %iota3A_2, %rem3A_627 : vector<128x128xi32>
    %ne3A_629 = arith.constant 0 : i32
    %ne3A_630 = vector.broadcast %ne3A_629 : i32 to vector<128x128xi32>
    %ne3A_631 = arith.cmpi ne, %rem3A_628, %ne3A_630 : vector<128x128xi32>
    %and3A_632 = arith.andi %ne3A_626, %ne3A_631 : vector<128x128xi1>
    %sub3A_633 = arith.constant 1 : i32
    %sub3A_634 = vector.broadcast %sub3A_633 : i32 to vector<128x128xi32>
    %sub3A_635 = arith.subi %div3A_608, %sub3A_634 : vector<128x128xi32>
    %select_n3A_636 = arith.select %and3A_632, %sub3A_635, %div3A_608 : vector<128x128xi1>, vector<128x128xi32>
    %eq3A_637 = arith.constant 8 : i32
    %eq3A_638 = vector.broadcast %eq3A_637 : i32 to vector<128x128xi32>
    %eq3A_639 = arith.cmpi eq, %select_n3A_636, %eq3A_638 : vector<128x128xi32>
    %jit3A_640 = arith.constant 16 : i32
    %div3A_641 = vector.broadcast %jit3A_640 : i32 to vector<128x128xi32>
    %div3A_642 = arith.divsi %iota3A, %div3A_641 : vector<128x128xi32>
    %sign3A_643 = arith.constant 0 : i32
    %sign3A_644 = vector.broadcast %sign3A_643 : i32 to vector<128x128xi32>
    %sign3A_645 = arith.cmpi sgt, %iota3A, %sign3A_644 : vector<128x128xi32>
    %sign3A_646 = arith.extui %sign3A_645 : vector<128x128xi1> to vector<128x128xi32>
    %sign3A_647 = arith.constant 0 : i32
    %sign3A_648 = vector.broadcast %sign3A_647 : i32 to vector<128x128xi32>
    %sign3A_649 = arith.cmpi slt, %iota3A, %sign3A_648 : vector<128x128xi32>
    %sign3A_650 = arith.extui %sign3A_649 : vector<128x128xi1> to vector<128x128xi32>
    %sign3A_651 = arith.subi %sign3A_646, %sign3A_650 : vector<128x128xi32>
    %sign3A_652 = arith.constant 0 : i32
    %sign3A_653 = arith.cmpi sgt, %jit3A_640, %sign3A_652 : i32
    %sign3A_654 = arith.extui %sign3A_653 : i1 to i32
    %sign3A_655 = arith.constant 0 : i32
    %sign3A_656 = arith.cmpi slt, %jit3A_640, %sign3A_655 : i32
    %sign3A_657 = arith.extui %sign3A_656 : i1 to i32
    %sign3A_658 = arith.subi %sign3A_654, %sign3A_657 : i32
    %ne3A_659 = vector.broadcast %sign3A_658 : i32 to vector<128x128xi32>
    %ne3A_660 = arith.cmpi ne, %sign3A_651, %ne3A_659 : vector<128x128xi32>
    %rem3A_661 = vector.broadcast %jit3A_640 : i32 to vector<128x128xi32>
    %rem3A_662 = arith.remsi %iota3A, %rem3A_661 : vector<128x128xi32>
    %ne3A_663 = arith.constant 0 : i32
    %ne3A_664 = vector.broadcast %ne3A_663 : i32 to vector<128x128xi32>
    %ne3A_665 = arith.cmpi ne, %rem3A_662, %ne3A_664 : vector<128x128xi32>
    %and3A_666 = arith.andi %ne3A_660, %ne3A_665 : vector<128x128xi1>
    %sub3A_667 = arith.constant 1 : i32
    %sub3A_668 = vector.broadcast %sub3A_667 : i32 to vector<128x128xi32>
    %sub3A_669 = arith.subi %div3A_642, %sub3A_668 : vector<128x128xi32>
    %select_n3A_670 = arith.select %and3A_666, %sub3A_669, %div3A_642 : vector<128x128xi1>, vector<128x128xi32>
    %sub3A_671 = arith.constant 64 : i32
    %sub3A_672 = vector.broadcast %sub3A_671 : i32 to vector<128x128xi32>
    %sub3A_673 = arith.subi %iota3A_2, %sub3A_672 : vector<128x128xi32>
    %eq3A_674 = arith.cmpi eq, %select_n3A_670, %sub3A_673 : vector<128x128xi32>
    %and3A_675 = arith.andi %eq3A_639, %eq3A_674 : vector<128x128xi1>
    %convert_element_type3A_676 = arith.extui %and3A_675 : vector<128x128xi1> to vector<128x128xi32>
    %convert_element_type3A_677 = arith.sitofp %convert_element_type3A_676 : vector<128x128xi32> to vector<128x128xf32>
    %slice3A_678 = vector.extract_strided_slice %reshape3A {offsets = [0, 8, 0], sizes = [128, 1, 128], strides = [1, 1, 1]} : vector<128x16x128xf32> to vector<128x1x128xf32>
    %squeeze3A_679 = vector.shape_cast %slice3A_678 : vector<128x1x128xf32> to vector<128x128xf32>
    %dot_general3A_680 = arith.constant dense<0.000000e+00> : vector<128x128xf32>
    %dot_general3A_681 = tpu.matmul %squeeze3A_679, %convert_element_type3A_677, %dot_general3A_680 {dimension_numbers = #tpu.dot_dimension_numbers<[1], [0], [0], [1], [0, 0, 1, 1], [], []>, transpose_lhs_hint = false} : vector<128x128xf32>, vector<128x128xf32>, vector<128x128xf32> -> vector<128x128xf32>
    %add3A_682 = arith.addf %add3A_605, %dot_general3A_681 : vector<128x128xf32>
    %jit3A_683 = arith.constant 8 : i32
    %div3A_684 = vector.broadcast %jit3A_683 : i32 to vector<128x128xi32>
    %div3A_685 = arith.divsi %iota3A_2, %div3A_684 : vector<128x128xi32>
    %sign3A_686 = arith.constant 0 : i32
    %sign3A_687 = vector.broadcast %sign3A_686 : i32 to vector<128x128xi32>
    %sign3A_688 = arith.cmpi sgt, %iota3A_2, %sign3A_687 : vector<128x128xi32>
    %sign3A_689 = arith.extui %sign3A_688 : vector<128x128xi1> to vector<128x128xi32>
    %sign3A_690 = arith.constant 0 : i32
    %sign3A_691 = vector.broadcast %sign3A_690 : i32 to vector<128x128xi32>
    %sign3A_692 = arith.cmpi slt, %iota3A_2, %sign3A_691 : vector<128x128xi32>
    %sign3A_693 = arith.extui %sign3A_692 : vector<128x128xi1> to vector<128x128xi32>
    %sign3A_694 = arith.subi %sign3A_689, %sign3A_693 : vector<128x128xi32>
    %sign3A_695 = arith.constant 0 : i32
    %sign3A_696 = arith.cmpi sgt, %jit3A_683, %sign3A_695 : i32
    %sign3A_697 = arith.extui %sign3A_696 : i1 to i32
    %sign3A_698 = arith.constant 0 : i32
    %sign3A_699 = arith.cmpi slt, %jit3A_683, %sign3A_698 : i32
    %sign3A_700 = arith.extui %sign3A_699 : i1 to i32
    %sign3A_701 = arith.subi %sign3A_697, %sign3A_700 : i32
    %ne3A_702 = vector.broadcast %sign3A_701 : i32 to vector<128x128xi32>
    %ne3A_703 = arith.cmpi ne, %sign3A_694, %ne3A_702 : vector<128x128xi32>
    %rem3A_704 = vector.broadcast %jit3A_683 : i32 to vector<128x128xi32>
    %rem3A_705 = arith.remsi %iota3A_2, %rem3A_704 : vector<128x128xi32>
    %ne3A_706 = arith.constant 0 : i32
    %ne3A_707 = vector.broadcast %ne3A_706 : i32 to vector<128x128xi32>
    %ne3A_708 = arith.cmpi ne, %rem3A_705, %ne3A_707 : vector<128x128xi32>
    %and3A_709 = arith.andi %ne3A_703, %ne3A_708 : vector<128x128xi1>
    %sub3A_710 = arith.constant 1 : i32
    %sub3A_711 = vector.broadcast %sub3A_710 : i32 to vector<128x128xi32>
    %sub3A_712 = arith.subi %div3A_685, %sub3A_711 : vector<128x128xi32>
    %select_n3A_713 = arith.select %and3A_709, %sub3A_712, %div3A_685 : vector<128x128xi1>, vector<128x128xi32>
    %eq3A_714 = arith.constant 9 : i32
    %eq3A_715 = vector.broadcast %eq3A_714 : i32 to vector<128x128xi32>
    %eq3A_716 = arith.cmpi eq, %select_n3A_713, %eq3A_715 : vector<128x128xi32>
    %jit3A_717 = arith.constant 16 : i32
    %div3A_718 = vector.broadcast %jit3A_717 : i32 to vector<128x128xi32>
    %div3A_719 = arith.divsi %iota3A, %div3A_718 : vector<128x128xi32>
    %sign3A_720 = arith.constant 0 : i32
    %sign3A_721 = vector.broadcast %sign3A_720 : i32 to vector<128x128xi32>
    %sign3A_722 = arith.cmpi sgt, %iota3A, %sign3A_721 : vector<128x128xi32>
    %sign3A_723 = arith.extui %sign3A_722 : vector<128x128xi1> to vector<128x128xi32>
    %sign3A_724 = arith.constant 0 : i32
    %sign3A_725 = vector.broadcast %sign3A_724 : i32 to vector<128x128xi32>
    %sign3A_726 = arith.cmpi slt, %iota3A, %sign3A_725 : vector<128x128xi32>
    %sign3A_727 = arith.extui %sign3A_726 : vector<128x128xi1> to vector<128x128xi32>
    %sign3A_728 = arith.subi %sign3A_723, %sign3A_727 : vector<128x128xi32>
    %sign3A_729 = arith.constant 0 : i32
    %sign3A_730 = arith.cmpi sgt, %jit3A_717, %sign3A_729 : i32
    %sign3A_731 = arith.extui %sign3A_730 : i1 to i32
    %sign3A_732 = arith.constant 0 : i32
    %sign3A_733 = arith.cmpi slt, %jit3A_717, %sign3A_732 : i32
    %sign3A_734 = arith.extui %sign3A_733 : i1 to i32
    %sign3A_735 = arith.subi %sign3A_731, %sign3A_734 : i32
    %ne3A_736 = vector.broadcast %sign3A_735 : i32 to vector<128x128xi32>
    %ne3A_737 = arith.cmpi ne, %sign3A_728, %ne3A_736 : vector<128x128xi32>
    %rem3A_738 = vector.broadcast %jit3A_717 : i32 to vector<128x128xi32>
    %rem3A_739 = arith.remsi %iota3A, %rem3A_738 : vector<128x128xi32>
    %ne3A_740 = arith.constant 0 : i32
    %ne3A_741 = vector.broadcast %ne3A_740 : i32 to vector<128x128xi32>
    %ne3A_742 = arith.cmpi ne, %rem3A_739, %ne3A_741 : vector<128x128xi32>
    %and3A_743 = arith.andi %ne3A_737, %ne3A_742 : vector<128x128xi1>
    %sub3A_744 = arith.constant 1 : i32
    %sub3A_745 = vector.broadcast %sub3A_744 : i32 to vector<128x128xi32>
    %sub3A_746 = arith.subi %div3A_719, %sub3A_745 : vector<128x128xi32>
    %select_n3A_747 = arith.select %and3A_743, %sub3A_746, %div3A_719 : vector<128x128xi1>, vector<128x128xi32>
    %sub3A_748 = arith.constant 72 : i32
    %sub3A_749 = vector.broadcast %sub3A_748 : i32 to vector<128x128xi32>
    %sub3A_750 = arith.subi %iota3A_2, %sub3A_749 : vector<128x128xi32>
    %eq3A_751 = arith.cmpi eq, %select_n3A_747, %sub3A_750 : vector<128x128xi32>
    %and3A_752 = arith.andi %eq3A_716, %eq3A_751 : vector<128x128xi1>
    %convert_element_type3A_753 = arith.extui %and3A_752 : vector<128x128xi1> to vector<128x128xi32>
    %convert_element_type3A_754 = arith.sitofp %convert_element_type3A_753 : vector<128x128xi32> to vector<128x128xf32>
    %slice3A_755 = vector.extract_strided_slice %reshape3A {offsets = [0, 9, 0], sizes = [128, 1, 128], strides = [1, 1, 1]} : vector<128x16x128xf32> to vector<128x1x128xf32>
    %squeeze3A_756 = vector.shape_cast %slice3A_755 : vector<128x1x128xf32> to vector<128x128xf32>
    %dot_general3A_757 = arith.constant dense<0.000000e+00> : vector<128x128xf32>
    %dot_general3A_758 = tpu.matmul %squeeze3A_756, %convert_element_type3A_754, %dot_general3A_757 {dimension_numbers = #tpu.dot_dimension_numbers<[1], [0], [0], [1], [0, 0, 1, 1], [], []>, transpose_lhs_hint = false} : vector<128x128xf32>, vector<128x128xf32>, vector<128x128xf32> -> vector<128x128xf32>
    %add3A_759 = arith.addf %add3A_682, %dot_general3A_758 : vector<128x128xf32>
    %jit3A_760 = arith.constant 8 : i32
    %div3A_761 = vector.broadcast %jit3A_760 : i32 to vector<128x128xi32>
    %div3A_762 = arith.divsi %iota3A_2, %div3A_761 : vector<128x128xi32>
    %sign3A_763 = arith.constant 0 : i32
    %sign3A_764 = vector.broadcast %sign3A_763 : i32 to vector<128x128xi32>
    %sign3A_765 = arith.cmpi sgt, %iota3A_2, %sign3A_764 : vector<128x128xi32>
    %sign3A_766 = arith.extui %sign3A_765 : vector<128x128xi1> to vector<128x128xi32>
    %sign3A_767 = arith.constant 0 : i32
    %sign3A_768 = vector.broadcast %sign3A_767 : i32 to vector<128x128xi32>
    %sign3A_769 = arith.cmpi slt, %iota3A_2, %sign3A_768 : vector<128x128xi32>
    %sign3A_770 = arith.extui %sign3A_769 : vector<128x128xi1> to vector<128x128xi32>
    %sign3A_771 = arith.subi %sign3A_766, %sign3A_770 : vector<128x128xi32>
    %sign3A_772 = arith.constant 0 : i32
    %sign3A_773 = arith.cmpi sgt, %jit3A_760, %sign3A_772 : i32
    %sign3A_774 = arith.extui %sign3A_773 : i1 to i32
    %sign3A_775 = arith.constant 0 : i32
    %sign3A_776 = arith.cmpi slt, %jit3A_760, %sign3A_775 : i32
    %sign3A_777 = arith.extui %sign3A_776 : i1 to i32
    %sign3A_778 = arith.subi %sign3A_774, %sign3A_777 : i32
    %ne3A_779 = vector.broadcast %sign3A_778 : i32 to vector<128x128xi32>
    %ne3A_780 = arith.cmpi ne, %sign3A_771, %ne3A_779 : vector<128x128xi32>
    %rem3A_781 = vector.broadcast %jit3A_760 : i32 to vector<128x128xi32>
    %rem3A_782 = arith.remsi %iota3A_2, %rem3A_781 : vector<128x128xi32>
    %ne3A_783 = arith.constant 0 : i32
    %ne3A_784 = vector.broadcast %ne3A_783 : i32 to vector<128x128xi32>
    %ne3A_785 = arith.cmpi ne, %rem3A_782, %ne3A_784 : vector<128x128xi32>
    %and3A_786 = arith.andi %ne3A_780, %ne3A_785 : vector<128x128xi1>
    %sub3A_787 = arith.constant 1 : i32
    %sub3A_788 = vector.broadcast %sub3A_787 : i32 to vector<128x128xi32>
    %sub3A_789 = arith.subi %div3A_762, %sub3A_788 : vector<128x128xi32>
    %select_n3A_790 = arith.select %and3A_786, %sub3A_789, %div3A_762 : vector<128x128xi1>, vector<128x128xi32>
    %eq3A_791 = arith.constant 10 : i32
    %eq3A_792 = vector.broadcast %eq3A_791 : i32 to vector<128x128xi32>
    %eq3A_793 = arith.cmpi eq, %select_n3A_790, %eq3A_792 : vector<128x128xi32>
    %jit3A_794 = arith.constant 16 : i32
    %div3A_795 = vector.broadcast %jit3A_794 : i32 to vector<128x128xi32>
    %div3A_796 = arith.divsi %iota3A, %div3A_795 : vector<128x128xi32>
    %sign3A_797 = arith.constant 0 : i32
    %sign3A_798 = vector.broadcast %sign3A_797 : i32 to vector<128x128xi32>
    %sign3A_799 = arith.cmpi sgt, %iota3A, %sign3A_798 : vector<128x128xi32>
    %sign3A_800 = arith.extui %sign3A_799 : vector<128x128xi1> to vector<128x128xi32>
    %sign3A_801 = arith.constant 0 : i32
    %sign3A_802 = vector.broadcast %sign3A_801 : i32 to vector<128x128xi32>
    %sign3A_803 = arith.cmpi slt, %iota3A, %sign3A_802 : vector<128x128xi32>
    %sign3A_804 = arith.extui %sign3A_803 : vector<128x128xi1> to vector<128x128xi32>
    %sign3A_805 = arith.subi %sign3A_800, %sign3A_804 : vector<128x128xi32>
    %sign3A_806 = arith.constant 0 : i32
    %sign3A_807 = arith.cmpi sgt, %jit3A_794, %sign3A_806 : i32
    %sign3A_808 = arith.extui %sign3A_807 : i1 to i32
    %sign3A_809 = arith.constant 0 : i32
    %sign3A_810 = arith.cmpi slt, %jit3A_794, %sign3A_809 : i32
    %sign3A_811 = arith.extui %sign3A_810 : i1 to i32
    %sign3A_812 = arith.subi %sign3A_808, %sign3A_811 : i32
    %ne3A_813 = vector.broadcast %sign3A_812 : i32 to vector<128x128xi32>
    %ne3A_814 = arith.cmpi ne, %sign3A_805, %ne3A_813 : vector<128x128xi32>
    %rem3A_815 = vector.broadcast %jit3A_794 : i32 to vector<128x128xi32>
    %rem3A_816 = arith.remsi %iota3A, %rem3A_815 : vector<128x128xi32>
    %ne3A_817 = arith.constant 0 : i32
    %ne3A_818 = vector.broadcast %ne3A_817 : i32 to vector<128x128xi32>
    %ne3A_819 = arith.cmpi ne, %rem3A_816, %ne3A_818 : vector<128x128xi32>
    %and3A_820 = arith.andi %ne3A_814, %ne3A_819 : vector<128x128xi1>
    %sub3A_821 = arith.constant 1 : i32
    %sub3A_822 = vector.broadcast %sub3A_821 : i32 to vector<128x128xi32>
    %sub3A_823 = arith.subi %div3A_796, %sub3A_822 : vector<128x128xi32>
    %select_n3A_824 = arith.select %and3A_820, %sub3A_823, %div3A_796 : vector<128x128xi1>, vector<128x128xi32>
    %sub3A_825 = arith.constant 80 : i32
    %sub3A_826 = vector.broadcast %sub3A_825 : i32 to vector<128x128xi32>
    %sub3A_827 = arith.subi %iota3A_2, %sub3A_826 : vector<128x128xi32>
    %eq3A_828 = arith.cmpi eq, %select_n3A_824, %sub3A_827 : vector<128x128xi32>
    %and3A_829 = arith.andi %eq3A_793, %eq3A_828 : vector<128x128xi1>
    %convert_element_type3A_830 = arith.extui %and3A_829 : vector<128x128xi1> to vector<128x128xi32>
    %convert_element_type3A_831 = arith.sitofp %convert_element_type3A_830 : vector<128x128xi32> to vector<128x128xf32>
    %slice3A_832 = vector.extract_strided_slice %reshape3A {offsets = [0, 10, 0], sizes = [128, 1, 128], strides = [1, 1, 1]} : vector<128x16x128xf32> to vector<128x1x128xf32>
    %squeeze3A_833 = vector.shape_cast %slice3A_832 : vector<128x1x128xf32> to vector<128x128xf32>
    %dot_general3A_834 = arith.constant dense<0.000000e+00> : vector<128x128xf32>
    %dot_general3A_835 = tpu.matmul %squeeze3A_833, %convert_element_type3A_831, %dot_general3A_834 {dimension_numbers = #tpu.dot_dimension_numbers<[1], [0], [0], [1], [0, 0, 1, 1], [], []>, transpose_lhs_hint = false} : vector<128x128xf32>, vector<128x128xf32>, vector<128x128xf32> -> vector<128x128xf32>
    %add3A_836 = arith.addf %add3A_759, %dot_general3A_835 : vector<128x128xf32>
    %jit3A_837 = arith.constant 8 : i32
    %div3A_838 = vector.broadcast %jit3A_837 : i32 to vector<128x128xi32>
    %div3A_839 = arith.divsi %iota3A_2, %div3A_838 : vector<128x128xi32>
    %sign3A_840 = arith.constant 0 : i32
    %sign3A_841 = vector.broadcast %sign3A_840 : i32 to vector<128x128xi32>
    %sign3A_842 = arith.cmpi sgt, %iota3A_2, %sign3A_841 : vector<128x128xi32>
    %sign3A_843 = arith.extui %sign3A_842 : vector<128x128xi1> to vector<128x128xi32>
    %sign3A_844 = arith.constant 0 : i32
    %sign3A_845 = vector.broadcast %sign3A_844 : i32 to vector<128x128xi32>
    %sign3A_846 = arith.cmpi slt, %iota3A_2, %sign3A_845 : vector<128x128xi32>
    %sign3A_847 = arith.extui %sign3A_846 : vector<128x128xi1> to vector<128x128xi32>
    %sign3A_848 = arith.subi %sign3A_843, %sign3A_847 : vector<128x128xi32>
    %sign3A_849 = arith.constant 0 : i32
    %sign3A_850 = arith.cmpi sgt, %jit3A_837, %sign3A_849 : i32
    %sign3A_851 = arith.extui %sign3A_850 : i1 to i32
    %sign3A_852 = arith.constant 0 : i32
    %sign3A_853 = arith.cmpi slt, %jit3A_837, %sign3A_852 : i32
    %sign3A_854 = arith.extui %sign3A_853 : i1 to i32
    %sign3A_855 = arith.subi %sign3A_851, %sign3A_854 : i32
    %ne3A_856 = vector.broadcast %sign3A_855 : i32 to vector<128x128xi32>
    %ne3A_857 = arith.cmpi ne, %sign3A_848, %ne3A_856 : vector<128x128xi32>
    %rem3A_858 = vector.broadcast %jit3A_837 : i32 to vector<128x128xi32>
    %rem3A_859 = arith.remsi %iota3A_2, %rem3A_858 : vector<128x128xi32>
    %ne3A_860 = arith.constant 0 : i32
    %ne3A_861 = vector.broadcast %ne3A_860 : i32 to vector<128x128xi32>
    %ne3A_862 = arith.cmpi ne, %rem3A_859, %ne3A_861 : vector<128x128xi32>
    %and3A_863 = arith.andi %ne3A_857, %ne3A_862 : vector<128x128xi1>
    %sub3A_864 = arith.constant 1 : i32
    %sub3A_865 = vector.broadcast %sub3A_864 : i32 to vector<128x128xi32>
    %sub3A_866 = arith.subi %div3A_839, %sub3A_865 : vector<128x128xi32>
    %select_n3A_867 = arith.select %and3A_863, %sub3A_866, %div3A_839 : vector<128x128xi1>, vector<128x128xi32>
    %eq3A_868 = arith.constant 11 : i32
    %eq3A_869 = vector.broadcast %eq3A_868 : i32 to vector<128x128xi32>
    %eq3A_870 = arith.cmpi eq, %select_n3A_867, %eq3A_869 : vector<128x128xi32>
    %jit3A_871 = arith.constant 16 : i32
    %div3A_872 = vector.broadcast %jit3A_871 : i32 to vector<128x128xi32>
    %div3A_873 = arith.divsi %iota3A, %div3A_872 : vector<128x128xi32>
    %sign3A_874 = arith.constant 0 : i32
    %sign3A_875 = vector.broadcast %sign3A_874 : i32 to vector<128x128xi32>
    %sign3A_876 = arith.cmpi sgt, %iota3A, %sign3A_875 : vector<128x128xi32>
    %sign3A_877 = arith.extui %sign3A_876 : vector<128x128xi1> to vector<128x128xi32>
    %sign3A_878 = arith.constant 0 : i32
    %sign3A_879 = vector.broadcast %sign3A_878 : i32 to vector<128x128xi32>
    %sign3A_880 = arith.cmpi slt, %iota3A, %sign3A_879 : vector<128x128xi32>
    %sign3A_881 = arith.extui %sign3A_880 : vector<128x128xi1> to vector<128x128xi32>
    %sign3A_882 = arith.subi %sign3A_877, %sign3A_881 : vector<128x128xi32>
    %sign3A_883 = arith.constant 0 : i32
    %sign3A_884 = arith.cmpi sgt, %jit3A_871, %sign3A_883 : i32
    %sign3A_885 = arith.extui %sign3A_884 : i1 to i32
    %sign3A_886 = arith.constant 0 : i32
    %sign3A_887 = arith.cmpi slt, %jit3A_871, %sign3A_886 : i32
    %sign3A_888 = arith.extui %sign3A_887 : i1 to i32
    %sign3A_889 = arith.subi %sign3A_885, %sign3A_888 : i32
    %ne3A_890 = vector.broadcast %sign3A_889 : i32 to vector<128x128xi32>
    %ne3A_891 = arith.cmpi ne, %sign3A_882, %ne3A_890 : vector<128x128xi32>
    %rem3A_892 = vector.broadcast %jit3A_871 : i32 to vector<128x128xi32>
    %rem3A_893 = arith.remsi %iota3A, %rem3A_892 : vector<128x128xi32>
    %ne3A_894 = arith.constant 0 : i32
    %ne3A_895 = vector.broadcast %ne3A_894 : i32 to vector<128x128xi32>
    %ne3A_896 = arith.cmpi ne, %rem3A_893, %ne3A_895 : vector<128x128xi32>
    %and3A_897 = arith.andi %ne3A_891, %ne3A_896 : vector<128x128xi1>
    %sub3A_898 = arith.constant 1 : i32
    %sub3A_899 = vector.broadcast %sub3A_898 : i32 to vector<128x128xi32>
    %sub3A_900 = arith.subi %div3A_873, %sub3A_899 : vector<128x128xi32>
    %select_n3A_901 = arith.select %and3A_897, %sub3A_900, %div3A_873 : vector<128x128xi1>, vector<128x128xi32>
    %sub3A_902 = arith.constant 88 : i32
    %sub3A_903 = vector.broadcast %sub3A_902 : i32 to vector<128x128xi32>
    %sub3A_904 = arith.subi %iota3A_2, %sub3A_903 : vector<128x128xi32>
    %eq3A_905 = arith.cmpi eq, %select_n3A_901, %sub3A_904 : vector<128x128xi32>
    %and3A_906 = arith.andi %eq3A_870, %eq3A_905 : vector<128x128xi1>
    %convert_element_type3A_907 = arith.extui %and3A_906 : vector<128x128xi1> to vector<128x128xi32>
    %convert_element_type3A_908 = arith.sitofp %convert_element_type3A_907 : vector<128x128xi32> to vector<128x128xf32>
    %slice3A_909 = vector.extract_strided_slice %reshape3A {offsets = [0, 11, 0], sizes = [128, 1, 128], strides = [1, 1, 1]} : vector<128x16x128xf32> to vector<128x1x128xf32>
    %squeeze3A_910 = vector.shape_cast %slice3A_909 : vector<128x1x128xf32> to vector<128x128xf32>
    %dot_general3A_911 = arith.constant dense<0.000000e+00> : vector<128x128xf32>
    %dot_general3A_912 = tpu.matmul %squeeze3A_910, %convert_element_type3A_908, %dot_general3A_911 {dimension_numbers = #tpu.dot_dimension_numbers<[1], [0], [0], [1], [0, 0, 1, 1], [], []>, transpose_lhs_hint = false} : vector<128x128xf32>, vector<128x128xf32>, vector<128x128xf32> -> vector<128x128xf32>
    %add3A_913 = arith.addf %add3A_836, %dot_general3A_912 : vector<128x128xf32>
    %jit3A_914 = arith.constant 8 : i32
    %div3A_915 = vector.broadcast %jit3A_914 : i32 to vector<128x128xi32>
    %div3A_916 = arith.divsi %iota3A_2, %div3A_915 : vector<128x128xi32>
    %sign3A_917 = arith.constant 0 : i32
    %sign3A_918 = vector.broadcast %sign3A_917 : i32 to vector<128x128xi32>
    %sign3A_919 = arith.cmpi sgt, %iota3A_2, %sign3A_918 : vector<128x128xi32>
    %sign3A_920 = arith.extui %sign3A_919 : vector<128x128xi1> to vector<128x128xi32>
    %sign3A_921 = arith.constant 0 : i32
    %sign3A_922 = vector.broadcast %sign3A_921 : i32 to vector<128x128xi32>
    %sign3A_923 = arith.cmpi slt, %iota3A_2, %sign3A_922 : vector<128x128xi32>
    %sign3A_924 = arith.extui %sign3A_923 : vector<128x128xi1> to vector<128x128xi32>
    %sign3A_925 = arith.subi %sign3A_920, %sign3A_924 : vector<128x128xi32>
    %sign3A_926 = arith.constant 0 : i32
    %sign3A_927 = arith.cmpi sgt, %jit3A_914, %sign3A_926 : i32
    %sign3A_928 = arith.extui %sign3A_927 : i1 to i32
    %sign3A_929 = arith.constant 0 : i32
    %sign3A_930 = arith.cmpi slt, %jit3A_914, %sign3A_929 : i32
    %sign3A_931 = arith.extui %sign3A_930 : i1 to i32
    %sign3A_932 = arith.subi %sign3A_928, %sign3A_931 : i32
    %ne3A_933 = vector.broadcast %sign3A_932 : i32 to vector<128x128xi32>
    %ne3A_934 = arith.cmpi ne, %sign3A_925, %ne3A_933 : vector<128x128xi32>
    %rem3A_935 = vector.broadcast %jit3A_914 : i32 to vector<128x128xi32>
    %rem3A_936 = arith.remsi %iota3A_2, %rem3A_935 : vector<128x128xi32>
    %ne3A_937 = arith.constant 0 : i32
    %ne3A_938 = vector.broadcast %ne3A_937 : i32 to vector<128x128xi32>
    %ne3A_939 = arith.cmpi ne, %rem3A_936, %ne3A_938 : vector<128x128xi32>
    %and3A_940 = arith.andi %ne3A_934, %ne3A_939 : vector<128x128xi1>
    %sub3A_941 = arith.constant 1 : i32
    %sub3A_942 = vector.broadcast %sub3A_941 : i32 to vector<128x128xi32>
    %sub3A_943 = arith.subi %div3A_916, %sub3A_942 : vector<128x128xi32>
    %select_n3A_944 = arith.select %and3A_940, %sub3A_943, %div3A_916 : vector<128x128xi1>, vector<128x128xi32>
    %eq3A_945 = arith.constant 12 : i32
    %eq3A_946 = vector.broadcast %eq3A_945 : i32 to vector<128x128xi32>
    %eq3A_947 = arith.cmpi eq, %select_n3A_944, %eq3A_946 : vector<128x128xi32>
    %jit3A_948 = arith.constant 16 : i32
    %div3A_949 = vector.broadcast %jit3A_948 : i32 to vector<128x128xi32>
    %div3A_950 = arith.divsi %iota3A, %div3A_949 : vector<128x128xi32>
    %sign3A_951 = arith.constant 0 : i32
    %sign3A_952 = vector.broadcast %sign3A_951 : i32 to vector<128x128xi32>
    %sign3A_953 = arith.cmpi sgt, %iota3A, %sign3A_952 : vector<128x128xi32>
    %sign3A_954 = arith.extui %sign3A_953 : vector<128x128xi1> to vector<128x128xi32>
    %sign3A_955 = arith.constant 0 : i32
    %sign3A_956 = vector.broadcast %sign3A_955 : i32 to vector<128x128xi32>
    %sign3A_957 = arith.cmpi slt, %iota3A, %sign3A_956 : vector<128x128xi32>
    %sign3A_958 = arith.extui %sign3A_957 : vector<128x128xi1> to vector<128x128xi32>
    %sign3A_959 = arith.subi %sign3A_954, %sign3A_958 : vector<128x128xi32>
    %sign3A_960 = arith.constant 0 : i32
    %sign3A_961 = arith.cmpi sgt, %jit3A_948, %sign3A_960 : i32
    %sign3A_962 = arith.extui %sign3A_961 : i1 to i32
    %sign3A_963 = arith.constant 0 : i32
    %sign3A_964 = arith.cmpi slt, %jit3A_948, %sign3A_963 : i32
    %sign3A_965 = arith.extui %sign3A_964 : i1 to i32
    %sign3A_966 = arith.subi %sign3A_962, %sign3A_965 : i32
    %ne3A_967 = vector.broadcast %sign3A_966 : i32 to vector<128x128xi32>
    %ne3A_968 = arith.cmpi ne, %sign3A_959, %ne3A_967 : vector<128x128xi32>
    %rem3A_969 = vector.broadcast %jit3A_948 : i32 to vector<128x128xi32>
    %rem3A_970 = arith.remsi %iota3A, %rem3A_969 : vector<128x128xi32>
    %ne3A_971 = arith.constant 0 : i32
    %ne3A_972 = vector.broadcast %ne3A_971 : i32 to vector<128x128xi32>
    %ne3A_973 = arith.cmpi ne, %rem3A_970, %ne3A_972 : vector<128x128xi32>
    %and3A_974 = arith.andi %ne3A_968, %ne3A_973 : vector<128x128xi1>
    %sub3A_975 = arith.constant 1 : i32
    %sub3A_976 = vector.broadcast %sub3A_975 : i32 to vector<128x128xi32>
    %sub3A_977 = arith.subi %div3A_950, %sub3A_976 : vector<128x128xi32>
    %select_n3A_978 = arith.select %and3A_974, %sub3A_977, %div3A_950 : vector<128x128xi1>, vector<128x128xi32>
    %sub3A_979 = arith.constant 96 : i32
    %sub3A_980 = vector.broadcast %sub3A_979 : i32 to vector<128x128xi32>
    %sub3A_981 = arith.subi %iota3A_2, %sub3A_980 : vector<128x128xi32>
    %eq3A_982 = arith.cmpi eq, %select_n3A_978, %sub3A_981 : vector<128x128xi32>
    %and3A_983 = arith.andi %eq3A_947, %eq3A_982 : vector<128x128xi1>
    %convert_element_type3A_984 = arith.extui %and3A_983 : vector<128x128xi1> to vector<128x128xi32>
    %convert_element_type3A_985 = arith.sitofp %convert_element_type3A_984 : vector<128x128xi32> to vector<128x128xf32>
    %slice3A_986 = vector.extract_strided_slice %reshape3A {offsets = [0, 12, 0], sizes = [128, 1, 128], strides = [1, 1, 1]} : vector<128x16x128xf32> to vector<128x1x128xf32>
    %squeeze3A_987 = vector.shape_cast %slice3A_986 : vector<128x1x128xf32> to vector<128x128xf32>
    %dot_general3A_988 = arith.constant dense<0.000000e+00> : vector<128x128xf32>
    %dot_general3A_989 = tpu.matmul %squeeze3A_987, %convert_element_type3A_985, %dot_general3A_988 {dimension_numbers = #tpu.dot_dimension_numbers<[1], [0], [0], [1], [0, 0, 1, 1], [], []>, transpose_lhs_hint = false} : vector<128x128xf32>, vector<128x128xf32>, vector<128x128xf32> -> vector<128x128xf32>
    %add3A_990 = arith.addf %add3A_913, %dot_general3A_989 : vector<128x128xf32>
    %jit3A_991 = arith.constant 8 : i32
    %div3A_992 = vector.broadcast %jit3A_991 : i32 to vector<128x128xi32>
    %div3A_993 = arith.divsi %iota3A_2, %div3A_992 : vector<128x128xi32>
    %sign3A_994 = arith.constant 0 : i32
    %sign3A_995 = vector.broadcast %sign3A_994 : i32 to vector<128x128xi32>
    %sign3A_996 = arith.cmpi sgt, %iota3A_2, %sign3A_995 : vector<128x128xi32>
    %sign3A_997 = arith.extui %sign3A_996 : vector<128x128xi1> to vector<128x128xi32>
    %sign3A_998 = arith.constant 0 : i32
    %sign3A_999 = vector.broadcast %sign3A_998 : i32 to vector<128x128xi32>
    %sign3A_1000 = arith.cmpi slt, %iota3A_2, %sign3A_999 : vector<128x128xi32>
    %sign3A_1001 = arith.extui %sign3A_1000 : vector<128x128xi1> to vector<128x128xi32>
    %sign3A_1002 = arith.subi %sign3A_997, %sign3A_1001 : vector<128x128xi32>
    %sign3A_1003 = arith.constant 0 : i32
    %sign3A_1004 = arith.cmpi sgt, %jit3A_991, %sign3A_1003 : i32
    %sign3A_1005 = arith.extui %sign3A_1004 : i1 to i32
    %sign3A_1006 = arith.constant 0 : i32
    %sign3A_1007 = arith.cmpi slt, %jit3A_991, %sign3A_1006 : i32
    %sign3A_1008 = arith.extui %sign3A_1007 : i1 to i32
    %sign3A_1009 = arith.subi %sign3A_1005, %sign3A_1008 : i32
    %ne3A_1010 = vector.broadcast %sign3A_1009 : i32 to vector<128x128xi32>
    %ne3A_1011 = arith.cmpi ne, %sign3A_1002, %ne3A_1010 : vector<128x128xi32>
    %rem3A_1012 = vector.broadcast %jit3A_991 : i32 to vector<128x128xi32>
    %rem3A_1013 = arith.remsi %iota3A_2, %rem3A_1012 : vector<128x128xi32>
    %ne3A_1014 = arith.constant 0 : i32
    %ne3A_1015 = vector.broadcast %ne3A_1014 : i32 to vector<128x128xi32>
    %ne3A_1016 = arith.cmpi ne, %rem3A_1013, %ne3A_1015 : vector<128x128xi32>
    %and3A_1017 = arith.andi %ne3A_1011, %ne3A_1016 : vector<128x128xi1>
    %sub3A_1018 = arith.constant 1 : i32
    %sub3A_1019 = vector.broadcast %sub3A_1018 : i32 to vector<128x128xi32>
    %sub3A_1020 = arith.subi %div3A_993, %sub3A_1019 : vector<128x128xi32>
    %select_n3A_1021 = arith.select %and3A_1017, %sub3A_1020, %div3A_993 : vector<128x128xi1>, vector<128x128xi32>
    %eq3A_1022 = arith.constant 13 : i32
    %eq3A_1023 = vector.broadcast %eq3A_1022 : i32 to vector<128x128xi32>
    %eq3A_1024 = arith.cmpi eq, %select_n3A_1021, %eq3A_1023 : vector<128x128xi32>
    %jit3A_1025 = arith.constant 16 : i32
    %div3A_1026 = vector.broadcast %jit3A_1025 : i32 to vector<128x128xi32>
    %div3A_1027 = arith.divsi %iota3A, %div3A_1026 : vector<128x128xi32>
    %sign3A_1028 = arith.constant 0 : i32
    %sign3A_1029 = vector.broadcast %sign3A_1028 : i32 to vector<128x128xi32>
    %sign3A_1030 = arith.cmpi sgt, %iota3A, %sign3A_1029 : vector<128x128xi32>
    %sign3A_1031 = arith.extui %sign3A_1030 : vector<128x128xi1> to vector<128x128xi32>
    %sign3A_1032 = arith.constant 0 : i32
    %sign3A_1033 = vector.broadcast %sign3A_1032 : i32 to vector<128x128xi32>
    %sign3A_1034 = arith.cmpi slt, %iota3A, %sign3A_1033 : vector<128x128xi32>
    %sign3A_1035 = arith.extui %sign3A_1034 : vector<128x128xi1> to vector<128x128xi32>
    %sign3A_1036 = arith.subi %sign3A_1031, %sign3A_1035 : vector<128x128xi32>
    %sign3A_1037 = arith.constant 0 : i32
    %sign3A_1038 = arith.cmpi sgt, %jit3A_1025, %sign3A_1037 : i32
    %sign3A_1039 = arith.extui %sign3A_1038 : i1 to i32
    %sign3A_1040 = arith.constant 0 : i32
    %sign3A_1041 = arith.cmpi slt, %jit3A_1025, %sign3A_1040 : i32
    %sign3A_1042 = arith.extui %sign3A_1041 : i1 to i32
    %sign3A_1043 = arith.subi %sign3A_1039, %sign3A_1042 : i32
    %ne3A_1044 = vector.broadcast %sign3A_1043 : i32 to vector<128x128xi32>
    %ne3A_1045 = arith.cmpi ne, %sign3A_1036, %ne3A_1044 : vector<128x128xi32>
    %rem3A_1046 = vector.broadcast %jit3A_1025 : i32 to vector<128x128xi32>
    %rem3A_1047 = arith.remsi %iota3A, %rem3A_1046 : vector<128x128xi32>
    %ne3A_1048 = arith.constant 0 : i32
    %ne3A_1049 = vector.broadcast %ne3A_1048 : i32 to vector<128x128xi32>
    %ne3A_1050 = arith.cmpi ne, %rem3A_1047, %ne3A_1049 : vector<128x128xi32>
    %and3A_1051 = arith.andi %ne3A_1045, %ne3A_1050 : vector<128x128xi1>
    %sub3A_1052 = arith.constant 1 : i32
    %sub3A_1053 = vector.broadcast %sub3A_1052 : i32 to vector<128x128xi32>
    %sub3A_1054 = arith.subi %div3A_1027, %sub3A_1053 : vector<128x128xi32>
    %select_n3A_1055 = arith.select %and3A_1051, %sub3A_1054, %div3A_1027 : vector<128x128xi1>, vector<128x128xi32>
    %sub3A_1056 = arith.constant 104 : i32
    %sub3A_1057 = vector.broadcast %sub3A_1056 : i32 to vector<128x128xi32>
    %sub3A_1058 = arith.subi %iota3A_2, %sub3A_1057 : vector<128x128xi32>
    %eq3A_1059 = arith.cmpi eq, %select_n3A_1055, %sub3A_1058 : vector<128x128xi32>
    %and3A_1060 = arith.andi %eq3A_1024, %eq3A_1059 : vector<128x128xi1>
    %convert_element_type3A_1061 = arith.extui %and3A_1060 : vector<128x128xi1> to vector<128x128xi32>
    %convert_element_type3A_1062 = arith.sitofp %convert_element_type3A_1061 : vector<128x128xi32> to vector<128x128xf32>
    %slice3A_1063 = vector.extract_strided_slice %reshape3A {offsets = [0, 13, 0], sizes = [128, 1, 128], strides = [1, 1, 1]} : vector<128x16x128xf32> to vector<128x1x128xf32>
    %squeeze3A_1064 = vector.shape_cast %slice3A_1063 : vector<128x1x128xf32> to vector<128x128xf32>
    %dot_general3A_1065 = arith.constant dense<0.000000e+00> : vector<128x128xf32>
    %dot_general3A_1066 = tpu.matmul %squeeze3A_1064, %convert_element_type3A_1062, %dot_general3A_1065 {dimension_numbers = #tpu.dot_dimension_numbers<[1], [0], [0], [1], [0, 0, 1, 1], [], []>, transpose_lhs_hint = false} : vector<128x128xf32>, vector<128x128xf32>, vector<128x128xf32> -> vector<128x128xf32>
    %add3A_1067 = arith.addf %add3A_990, %dot_general3A_1066 : vector<128x128xf32>
    %jit3A_1068 = arith.constant 8 : i32
    %div3A_1069 = vector.broadcast %jit3A_1068 : i32 to vector<128x128xi32>
    %div3A_1070 = arith.divsi %iota3A_2, %div3A_1069 : vector<128x128xi32>
    %sign3A_1071 = arith.constant 0 : i32
    %sign3A_1072 = vector.broadcast %sign3A_1071 : i32 to vector<128x128xi32>
    %sign3A_1073 = arith.cmpi sgt, %iota3A_2, %sign3A_1072 : vector<128x128xi32>
    %sign3A_1074 = arith.extui %sign3A_1073 : vector<128x128xi1> to vector<128x128xi32>
    %sign3A_1075 = arith.constant 0 : i32
    %sign3A_1076 = vector.broadcast %sign3A_1075 : i32 to vector<128x128xi32>
    %sign3A_1077 = arith.cmpi slt, %iota3A_2, %sign3A_1076 : vector<128x128xi32>
    %sign3A_1078 = arith.extui %sign3A_1077 : vector<128x128xi1> to vector<128x128xi32>
    %sign3A_1079 = arith.subi %sign3A_1074, %sign3A_1078 : vector<128x128xi32>
    %sign3A_1080 = arith.constant 0 : i32
    %sign3A_1081 = arith.cmpi sgt, %jit3A_1068, %sign3A_1080 : i32
    %sign3A_1082 = arith.extui %sign3A_1081 : i1 to i32
    %sign3A_1083 = arith.constant 0 : i32
    %sign3A_1084 = arith.cmpi slt, %jit3A_1068, %sign3A_1083 : i32
    %sign3A_1085 = arith.extui %sign3A_1084 : i1 to i32
    %sign3A_1086 = arith.subi %sign3A_1082, %sign3A_1085 : i32
    %ne3A_1087 = vector.broadcast %sign3A_1086 : i32 to vector<128x128xi32>
    %ne3A_1088 = arith.cmpi ne, %sign3A_1079, %ne3A_1087 : vector<128x128xi32>
    %rem3A_1089 = vector.broadcast %jit3A_1068 : i32 to vector<128x128xi32>
    %rem3A_1090 = arith.remsi %iota3A_2, %rem3A_1089 : vector<128x128xi32>
    %ne3A_1091 = arith.constant 0 : i32
    %ne3A_1092 = vector.broadcast %ne3A_1091 : i32 to vector<128x128xi32>
    %ne3A_1093 = arith.cmpi ne, %rem3A_1090, %ne3A_1092 : vector<128x128xi32>
    %and3A_1094 = arith.andi %ne3A_1088, %ne3A_1093 : vector<128x128xi1>
    %sub3A_1095 = arith.constant 1 : i32
    %sub3A_1096 = vector.broadcast %sub3A_1095 : i32 to vector<128x128xi32>
    %sub3A_1097 = arith.subi %div3A_1070, %sub3A_1096 : vector<128x128xi32>
    %select_n3A_1098 = arith.select %and3A_1094, %sub3A_1097, %div3A_1070 : vector<128x128xi1>, vector<128x128xi32>
    %eq3A_1099 = arith.constant 14 : i32
    %eq3A_1100 = vector.broadcast %eq3A_1099 : i32 to vector<128x128xi32>
    %eq3A_1101 = arith.cmpi eq, %select_n3A_1098, %eq3A_1100 : vector<128x128xi32>
    %jit3A_1102 = arith.constant 16 : i32
    %div3A_1103 = vector.broadcast %jit3A_1102 : i32 to vector<128x128xi32>
    %div3A_1104 = arith.divsi %iota3A, %div3A_1103 : vector<128x128xi32>
    %sign3A_1105 = arith.constant 0 : i32
    %sign3A_1106 = vector.broadcast %sign3A_1105 : i32 to vector<128x128xi32>
    %sign3A_1107 = arith.cmpi sgt, %iota3A, %sign3A_1106 : vector<128x128xi32>
    %sign3A_1108 = arith.extui %sign3A_1107 : vector<128x128xi1> to vector<128x128xi32>
    %sign3A_1109 = arith.constant 0 : i32
    %sign3A_1110 = vector.broadcast %sign3A_1109 : i32 to vector<128x128xi32>
    %sign3A_1111 = arith.cmpi slt, %iota3A, %sign3A_1110 : vector<128x128xi32>
    %sign3A_1112 = arith.extui %sign3A_1111 : vector<128x128xi1> to vector<128x128xi32>
    %sign3A_1113 = arith.subi %sign3A_1108, %sign3A_1112 : vector<128x128xi32>
    %sign3A_1114 = arith.constant 0 : i32
    %sign3A_1115 = arith.cmpi sgt, %jit3A_1102, %sign3A_1114 : i32
    %sign3A_1116 = arith.extui %sign3A_1115 : i1 to i32
    %sign3A_1117 = arith.constant 0 : i32
    %sign3A_1118 = arith.cmpi slt, %jit3A_1102, %sign3A_1117 : i32
    %sign3A_1119 = arith.extui %sign3A_1118 : i1 to i32
    %sign3A_1120 = arith.subi %sign3A_1116, %sign3A_1119 : i32
    %ne3A_1121 = vector.broadcast %sign3A_1120 : i32 to vector<128x128xi32>
    %ne3A_1122 = arith.cmpi ne, %sign3A_1113, %ne3A_1121 : vector<128x128xi32>
    %rem3A_1123 = vector.broadcast %jit3A_1102 : i32 to vector<128x128xi32>
    %rem3A_1124 = arith.remsi %iota3A, %rem3A_1123 : vector<128x128xi32>
    %ne3A_1125 = arith.constant 0 : i32
    %ne3A_1126 = vector.broadcast %ne3A_1125 : i32 to vector<128x128xi32>
    %ne3A_1127 = arith.cmpi ne, %rem3A_1124, %ne3A_1126 : vector<128x128xi32>
    %and3A_1128 = arith.andi %ne3A_1122, %ne3A_1127 : vector<128x128xi1>
    %sub3A_1129 = arith.constant 1 : i32
    %sub3A_1130 = vector.broadcast %sub3A_1129 : i32 to vector<128x128xi32>
    %sub3A_1131 = arith.subi %div3A_1104, %sub3A_1130 : vector<128x128xi32>
    %select_n3A_1132 = arith.select %and3A_1128, %sub3A_1131, %div3A_1104 : vector<128x128xi1>, vector<128x128xi32>
    %sub3A_1133 = arith.constant 112 : i32
    %sub3A_1134 = vector.broadcast %sub3A_1133 : i32 to vector<128x128xi32>
    %sub3A_1135 = arith.subi %iota3A_2, %sub3A_1134 : vector<128x128xi32>
    %eq3A_1136 = arith.cmpi eq, %select_n3A_1132, %sub3A_1135 : vector<128x128xi32>
    %and3A_1137 = arith.andi %eq3A_1101, %eq3A_1136 : vector<128x128xi1>
    %convert_element_type3A_1138 = arith.extui %and3A_1137 : vector<128x128xi1> to vector<128x128xi32>
    %convert_element_type3A_1139 = arith.sitofp %convert_element_type3A_1138 : vector<128x128xi32> to vector<128x128xf32>
    %slice3A_1140 = vector.extract_strided_slice %reshape3A {offsets = [0, 14, 0], sizes = [128, 1, 128], strides = [1, 1, 1]} : vector<128x16x128xf32> to vector<128x1x128xf32>
    %squeeze3A_1141 = vector.shape_cast %slice3A_1140 : vector<128x1x128xf32> to vector<128x128xf32>
    %dot_general3A_1142 = arith.constant dense<0.000000e+00> : vector<128x128xf32>
    %dot_general3A_1143 = tpu.matmul %squeeze3A_1141, %convert_element_type3A_1139, %dot_general3A_1142 {dimension_numbers = #tpu.dot_dimension_numbers<[1], [0], [0], [1], [0, 0, 1, 1], [], []>, transpose_lhs_hint = false} : vector<128x128xf32>, vector<128x128xf32>, vector<128x128xf32> -> vector<128x128xf32>
    %add3A_1144 = arith.addf %add3A_1067, %dot_general3A_1143 : vector<128x128xf32>
    %jit3A_1145 = arith.constant 8 : i32
    %div3A_1146 = vector.broadcast %jit3A_1145 : i32 to vector<128x128xi32>
    %div3A_1147 = arith.divsi %iota3A_2, %div3A_1146 : vector<128x128xi32>
    %sign3A_1148 = arith.constant 0 : i32
    %sign3A_1149 = vector.broadcast %sign3A_1148 : i32 to vector<128x128xi32>
    %sign3A_1150 = arith.cmpi sgt, %iota3A_2, %sign3A_1149 : vector<128x128xi32>
    %sign3A_1151 = arith.extui %sign3A_1150 : vector<128x128xi1> to vector<128x128xi32>
    %sign3A_1152 = arith.constant 0 : i32
    %sign3A_1153 = vector.broadcast %sign3A_1152 : i32 to vector<128x128xi32>
    %sign3A_1154 = arith.cmpi slt, %iota3A_2, %sign3A_1153 : vector<128x128xi32>
    %sign3A_1155 = arith.extui %sign3A_1154 : vector<128x128xi1> to vector<128x128xi32>
    %sign3A_1156 = arith.subi %sign3A_1151, %sign3A_1155 : vector<128x128xi32>
    %sign3A_1157 = arith.constant 0 : i32
    %sign3A_1158 = arith.cmpi sgt, %jit3A_1145, %sign3A_1157 : i32
    %sign3A_1159 = arith.extui %sign3A_1158 : i1 to i32
    %sign3A_1160 = arith.constant 0 : i32
    %sign3A_1161 = arith.cmpi slt, %jit3A_1145, %sign3A_1160 : i32
    %sign3A_1162 = arith.extui %sign3A_1161 : i1 to i32
    %sign3A_1163 = arith.subi %sign3A_1159, %sign3A_1162 : i32
    %ne3A_1164 = vector.broadcast %sign3A_1163 : i32 to vector<128x128xi32>
    %ne3A_1165 = arith.cmpi ne, %sign3A_1156, %ne3A_1164 : vector<128x128xi32>
    %rem3A_1166 = vector.broadcast %jit3A_1145 : i32 to vector<128x128xi32>
    %rem3A_1167 = arith.remsi %iota3A_2, %rem3A_1166 : vector<128x128xi32>
    %ne3A_1168 = arith.constant 0 : i32
    %ne3A_1169 = vector.broadcast %ne3A_1168 : i32 to vector<128x128xi32>
    %ne3A_1170 = arith.cmpi ne, %rem3A_1167, %ne3A_1169 : vector<128x128xi32>
    %and3A_1171 = arith.andi %ne3A_1165, %ne3A_1170 : vector<128x128xi1>
    %sub3A_1172 = arith.constant 1 : i32
    %sub3A_1173 = vector.broadcast %sub3A_1172 : i32 to vector<128x128xi32>
    %sub3A_1174 = arith.subi %div3A_1147, %sub3A_1173 : vector<128x128xi32>
    %select_n3A_1175 = arith.select %and3A_1171, %sub3A_1174, %div3A_1147 : vector<128x128xi1>, vector<128x128xi32>
    %eq3A_1176 = arith.constant 15 : i32
    %eq3A_1177 = vector.broadcast %eq3A_1176 : i32 to vector<128x128xi32>
    %eq3A_1178 = arith.cmpi eq, %select_n3A_1175, %eq3A_1177 : vector<128x128xi32>
    %jit3A_1179 = arith.constant 16 : i32
    %div3A_1180 = vector.broadcast %jit3A_1179 : i32 to vector<128x128xi32>
    %div3A_1181 = arith.divsi %iota3A, %div3A_1180 : vector<128x128xi32>
    %sign3A_1182 = arith.constant 0 : i32
    %sign3A_1183 = vector.broadcast %sign3A_1182 : i32 to vector<128x128xi32>
    %sign3A_1184 = arith.cmpi sgt, %iota3A, %sign3A_1183 : vector<128x128xi32>
    %sign3A_1185 = arith.extui %sign3A_1184 : vector<128x128xi1> to vector<128x128xi32>
    %sign3A_1186 = arith.constant 0 : i32
    %sign3A_1187 = vector.broadcast %sign3A_1186 : i32 to vector<128x128xi32>
    %sign3A_1188 = arith.cmpi slt, %iota3A, %sign3A_1187 : vector<128x128xi32>
    %sign3A_1189 = arith.extui %sign3A_1188 : vector<128x128xi1> to vector<128x128xi32>
    %sign3A_1190 = arith.subi %sign3A_1185, %sign3A_1189 : vector<128x128xi32>
    %sign3A_1191 = arith.constant 0 : i32
    %sign3A_1192 = arith.cmpi sgt, %jit3A_1179, %sign3A_1191 : i32
    %sign3A_1193 = arith.extui %sign3A_1192 : i1 to i32
    %sign3A_1194 = arith.constant 0 : i32
    %sign3A_1195 = arith.cmpi slt, %jit3A_1179, %sign3A_1194 : i32
    %sign3A_1196 = arith.extui %sign3A_1195 : i1 to i32
    %sign3A_1197 = arith.subi %sign3A_1193, %sign3A_1196 : i32
    %ne3A_1198 = vector.broadcast %sign3A_1197 : i32 to vector<128x128xi32>
    %ne3A_1199 = arith.cmpi ne, %sign3A_1190, %ne3A_1198 : vector<128x128xi32>
    %rem3A_1200 = vector.broadcast %jit3A_1179 : i32 to vector<128x128xi32>
    %rem3A_1201 = arith.remsi %iota3A, %rem3A_1200 : vector<128x128xi32>
    %ne3A_1202 = arith.constant 0 : i32
    %ne3A_1203 = vector.broadcast %ne3A_1202 : i32 to vector<128x128xi32>
    %ne3A_1204 = arith.cmpi ne, %rem3A_1201, %ne3A_1203 : vector<128x128xi32>
    %and3A_1205 = arith.andi %ne3A_1199, %ne3A_1204 : vector<128x128xi1>
    %sub3A_1206 = arith.constant 1 : i32
    %sub3A_1207 = vector.broadcast %sub3A_1206 : i32 to vector<128x128xi32>
    %sub3A_1208 = arith.subi %div3A_1181, %sub3A_1207 : vector<128x128xi32>
    %select_n3A_1209 = arith.select %and3A_1205, %sub3A_1208, %div3A_1181 : vector<128x128xi1>, vector<128x128xi32>
    %sub3A_1210 = arith.constant 120 : i32
    %sub3A_1211 = vector.broadcast %sub3A_1210 : i32 to vector<128x128xi32>
    %sub3A_1212 = arith.subi %iota3A_2, %sub3A_1211 : vector<128x128xi32>
    %eq3A_1213 = arith.cmpi eq, %select_n3A_1209, %sub3A_1212 : vector<128x128xi32>
    %and3A_1214 = arith.andi %eq3A_1178, %eq3A_1213 : vector<128x128xi1>
    %convert_element_type3A_1215 = arith.extui %and3A_1214 : vector<128x128xi1> to vector<128x128xi32>
    %convert_element_type3A_1216 = arith.sitofp %convert_element_type3A_1215 : vector<128x128xi32> to vector<128x128xf32>
    %slice3A_1217 = vector.extract_strided_slice %reshape3A {offsets = [0, 15, 0], sizes = [128, 1, 128], strides = [1, 1, 1]} : vector<128x16x128xf32> to vector<128x1x128xf32>
    %squeeze3A_1218 = vector.shape_cast %slice3A_1217 : vector<128x1x128xf32> to vector<128x128xf32>
    %dot_general3A_1219 = arith.constant dense<0.000000e+00> : vector<128x128xf32>
    %dot_general3A_1220 = tpu.matmul %squeeze3A_1218, %convert_element_type3A_1216, %dot_general3A_1219 {dimension_numbers = #tpu.dot_dimension_numbers<[1], [0], [0], [1], [0, 0, 1, 1], [], []>, transpose_lhs_hint = false} : vector<128x128xf32>, vector<128x128xf32>, vector<128x128xf32> -> vector<128x128xf32>
    %add3A_1221 = arith.addf %add3A_1144, %dot_general3A_1220 : vector<128x128xf32>
    %get3A_1222 = arith.constant 0 : index
    %get3A_1223 = memref.load %arg1[%get3A_1222] : memref<1xf32, #tpu.memory_space<smem>>
    %add3A_1224 = vector.broadcast %get3A_1223 : f32 to vector<128x128xf32>
    %add3A_1225 = arith.addf %add3A_1221, %add3A_1224 : vector<128x128xf32>
    %logistic3A = arith.negf %add3A_1225 : vector<128x128xf32>
    %logistic3A_1226 = math.exp %logistic3A : vector<128x128xf32>
    %logistic3A_1227 = arith.constant 1.000000e+00 : f32
    %logistic3A_1228 = vector.broadcast %logistic3A_1227 : f32 to vector<128x128xf32>
    %logistic3A_1229 = arith.addf %logistic3A_1228, %logistic3A_1226 : vector<128x128xf32>
    %logistic3A_1230 = arith.divf %logistic3A_1228, %logistic3A_1229 : vector<128x128xf32>
    %swap3A = arith.constant 0 : index
    %swap3A_1231 = arith.constant 0 : index
    %swap3A_1232 = vector.load %arg2[%swap3A, %swap3A_1231] : memref<128x128xf32, #tpu.memory_space<vmem>>, vector<128x128xf32>
    tpu.vector_store %arg2[%swap3A, %swap3A_1231], %logistic3A_1230 {strides = array<i32>} : memref<128x128xf32, #tpu.memory_space<vmem>>, vector<128x128xf32>,
    return
  }
}

</mosaic_0001>

<sc_bundles>
// kernel: _run.4.cloned.1.call-start
scs
__scs_entry_jumppad:
0x0: {  	(pc) =	sbr.rel $0x88, $3  }
0x1: {  	(tag) =	ssettag $0x0;
	lr =	simm.s32 $0x1  }
0x2: {  	[smem:$0x3F9D] =	sst lr;
	_ =	strace $0xD0000000  }
0x3: {  	_ = 	snop  }
0x4: {  	_ = 	snop  }
0x5: {  	_ = 	snop  }
0x6: {  	_ = 	snop  }
0x7: {  	_ = 	snop  }
__scs_overlays_trampoline_lowered:
0x8: {  	[smem:$0x3FAC] =	sst s0  }
0x9: {  	[smem:$0x3FAD] =	sst s1  }
0xa: {  	[smem:$0x3FAE] =	sst s2  }
0xb: {  	[smem:$0x3FAF] =	sst s3  }
0xc: {  	[smem:$0x3FB0] =	sst s4  }
0xd: {  	[smem:$0x3FB1] =	sst s5  }
0xe: {  	[smem:$0x3FB2] =	sst s6  }
0xf: {  	[smem:$0x3FB3] =	sst s7  }
0x10: {  	[smem:$0x3FB4] =	sst s8  }
0x11: {  	[smem:$0x3FB5] =	sst s9;
	s0 =	simm.s32 @!p0 $0x0  }
0x12: {  	s1 =	sld [smem:$0x3F9B];
	s0 =	simm.s32 @p0 $0x1  }
0x13: {  	[smem:$0x3FB6] =	sst s0;
	s0 =	simm.s32 @!p1 $0x0  }
0x14: {  	s2 =	sld [smem:$0x3F9A];
	s0 =	simm.s32 @p1 $0x1  }
0x15: {  	[smem:$0x3FB7] =	sst s0;
	s0 =	simm.s32 @!p2 $0x0  }
0x16: {  	s3 =	sld [smem:$0x3FDB];
	s0 =	simm.s32 @p2 $0x1  }
0x17: {  	s4 =	simm.s32 $0x1BF5;
	[smem:$0x3FB9] =	sst s0  }
0x18: {  	s0 =	sld [smem:$0x3F9C];
	_ =	swait.ge [sflag:s4], $0x0  }
0x19: {  	s7 =	sld [smem:$0x3F9D]  }
0x1a: {  	s8 =	sadd.s32 $0xFFFFE003, lr  }
0x1b: {  	s9 =	sadd.s32 $0xFFFFFEF7, lr;
	s5 =	simm.s32 $0xFFFFFFFF;
	p2 =	slt.u32 s8, $0xFFFFF086  }
0x1c: {  	p1 =	slt.u32 s9, $0xF7A;
	s5 =	simm.s32 @!p2 $0x0  }
0x1d: {  	s5 =	simm.s32 @p1 $0x1;
	p0 =	seq.s32 s7, s2  }
0x1e: {  	s7 =	smul.u32 @!p0 $0xF7A, s2;
	p2 =	seq.s32 @!p0 s5, $0x0  }
0x1f: {  	s9 =	smul.u32 $0xF7A, s1;
	s8 =	simm.s32 @!p0 $0x1BF5;
	p2 =	por !p2, p0  }
0x20: {  	[sflag:s8] =	ssyncset.s32 @!p0 $0xFFFFF086;
	s6 =	sadd.s32 @!p0 s3, s7;
	s7 =	simm.s32 @!p0 $0x108  }
0x21: {  	s3 =	sadd.s32 s3, s9;
	s6 =	sadd.s32 @!p0 $0x88, s6;
	s7 =	simm.s32 @p2 $0x1082  }
0x22: {  	[simem:s7], [sflag:s8] =	dma.local @!p0 [hbm:s6], $0xF7A  }
0x23: {  	s9 =	sor.u32 $0xD0000000, s2;
	s6 =	simm.s32 $0x108;
	_ =	swait.ge @!p0 [sflag:s8], $0x0  }
0x24: {  	s3 =	sadd.s32 $0x88, s3;
	s6 =	simm.s32 @!p1 $0x1082;
	[sflag:s4] =	ssyncset.s32 $0xFFFFF086  }
0x25: {  	[simem:s6], [sflag:s4] =	dma.local [hbm:s3], $0xF7A  }
0x26: {  	[smem:$0x3F9D] =	sst s1;
	(tag) =	ssettag s2;
	_ =	strace s9  }
0x27: {  	s1 =	sld [smem:$0x3FAD]  }
0x28: {  	s2 =	sld [smem:$0x3FAE]  }
0x29: {  	s4 =	sld [smem:$0x3FB0]  }
0x2a: {  	p0 =	seq.s32 s5, $0x0;
	s5 =	sld [smem:$0x3FB1]  }
0x2b: {  	s6 =	sld [smem:$0x3FB2]  }
0x2c: {  	s7 =	sld [smem:$0x3FB3]  }
0x2d: {  	s3 =	simm.s32 $0x108;
	s8 =	sld [smem:$0x3FB4]  }
0x2e: {  	s3 =	simm.s32 @!p0 $0x1082;
	s9 =	sld [smem:$0x3FB5]  }
0x2f: {  	lr =	sadd.s32 s0, s3;
	s0 =	sld [smem:$0x3FAC]  }
0x30: {  	s3 =	sld [smem:$0x3FAF]  }
0x31: {  	[smem:$0x3FB8] =	sst s10  }
0x32: {  	s10 =	sld [smem:$0x3FB6];
	_ =	sdelay $0x3  }
0x33: {  	p0 =	seq.s32 s10, $0x1;
	s10 =	sld [smem:$0x3FB8];
	_ =	sdelay $0x3  }
0x34: {  	[smem:$0x3FB8] =	sst s10  }
0x35: {  	s10 =	sld [smem:$0x3FB7];
	_ =	sdelay $0x3  }
0x36: {  	p1 =	seq.s32 s10, $0x1;
	s10 =	sld [smem:$0x3FB8];
	_ =	sdelay $0x3  }
0x37: {  	[smem:$0x3FB8] =	sst s10  }
0x38: {  	s10 =	sld [smem:$0x3FB9]  }
0x39: {  	_ = 	snop;
	(pc) =	sbr.ind lr, $3  }
0x3a: {  	_ = 	snop  }
0x3b: {  	_ = 	snop  }
0x3c: {  	p2 =	seq.s32 s10, $0x1;
	s10 =	sld [smem:$0x3FB8]  }
0x3d: {  	_ =	shalt  }
0x3e: {  	_ =	shalt  }
0x3f: {  	_ =	shalt  }
0x40: {  	_ =	shalt  }
0x41: {  	_ =	shalt  }
0x42: {  	_ =	shalt  }
0x43: {  	_ =	shalt  }
0x44: {  	_ =	shalt  }
0x45: {  	_ =	shalt  }
0x46: {  	_ =	shalt  }
0x47: {  	_ =	shalt  }
0x48: {  	_ =	shalt  }
0x49: {  	_ =	shalt  }
0x4a: {  	_ =	shalt  }
0x4b: {  	_ =	shalt  }
0x4c: {  	_ =	shalt  }
0x4d: {  	_ =	shalt  }
0x4e: {  	_ =	shalt  }
0x4f: {  	_ =	shalt  }
0x50: {  	_ =	shalt  }
0x51: {  	_ =	shalt  }
0x52: {  	_ =	shalt  }
0x53: {  	_ =	shalt  }
0x54: {  	_ =	shalt  }
0x55: {  	_ =	shalt  }
0x56: {  	_ =	shalt  }
0x57: {  	_ =	shalt  }
0x58: {  	_ =	shalt  }
0x59: {  	_ =	shalt  }
0x5a: {  	_ =	shalt  }
0x5b: {  	_ =	shalt  }
0x5c: {  	_ =	shalt  }
0x5d: {  	_ =	shalt  }
0x5e: {  	_ =	shalt  }
0x5f: {  	_ =	shalt  }
0x60: {  	_ =	shalt  }
0x61: {  	_ =	shalt  }
0x62: {  	_ =	shalt  }
0x63: {  	_ =	shalt  }
0x64: {  	_ =	shalt  }
0x65: {  	_ =	shalt  }
0x66: {  	_ =	shalt  }
0x67: {  	_ =	shalt  }
0x68: {  	_ =	shalt  }
0x69: {  	_ =	shalt  }
0x6a: {  	_ =	shalt  }
0x6b: {  	_ =	shalt  }
0x6c: {  	_ =	shalt  }
0x6d: {  	_ =	shalt  }
0x6e: {  	_ =	shalt  }
0x6f: {  	_ =	shalt  }
0x70: {  	_ =	shalt  }
0x71: {  	_ =	shalt  }
0x72: {  	_ =	shalt  }
0x73: {  	_ =	shalt  }
0x74: {  	_ =	shalt  }
0x75: {  	_ =	shalt  }
0x76: {  	_ =	shalt  }
0x77: {  	_ =	shalt  }
0x78: {  	_ =	shalt  }
0x79: {  	_ =	shalt  }
0x7a: {  	_ =	shalt  }
0x7b: {  	_ =	shalt  }
0x7c: {  	_ =	shalt  }
0x7d: {  	_ =	shalt  }
0x7e: {  	_ =	shalt  }
0x7f: {  	_ =	shalt  }
0x80: {  	_ =	shalt  }
0x81: {  	_ =	shalt  }
0x82: {  	_ =	shalt  }
0x83: {  	_ =	shalt  }
0x84: {  	_ =	shalt  }
0x85: {  	_ =	shalt  }
0x86: {  	_ =	shalt  }
0x87: {  	_ =	shalt  }
.Lfunc_end0:
.L_simem_size_0:
called_computation_lowered:
.L_overlay_start_0:
0x88: {  	s2 =	sld [smem:$0x3FD9]  }
0x89: {  	s3 =	sld [smem:$0x3FFE];
	_ =	sdelay $0x1  }
0x8a: {  	s1 =	srdreg.scid  }
0x8b: {  	s0 =	sand.u32 $0x1, s1  }
0x8c: {  	s17 =	sshll.u32 s0, $0xA;
	s2 =	sadd.s32 s3, s2  }
0x8d: {  	s2 =	sadd.s32 s2, s17  }
0x8e: {  	[smem:$0x3FC4] =	sst s2  }
0x8f: {  	_ = 	snop  }
0x90: {  	s2 =	sld [smem:$0x3FC8]  }
0x91: {  	s18 =	sld [smem:$0x3FC7];
	(tm) =	ssettm $0x1  }
0x92: {  	s4 =	sld [smem:$0x3FFB];
	_ =	sdelay $0x3  }
0x93: {  	_ =	strace s4  }
0x94: {  	s4 =	sld [smem:$0x3FFC];
	_ =	sdelay $0x3  }
0x95: {  	_ =	strace s4  }
0x96: {  	s4 =	sld [smem:$0x3FFD];
	_ =	sdelay $0x3  }
0x97: {  	_ =	strace s4  }
0x98: {  	_ =	strace $0x8FFFFFFF  }
0x99: {  	s19 =	sld [smem:$0x3FDB];
	_ =	sdelay $0x1  }
0x9a: {  	s5 =	simm.s32 $_scs_section_size  }
0x9b: {  	s6 =	simm.s32 $_size__tile_overlayer_lowered;
	s7 =	simm.s32 $_tile_overlayer_lowered  }
0x9c: {  	s22 =	simm.s32 $0x1BFF;
	s21 =	sshll.u32 s7, $0x1;
	s4 =	sadd.s32 s5, s19  }
0x9d: {  	s8 =	simm.s32 $0x0;
	s20 =	sshll.u32 s6, $0x1;
	s6 =	sadd.s32 s21, s4  }
0x9e: {  	[timem:s8], [sflag:s22] =	dma.local [hbm:s6], s20  }
0x9f: {  	_ =	swait.ge [sflag:s22], s20  }
0xa0: {  	s5 =	ssub.s32 $0x0, s20;
	[sflag:s22] =	ssyncset.done $0x0  }
0xa1: {  	[sflag:s22] =	ssyncadd.s32 s5;
	_ =	sdelay $0x1  }
0xa2: {  	s23 =	simm.s32 $0x1B8B  }
0xa3: {  	_ =	swait.ge [sflag:s23], $0x1  }
0xa4: {  	[sflag:s23] =	ssyncset.done $0x0  }
0xa5: {  	s25 =	simm.s32 $0x1B8E;
	s24 =	sld [smem:$0x3FFE];
	[sflag:s23] =	ssyncadd.s32 $0xFFFFFFFF  }
0xa6: {  	s26 =	simm.s32 $execute0_lowered;
	[smem:$0x3FD2] =	sst s25  }
0xa7: {  	s6 =	sshll.u32 s26, $0x1;
	_ =	strace $0x80000046;
	[dreg:$0x1] =	wrdreg $0xFFFFFFFF  }
0xa8: {  	s28 =	simm.s32 $_size_execute0_lowered;
	s4 =	sadd.s32 s4, s6;
	[dreg:$0x0] =	wrdreg $0x0  }
0xa9: {  	s6 =	sshll.u32 s28, $0x1;
	[dreg:$0x2] =	wrdreg s4  }
0xaa: {  	[dreg:$0x3] =	wrdreg s6  }
0xab: {  	[dreg:$0x4] =	wrdreg $0xC0  }
0xac: {  	_ =	task [dreg:s8], $0x5FFFF  }
0xad: {  	[dreg:$0x1] =	wrdreg $0xFFFFFFFF  }
0xae: {  	[dreg:$0x0] =	wrdreg $0x60  }
0xaf: {  	[dreg:$0x2] =	wrdreg s24  }
0xb0: {  	[dreg:$0x3] =	wrdreg s2  }
0xb1: {  	[dreg:$0x4] =	wrdreg s18  }
0xb2: {  	[dreg:$0x5] =	wrdreg $0x9  }
0xb3: {  	_ =	task.clear_ibuf [dreg:s8], $0x6FFFF;
	_ =	strace $0x90000046  }
0xb4: {  	s29 =	simm.s32 $0x9;
	_ =	strace $0x80000048  }
0xb5: {  	_ =	swait.ge [sflag:s29], $0x1  }
0xb6: {  	[sflag:s29] =	ssyncadd.s32 $0xFFFFFFFF  }
0xb7: {  	_ =	strace $0x90000048  }
0xb8: {  	_ =	sfence  }
0xb9: {  	s30 =	sld [smem:$0x0];
	_ =	sdelay $0x2  }
0xba: {  	s31 =	sshll.u32 s1, $0xD;
	s1 =	sshrl.u32 s1, $0x2  }
0xbb: {  	s3 =	sand.u32 $0x4000, s31;
	s1 =	sadd.s32 s1, s30  }
0xbc: {  	s0 =	sor.u32 s3, s0;
	s1 =	sshll.u32 s1, $0x11  }
0xbd: {  	s0 =	sor.u32 s1, s0  }
0xbe: {  	s0 =	sadd.s32 $0x8F2B, s0  }
0xbf: {  	[sflag:s0] =	ssyncadd.remote.s32 $0x1  }
0xc0: {  	_ =	sfence.sel $0xFFFF  }
0xc1: {  	[dreg:$0x0] =	wrdreg $0xFFFFFFFF;
	(pc) =	sbr.abs _section_cstart, $3  }
0xc2: {  	[dreg:$0x1] =	wrdreg $0xFFFFFFFF  }
0xc3: {  	_ =	task.clear_ibuf [dreg:s8], $0x2FFFF;
	_ =	strace $0x9FFFFFFF  }
0xc4: {  	(tm) =	ssettm $0x7FFFFFFF  }
0xc5: {  	_ =	shalt  }
tec
execute0_lowered:
.L_overlay_start_1:
0x0: {  	(tag) =	ssettag $0x1  }
0x1: {  	s0 =	rddreg [dreg:$0x0]  }
0x2: {  	s1 =	rddreg [dreg:$0x1]  }
0x3: {  	s3 =	simm.s32 $0x0;
	s2 =	srdreg.scid;
	s4 =	stileid.u32  }
0x4: {  	s28 =	simm.s32 $0x14000;
	s29 =	simm.s32 $0x2;
	s30 =	simm.s32 $0x14400  }
0x5: {  	s31 =	simm.s32 $0x3;
	[smem:$0x7FF] =	sst s3;
	s2 =	sand.u32 $0x1, s2  }
0x6: {  	s5 =	sshll.u32 s4, $0x1;
	s4 =	sadd.s32 $0x27ACA00, s0;
	s0 =	sadd.s32 $0x600, s0  }
0x7: {  	_ =	strace $0x80000047;
	s6 =	ssub.s32 $0x2, s2;
	s2 =	sor.u32 s2, s5  }
0x8: {  	s16 =	sshrl.u32 s6, $0x1;
	s17 =	sshll.u32 s2, $0x9;
	s18 =	sshll.u32 s2, $0xD  }
0x9: {  	s2 =	sshll.u32 s2, $0xA;
	s5 =	ssub.s32 s6, s16;
	s8 =	sor.u32 $0x40, s17  }
0xa: {  	s6 =	sadd.s32 s1, s18;
	s2 =	sadd.s32 s0, s2;
	s20 =	sor.u32 $0x80, s17  }
0xb: {  	s12 =	sor.u32 $0xC0, s17;
	s14 =	sor.u32 $0x100, s17;
	s23 =	sor.u32 $0x140, s17  }
0xc: {  	s18 =	sor.u32 $0x180, s17;
	[dreg:$0x4] =	wrdreg s6;
	s19 =	sshll.u32 s8, $0x4  }
0xd: {  	[dreg:$0x6] =	wrdreg s2;
	s9 =	sshll.u32 s20, $0x4;
	s10 =	sshll.u32 s8, $0x1  }
0xe: {  	s21 =	sshll.u32 s12, $0x4;
	s2 =	sshll.u32 s20, $0x1;
	s22 =	sshll.u32 s14, $0x4  }
0xf: {  	s13 =	sshll.u32 s12, $0x1;
	s15 =	sshll.u32 s23, $0x4;
	s16 =	sshll.u32 s14, $0x1  }
0x10: {  	s24 =	sshll.u32 s18, $0x4;
	s20 =	sor.u32 $0x1C0, s17;
	s6 =	sadd.s32 s1, s19  }
0x11: {  	s8 =	sadd.s32 s1, s9;
	s9 =	sadd.s32 s0, s10;
	s10 =	sadd.s32 s1, s21  }
0x12: {  	s11 =	sadd.s32 s0, s2;
	s12 =	sadd.s32 s1, s22;
	s13 =	sadd.s32 s0, s13  }
0x13: {  	s14 =	sadd.s32 s1, s15;
	s15 =	sadd.s32 s0, s16;
	s16 =	sadd.s32 s1, s24  }
0x14: {  	s2 =	sshll.u32 s23, $0x1;
	s25 =	sshll.u32 s20, $0x4;
	s19 =	sshll.u32 s18, $0x1  }
0x15: {  	s26 =	sshll.u32 s20, $0x1;
	s21 =	smax.u32 s5, $0x1;
	s23 =	simm.s32 $0x4  }
0x16: {  	s24 =	simm.s32 $0x20;
	[dreg:$0x5] =	wrdreg s6;
	s17 =	sadd.s32 s0, s2  }
0x17: {  	s18 =	sadd.s32 s1, s25;
	s19 =	sadd.s32 s0, s19;
	s20 =	sadd.s32 s0, s26  }
0x18: {  	s25 =	simm.s32 $0x1;
	s26 =	simm.s32 $0x2000;
	s0 =	simm.s32 $0x0  }
.LBB2_1:
0x19: {  	s1 =	rddreg [dreg:$0x2];
	s2 =	simm.s32 $0x14800  }
0x1a: {  	[tilespmem:s2], [sflag:$0x4] =	stream.linear.gather [hbm4b:s1+s3], $0x10, $0x38;
	[tilespmem:$0x14810] =	vst v63  }
0x1b: {  	_ =	swait.ge [sflag:s23], $0x10  }
0x1c: {  	[sflag:s23] =	ssyncset.done $0x0  }
0x1d: {  	s22 =	rddreg [dreg:$0x4];
	[sflag:s23] =	ssyncadd.s32 $0xFFFFFFF0  }
0x1e: {  	v0 =	vld [tilespmem:$0x14800];
	[tilespmem:s3], [sflag:$0x4] =	stream.linear.gather [hbm4b:s22+s3], $0x2000, $0x38  }
0x1f: {  	_ =	swait.ge [sflag:s23], $0x2000  }
0x20: {  	s5 =	simm.s32 $0x4200;
	s1 =	simm.s32 $0x4000;
	[sflag:s23] =	ssyncset.done $0x0  }
0x21: {  	s2 =	simm.s32 $0x200;
	s22 =	simm.s32 $0x0;
	[sflag:s23] =	ssyncadd.s32 $0xFFFFE000  }
.LBB2_2:
0x22: {  	[tilespmem:s1], [sflag:$0x1] =	stream.indirect.gather [hbm4b:s4+s24], $0x10, s22, s24, $0xb8;
	[tilespmem:$0x14810] =	vst v63  }
0x23: {  	s22 =	smov.u32 s2;
	s1 =	smov.u32 s5;
	p0 =	sne.s32 s2, $0x7E00  }
.Ltmp0:
0x24: {  	s2 =	sadd.s32 $0x200, s2;
	(pc) =	sbr.rel @p0 .LBB2_2-.Ltmp0, $2  }
0x25: {  	_ =	sdelay $0x2  }
0x26: {  	s5 =	sadd.s32 $0x200, s5;
	s22 =	sshra.s32 s22, $0x2  }
0x27: {  	[tilespmem:s1], [sflag:$0x1] =	stream.indirect.gather [hbm4b:s4+s24], $0x10, s22, s24, $0xb8;
	[tilespmem:$0x14810] =	vst v63  }
0x28: {  	_ =	swait.ge [sflag:s25], $0x8000  }
0x29: {  	[sflag:s25] =	ssyncset.done $0x0  }
0x2a: {  	s2 =	simm.s32 $0x0;
	s22 =	rddreg [dreg:$0x5];
	[sflag:s25] =	ssyncadd.s32 $0xFFFF8000  }
0x2b: {  	[tilespmem:s26], [sflag:$0x4] =	stream.linear.gather [hbm4b:s22+s2], $0x2000, $0x38;
	[tilespmem:$0x14810] =	vst v63  }
0x2c: {  	_ =	swait.ge [sflag:s23], $0x2000  }
0x2d: {  	[sflag:s23] =	ssyncset.done $0x0  }
0x2e: {  	s1 =	simm.s32 $0xC000;
	s5 =	simm.s32 $0x0;
	[sflag:s23] =	ssyncadd.s32 $0xFFFFE000  }
.LBB2_4:
0x2f: {  	p0 =	sne.s32 s5, $0x7E00  }
.Ltmp1:
0x30: {  	_ = 	snop;
	(pc) =	sbr.rel @p0 .LBB2_4-.Ltmp1, $4  }
0x31: {  	s22 =	sshra.s32 s5, $0x2  }
0x32: {  	s22 =	sadd.s32 $0x2000, s22  }
0x33: {  	[tilespmem:s1], [sflag:$0x2] =	stream.indirect.gather [hbm4b:s4+s24], $0x10, s22, s24, $0xb8;
	[tilespmem:$0x14810] =	vst v63  }
0x34: {  	s5 =	sadd.s32 $0x200, s5;
	s1 =	sadd.s32 $0x200, s1  }
0x35: {  	s1 =	simm.s32 $0x40D0  }
0x36: {  	v1 =	vld [tilespmem:s1+$0xFFFFFF40]  }
0x37: {  	v2 =	vld [tilespmem:s1+$0xFFFFFF30];
	_ =	sdelay $0x1  }
0x38: {  	v3 =	vld [tilespmem:s1+$0xFFFFFF50];
	_ =	sdelay $0x1  }
0x39: {  	v4 =	vld [tilespmem:s1+$0xFFFFFF60]  }
0x3a: {  	v1 =	vadd.f32 v1, v2  }
0x3b: {  	v2 =	vld [tilespmem:s1+$0xFFFFFF70]  }
0x3c: {  	v1 =	vadd.f32 v3, v1  }
0x3d: {  	v3 =	vld [tilespmem:s1+$0xFFFFFF80]  }
0x3e: {  	v1 =	vadd.f32 v4, v1  }
0x3f: {  	v57 =	vld [tilespmem:s1+$0xFFFFFF90]  }
0x40: {  	v1 =	vadd.f32 v2, v1  }
0x41: {  	v2 =	vld [tilespmem:s1+$0xFFFFFFA0]  }
0x42: {  	v1 =	vadd.f32 v3, v1  }
0x43: {  	v3 =	vld [tilespmem:s1+$0xFFFFFFB0]  }
0x44: {  	v1 =	vadd.f32 v57, v1  }
0x45: {  	v58 =	vld [tilespmem:s1+$0xFFFFFFC0]  }
0x46: {  	v1 =	vadd.f32 v2, v1  }
0x47: {  	v2 =	vld [tilespmem:s1+$0xFFFFFFD0]  }
0x48: {  	v1 =	vadd.f32 v3, v1  }
0x49: {  	v3 =	vld [tilespmem:s1+$0xFFFFFFE0]  }
0x4a: {  	v1 =	vadd.f32 v58, v1  }
0x4b: {  	v59 =	vld [tilespmem:s1+$0xFFFFFFF0]  }
0x4c: {  	v1 =	vadd.f32 v2, v1  }
0x4d: {  	v2 =	vld [tilespmem:s1+$0x0]  }
0x4e: {  	v1 =	vadd.f32 v3, v1  }
0x4f: {  	v3 =	vld [tilespmem:s1+$0x10]  }
0x50: {  	v1 =	vadd.f32 v59, v1  }
0x51: {  	v60 =	vld [tilespmem:s1+$0x20]  }
0x52: {  	v1 =	vadd.f32 v2, v1  }
0x53: {  	v2 =	vld [tilespmem:s1+$0x30]  }
0x54: {  	v1 =	vadd.f32 v3, v1  }
0x55: {  	v3 =	vld [tilespmem:s1+$0x40]  }
0x56: {  	v1 =	vadd.f32 v60, v1  }
0x57: {  	v61 =	vld [tilespmem:s1+$0x50]  }
0x58: {  	v1 =	vadd.f32 v2, v1  }
0x59: {  	v2 =	vld [tilespmem:s1+$0x60]  }
0x5a: {  	v1 =	vadd.f32 v3, v1  }
0x5b: {  	v3 =	vld [tilespmem:s1+$0x70]  }
0x5c: {  	v1 =	vadd.f32 v61, v1  }
0x5d: {  	v62 =	vld [tilespmem:s1+$0x80]  }
0x5e: {  	v1 =	vadd.f32 v2, v1  }
0x5f: {  	v2 =	vld [tilespmem:s1+$0x90]  }
0x60: {  	v1 =	vadd.f32 v3, v1  }
0x61: {  	v3 =	vld [tilespmem:s1+$0xA0]  }
0x62: {  	v1 =	vadd.f32 v62, v1  }
0x63: {  	v63 =	vld [tilespmem:s1+$0xB0]  }
0x64: {  	v1 =	vadd.f32 v2, v1  }
0x65: {  	v2 =	vld [tilespmem:s1+$0xC0]  }
0x66: {  	v1 =	vadd.f32 v3, v1;
	_ =	sdelay $0x1  }
0x67: {  	v1 =	vadd.f32 v63, v1;
	_ =	sdelay $0x1  }
0x68: {  	v1 =	vadd.f32 v2, v1  }
0x69: {  	s22 =	sand.u32 $0xE00, s2  }
0x6a: {  	s5 =	sand.u32 $0x70, s2;
	s1 =	sshrl.u32 s22, $0x2;
	v1 =	vmul.f32 v1, v0  }
0x6b: {  	s1 =	sor.u32 s5, s1  }
0x6c: {  	s22 =	simm.s32 $0x42D0;
	[tilespmem:s1+$0x14000] =	vst v1  }
0x6d: {  	v1 =	vld [tilespmem:s22+$0xFFFFFF40]  }
0x6e: {  	s5 =	simm.s32 $0x80;
	s1 =	simm.s32 $0x40;
	v2 =	vld [tilespmem:s22+$0xFFFFFF30]  }
.LBB2_6:
0x6f: {  	p0 =	sne.s32 s5, $0xFC0  }
0x70: {  	v3 =	vld [tilespmem:s22+$0xFFFFFF50];
	_ =	sdelay $0x1  }
0x71: {  	v4 =	vld [tilespmem:s22+$0xFFFFFF60]  }
0x72: {  	v1 =	vadd.f32 v1, v2  }
0x73: {  	v2 =	vld [tilespmem:s22+$0xFFFFFF70]  }
0x74: {  	v1 =	vadd.f32 v3, v1  }
0x75: {  	v3 =	vld [tilespmem:s22+$0xFFFFFF80]  }
0x76: {  	v1 =	vadd.f32 v4, v1  }
0x77: {  	v4 =	vld [tilespmem:s22+$0xFFFFFF90]  }
0x78: {  	v1 =	vadd.f32 v2, v1  }
0x79: {  	v2 =	vld [tilespmem:s22+$0xFFFFFFA0]  }
0x7a: {  	v1 =	vadd.f32 v3, v1  }
0x7b: {  	v3 =	vld [tilespmem:s22+$0xFFFFFFB0]  }
0x7c: {  	v1 =	vadd.f32 v4, v1  }
0x7d: {  	v4 =	vld [tilespmem:s22+$0xFFFFFFC0]  }
0x7e: {  	v1 =	vadd.f32 v2, v1  }
0x7f: {  	v2 =	vld [tilespmem:s22+$0xFFFFFFD0]  }
0x80: {  	v1 =	vadd.f32 v3, v1  }
0x81: {  	v3 =	vld [tilespmem:s22+$0xFFFFFFE0]  }
0x82: {  	v1 =	vadd.f32 v4, v1  }
0x83: {  	v4 =	vld [tilespmem:s22+$0xFFFFFFF0]  }
0x84: {  	v1 =	vadd.f32 v2, v1  }
0x85: {  	v2 =	vld [tilespmem:s22+$0x0]  }
0x86: {  	v1 =	vadd.f32 v3, v1  }
0x87: {  	v3 =	vld [tilespmem:s22+$0x10]  }
0x88: {  	v1 =	vadd.f32 v4, v1  }
0x89: {  	v4 =	vld [tilespmem:s22+$0x20]  }
0x8a: {  	v1 =	vadd.f32 v2, v1  }
0x8b: {  	v2 =	vld [tilespmem:s22+$0x30]  }
0x8c: {  	v1 =	vadd.f32 v3, v1  }
0x8d: {  	v3 =	vld [tilespmem:s22+$0x40]  }
0x8e: {  	v1 =	vadd.f32 v4, v1  }
0x8f: {  	v4 =	vld [tilespmem:s22+$0x50]  }
0x90: {  	v1 =	vadd.f32 v2, v1  }
0x91: {  	v2 =	vld [tilespmem:s22+$0x60]  }
0x92: {  	v1 =	vadd.f32 v3, v1  }
0x93: {  	v3 =	vld [tilespmem:s22+$0x70]  }
0x94: {  	v1 =	vadd.f32 v4, v1  }
0x95: {  	v4 =	vld [tilespmem:s22+$0x80]  }
0x96: {  	v1 =	vadd.f32 v2, v1  }
0x97: {  	v2 =	vld [tilespmem:s22+$0x90]  }
0x98: {  	v1 =	vadd.f32 v3, v1  }
0x99: {  	v3 =	vld [tilespmem:s22+$0xA0]  }
0x9a: {  	v1 =	vadd.f32 v4, v1  }
0x9b: {  	v4 =	vld [tilespmem:s22+$0xB0]  }
0x9c: {  	v1 =	vadd.f32 v2, v1  }
0x9d: {  	v2 =	vld [tilespmem:s22+$0xC0]  }
0x9e: {  	v1 =	vadd.f32 v3, v1;
	_ =	sdelay $0x1  }
0x9f: {  	v1 =	vadd.f32 v4, v1;
	_ =	sdelay $0x1  }
0xa0: {  	v1 =	vadd.f32 v2, v1  }
0xa1: {  	s6 =	sand.u32 $0xE00, s1;
	s2 =	sadd.s32 $0x10, s2;
	s1 =	smov.u32 s5  }
.Ltmp2:
0xa2: {  	s7 =	sand.u32 $0x70, s2;
	s6 =	sshrl.u32 s6, $0x2;
	v1 =	vmul.f32 v1, v0;
	(pc) =	sbr.rel @p0 .LBB2_6-.Ltmp2, $4  }
0xa3: {  	s6 =	sor.u32 s7, s6  }
0xa4: {  	s22 =	sadd.s32 $0x200, s22;
	[tilespmem:s6+$0x14000] =	vst v1  }
0xa5: {  	v1 =	vld [tilespmem:s22+$0xFFFFFF40]  }
0xa6: {  	s5 =	sadd.s32 $0x40, s5;
	v2 =	vld [tilespmem:s22+$0xFFFFFF30]  }
0xa7: {  	_ = 	snop  }
0xa8: {  	v3 =	vld [tilespmem:s22+$0xFFFFFF50];
	_ =	sdelay $0x1  }
0xa9: {  	v4 =	vld [tilespmem:s22+$0xFFFFFF60]  }
0xaa: {  	v1 =	vadd.f32 v1, v2  }
0xab: {  	v2 =	vld [tilespmem:s22+$0xFFFFFF70]  }
0xac: {  	v1 =	vadd.f32 v3, v1  }
0xad: {  	v3 =	vld [tilespmem:s22+$0xFFFFFF80]  }
0xae: {  	v1 =	vadd.f32 v4, v1  }
0xaf: {  	v57 =	vld [tilespmem:s22+$0xFFFFFF90]  }
0xb0: {  	v1 =	vadd.f32 v2, v1  }
0xb1: {  	v2 =	vld [tilespmem:s22+$0xFFFFFFA0]  }
0xb2: {  	v1 =	vadd.f32 v3, v1  }
0xb3: {  	v3 =	vld [tilespmem:s22+$0xFFFFFFB0]  }
0xb4: {  	v1 =	vadd.f32 v57, v1  }
0xb5: {  	v58 =	vld [tilespmem:s22+$0xFFFFFFC0]  }
0xb6: {  	v1 =	vadd.f32 v2, v1  }
0xb7: {  	v2 =	vld [tilespmem:s22+$0xFFFFFFD0]  }
0xb8: {  	v1 =	vadd.f32 v3, v1  }
0xb9: {  	v3 =	vld [tilespmem:s22+$0xFFFFFFE0]  }
0xba: {  	v1 =	vadd.f32 v58, v1  }
0xbb: {  	v59 =	vld [tilespmem:s22+$0xFFFFFFF0]  }
0xbc: {  	v1 =	vadd.f32 v2, v1  }
0xbd: {  	v2 =	vld [tilespmem:s22+$0x0]  }
0xbe: {  	v1 =	vadd.f32 v3, v1  }
0xbf: {  	v3 =	vld [tilespmem:s22+$0x10]  }
0xc0: {  	v1 =	vadd.f32 v59, v1  }
0xc1: {  	v60 =	vld [tilespmem:s22+$0x20]  }
0xc2: {  	v1 =	vadd.f32 v2, v1  }
0xc3: {  	v2 =	vld [tilespmem:s22+$0x30]  }
0xc4: {  	v1 =	vadd.f32 v3, v1  }
0xc5: {  	v3 =	vld [tilespmem:s22+$0x40]  }
0xc6: {  	v1 =	vadd.f32 v60, v1  }
0xc7: {  	v61 =	vld [tilespmem:s22+$0x50]  }
0xc8: {  	v1 =	vadd.f32 v2, v1  }
0xc9: {  	v2 =	vld [tilespmem:s22+$0x60]  }
0xca: {  	v1 =	vadd.f32 v3, v1  }
0xcb: {  	v3 =	vld [tilespmem:s22+$0x70]  }
0xcc: {  	v1 =	vadd.f32 v61, v1  }
0xcd: {  	v62 =	vld [tilespmem:s22+$0x80]  }
0xce: {  	v1 =	vadd.f32 v2, v1  }
0xcf: {  	v2 =	vld [tilespmem:s22+$0x90]  }
0xd0: {  	v1 =	vadd.f32 v3, v1  }
0xd1: {  	v3 =	vld [tilespmem:s22+$0xA0]  }
0xd2: {  	v1 =	vadd.f32 v62, v1  }
0xd3: {  	v63 =	vld [tilespmem:s22+$0xB0]  }
0xd4: {  	v1 =	vadd.f32 v2, v1  }
0xd5: {  	v2 =	vld [tilespmem:s22+$0xC0]  }
0xd6: {  	v1 =	vadd.f32 v3, v1;
	_ =	sdelay $0x1  }
0xd7: {  	v1 =	vadd.f32 v63, v1;
	_ =	sdelay $0x1  }
0xd8: {  	v1 =	vadd.f32 v2, v1  }
0xd9: {  	s1 =	sand.u32 $0xE00, s1;
	s2 =	sadd.s32 $0x10, s2  }
0xda: {  	s2 =	sand.u32 $0x70, s2;
	s1 =	sshrl.u32 s1, $0x2;
	v1 =	vmul.f32 v1, v0  }
0xdb: {  	s1 =	sor.u32 s2, s1  }
0xdc: {  	s2 =	simm.s32 $0x0;
	s22 =	rddreg [dreg:$0x6];
	[tilespmem:s1+$0x14000] =	vst v1  }
0xdd: {  	[hbm4b:s22+s2] =	stream.linear.scatter [tilespmem:s28], [sflag:$0x3], $0x400, $0x38;
	[tilespmem:$0x14810] =	vst v63  }
0xde: {  	_ =	swait.ge [sflag:s29], $0x8000  }
0xdf: {  	[sflag:s29] =	ssyncset.done $0x0  }
0xe0: {  	[sflag:s29] =	ssyncadd.s32 $0xFFFF8000  }
0xe1: {  	[tilespmem:s2], [sflag:$0x4] =	stream.linear.gather [hbm4b:s8+s2], $0x2000, $0x38;
	[tilespmem:$0x14810] =	vst v63  }
0xe2: {  	_ =	swait.ge [sflag:s23], $0x2000  }
0xe3: {  	[sflag:s23] =	ssyncset.done $0x0  }
0xe4: {  	s5 =	simm.s32 $0x0;
	s1 =	simm.s32 $0x4000;
	[sflag:s23] =	ssyncadd.s32 $0xFFFFE000  }
.LBB2_8:
0xe5: {  	p0 =	sne.s32 s5, $0x7E00  }
.Ltmp3:
0xe6: {  	_ = 	snop;
	(pc) =	sbr.rel @p0 .LBB2_8-.Ltmp3, $4  }
0xe7: {  	_ = 	snop  }
0xe8: {  	s6 =	sshra.s32 s5, $0x2  }
0xe9: {  	[tilespmem:s1], [sflag:$0x1] =	stream.indirect.gather [hbm4b:s4+s24], $0x10, s6, s24, $0xb8;
	[tilespmem:$0x14810] =	vst v63  }
0xea: {  	s5 =	sadd.s32 $0x200, s5;
	s1 =	sadd.s32 $0x200, s1  }
0xeb: {  	s1 =	simm.s32 $0xC0D0  }
0xec: {  	v1 =	vld [tilespmem:s1+$0xFFFFFF40]  }
0xed: {  	v2 =	vld [tilespmem:s1+$0xFFFFFF30];
	_ =	sdelay $0x1  }
0xee: {  	v3 =	vld [tilespmem:s1+$0xFFFFFF50];
	_ =	sdelay $0x1  }
0xef: {  	v4 =	vld [tilespmem:s1+$0xFFFFFF60]  }
0xf0: {  	v1 =	vadd.f32 v1, v2  }
0xf1: {  	v2 =	vld [tilespmem:s1+$0xFFFFFF70]  }
0xf2: {  	v1 =	vadd.f32 v3, v1  }
0xf3: {  	v3 =	vld [tilespmem:s1+$0xFFFFFF80]  }
0xf4: {  	v1 =	vadd.f32 v4, v1  }
0xf5: {  	v57 =	vld [tilespmem:s1+$0xFFFFFF90]  }
0xf6: {  	v1 =	vadd.f32 v2, v1  }
0xf7: {  	v2 =	vld [tilespmem:s1+$0xFFFFFFA0]  }
0xf8: {  	v1 =	vadd.f32 v3, v1  }
0xf9: {  	v3 =	vld [tilespmem:s1+$0xFFFFFFB0]  }
0xfa: {  	v1 =	vadd.f32 v57, v1  }
0xfb: {  	v58 =	vld [tilespmem:s1+$0xFFFFFFC0]  }
0xfc: {  	v1 =	vadd.f32 v2, v1  }
0xfd: {  	v2 =	vld [tilespmem:s1+$0xFFFFFFD0]  }
0xfe: {  	v1 =	vadd.f32 v3, v1  }
0xff: {  	v3 =	vld [tilespmem:s1+$0xFFFFFFE0]  }
0x100: {  	v1 =	vadd.f32 v58, v1  }
0x101: {  	v59 =	vld [tilespmem:s1+$0xFFFFFFF0]  }
0x102: {  	v1 =	vadd.f32 v2, v1  }
0x103: {  	v2 =	vld [tilespmem:s1+$0x0]  }
0x104: {  	v1 =	vadd.f32 v3, v1  }
0x105: {  	v3 =	vld [tilespmem:s1+$0x10]  }
0x106: {  	v1 =	vadd.f32 v59, v1  }
0x107: {  	v60 =	vld [tilespmem:s1+$0x20]  }
0x108: {  	v1 =	vadd.f32 v2, v1  }
0x109: {  	v2 =	vld [tilespmem:s1+$0x30]  }
0x10a: {  	v1 =	vadd.f32 v3, v1  }
0x10b: {  	v3 =	vld [tilespmem:s1+$0x40]  }
0x10c: {  	v1 =	vadd.f32 v60, v1  }
0x10d: {  	v61 =	vld [tilespmem:s1+$0x50]  }
0x10e: {  	v1 =	vadd.f32 v2, v1  }
0x10f: {  	v2 =	vld [tilespmem:s1+$0x60]  }
0x110: {  	v1 =	vadd.f32 v3, v1  }
0x111: {  	v3 =	vld [tilespmem:s1+$0x70]  }
0x112: {  	v1 =	vadd.f32 v61, v1  }
0x113: {  	v62 =	vld [tilespmem:s1+$0x80]  }
0x114: {  	v1 =	vadd.f32 v2, v1  }
0x115: {  	v2 =	vld [tilespmem:s1+$0x90]  }
0x116: {  	v1 =	vadd.f32 v3, v1  }
0x117: {  	v3 =	vld [tilespmem:s1+$0xA0]  }
0x118: {  	v1 =	vadd.f32 v62, v1  }
0x119: {  	v63 =	vld [tilespmem:s1+$0xB0]  }
0x11a: {  	v1 =	vadd.f32 v2, v1  }
0x11b: {  	v2 =	vld [tilespmem:s1+$0xC0]  }
0x11c: {  	v1 =	vadd.f32 v3, v1;
	_ =	sdelay $0x1  }
0x11d: {  	v1 =	vadd.f32 v63, v1;
	_ =	sdelay $0x1  }
0x11e: {  	v1 =	vadd.f32 v2, v1  }
0x11f: {  	s22 =	sand.u32 $0xE00, s2  }
0x120: {  	s5 =	sand.u32 $0x70, s2;
	s1 =	sshrl.u32 s22, $0x2;
	v1 =	vmul.f32 v1, v0  }
0x121: {  	s1 =	sor.u32 s5, s1  }
0x122: {  	s22 =	simm.s32 $0xC2D0;
	[tilespmem:s1+$0x14400] =	vst v1  }
0x123: {  	v1 =	vld [tilespmem:s22+$0xFFFFFF40]  }
0x124: {  	s5 =	simm.s32 $0x80;
	s1 =	simm.s32 $0x40;
	v2 =	vld [tilespmem:s22+$0xFFFFFF30]  }
.LBB2_10:
0x125: {  	p0 =	sne.s32 s5, $0xFC0  }
0x126: {  	v3 =	vld [tilespmem:s22+$0xFFFFFF50];
	_ =	sdelay $0x1  }
0x127: {  	v4 =	vld [tilespmem:s22+$0xFFFFFF60]  }
0x128: {  	v1 =	vadd.f32 v1, v2  }
0x129: {  	v2 =	vld [tilespmem:s22+$0xFFFFFF70]  }
0x12a: {  	v1 =	vadd.f32 v3, v1  }
0x12b: {  	v3 =	vld [tilespmem:s22+$0xFFFFFF80]  }
0x12c: {  	v1 =	vadd.f32 v4, v1  }
0x12d: {  	v4 =	vld [tilespmem:s22+$0xFFFFFF90]  }
0x12e: {  	v1 =	vadd.f32 v2, v1  }
0x12f: {  	v2 =	vld [tilespmem:s22+$0xFFFFFFA0]  }
0x130: {  	v1 =	vadd.f32 v3, v1  }
0x131: {  	v3 =	vld [tilespmem:s22+$0xFFFFFFB0]  }
0x132: {  	v1 =	vadd.f32 v4, v1  }
0x133: {  	v4 =	vld [tilespmem:s22+$0xFFFFFFC0]  }
0x134: {  	v1 =	vadd.f32 v2, v1  }
0x135: {  	v2 =	vld [tilespmem:s22+$0xFFFFFFD0]  }
0x136: {  	v1 =	vadd.f32 v3, v1  }
0x137: {  	v3 =	vld [tilespmem:s22+$0xFFFFFFE0]  }
0x138: {  	v1 =	vadd.f32 v4, v1  }
0x139: {  	v4 =	vld [tilespmem:s22+$0xFFFFFFF0]  }
0x13a: {  	v1 =	vadd.f32 v2, v1  }
0x13b: {  	v2 =	vld [tilespmem:s22+$0x0]  }
0x13c: {  	v1 =	vadd.f32 v3, v1  }
0x13d: {  	v3 =	vld [tilespmem:s22+$0x10]  }
0x13e: {  	v1 =	vadd.f32 v4, v1  }
0x13f: {  	v4 =	vld [tilespmem:s22+$0x20]  }
0x140: {  	v1 =	vadd.f32 v2, v1  }
0x141: {  	v2 =	vld [tilespmem:s22+$0x30]  }
0x142: {  	v1 =	vadd.f32 v3, v1  }
0x143: {  	v3 =	vld [tilespmem:s22+$0x40]  }
0x144: {  	v1 =	vadd.f32 v4, v1  }
0x145: {  	v4 =	vld [tilespmem:s22+$0x50]  }
0x146: {  	v1 =	vadd.f32 v2, v1  }
0x147: {  	v2 =	vld [tilespmem:s22+$0x60]  }
0x148: {  	v1 =	vadd.f32 v3, v1  }
0x149: {  	v3 =	vld [tilespmem:s22+$0x70]  }
0x14a: {  	v1 =	vadd.f32 v4, v1  }
0x14b: {  	v4 =	vld [tilespmem:s22+$0x80]  }
0x14c: {  	v1 =	vadd.f32 v2, v1  }
0x14d: {  	v2 =	vld [tilespmem:s22+$0x90]  }
0x14e: {  	v1 =	vadd.f32 v3, v1  }
0x14f: {  	v3 =	vld [tilespmem:s22+$0xA0]  }
0x150: {  	v1 =	vadd.f32 v4, v1  }
0x151: {  	v4 =	vld [tilespmem:s22+$0xB0]  }
0x152: {  	v1 =	vadd.f32 v2, v1  }
0x153: {  	v2 =	vld [tilespmem:s22+$0xC0]  }
0x154: {  	v1 =	vadd.f32 v3, v1;
	_ =	sdelay $0x1  }
0x155: {  	v1 =	vadd.f32 v4, v1;
	_ =	sdelay $0x1  }
0x156: {  	v1 =	vadd.f32 v2, v1  }
0x157: {  	s6 =	sand.u32 $0xE00, s1;
	s2 =	sadd.s32 $0x10, s2;
	s1 =	smov.u32 s5  }
.Ltmp4:
0x158: {  	s7 =	sand.u32 $0x70, s2;
	s6 =	sshrl.u32 s6, $0x2;
	v1 =	vmul.f32 v1, v0;
	(pc) =	sbr.rel @p0 .LBB2_10-.Ltmp4, $4  }
0x159: {  	s6 =	sor.u32 s7, s6  }
0x15a: {  	s22 =	sadd.s32 $0x200, s22;
	[tilespmem:s6+$0x14400] =	vst v1  }
0x15b: {  	v1 =	vld [tilespmem:s22+$0xFFFFFF40]  }
0x15c: {  	s5 =	sadd.s32 $0x40, s5;
	v2 =	vld [tilespmem:s22+$0xFFFFFF30]  }
0x15d: {  	_ = 	snop  }
0x15e: {  	v3 =	vld [tilespmem:s22+$0xFFFFFF50];
	_ =	sdelay $0x1  }
0x15f: {  	v4 =	vld [tilespmem:s22+$0xFFFFFF60]  }
0x160: {  	v1 =	vadd.f32 v1, v2  }
0x161: {  	v2 =	vld [tilespmem:s22+$0xFFFFFF70]  }
0x162: {  	v1 =	vadd.f32 v3, v1  }
0x163: {  	v3 =	vld [tilespmem:s22+$0xFFFFFF80]  }
0x164: {  	v1 =	vadd.f32 v4, v1  }
0x165: {  	v57 =	vld [tilespmem:s22+$0xFFFFFF90]  }
0x166: {  	v1 =	vadd.f32 v2, v1  }
0x167: {  	v2 =	vld [tilespmem:s22+$0xFFFFFFA0]  }
0x168: {  	v1 =	vadd.f32 v3, v1  }
0x169: {  	v3 =	vld [tilespmem:s22+$0xFFFFFFB0]  }
0x16a: {  	v1 =	vadd.f32 v57, v1  }
0x16b: {  	v58 =	vld [tilespmem:s22+$0xFFFFFFC0]  }
0x16c: {  	v1 =	vadd.f32 v2, v1  }
0x16d: {  	v2 =	vld [tilespmem:s22+$0xFFFFFFD0]  }
0x16e: {  	v1 =	vadd.f32 v3, v1  }
0x16f: {  	v3 =	vld [tilespmem:s22+$0xFFFFFFE0]  }
0x170: {  	v1 =	vadd.f32 v58, v1  }
0x171: {  	v59 =	vld [tilespmem:s22+$0xFFFFFFF0]  }
0x172: {  	v1 =	vadd.f32 v2, v1  }
0x173: {  	v2 =	vld [tilespmem:s22+$0x0]  }
0x174: {  	v1 =	vadd.f32 v3, v1  }
0x175: {  	v3 =	vld [tilespmem:s22+$0x10]  }
0x176: {  	v1 =	vadd.f32 v59, v1  }
0x177: {  	v60 =	vld [tilespmem:s22+$0x20]  }
0x178: {  	v1 =	vadd.f32 v2, v1  }
0x179: {  	v2 =	vld [tilespmem:s22+$0x30]  }
0x17a: {  	v1 =	vadd.f32 v3, v1  }
0x17b: {  	v3 =	vld [tilespmem:s22+$0x40]  }
0x17c: {  	v1 =	vadd.f32 v60, v1  }
0x17d: {  	v61 =	vld [tilespmem:s22+$0x50]  }
0x17e: {  	v1 =	vadd.f32 v2, v1  }
0x17f: {  	v2 =	vld [tilespmem:s22+$0x60]  }
0x180: {  	v1 =	vadd.f32 v3, v1  }
0x181: {  	v3 =	vld [tilespmem:s22+$0x70]  }
0x182: {  	v1 =	vadd.f32 v61, v1  }
0x183: {  	v62 =	vld [tilespmem:s22+$0x80]  }
0x184: {  	v1 =	vadd.f32 v2, v1  }
0x185: {  	v2 =	vld [tilespmem:s22+$0x90]  }
0x186: {  	v1 =	vadd.f32 v3, v1  }
0x187: {  	v3 =	vld [tilespmem:s22+$0xA0]  }
0x188: {  	v1 =	vadd.f32 v62, v1  }
0x189: {  	v63 =	vld [tilespmem:s22+$0xB0]  }
0x18a: {  	v1 =	vadd.f32 v2, v1  }
0x18b: {  	v2 =	vld [tilespmem:s22+$0xC0]  }
0x18c: {  	v1 =	vadd.f32 v3, v1;
	_ =	sdelay $0x1  }
0x18d: {  	v1 =	vadd.f32 v63, v1;
	_ =	sdelay $0x1  }
0x18e: {  	v1 =	vadd.f32 v2, v1  }
0x18f: {  	s1 =	sand.u32 $0xE00, s1;
	s2 =	sadd.s32 $0x10, s2  }
0x190: {  	s2 =	sand.u32 $0x70, s2;
	s1 =	sshrl.u32 s1, $0x2;
	v1 =	vmul.f32 v1, v0  }
0x191: {  	s1 =	sor.u32 s2, s1  }
0x192: {  	s7 =	simm.s32 $0x0;
	[tilespmem:s1+$0x14400] =	vst v1  }
0x193: {  	[hbm4b:s9+s7] =	stream.linear.scatter [tilespmem:s30], [sflag:$0x3], $0x400, $0x38;
	[tilespmem:$0x14810] =	vst v63  }
0x194: {  	_ =	swait.ge [sflag:s25], $0x8000  }
0x195: {  	[sflag:s25] =	ssyncset.done $0x0  }
0x196: {  	[sflag:s25] =	ssyncadd.s32 $0xFFFF8000  }
0x197: {  	[tilespmem:s26], [sflag:$0x4] =	stream.linear.gather [hbm4b:s10+s7], $0x2000, $0x38;
	[tilespmem:$0x14810] =	vst v63  }
0x198: {  	_ =	swait.ge [sflag:s23], $0x2000  }
0x199: {  	s2 =	simm.s32 $0x200;
	[sflag:s23] =	ssyncset.done $0x0  }
0x19a: {  	s22 =	simm.s32 $0x2000;
	s1 =	simm.s32 $0xC000;
	[sflag:s23] =	ssyncadd.s32 $0xFFFFE000  }
0x19b: {  	[tilespmem:s1], [sflag:$0x2] =	stream.indirect.gather [hbm4b:s4+s24], $0x10, s22, s24, $0xb8;
	[tilespmem:$0x14810] =	vst v63  }
.LBB2_12:
0x19c: {  	p0 =	sne.s32 s2, $0x7E00  }
.Ltmp5:
0x19d: {  	_ = 	snop;
	(pc) =	sbr.rel @p0 .LBB2_12-.Ltmp5, $4  }
0x19e: {  	_ = 	snop  }
0x19f: {  	s5 =	sshra.s32 s2, $0x2;
	s2 =	sadd.s32 $0x200, s2  }
0x1a0: {  	s1 =	sadd.s32 $0x200, s1;
	s5 =	sadd.s32 $0x2000, s5  }
0x1a1: {  	[tilespmem:s1], [sflag:$0x2] =	stream.indirect.gather [hbm4b:s4+s24], $0x10, s5, s24, $0xb8;
	[tilespmem:$0x14810] =	vst v63  }
0x1a2: {  	_ =	swait.ge [sflag:s31], $0x400  }
0x1a3: {  	[sflag:s31] =	ssyncset.done $0x0  }
0x1a4: {  	s1 =	simm.s32 $0x40D0;
	[sflag:s31] =	ssyncadd.s32 $0xFFFFFC00  }
0x1a5: {  	v1 =	vld [tilespmem:s1+$0xFFFFFF40]  }
0x1a6: {  	v2 =	vld [tilespmem:s1+$0xFFFFFF30];
	_ =	sdelay $0x1  }
0x1a7: {  	v3 =	vld [tilespmem:s1+$0xFFFFFF50];
	_ =	sdelay $0x1  }
0x1a8: {  	v4 =	vld [tilespmem:s1+$0xFFFFFF60]  }
0x1a9: {  	v1 =	vadd.f32 v1, v2  }
0x1aa: {  	v2 =	vld [tilespmem:s1+$0xFFFFFF70]  }
0x1ab: {  	v1 =	vadd.f32 v3, v1  }
0x1ac: {  	v3 =	vld [tilespmem:s1+$0xFFFFFF80]  }
0x1ad: {  	v1 =	vadd.f32 v4, v1  }
0x1ae: {  	v57 =	vld [tilespmem:s1+$0xFFFFFF90]  }
0x1af: {  	v1 =	vadd.f32 v2, v1  }
0x1b0: {  	v2 =	vld [tilespmem:s1+$0xFFFFFFA0]  }
0x1b1: {  	v1 =	vadd.f32 v3, v1  }
0x1b2: {  	v3 =	vld [tilespmem:s1+$0xFFFFFFB0]  }
0x1b3: {  	v1 =	vadd.f32 v57, v1  }
0x1b4: {  	v58 =	vld [tilespmem:s1+$0xFFFFFFC0]  }
0x1b5: {  	v1 =	vadd.f32 v2, v1  }
0x1b6: {  	v2 =	vld [tilespmem:s1+$0xFFFFFFD0]  }
0x1b7: {  	v1 =	vadd.f32 v3, v1  }
0x1b8: {  	v3 =	vld [tilespmem:s1+$0xFFFFFFE0]  }
0x1b9: {  	v1 =	vadd.f32 v58, v1  }
0x1ba: {  	v59 =	vld [tilespmem:s1+$0xFFFFFFF0]  }
0x1bb: {  	v1 =	vadd.f32 v2, v1  }
0x1bc: {  	v2 =	vld [tilespmem:s1+$0x0]  }
0x1bd: {  	v1 =	vadd.f32 v3, v1  }
0x1be: {  	v3 =	vld [tilespmem:s1+$0x10]  }
0x1bf: {  	v1 =	vadd.f32 v59, v1  }
0x1c0: {  	v60 =	vld [tilespmem:s1+$0x20]  }
0x1c1: {  	v1 =	vadd.f32 v2, v1  }
0x1c2: {  	v2 =	vld [tilespmem:s1+$0x30]  }
0x1c3: {  	v1 =	vadd.f32 v3, v1  }
0x1c4: {  	v3 =	vld [tilespmem:s1+$0x40]  }
0x1c5: {  	v1 =	vadd.f32 v60, v1  }
0x1c6: {  	v61 =	vld [tilespmem:s1+$0x50]  }
0x1c7: {  	v1 =	vadd.f32 v2, v1  }
0x1c8: {  	v2 =	vld [tilespmem:s1+$0x60]  }
0x1c9: {  	v1 =	vadd.f32 v3, v1  }
0x1ca: {  	v3 =	vld [tilespmem:s1+$0x70]  }
0x1cb: {  	v1 =	vadd.f32 v61, v1  }
0x1cc: {  	v62 =	vld [tilespmem:s1+$0x80]  }
0x1cd: {  	v1 =	vadd.f32 v2, v1  }
0x1ce: {  	v2 =	vld [tilespmem:s1+$0x90]  }
0x1cf: {  	v1 =	vadd.f32 v3, v1  }
0x1d0: {  	v3 =	vld [tilespmem:s1+$0xA0]  }
0x1d1: {  	v1 =	vadd.f32 v62, v1  }
0x1d2: {  	v63 =	vld [tilespmem:s1+$0xB0]  }
0x1d3: {  	v1 =	vadd.f32 v2, v1  }
0x1d4: {  	v2 =	vld [tilespmem:s1+$0xC0]  }
0x1d5: {  	v1 =	vadd.f32 v3, v1;
	_ =	sdelay $0x1  }
0x1d6: {  	v1 =	vadd.f32 v63, v1;
	_ =	sdelay $0x1  }
0x1d7: {  	s2 =	simm.s32 $0x0;
	v1 =	vadd.f32 v2, v1  }
0x1d8: {  	s22 =	sand.u32 $0xE00, s2  }
0x1d9: {  	s5 =	sand.u32 $0x70, s2;
	s1 =	sshrl.u32 s22, $0x2;
	v1 =	vmul.f32 v1, v0  }
0x1da: {  	s1 =	sor.u32 s5, s1  }
0x1db: {  	s22 =	simm.s32 $0x42D0;
	[tilespmem:s1+$0x14000] =	vst v1  }
0x1dc: {  	v1 =	vld [tilespmem:s22+$0xFFFFFF40]  }
0x1dd: {  	s5 =	simm.s32 $0x80;
	s1 =	simm.s32 $0x40;
	v2 =	vld [tilespmem:s22+$0xFFFFFF30]  }
.LBB2_14:
0x1de: {  	p0 =	sne.s32 s5, $0xFC0  }
0x1df: {  	v3 =	vld [tilespmem:s22+$0xFFFFFF50];
	_ =	sdelay $0x1  }
0x1e0: {  	v4 =	vld [tilespmem:s22+$0xFFFFFF60]  }
0x1e1: {  	v1 =	vadd.f32 v1, v2  }
0x1e2: {  	v2 =	vld [tilespmem:s22+$0xFFFFFF70]  }
0x1e3: {  	v1 =	vadd.f32 v3, v1  }
0x1e4: {  	v3 =	vld [tilespmem:s22+$0xFFFFFF80]  }
0x1e5: {  	v1 =	vadd.f32 v4, v1  }
0x1e6: {  	v4 =	vld [tilespmem:s22+$0xFFFFFF90]  }
0x1e7: {  	v1 =	vadd.f32 v2, v1  }
0x1e8: {  	v2 =	vld [tilespmem:s22+$0xFFFFFFA0]  }
0x1e9: {  	v1 =	vadd.f32 v3, v1  }
0x1ea: {  	v3 =	vld [tilespmem:s22+$0xFFFFFFB0]  }
0x1eb: {  	v1 =	vadd.f32 v4, v1  }
0x1ec: {  	v4 =	vld [tilespmem:s22+$0xFFFFFFC0]  }
0x1ed: {  	v1 =	vadd.f32 v2, v1  }
0x1ee: {  	v2 =	vld [tilespmem:s22+$0xFFFFFFD0]  }
0x1ef: {  	v1 =	vadd.f32 v3, v1  }
0x1f0: {  	v3 =	vld [tilespmem:s22+$0xFFFFFFE0]  }
0x1f1: {  	v1 =	vadd.f32 v4, v1  }
0x1f2: {  	v4 =	vld [tilespmem:s22+$0xFFFFFFF0]  }
0x1f3: {  	v1 =	vadd.f32 v2, v1  }
0x1f4: {  	v2 =	vld [tilespmem:s22+$0x0]  }
0x1f5: {  	v1 =	vadd.f32 v3, v1  }
0x1f6: {  	v3 =	vld [tilespmem:s22+$0x10]  }
0x1f7: {  	v1 =	vadd.f32 v4, v1  }
0x1f8: {  	v4 =	vld [tilespmem:s22+$0x20]  }
0x1f9: {  	v1 =	vadd.f32 v2, v1  }
0x1fa: {  	v2 =	vld [tilespmem:s22+$0x30]  }
0x1fb: {  	v1 =	vadd.f32 v3, v1  }
0x1fc: {  	v3 =	vld [tilespmem:s22+$0x40]  }
0x1fd: {  	v1 =	vadd.f32 v4, v1  }
0x1fe: {  	v4 =	vld [tilespmem:s22+$0x50]  }
0x1ff: {  	v1 =	vadd.f32 v2, v1  }
0x200: {  	v2 =	vld [tilespmem:s22+$0x60]  }
0x201: {  	v1 =	vadd.f32 v3, v1  }
0x202: {  	v3 =	vld [tilespmem:s22+$0x70]  }
0x203: {  	v1 =	vadd.f32 v4, v1  }
0x204: {  	v4 =	vld [tilespmem:s22+$0x80]  }
0x205: {  	v1 =	vadd.f32 v2, v1  }
0x206: {  	v2 =	vld [tilespmem:s22+$0x90]  }
0x207: {  	v1 =	vadd.f32 v3, v1  }
0x208: {  	v3 =	vld [tilespmem:s22+$0xA0]  }
0x209: {  	v1 =	vadd.f32 v4, v1  }
0x20a: {  	v4 =	vld [tilespmem:s22+$0xB0]  }
0x20b: {  	v1 =	vadd.f32 v2, v1  }
0x20c: {  	v2 =	vld [tilespmem:s22+$0xC0]  }
0x20d: {  	v1 =	vadd.f32 v3, v1;
	_ =	sdelay $0x1  }
0x20e: {  	v1 =	vadd.f32 v4, v1;
	_ =	sdelay $0x1  }
0x20f: {  	v1 =	vadd.f32 v2, v1  }
0x210: {  	s6 =	sand.u32 $0xE00, s1;
	s2 =	sadd.s32 $0x10, s2;
	s1 =	smov.u32 s5  }
.Ltmp6:
0x211: {  	s7 =	sand.u32 $0x70, s2;
	s6 =	sshrl.u32 s6, $0x2;
	v1 =	vmul.f32 v1, v0;
	(pc) =	sbr.rel @p0 .LBB2_14-.Ltmp6, $4  }
0x212: {  	s6 =	sor.u32 s7, s6  }
0x213: {  	s22 =	sadd.s32 $0x200, s22;
	[tilespmem:s6+$0x14000] =	vst v1  }
0x214: {  	v1 =	vld [tilespmem:s22+$0xFFFFFF40]  }
0x215: {  	s5 =	sadd.s32 $0x40, s5;
	v2 =	vld [tilespmem:s22+$0xFFFFFF30]  }
0x216: {  	_ = 	snop  }
0x217: {  	v3 =	vld [tilespmem:s22+$0xFFFFFF50];
	_ =	sdelay $0x1  }
0x218: {  	v4 =	vld [tilespmem:s22+$0xFFFFFF60]  }
0x219: {  	v1 =	vadd.f32 v1, v2  }
0x21a: {  	v2 =	vld [tilespmem:s22+$0xFFFFFF70]  }
0x21b: {  	v1 =	vadd.f32 v3, v1  }
0x21c: {  	v3 =	vld [tilespmem:s22+$0xFFFFFF80]  }
0x21d: {  	v1 =	vadd.f32 v4, v1  }
0x21e: {  	v57 =	vld [tilespmem:s22+$0xFFFFFF90]  }
0x21f: {  	v1 =	vadd.f32 v2, v1  }
0x220: {  	v2 =	vld [tilespmem:s22+$0xFFFFFFA0]  }
0x221: {  	v1 =	vadd.f32 v3, v1  }
0x222: {  	v3 =	vld [tilespmem:s22+$0xFFFFFFB0]  }
0x223: {  	v1 =	vadd.f32 v57, v1  }
0x224: {  	v58 =	vld [tilespmem:s22+$0xFFFFFFC0]  }
0x225: {  	v1 =	vadd.f32 v2, v1  }
0x226: {  	v2 =	vld [tilespmem:s22+$0xFFFFFFD0]  }
0x227: {  	v1 =	vadd.f32 v3, v1  }
0x228: {  	v3 =	vld [tilespmem:s22+$0xFFFFFFE0]  }
0x229: {  	v1 =	vadd.f32 v58, v1  }
0x22a: {  	v59 =	vld [tilespmem:s22+$0xFFFFFFF0]  }
0x22b: {  	v1 =	vadd.f32 v2, v1  }
0x22c: {  	v2 =	vld [tilespmem:s22+$0x0]  }
0x22d: {  	v1 =	vadd.f32 v3, v1  }
0x22e: {  	v3 =	vld [tilespmem:s22+$0x10]  }
0x22f: {  	v1 =	vadd.f32 v59, v1  }
0x230: {  	v60 =	vld [tilespmem:s22+$0x20]  }
0x231: {  	v1 =	vadd.f32 v2, v1  }
0x232: {  	v2 =	vld [tilespmem:s22+$0x30]  }
0x233: {  	v1 =	vadd.f32 v3, v1  }
0x234: {  	v3 =	vld [tilespmem:s22+$0x40]  }
0x235: {  	v1 =	vadd.f32 v60, v1  }
0x236: {  	v61 =	vld [tilespmem:s22+$0x50]  }
0x237: {  	v1 =	vadd.f32 v2, v1  }
0x238: {  	v2 =	vld [tilespmem:s22+$0x60]  }
0x239: {  	v1 =	vadd.f32 v3, v1  }
0x23a: {  	v3 =	vld [tilespmem:s22+$0x70]  }
0x23b: {  	v1 =	vadd.f32 v61, v1  }
0x23c: {  	v62 =	vld [tilespmem:s22+$0x80]  }
0x23d: {  	v1 =	vadd.f32 v2, v1  }
0x23e: {  	v2 =	vld [tilespmem:s22+$0x90]  }
0x23f: {  	v1 =	vadd.f32 v3, v1  }
0x240: {  	v3 =	vld [tilespmem:s22+$0xA0]  }
0x241: {  	v1 =	vadd.f32 v62, v1  }
0x242: {  	v63 =	vld [tilespmem:s22+$0xB0]  }
0x243: {  	v1 =	vadd.f32 v2, v1  }
0x244: {  	v2 =	vld [tilespmem:s22+$0xC0]  }
0x245: {  	v1 =	vadd.f32 v3, v1;
	_ =	sdelay $0x1  }
0x246: {  	v1 =	vadd.f32 v63, v1;
	_ =	sdelay $0x1  }
0x247: {  	v1 =	vadd.f32 v2, v1  }
0x248: {  	s1 =	sand.u32 $0xE00, s1;
	s2 =	sadd.s32 $0x10, s2  }
0x249: {  	s2 =	sand.u32 $0x70, s2;
	s1 =	sshrl.u32 s1, $0x2;
	v1 =	vmul.f32 v1, v0  }
0x24a: {  	s1 =	sor.u32 s2, s1  }
0x24b: {  	s22 =	simm.s32 $0x0;
	[tilespmem:s1+$0x14000] =	vst v1  }
0x24c: {  	[hbm4b:s11+s22] =	stream.linear.scatter [tilespmem:s28], [sflag:$0x3], $0x400, $0x38;
	[tilespmem:$0x14810] =	vst v63  }
0x24d: {  	_ =	swait.ge [sflag:s29], $0x8000  }
0x24e: {  	[sflag:s29] =	ssyncset.done $0x0  }
0x24f: {  	[sflag:s29] =	ssyncadd.s32 $0xFFFF8000  }
0x250: {  	[tilespmem:s22], [sflag:$0x4] =	stream.linear.gather [hbm4b:s12+s22], $0x2000, $0x38;
	[tilespmem:$0x14810] =	vst v63  }
0x251: {  	_ =	swait.ge [sflag:s23], $0x2000  }
0x252: {  	s5 =	simm.s32 $0x4200;
	s2 =	simm.s32 $0x200;
	[sflag:s23] =	ssyncset.done $0x0  }
0x253: {  	s1 =	simm.s32 $0x4000;
	s22 =	simm.s32 $0x0;
	[sflag:s23] =	ssyncadd.s32 $0xFFFFE000  }
.LBB2_16:
0x254: {  	[tilespmem:s1], [sflag:$0x1] =	stream.indirect.gather [hbm4b:s4+s24], $0x10, s22, s24, $0xb8;
	[tilespmem:$0x14810] =	vst v63  }
0x255: {  	s6 =	smov.u32 s2;
	s1 =	smov.u32 s5;
	p0 =	sne.s32 s2, $0x7E00  }
.Ltmp7:
0x256: {  	s2 =	sadd.s32 $0x200, s2;
	(pc) =	sbr.rel @p0 .LBB2_16-.Ltmp7, $2  }
0x257: {  	_ =	sdelay $0x2  }
0x258: {  	s5 =	sadd.s32 $0x200, s5;
	s22 =	sshra.s32 s6, $0x2  }
0x259: {  	[tilespmem:s1], [sflag:$0x1] =	stream.indirect.gather [hbm4b:s4+s24], $0x10, s22, s24, $0xb8;
	[tilespmem:$0x14810] =	vst v63  }
0x25a: {  	_ =	swait.ge [sflag:s31], $0x400  }
0x25b: {  	[sflag:s31] =	ssyncset.done $0x0  }
0x25c: {  	s7 =	simm.s32 $0xC0D0;
	[sflag:s31] =	ssyncadd.s32 $0xFFFFFC00  }
0x25d: {  	v1 =	vld [tilespmem:s7+$0xFFFFFF40]  }
0x25e: {  	v2 =	vld [tilespmem:s7+$0xFFFFFF30];
	_ =	sdelay $0x1  }
0x25f: {  	v3 =	vld [tilespmem:s7+$0xFFFFFF50];
	_ =	sdelay $0x1  }
0x260: {  	v4 =	vld [tilespmem:s7+$0xFFFFFF60]  }
0x261: {  	v1 =	vadd.f32 v1, v2  }
0x262: {  	v2 =	vld [tilespmem:s7+$0xFFFFFF70]  }
0x263: {  	v1 =	vadd.f32 v3, v1  }
0x264: {  	v3 =	vld [tilespmem:s7+$0xFFFFFF80]  }
0x265: {  	v1 =	vadd.f32 v4, v1  }
0x266: {  	v57 =	vld [tilespmem:s7+$0xFFFFFF90]  }
0x267: {  	v1 =	vadd.f32 v2, v1  }
0x268: {  	v2 =	vld [tilespmem:s7+$0xFFFFFFA0]  }
0x269: {  	v1 =	vadd.f32 v3, v1  }
0x26a: {  	v3 =	vld [tilespmem:s7+$0xFFFFFFB0]  }
0x26b: {  	v1 =	vadd.f32 v57, v1  }
0x26c: {  	v58 =	vld [tilespmem:s7+$0xFFFFFFC0]  }
0x26d: {  	v1 =	vadd.f32 v2, v1  }
0x26e: {  	v2 =	vld [tilespmem:s7+$0xFFFFFFD0]  }
0x26f: {  	v1 =	vadd.f32 v3, v1  }
0x270: {  	v3 =	vld [tilespmem:s7+$0xFFFFFFE0]  }
0x271: {  	v1 =	vadd.f32 v58, v1  }
0x272: {  	v59 =	vld [tilespmem:s7+$0xFFFFFFF0]  }
0x273: {  	v1 =	vadd.f32 v2, v1  }
0x274: {  	v2 =	vld [tilespmem:s7+$0x0]  }
0x275: {  	v1 =	vadd.f32 v3, v1  }
0x276: {  	v3 =	vld [tilespmem:s7+$0x10]  }
0x277: {  	v1 =	vadd.f32 v59, v1  }
0x278: {  	v60 =	vld [tilespmem:s7+$0x20]  }
0x279: {  	v1 =	vadd.f32 v2, v1  }
0x27a: {  	v2 =	vld [tilespmem:s7+$0x30]  }
0x27b: {  	v1 =	vadd.f32 v3, v1  }
0x27c: {  	v3 =	vld [tilespmem:s7+$0x40]  }
0x27d: {  	v1 =	vadd.f32 v60, v1  }
0x27e: {  	v61 =	vld [tilespmem:s7+$0x50]  }
0x27f: {  	v1 =	vadd.f32 v2, v1  }
0x280: {  	v2 =	vld [tilespmem:s7+$0x60]  }
0x281: {  	v1 =	vadd.f32 v3, v1  }
0x282: {  	v3 =	vld [tilespmem:s7+$0x70]  }
0x283: {  	v1 =	vadd.f32 v61, v1  }
0x284: {  	v62 =	vld [tilespmem:s7+$0x80]  }
0x285: {  	v1 =	vadd.f32 v2, v1  }
0x286: {  	v2 =	vld [tilespmem:s7+$0x90]  }
0x287: {  	v1 =	vadd.f32 v3, v1  }
0x288: {  	v3 =	vld [tilespmem:s7+$0xA0]  }
0x289: {  	v1 =	vadd.f32 v62, v1  }
0x28a: {  	v63 =	vld [tilespmem:s7+$0xB0]  }
0x28b: {  	v1 =	vadd.f32 v2, v1  }
0x28c: {  	v2 =	vld [tilespmem:s7+$0xC0]  }
0x28d: {  	v1 =	vadd.f32 v3, v1;
	_ =	sdelay $0x1  }
0x28e: {  	v1 =	vadd.f32 v63, v1;
	_ =	sdelay $0x1  }
0x28f: {  	s2 =	simm.s32 $0x0;
	v1 =	vadd.f32 v2, v1  }
0x290: {  	s22 =	sand.u32 $0xE00, s2  }
0x291: {  	s5 =	sand.u32 $0x70, s2;
	s1 =	sshrl.u32 s22, $0x2;
	v1 =	vmul.f32 v1, v0  }
0x292: {  	s1 =	sor.u32 s5, s1  }
0x293: {  	s22 =	simm.s32 $0xC2D0;
	[tilespmem:s1+$0x14400] =	vst v1  }
0x294: {  	v1 =	vld [tilespmem:s22+$0xFFFFFF40]  }
0x295: {  	s5 =	simm.s32 $0x80;
	s1 =	simm.s32 $0x40;
	v2 =	vld [tilespmem:s22+$0xFFFFFF30]  }
.LBB2_18:
0x296: {  	p0 =	sne.s32 s5, $0xFC0  }
0x297: {  	v3 =	vld [tilespmem:s22+$0xFFFFFF50];
	_ =	sdelay $0x1  }
0x298: {  	v4 =	vld [tilespmem:s22+$0xFFFFFF60]  }
0x299: {  	v1 =	vadd.f32 v1, v2  }
0x29a: {  	v2 =	vld [tilespmem:s22+$0xFFFFFF70]  }
0x29b: {  	v1 =	vadd.f32 v3, v1  }
0x29c: {  	v3 =	vld [tilespmem:s22+$0xFFFFFF80]  }
0x29d: {  	v1 =	vadd.f32 v4, v1  }
0x29e: {  	v4 =	vld [tilespmem:s22+$0xFFFFFF90]  }
0x29f: {  	v1 =	vadd.f32 v2, v1  }
0x2a0: {  	v2 =	vld [tilespmem:s22+$0xFFFFFFA0]  }
0x2a1: {  	v1 =	vadd.f32 v3, v1  }
0x2a2: {  	v3 =	vld [tilespmem:s22+$0xFFFFFFB0]  }
0x2a3: {  	v1 =	vadd.f32 v4, v1  }
0x2a4: {  	v4 =	vld [tilespmem:s22+$0xFFFFFFC0]  }
0x2a5: {  	v1 =	vadd.f32 v2, v1  }
0x2a6: {  	v2 =	vld [tilespmem:s22+$0xFFFFFFD0]  }
0x2a7: {  	v1 =	vadd.f32 v3, v1  }
0x2a8: {  	v3 =	vld [tilespmem:s22+$0xFFFFFFE0]  }
0x2a9: {  	v1 =	vadd.f32 v4, v1  }
0x2aa: {  	v4 =	vld [tilespmem:s22+$0xFFFFFFF0]  }
0x2ab: {  	v1 =	vadd.f32 v2, v1  }
0x2ac: {  	v2 =	vld [tilespmem:s22+$0x0]  }
0x2ad: {  	v1 =	vadd.f32 v3, v1  }
0x2ae: {  	v3 =	vld [tilespmem:s22+$0x10]  }
0x2af: {  	v1 =	vadd.f32 v4, v1  }
0x2b0: {  	v4 =	vld [tilespmem:s22+$0x20]  }
0x2b1: {  	v1 =	vadd.f32 v2, v1  }
0x2b2: {  	v2 =	vld [tilespmem:s22+$0x30]  }
0x2b3: {  	v1 =	vadd.f32 v3, v1  }
0x2b4: {  	v3 =	vld [tilespmem:s22+$0x40]  }
0x2b5: {  	v1 =	vadd.f32 v4, v1  }
0x2b6: {  	v4 =	vld [tilespmem:s22+$0x50]  }
0x2b7: {  	v1 =	vadd.f32 v2, v1  }
0x2b8: {  	v2 =	vld [tilespmem:s22+$0x60]  }
0x2b9: {  	v1 =	vadd.f32 v3, v1  }
0x2ba: {  	v3 =	vld [tilespmem:s22+$0x70]  }
0x2bb: {  	v1 =	vadd.f32 v4, v1  }
0x2bc: {  	v4 =	vld [tilespmem:s22+$0x80]  }
0x2bd: {  	v1 =	vadd.f32 v2, v1  }
0x2be: {  	v2 =	vld [tilespmem:s22+$0x90]  }
0x2bf: {  	v1 =	vadd.f32 v3, v1  }
0x2c0: {  	v3 =	vld [tilespmem:s22+$0xA0]  }
0x2c1: {  	v1 =	vadd.f32 v4, v1  }
0x2c2: {  	v4 =	vld [tilespmem:s22+$0xB0]  }
0x2c3: {  	v1 =	vadd.f32 v2, v1  }
0x2c4: {  	v2 =	vld [tilespmem:s22+$0xC0]  }
0x2c5: {  	v1 =	vadd.f32 v3, v1;
	_ =	sdelay $0x1  }
0x2c6: {  	v1 =	vadd.f32 v4, v1;
	_ =	sdelay $0x1  }
0x2c7: {  	v1 =	vadd.f32 v2, v1  }
0x2c8: {  	s6 =	sand.u32 $0xE00, s1;
	s2 =	sadd.s32 $0x10, s2;
	s1 =	smov.u32 s5  }
.Ltmp8:
0x2c9: {  	s7 =	sand.u32 $0x70, s2;
	s6 =	sshrl.u32 s6, $0x2;
	v1 =	vmul.f32 v1, v0;
	(pc) =	sbr.rel @p0 .LBB2_18-.Ltmp8, $4  }
0x2ca: {  	s6 =	sor.u32 s7, s6  }
0x2cb: {  	s22 =	sadd.s32 $0x200, s22;
	[tilespmem:s6+$0x14400] =	vst v1  }
0x2cc: {  	v1 =	vld [tilespmem:s22+$0xFFFFFF40]  }
0x2cd: {  	s5 =	sadd.s32 $0x40, s5;
	v2 =	vld [tilespmem:s22+$0xFFFFFF30]  }
0x2ce: {  	_ = 	snop  }
0x2cf: {  	v3 =	vld [tilespmem:s22+$0xFFFFFF50];
	_ =	sdelay $0x1  }
0x2d0: {  	v4 =	vld [tilespmem:s22+$0xFFFFFF60]  }
0x2d1: {  	v1 =	vadd.f32 v1, v2  }
0x2d2: {  	v2 =	vld [tilespmem:s22+$0xFFFFFF70]  }
0x2d3: {  	v1 =	vadd.f32 v3, v1  }
0x2d4: {  	v3 =	vld [tilespmem:s22+$0xFFFFFF80]  }
0x2d5: {  	v1 =	vadd.f32 v4, v1  }
0x2d6: {  	v57 =	vld [tilespmem:s22+$0xFFFFFF90]  }
0x2d7: {  	v1 =	vadd.f32 v2, v1  }
0x2d8: {  	v2 =	vld [tilespmem:s22+$0xFFFFFFA0]  }
0x2d9: {  	v1 =	vadd.f32 v3, v1  }
0x2da: {  	v3 =	vld [tilespmem:s22+$0xFFFFFFB0]  }
0x2db: {  	v1 =	vadd.f32 v57, v1  }
0x2dc: {  	v58 =	vld [tilespmem:s22+$0xFFFFFFC0]  }
0x2dd: {  	v1 =	vadd.f32 v2, v1  }
0x2de: {  	v2 =	vld [tilespmem:s22+$0xFFFFFFD0]  }
0x2df: {  	v1 =	vadd.f32 v3, v1  }
0x2e0: {  	v3 =	vld [tilespmem:s22+$0xFFFFFFE0]  }
0x2e1: {  	v1 =	vadd.f32 v58, v1  }
0x2e2: {  	v59 =	vld [tilespmem:s22+$0xFFFFFFF0]  }
0x2e3: {  	v1 =	vadd.f32 v2, v1  }
0x2e4: {  	v2 =	vld [tilespmem:s22+$0x0]  }
0x2e5: {  	v1 =	vadd.f32 v3, v1  }
0x2e6: {  	v3 =	vld [tilespmem:s22+$0x10]  }
0x2e7: {  	v1 =	vadd.f32 v59, v1  }
0x2e8: {  	v60 =	vld [tilespmem:s22+$0x20]  }
0x2e9: {  	v1 =	vadd.f32 v2, v1  }
0x2ea: {  	v2 =	vld [tilespmem:s22+$0x30]  }
0x2eb: {  	v1 =	vadd.f32 v3, v1  }
0x2ec: {  	v3 =	vld [tilespmem:s22+$0x40]  }
0x2ed: {  	v1 =	vadd.f32 v60, v1  }
0x2ee: {  	v61 =	vld [tilespmem:s22+$0x50]  }
0x2ef: {  	v1 =	vadd.f32 v2, v1  }
0x2f0: {  	v2 =	vld [tilespmem:s22+$0x60]  }
0x2f1: {  	v1 =	vadd.f32 v3, v1  }
0x2f2: {  	v3 =	vld [tilespmem:s22+$0x70]  }
0x2f3: {  	v1 =	vadd.f32 v61, v1  }
0x2f4: {  	v62 =	vld [tilespmem:s22+$0x80]  }
0x2f5: {  	v1 =	vadd.f32 v2, v1  }
0x2f6: {  	v2 =	vld [tilespmem:s22+$0x90]  }
0x2f7: {  	v1 =	vadd.f32 v3, v1  }
0x2f8: {  	v3 =	vld [tilespmem:s22+$0xA0]  }
0x2f9: {  	v1 =	vadd.f32 v62, v1  }
0x2fa: {  	v63 =	vld [tilespmem:s22+$0xB0]  }
0x2fb: {  	v1 =	vadd.f32 v2, v1  }
0x2fc: {  	v2 =	vld [tilespmem:s22+$0xC0]  }
0x2fd: {  	v1 =	vadd.f32 v3, v1;
	_ =	sdelay $0x1  }
0x2fe: {  	v1 =	vadd.f32 v63, v1;
	_ =	sdelay $0x1  }
0x2ff: {  	v1 =	vadd.f32 v2, v1  }
0x300: {  	s1 =	sand.u32 $0xE00, s1;
	s2 =	sadd.s32 $0x10, s2  }
0x301: {  	s2 =	sand.u32 $0x70, s2;
	s1 =	sshrl.u32 s1, $0x2;
	v1 =	vmul.f32 v1, v0  }
0x302: {  	s1 =	sor.u32 s2, s1  }
0x303: {  	s7 =	simm.s32 $0x0;
	[tilespmem:s1+$0x14400] =	vst v1  }
0x304: {  	[hbm4b:s13+s7] =	stream.linear.scatter [tilespmem:s30], [sflag:$0x3], $0x400, $0x38;
	[tilespmem:$0x14810] =	vst v63  }
0x305: {  	_ =	swait.ge [sflag:s25], $0x8000  }
0x306: {  	[sflag:s25] =	ssyncset.done $0x0  }
0x307: {  	[sflag:s25] =	ssyncadd.s32 $0xFFFF8000  }
0x308: {  	[tilespmem:s26], [sflag:$0x4] =	stream.linear.gather [hbm4b:s14+s7], $0x2000, $0x38;
	[tilespmem:$0x14810] =	vst v63  }
0x309: {  	_ =	swait.ge [sflag:s23], $0x2000  }
0x30a: {  	s2 =	simm.s32 $0x200;
	[sflag:s23] =	ssyncset.done $0x0  }
0x30b: {  	s22 =	simm.s32 $0x2000;
	s1 =	simm.s32 $0xC000;
	[sflag:s23] =	ssyncadd.s32 $0xFFFFE000  }
0x30c: {  	[tilespmem:s1], [sflag:$0x2] =	stream.indirect.gather [hbm4b:s4+s24], $0x10, s22, s24, $0xb8;
	[tilespmem:$0x14810] =	vst v63  }
.LBB2_20:
0x30d: {  	p0 =	sne.s32 s2, $0x7E00  }
.Ltmp9:
0x30e: {  	_ = 	snop;
	(pc) =	sbr.rel @p0 .LBB2_20-.Ltmp9, $4  }
0x30f: {  	_ = 	snop  }
0x310: {  	s5 =	sshra.s32 s2, $0x2;
	s2 =	sadd.s32 $0x200, s2  }
0x311: {  	s1 =	sadd.s32 $0x200, s1;
	s5 =	sadd.s32 $0x2000, s5  }
0x312: {  	[tilespmem:s1], [sflag:$0x2] =	stream.indirect.gather [hbm4b:s4+s24], $0x10, s5, s24, $0xb8;
	[tilespmem:$0x14810] =	vst v63  }
0x313: {  	_ =	swait.ge [sflag:s31], $0x400  }
0x314: {  	[sflag:s31] =	ssyncset.done $0x0  }
0x315: {  	s1 =	simm.s32 $0x40D0;
	[sflag:s31] =	ssyncadd.s32 $0xFFFFFC00  }
0x316: {  	v1 =	vld [tilespmem:s1+$0xFFFFFF40]  }
0x317: {  	v2 =	vld [tilespmem:s1+$0xFFFFFF30];
	_ =	sdelay $0x1  }
0x318: {  	v3 =	vld [tilespmem:s1+$0xFFFFFF50];
	_ =	sdelay $0x1  }
0x319: {  	v4 =	vld [tilespmem:s1+$0xFFFFFF60]  }
0x31a: {  	v1 =	vadd.f32 v1, v2  }
0x31b: {  	v2 =	vld [tilespmem:s1+$0xFFFFFF70]  }
0x31c: {  	v1 =	vadd.f32 v3, v1  }
0x31d: {  	v3 =	vld [tilespmem:s1+$0xFFFFFF80]  }
0x31e: {  	v1 =	vadd.f32 v4, v1  }
0x31f: {  	v57 =	vld [tilespmem:s1+$0xFFFFFF90]  }
0x320: {  	v1 =	vadd.f32 v2, v1  }
0x321: {  	v2 =	vld [tilespmem:s1+$0xFFFFFFA0]  }
0x322: {  	v1 =	vadd.f32 v3, v1  }
0x323: {  	v3 =	vld [tilespmem:s1+$0xFFFFFFB0]  }
0x324: {  	v1 =	vadd.f32 v57, v1  }
0x325: {  	v58 =	vld [tilespmem:s1+$0xFFFFFFC0]  }
0x326: {  	v1 =	vadd.f32 v2, v1  }
0x327: {  	v2 =	vld [tilespmem:s1+$0xFFFFFFD0]  }
0x328: {  	v1 =	vadd.f32 v3, v1  }
0x329: {  	v3 =	vld [tilespmem:s1+$0xFFFFFFE0]  }
0x32a: {  	v1 =	vadd.f32 v58, v1  }
0x32b: {  	v59 =	vld [tilespmem:s1+$0xFFFFFFF0]  }
0x32c: {  	v1 =	vadd.f32 v2, v1  }
0x32d: {  	v2 =	vld [tilespmem:s1+$0x0]  }
0x32e: {  	v1 =	vadd.f32 v3, v1  }
0x32f: {  	v3 =	vld [tilespmem:s1+$0x10]  }
0x330: {  	v1 =	vadd.f32 v59, v1  }
0x331: {  	v60 =	vld [tilespmem:s1+$0x20]  }
0x332: {  	v1 =	vadd.f32 v2, v1  }
0x333: {  	v2 =	vld [tilespmem:s1+$0x30]  }
0x334: {  	v1 =	vadd.f32 v3, v1  }
0x335: {  	v3 =	vld [tilespmem:s1+$0x40]  }
0x336: {  	v1 =	vadd.f32 v60, v1  }
0x337: {  	v61 =	vld [tilespmem:s1+$0x50]  }
0x338: {  	v1 =	vadd.f32 v2, v1  }
0x339: {  	v2 =	vld [tilespmem:s1+$0x60]  }
0x33a: {  	v1 =	vadd.f32 v3, v1  }
0x33b: {  	v3 =	vld [tilespmem:s1+$0x70]  }
0x33c: {  	v1 =	vadd.f32 v61, v1  }
0x33d: {  	v62 =	vld [tilespmem:s1+$0x80]  }
0x33e: {  	v1 =	vadd.f32 v2, v1  }
0x33f: {  	v2 =	vld [tilespmem:s1+$0x90]  }
0x340: {  	v1 =	vadd.f32 v3, v1  }
0x341: {  	v3 =	vld [tilespmem:s1+$0xA0]  }
0x342: {  	v1 =	vadd.f32 v62, v1  }
0x343: {  	v63 =	vld [tilespmem:s1+$0xB0]  }
0x344: {  	v1 =	vadd.f32 v2, v1  }
0x345: {  	v2 =	vld [tilespmem:s1+$0xC0]  }
0x346: {  	v1 =	vadd.f32 v3, v1;
	_ =	sdelay $0x1  }
0x347: {  	v1 =	vadd.f32 v63, v1;
	_ =	sdelay $0x1  }
0x348: {  	s2 =	simm.s32 $0x0;
	v1 =	vadd.f32 v2, v1  }
0x349: {  	s22 =	sand.u32 $0xE00, s2  }
0x34a: {  	s5 =	sand.u32 $0x70, s2;
	s1 =	sshrl.u32 s22, $0x2;
	v1 =	vmul.f32 v1, v0  }
0x34b: {  	s1 =	sor.u32 s5, s1  }
0x34c: {  	s22 =	simm.s32 $0x42D0;
	[tilespmem:s1+$0x14000] =	vst v1  }
0x34d: {  	v1 =	vld [tilespmem:s22+$0xFFFFFF40]  }
0x34e: {  	s5 =	simm.s32 $0x80;
	s1 =	simm.s32 $0x40;
	v2 =	vld [tilespmem:s22+$0xFFFFFF30]  }
.LBB2_22:
0x34f: {  	p0 =	sne.s32 s5, $0xFC0  }
0x350: {  	v3 =	vld [tilespmem:s22+$0xFFFFFF50];
	_ =	sdelay $0x1  }
0x351: {  	v4 =	vld [tilespmem:s22+$0xFFFFFF60]  }
0x352: {  	v1 =	vadd.f32 v1, v2  }
0x353: {  	v2 =	vld [tilespmem:s22+$0xFFFFFF70]  }
0x354: {  	v1 =	vadd.f32 v3, v1  }
0x355: {  	v3 =	vld [tilespmem:s22+$0xFFFFFF80]  }
0x356: {  	v1 =	vadd.f32 v4, v1  }
0x357: {  	v4 =	vld [tilespmem:s22+$0xFFFFFF90]  }
0x358: {  	v1 =	vadd.f32 v2, v1  }
0x359: {  	v2 =	vld [tilespmem:s22+$0xFFFFFFA0]  }
0x35a: {  	v1 =	vadd.f32 v3, v1  }
0x35b: {  	v3 =	vld [tilespmem:s22+$0xFFFFFFB0]  }
0x35c: {  	v1 =	vadd.f32 v4, v1  }
0x35d: {  	v4 =	vld [tilespmem:s22+$0xFFFFFFC0]  }
0x35e: {  	v1 =	vadd.f32 v2, v1  }
0x35f: {  	v2 =	vld [tilespmem:s22+$0xFFFFFFD0]  }
0x360: {  	v1 =	vadd.f32 v3, v1  }
0x361: {  	v3 =	vld [tilespmem:s22+$0xFFFFFFE0]  }
0x362: {  	v1 =	vadd.f32 v4, v1  }
0x363: {  	v4 =	vld [tilespmem:s22+$0xFFFFFFF0]  }
0x364: {  	v1 =	vadd.f32 v2, v1  }
0x365: {  	v2 =	vld [tilespmem:s22+$0x0]  }
0x366: {  	v1 =	vadd.f32 v3, v1  }
0x367: {  	v3 =	vld [tilespmem:s22+$0x10]  }
0x368: {  	v1 =	vadd.f32 v4, v1  }
0x369: {  	v4 =	vld [tilespmem:s22+$0x20]  }
0x36a: {  	v1 =	vadd.f32 v2, v1  }
0x36b: {  	v2 =	vld [tilespmem:s22+$0x30]  }
0x36c: {  	v1 =	vadd.f32 v3, v1  }
0x36d: {  	v3 =	vld [tilespmem:s22+$0x40]  }
0x36e: {  	v1 =	vadd.f32 v4, v1  }
0x36f: {  	v4 =	vld [tilespmem:s22+$0x50]  }
0x370: {  	v1 =	vadd.f32 v2, v1  }
0x371: {  	v2 =	vld [tilespmem:s22+$0x60]  }
0x372: {  	v1 =	vadd.f32 v3, v1  }
0x373: {  	v3 =	vld [tilespmem:s22+$0x70]  }
0x374: {  	v1 =	vadd.f32 v4, v1  }
0x375: {  	v4 =	vld [tilespmem:s22+$0x80]  }
0x376: {  	v1 =	vadd.f32 v2, v1  }
0x377: {  	v2 =	vld [tilespmem:s22+$0x90]  }
0x378: {  	v1 =	vadd.f32 v3, v1  }
0x379: {  	v3 =	vld [tilespmem:s22+$0xA0]  }
0x37a: {  	v1 =	vadd.f32 v4, v1  }
0x37b: {  	v4 =	vld [tilespmem:s22+$0xB0]  }
0x37c: {  	v1 =	vadd.f32 v2, v1  }
0x37d: {  	v2 =	vld [tilespmem:s22+$0xC0]  }
0x37e: {  	v1 =	vadd.f32 v3, v1;
	_ =	sdelay $0x1  }
0x37f: {  	v1 =	vadd.f32 v4, v1;
	_ =	sdelay $0x1  }
0x380: {  	v1 =	vadd.f32 v2, v1  }
0x381: {  	s6 =	sand.u32 $0xE00, s1;
	s2 =	sadd.s32 $0x10, s2;
	s1 =	smov.u32 s5  }
.Ltmp10:
0x382: {  	s7 =	sand.u32 $0x70, s2;
	s6 =	sshrl.u32 s6, $0x2;
	v1 =	vmul.f32 v1, v0;
	(pc) =	sbr.rel @p0 .LBB2_22-.Ltmp10, $4  }
0x383: {  	s6 =	sor.u32 s7, s6  }
0x384: {  	s22 =	sadd.s32 $0x200, s22;
	[tilespmem:s6+$0x14000] =	vst v1  }
0x385: {  	v1 =	vld [tilespmem:s22+$0xFFFFFF40]  }
0x386: {  	s5 =	sadd.s32 $0x40, s5;
	v2 =	vld [tilespmem:s22+$0xFFFFFF30]  }
0x387: {  	_ = 	snop  }
0x388: {  	v3 =	vld [tilespmem:s22+$0xFFFFFF50];
	_ =	sdelay $0x1  }
0x389: {  	v4 =	vld [tilespmem:s22+$0xFFFFFF60]  }
0x38a: {  	v1 =	vadd.f32 v1, v2  }
0x38b: {  	v2 =	vld [tilespmem:s22+$0xFFFFFF70]  }
0x38c: {  	v1 =	vadd.f32 v3, v1  }
0x38d: {  	v3 =	vld [tilespmem:s22+$0xFFFFFF80]  }
0x38e: {  	v1 =	vadd.f32 v4, v1  }
0x38f: {  	v57 =	vld [tilespmem:s22+$0xFFFFFF90]  }
0x390: {  	v1 =	vadd.f32 v2, v1  }
0x391: {  	v2 =	vld [tilespmem:s22+$0xFFFFFFA0]  }
0x392: {  	v1 =	vadd.f32 v3, v1  }
0x393: {  	v3 =	vld [tilespmem:s22+$0xFFFFFFB0]  }
0x394: {  	v1 =	vadd.f32 v57, v1  }
0x395: {  	v58 =	vld [tilespmem:s22+$0xFFFFFFC0]  }
0x396: {  	v1 =	vadd.f32 v2, v1  }
0x397: {  	v2 =	vld [tilespmem:s22+$0xFFFFFFD0]  }
0x398: {  	v1 =	vadd.f32 v3, v1  }
0x399: {  	v3 =	vld [tilespmem:s22+$0xFFFFFFE0]  }
0x39a: {  	v1 =	vadd.f32 v58, v1  }
0x39b: {  	v59 =	vld [tilespmem:s22+$0xFFFFFFF0]  }
0x39c: {  	v1 =	vadd.f32 v2, v1  }
0x39d: {  	v2 =	vld [tilespmem:s22+$0x0]  }
0x39e: {  	v1 =	vadd.f32 v3, v1  }
0x39f: {  	v3 =	vld [tilespmem:s22+$0x10]  }
0x3a0: {  	v1 =	vadd.f32 v59, v1  }
0x3a1: {  	v60 =	vld [tilespmem:s22+$0x20]  }
0x3a2: {  	v1 =	vadd.f32 v2, v1  }
0x3a3: {  	v2 =	vld [tilespmem:s22+$0x30]  }
0x3a4: {  	v1 =	vadd.f32 v3, v1  }
0x3a5: {  	v3 =	vld [tilespmem:s22+$0x40]  }
0x3a6: {  	v1 =	vadd.f32 v60, v1  }
0x3a7: {  	v61 =	vld [tilespmem:s22+$0x50]  }
0x3a8: {  	v1 =	vadd.f32 v2, v1  }
0x3a9: {  	v2 =	vld [tilespmem:s22+$0x60]  }
0x3aa: {  	v1 =	vadd.f32 v3, v1  }
0x3ab: {  	v3 =	vld [tilespmem:s22+$0x70]  }
0x3ac: {  	v1 =	vadd.f32 v61, v1  }
0x3ad: {  	v62 =	vld [tilespmem:s22+$0x80]  }
0x3ae: {  	v1 =	vadd.f32 v2, v1  }
0x3af: {  	v2 =	vld [tilespmem:s22+$0x90]  }
0x3b0: {  	v1 =	vadd.f32 v3, v1  }
0x3b1: {  	v3 =	vld [tilespmem:s22+$0xA0]  }
0x3b2: {  	v1 =	vadd.f32 v62, v1  }
0x3b3: {  	v63 =	vld [tilespmem:s22+$0xB0]  }
0x3b4: {  	v1 =	vadd.f32 v2, v1  }
0x3b5: {  	v2 =	vld [tilespmem:s22+$0xC0]  }
0x3b6: {  	v1 =	vadd.f32 v3, v1;
	_ =	sdelay $0x1  }
0x3b7: {  	v1 =	vadd.f32 v63, v1;
	_ =	sdelay $0x1  }
0x3b8: {  	v1 =	vadd.f32 v2, v1  }
0x3b9: {  	s1 =	sand.u32 $0xE00, s1;
	s2 =	sadd.s32 $0x10, s2  }
0x3ba: {  	s2 =	sand.u32 $0x70, s2;
	s1 =	sshrl.u32 s1, $0x2;
	v1 =	vmul.f32 v1, v0  }
0x3bb: {  	s1 =	sor.u32 s2, s1  }
0x3bc: {  	s22 =	simm.s32 $0x0;
	[tilespmem:s1+$0x14000] =	vst v1  }
0x3bd: {  	[hbm4b:s15+s22] =	stream.linear.scatter [tilespmem:s28], [sflag:$0x3], $0x400, $0x38;
	[tilespmem:$0x14810] =	vst v63  }
0x3be: {  	_ =	swait.ge [sflag:s29], $0x8000  }
0x3bf: {  	[sflag:s29] =	ssyncset.done $0x0  }
0x3c0: {  	[sflag:s29] =	ssyncadd.s32 $0xFFFF8000  }
0x3c1: {  	[tilespmem:s22], [sflag:$0x4] =	stream.linear.gather [hbm4b:s16+s22], $0x2000, $0x38;
	[tilespmem:$0x14810] =	vst v63  }
0x3c2: {  	_ =	swait.ge [sflag:s23], $0x2000  }
0x3c3: {  	s5 =	simm.s32 $0x4200;
	s2 =	simm.s32 $0x200;
	[sflag:s23] =	ssyncset.done $0x0  }
0x3c4: {  	s1 =	simm.s32 $0x4000;
	s22 =	simm.s32 $0x0;
	[sflag:s23] =	ssyncadd.s32 $0xFFFFE000  }
.LBB2_24:
0x3c5: {  	[tilespmem:s1], [sflag:$0x1] =	stream.indirect.gather [hbm4b:s4+s24], $0x10, s22, s24, $0xb8;
	[tilespmem:$0x14810] =	vst v63  }
0x3c6: {  	s6 =	smov.u32 s2;
	s1 =	smov.u32 s5;
	p0 =	sne.s32 s2, $0x7E00  }
.Ltmp11:
0x3c7: {  	s2 =	sadd.s32 $0x200, s2;
	(pc) =	sbr.rel @p0 .LBB2_24-.Ltmp11, $2  }
0x3c8: {  	_ =	sdelay $0x2  }
0x3c9: {  	s5 =	sadd.s32 $0x200, s5;
	s22 =	sshra.s32 s6, $0x2  }
0x3ca: {  	[tilespmem:s1], [sflag:$0x1] =	stream.indirect.gather [hbm4b:s4+s24], $0x10, s22, s24, $0xb8;
	[tilespmem:$0x14810] =	vst v63  }
0x3cb: {  	_ =	swait.ge [sflag:s31], $0x400  }
0x3cc: {  	[sflag:s31] =	ssyncset.done $0x0  }
0x3cd: {  	s7 =	simm.s32 $0xC0D0;
	[sflag:s31] =	ssyncadd.s32 $0xFFFFFC00  }
0x3ce: {  	v1 =	vld [tilespmem:s7+$0xFFFFFF40]  }
0x3cf: {  	v2 =	vld [tilespmem:s7+$0xFFFFFF30];
	_ =	sdelay $0x1  }
0x3d0: {  	v3 =	vld [tilespmem:s7+$0xFFFFFF50];
	_ =	sdelay $0x1  }
0x3d1: {  	v4 =	vld [tilespmem:s7+$0xFFFFFF60]  }
0x3d2: {  	v1 =	vadd.f32 v1, v2  }
0x3d3: {  	v2 =	vld [tilespmem:s7+$0xFFFFFF70]  }
0x3d4: {  	v1 =	vadd.f32 v3, v1  }
0x3d5: {  	v3 =	vld [tilespmem:s7+$0xFFFFFF80]  }
0x3d6: {  	v1 =	vadd.f32 v4, v1  }
0x3d7: {  	v57 =	vld [tilespmem:s7+$0xFFFFFF90]  }
0x3d8: {  	v1 =	vadd.f32 v2, v1  }
0x3d9: {  	v2 =	vld [tilespmem:s7+$0xFFFFFFA0]  }
0x3da: {  	v1 =	vadd.f32 v3, v1  }
0x3db: {  	v3 =	vld [tilespmem:s7+$0xFFFFFFB0]  }
0x3dc: {  	v1 =	vadd.f32 v57, v1  }
0x3dd: {  	v58 =	vld [tilespmem:s7+$0xFFFFFFC0]  }
0x3de: {  	v1 =	vadd.f32 v2, v1  }
0x3df: {  	v2 =	vld [tilespmem:s7+$0xFFFFFFD0]  }
0x3e0: {  	v1 =	vadd.f32 v3, v1  }
0x3e1: {  	v3 =	vld [tilespmem:s7+$0xFFFFFFE0]  }
0x3e2: {  	v1 =	vadd.f32 v58, v1  }
0x3e3: {  	v59 =	vld [tilespmem:s7+$0xFFFFFFF0]  }
0x3e4: {  	v1 =	vadd.f32 v2, v1  }
0x3e5: {  	v2 =	vld [tilespmem:s7+$0x0]  }
0x3e6: {  	v1 =	vadd.f32 v3, v1  }
0x3e7: {  	v3 =	vld [tilespmem:s7+$0x10]  }
0x3e8: {  	v1 =	vadd.f32 v59, v1  }
0x3e9: {  	v60 =	vld [tilespmem:s7+$0x20]  }
0x3ea: {  	v1 =	vadd.f32 v2, v1  }
0x3eb: {  	v2 =	vld [tilespmem:s7+$0x30]  }
0x3ec: {  	v1 =	vadd.f32 v3, v1  }
0x3ed: {  	v3 =	vld [tilespmem:s7+$0x40]  }
0x3ee: {  	v1 =	vadd.f32 v60, v1  }
0x3ef: {  	v61 =	vld [tilespmem:s7+$0x50]  }
0x3f0: {  	v1 =	vadd.f32 v2, v1  }
0x3f1: {  	v2 =	vld [tilespmem:s7+$0x60]  }
0x3f2: {  	v1 =	vadd.f32 v3, v1  }
0x3f3: {  	v3 =	vld [tilespmem:s7+$0x70]  }
0x3f4: {  	v1 =	vadd.f32 v61, v1  }
0x3f5: {  	v62 =	vld [tilespmem:s7+$0x80]  }
0x3f6: {  	v1 =	vadd.f32 v2, v1  }
0x3f7: {  	v2 =	vld [tilespmem:s7+$0x90]  }
0x3f8: {  	v1 =	vadd.f32 v3, v1  }
0x3f9: {  	v3 =	vld [tilespmem:s7+$0xA0]  }
0x3fa: {  	v1 =	vadd.f32 v62, v1  }
0x3fb: {  	v63 =	vld [tilespmem:s7+$0xB0]  }
0x3fc: {  	v1 =	vadd.f32 v2, v1  }
0x3fd: {  	v2 =	vld [tilespmem:s7+$0xC0]  }
0x3fe: {  	v1 =	vadd.f32 v3, v1;
	_ =	sdelay $0x1  }
0x3ff: {  	v1 =	vadd.f32 v63, v1;
	_ =	sdelay $0x1  }
0x400: {  	s2 =	simm.s32 $0x0;
	v1 =	vadd.f32 v2, v1  }
0x401: {  	s22 =	sand.u32 $0xE00, s2  }
0x402: {  	s5 =	sand.u32 $0x70, s2;
	s1 =	sshrl.u32 s22, $0x2;
	v1 =	vmul.f32 v1, v0  }
0x403: {  	s1 =	sor.u32 s5, s1  }
0x404: {  	s22 =	simm.s32 $0xC2D0;
	[tilespmem:s1+$0x14400] =	vst v1  }
0x405: {  	v1 =	vld [tilespmem:s22+$0xFFFFFF40]  }
0x406: {  	s5 =	simm.s32 $0x80;
	s1 =	simm.s32 $0x40;
	v2 =	vld [tilespmem:s22+$0xFFFFFF30]  }
.LBB2_26:
0x407: {  	p0 =	sne.s32 s5, $0xFC0  }
0x408: {  	v3 =	vld [tilespmem:s22+$0xFFFFFF50];
	_ =	sdelay $0x1  }
0x409: {  	v4 =	vld [tilespmem:s22+$0xFFFFFF60]  }
0x40a: {  	v1 =	vadd.f32 v1, v2  }
0x40b: {  	v2 =	vld [tilespmem:s22+$0xFFFFFF70]  }
0x40c: {  	v1 =	vadd.f32 v3, v1  }
0x40d: {  	v3 =	vld [tilespmem:s22+$0xFFFFFF80]  }
0x40e: {  	v1 =	vadd.f32 v4, v1  }
0x40f: {  	v4 =	vld [tilespmem:s22+$0xFFFFFF90]  }
0x410: {  	v1 =	vadd.f32 v2, v1  }
0x411: {  	v2 =	vld [tilespmem:s22+$0xFFFFFFA0]  }
0x412: {  	v1 =	vadd.f32 v3, v1  }
0x413: {  	v3 =	vld [tilespmem:s22+$0xFFFFFFB0]  }
0x414: {  	v1 =	vadd.f32 v4, v1  }
0x415: {  	v4 =	vld [tilespmem:s22+$0xFFFFFFC0]  }
0x416: {  	v1 =	vadd.f32 v2, v1  }
0x417: {  	v2 =	vld [tilespmem:s22+$0xFFFFFFD0]  }
0x418: {  	v1 =	vadd.f32 v3, v1  }
0x419: {  	v3 =	vld [tilespmem:s22+$0xFFFFFFE0]  }
0x41a: {  	v1 =	vadd.f32 v4, v1  }
0x41b: {  	v4 =	vld [tilespmem:s22+$0xFFFFFFF0]  }
0x41c: {  	v1 =	vadd.f32 v2, v1  }
0x41d: {  	v2 =	vld [tilespmem:s22+$0x0]  }
0x41e: {  	v1 =	vadd.f32 v3, v1  }
0x41f: {  	v3 =	vld [tilespmem:s22+$0x10]  }
0x420: {  	v1 =	vadd.f32 v4, v1  }
0x421: {  	v4 =	vld [tilespmem:s22+$0x20]  }
0x422: {  	v1 =	vadd.f32 v2, v1  }
0x423: {  	v2 =	vld [tilespmem:s22+$0x30]  }
0x424: {  	v1 =	vadd.f32 v3, v1  }
0x425: {  	v3 =	vld [tilespmem:s22+$0x40]  }
0x426: {  	v1 =	vadd.f32 v4, v1  }
0x427: {  	v4 =	vld [tilespmem:s22+$0x50]  }
0x428: {  	v1 =	vadd.f32 v2, v1  }
0x429: {  	v2 =	vld [tilespmem:s22+$0x60]  }
0x42a: {  	v1 =	vadd.f32 v3, v1  }
0x42b: {  	v3 =	vld [tilespmem:s22+$0x70]  }
0x42c: {  	v1 =	vadd.f32 v4, v1  }
0x42d: {  	v4 =	vld [tilespmem:s22+$0x80]  }
0x42e: {  	v1 =	vadd.f32 v2, v1  }
0x42f: {  	v2 =	vld [tilespmem:s22+$0x90]  }
0x430: {  	v1 =	vadd.f32 v3, v1  }
0x431: {  	v3 =	vld [tilespmem:s22+$0xA0]  }
0x432: {  	v1 =	vadd.f32 v4, v1  }
0x433: {  	v4 =	vld [tilespmem:s22+$0xB0]  }
0x434: {  	v1 =	vadd.f32 v2, v1  }
0x435: {  	v2 =	vld [tilespmem:s22+$0xC0]  }
0x436: {  	v1 =	vadd.f32 v3, v1;
	_ =	sdelay $0x1  }
0x437: {  	v1 =	vadd.f32 v4, v1;
	_ =	sdelay $0x1  }
0x438: {  	v1 =	vadd.f32 v2, v1  }
0x439: {  	s6 =	sand.u32 $0xE00, s1;
	s2 =	sadd.s32 $0x10, s2;
	s1 =	smov.u32 s5  }
.Ltmp12:
0x43a: {  	s7 =	sand.u32 $0x70, s2;
	s6 =	sshrl.u32 s6, $0x2;
	v1 =	vmul.f32 v1, v0;
	(pc) =	sbr.rel @p0 .LBB2_26-.Ltmp12, $4  }
0x43b: {  	s6 =	sor.u32 s7, s6  }
0x43c: {  	s22 =	sadd.s32 $0x200, s22;
	[tilespmem:s6+$0x14400] =	vst v1  }
0x43d: {  	v1 =	vld [tilespmem:s22+$0xFFFFFF40]  }
0x43e: {  	s5 =	sadd.s32 $0x40, s5;
	v2 =	vld [tilespmem:s22+$0xFFFFFF30]  }
0x43f: {  	_ = 	snop  }
0x440: {  	v3 =	vld [tilespmem:s22+$0xFFFFFF50];
	_ =	sdelay $0x1  }
0x441: {  	v4 =	vld [tilespmem:s22+$0xFFFFFF60]  }
0x442: {  	v1 =	vadd.f32 v1, v2  }
0x443: {  	v2 =	vld [tilespmem:s22+$0xFFFFFF70]  }
0x444: {  	v1 =	vadd.f32 v3, v1  }
0x445: {  	v3 =	vld [tilespmem:s22+$0xFFFFFF80]  }
0x446: {  	v1 =	vadd.f32 v4, v1  }
0x447: {  	v57 =	vld [tilespmem:s22+$0xFFFFFF90]  }
0x448: {  	v1 =	vadd.f32 v2, v1  }
0x449: {  	v2 =	vld [tilespmem:s22+$0xFFFFFFA0]  }
0x44a: {  	v1 =	vadd.f32 v3, v1  }
0x44b: {  	v3 =	vld [tilespmem:s22+$0xFFFFFFB0]  }
0x44c: {  	v1 =	vadd.f32 v57, v1  }
0x44d: {  	v58 =	vld [tilespmem:s22+$0xFFFFFFC0]  }
0x44e: {  	v1 =	vadd.f32 v2, v1  }
0x44f: {  	v2 =	vld [tilespmem:s22+$0xFFFFFFD0]  }
0x450: {  	v1 =	vadd.f32 v3, v1  }
0x451: {  	v3 =	vld [tilespmem:s22+$0xFFFFFFE0]  }
0x452: {  	v1 =	vadd.f32 v58, v1  }
0x453: {  	v59 =	vld [tilespmem:s22+$0xFFFFFFF0]  }
0x454: {  	v1 =	vadd.f32 v2, v1  }
0x455: {  	v2 =	vld [tilespmem:s22+$0x0]  }
0x456: {  	v1 =	vadd.f32 v3, v1  }
0x457: {  	v3 =	vld [tilespmem:s22+$0x10]  }
0x458: {  	v1 =	vadd.f32 v59, v1  }
0x459: {  	v60 =	vld [tilespmem:s22+$0x20]  }
0x45a: {  	v1 =	vadd.f32 v2, v1  }
0x45b: {  	v2 =	vld [tilespmem:s22+$0x30]  }
0x45c: {  	v1 =	vadd.f32 v3, v1  }
0x45d: {  	v3 =	vld [tilespmem:s22+$0x40]  }
0x45e: {  	v1 =	vadd.f32 v60, v1  }
0x45f: {  	v61 =	vld [tilespmem:s22+$0x50]  }
0x460: {  	v1 =	vadd.f32 v2, v1  }
0x461: {  	v2 =	vld [tilespmem:s22+$0x60]  }
0x462: {  	v1 =	vadd.f32 v3, v1  }
0x463: {  	v3 =	vld [tilespmem:s22+$0x70]  }
0x464: {  	v1 =	vadd.f32 v61, v1  }
0x465: {  	v62 =	vld [tilespmem:s22+$0x80]  }
0x466: {  	v1 =	vadd.f32 v2, v1  }
0x467: {  	v2 =	vld [tilespmem:s22+$0x90]  }
0x468: {  	v1 =	vadd.f32 v3, v1  }
0x469: {  	v3 =	vld [tilespmem:s22+$0xA0]  }
0x46a: {  	v1 =	vadd.f32 v62, v1  }
0x46b: {  	v63 =	vld [tilespmem:s22+$0xB0]  }
0x46c: {  	v1 =	vadd.f32 v2, v1  }
0x46d: {  	v2 =	vld [tilespmem:s22+$0xC0]  }
0x46e: {  	v1 =	vadd.f32 v3, v1;
	_ =	sdelay $0x1  }
0x46f: {  	v1 =	vadd.f32 v63, v1;
	_ =	sdelay $0x1  }
0x470: {  	v1 =	vadd.f32 v2, v1  }
0x471: {  	s1 =	sand.u32 $0xE00, s1;
	s2 =	sadd.s32 $0x10, s2  }
0x472: {  	s2 =	sand.u32 $0x70, s2;
	s1 =	sshrl.u32 s1, $0x2;
	v1 =	vmul.f32 v1, v0  }
0x473: {  	s1 =	sor.u32 s2, s1  }
0x474: {  	s7 =	simm.s32 $0x0;
	[tilespmem:s1+$0x14400] =	vst v1  }
0x475: {  	[hbm4b:s17+s7] =	stream.linear.scatter [tilespmem:s30], [sflag:$0x3], $0x400, $0x38;
	[tilespmem:$0x14810] =	vst v63  }
0x476: {  	_ =	swait.ge [sflag:s25], $0x8000  }
0x477: {  	[sflag:s25] =	ssyncset.done $0x0  }
0x478: {  	[sflag:s25] =	ssyncadd.s32 $0xFFFF8000  }
0x479: {  	[tilespmem:s26], [sflag:$0x4] =	stream.linear.gather [hbm4b:s18+s7], $0x2000, $0x38;
	[tilespmem:$0x14810] =	vst v63  }
0x47a: {  	_ =	swait.ge [sflag:s23], $0x2000  }
0x47b: {  	s2 =	simm.s32 $0x200;
	[sflag:s23] =	ssyncset.done $0x0  }
0x47c: {  	s22 =	simm.s32 $0x2000;
	s1 =	simm.s32 $0xC000;
	[sflag:s23] =	ssyncadd.s32 $0xFFFFE000  }
0x47d: {  	[tilespmem:s1], [sflag:$0x2] =	stream.indirect.gather [hbm4b:s4+s24], $0x10, s22, s24, $0xb8;
	[tilespmem:$0x14810] =	vst v63  }
.LBB2_28:
0x47e: {  	p0 =	sne.s32 s2, $0x7E00  }
.Ltmp13:
0x47f: {  	_ = 	snop;
	(pc) =	sbr.rel @p0 .LBB2_28-.Ltmp13, $4  }
0x480: {  	_ = 	snop  }
0x481: {  	s5 =	sshra.s32 s2, $0x2;
	s2 =	sadd.s32 $0x200, s2  }
0x482: {  	s1 =	sadd.s32 $0x200, s1;
	s5 =	sadd.s32 $0x2000, s5  }
0x483: {  	[tilespmem:s1], [sflag:$0x2] =	stream.indirect.gather [hbm4b:s4+s24], $0x10, s5, s24, $0xb8;
	[tilespmem:$0x14810] =	vst v63  }
0x484: {  	_ =	swait.ge [sflag:s31], $0x400  }
0x485: {  	[sflag:s31] =	ssyncset.done $0x0  }
0x486: {  	s1 =	simm.s32 $0x40D0;
	[sflag:s31] =	ssyncadd.s32 $0xFFFFFC00  }
0x487: {  	v1 =	vld [tilespmem:s1+$0xFFFFFF40]  }
0x488: {  	v2 =	vld [tilespmem:s1+$0xFFFFFF30];
	_ =	sdelay $0x1  }
0x489: {  	v3 =	vld [tilespmem:s1+$0xFFFFFF50];
	_ =	sdelay $0x1  }
0x48a: {  	v4 =	vld [tilespmem:s1+$0xFFFFFF60]  }
0x48b: {  	v1 =	vadd.f32 v1, v2  }
0x48c: {  	v2 =	vld [tilespmem:s1+$0xFFFFFF70]  }
0x48d: {  	v1 =	vadd.f32 v3, v1  }
0x48e: {  	v3 =	vld [tilespmem:s1+$0xFFFFFF80]  }
0x48f: {  	v1 =	vadd.f32 v4, v1  }
0x490: {  	v57 =	vld [tilespmem:s1+$0xFFFFFF90]  }
0x491: {  	v1 =	vadd.f32 v2, v1  }
0x492: {  	v2 =	vld [tilespmem:s1+$0xFFFFFFA0]  }
0x493: {  	v1 =	vadd.f32 v3, v1  }
0x494: {  	v3 =	vld [tilespmem:s1+$0xFFFFFFB0]  }
0x495: {  	v1 =	vadd.f32 v57, v1  }
0x496: {  	v58 =	vld [tilespmem:s1+$0xFFFFFFC0]  }
0x497: {  	v1 =	vadd.f32 v2, v1  }
0x498: {  	v2 =	vld [tilespmem:s1+$0xFFFFFFD0]  }
0x499: {  	v1 =	vadd.f32 v3, v1  }
0x49a: {  	v3 =	vld [tilespmem:s1+$0xFFFFFFE0]  }
0x49b: {  	v1 =	vadd.f32 v58, v1  }
0x49c: {  	v59 =	vld [tilespmem:s1+$0xFFFFFFF0]  }
0x49d: {  	v1 =	vadd.f32 v2, v1  }
0x49e: {  	v2 =	vld [tilespmem:s1+$0x0]  }
0x49f: {  	v1 =	vadd.f32 v3, v1  }
0x4a0: {  	v3 =	vld [tilespmem:s1+$0x10]  }
0x4a1: {  	v1 =	vadd.f32 v59, v1  }
0x4a2: {  	v60 =	vld [tilespmem:s1+$0x20]  }
0x4a3: {  	v1 =	vadd.f32 v2, v1  }
0x4a4: {  	v2 =	vld [tilespmem:s1+$0x30]  }
0x4a5: {  	v1 =	vadd.f32 v3, v1  }
0x4a6: {  	v3 =	vld [tilespmem:s1+$0x40]  }
0x4a7: {  	v1 =	vadd.f32 v60, v1  }
0x4a8: {  	v61 =	vld [tilespmem:s1+$0x50]  }
0x4a9: {  	v1 =	vadd.f32 v2, v1  }
0x4aa: {  	v2 =	vld [tilespmem:s1+$0x60]  }
0x4ab: {  	v1 =	vadd.f32 v3, v1  }
0x4ac: {  	v3 =	vld [tilespmem:s1+$0x70]  }
0x4ad: {  	v1 =	vadd.f32 v61, v1  }
0x4ae: {  	v62 =	vld [tilespmem:s1+$0x80]  }
0x4af: {  	v1 =	vadd.f32 v2, v1  }
0x4b0: {  	v2 =	vld [tilespmem:s1+$0x90]  }
0x4b1: {  	v1 =	vadd.f32 v3, v1  }
0x4b2: {  	v3 =	vld [tilespmem:s1+$0xA0]  }
0x4b3: {  	v1 =	vadd.f32 v62, v1  }
0x4b4: {  	v63 =	vld [tilespmem:s1+$0xB0]  }
0x4b5: {  	v1 =	vadd.f32 v2, v1  }
0x4b6: {  	v2 =	vld [tilespmem:s1+$0xC0]  }
0x4b7: {  	v1 =	vadd.f32 v3, v1;
	_ =	sdelay $0x1  }
0x4b8: {  	v1 =	vadd.f32 v63, v1;
	_ =	sdelay $0x1  }
0x4b9: {  	s2 =	simm.s32 $0x0;
	v1 =	vadd.f32 v2, v1  }
0x4ba: {  	s22 =	sand.u32 $0xE00, s2  }
0x4bb: {  	s5 =	sand.u32 $0x70, s2;
	s1 =	sshrl.u32 s22, $0x2;
	v1 =	vmul.f32 v1, v0  }
0x4bc: {  	s1 =	sor.u32 s5, s1  }
0x4bd: {  	s22 =	simm.s32 $0x42D0;
	[tilespmem:s1+$0x14000] =	vst v1  }
0x4be: {  	v1 =	vld [tilespmem:s22+$0xFFFFFF40]  }
0x4bf: {  	s5 =	simm.s32 $0x80;
	s1 =	simm.s32 $0x40;
	v2 =	vld [tilespmem:s22+$0xFFFFFF30]  }
.LBB2_30:
0x4c0: {  	p0 =	sne.s32 s5, $0xFC0  }
0x4c1: {  	v3 =	vld [tilespmem:s22+$0xFFFFFF50];
	_ =	sdelay $0x1  }
0x4c2: {  	v4 =	vld [tilespmem:s22+$0xFFFFFF60]  }
0x4c3: {  	v1 =	vadd.f32 v1, v2  }
0x4c4: {  	v2 =	vld [tilespmem:s22+$0xFFFFFF70]  }
0x4c5: {  	v1 =	vadd.f32 v3, v1  }
0x4c6: {  	v3 =	vld [tilespmem:s22+$0xFFFFFF80]  }
0x4c7: {  	v1 =	vadd.f32 v4, v1  }
0x4c8: {  	v4 =	vld [tilespmem:s22+$0xFFFFFF90]  }
0x4c9: {  	v1 =	vadd.f32 v2, v1  }
0x4ca: {  	v2 =	vld [tilespmem:s22+$0xFFFFFFA0]  }
0x4cb: {  	v1 =	vadd.f32 v3, v1  }
0x4cc: {  	v3 =	vld [tilespmem:s22+$0xFFFFFFB0]  }
0x4cd: {  	v1 =	vadd.f32 v4, v1  }
0x4ce: {  	v4 =	vld [tilespmem:s22+$0xFFFFFFC0]  }
0x4cf: {  	v1 =	vadd.f32 v2, v1  }
0x4d0: {  	v2 =	vld [tilespmem:s22+$0xFFFFFFD0]  }
0x4d1: {  	v1 =	vadd.f32 v3, v1  }
0x4d2: {  	v3 =	vld [tilespmem:s22+$0xFFFFFFE0]  }
0x4d3: {  	v1 =	vadd.f32 v4, v1  }
0x4d4: {  	v4 =	vld [tilespmem:s22+$0xFFFFFFF0]  }
0x4d5: {  	v1 =	vadd.f32 v2, v1  }
0x4d6: {  	v2 =	vld [tilespmem:s22+$0x0]  }
0x4d7: {  	v1 =	vadd.f32 v3, v1  }
0x4d8: {  	v3 =	vld [tilespmem:s22+$0x10]  }
0x4d9: {  	v1 =	vadd.f32 v4, v1  }
0x4da: {  	v4 =	vld [tilespmem:s22+$0x20]  }
0x4db: {  	v1 =	vadd.f32 v2, v1  }
0x4dc: {  	v2 =	vld [tilespmem:s22+$0x30]  }
0x4dd: {  	v1 =	vadd.f32 v3, v1  }
0x4de: {  	v3 =	vld [tilespmem:s22+$0x40]  }
0x4df: {  	v1 =	vadd.f32 v4, v1  }
0x4e0: {  	v4 =	vld [tilespmem:s22+$0x50]  }
0x4e1: {  	v1 =	vadd.f32 v2, v1  }
0x4e2: {  	v2 =	vld [tilespmem:s22+$0x60]  }
0x4e3: {  	v1 =	vadd.f32 v3, v1  }
0x4e4: {  	v3 =	vld [tilespmem:s22+$0x70]  }
0x4e5: {  	v1 =	vadd.f32 v4, v1  }
0x4e6: {  	v4 =	vld [tilespmem:s22+$0x80]  }
0x4e7: {  	v1 =	vadd.f32 v2, v1  }
0x4e8: {  	v2 =	vld [tilespmem:s22+$0x90]  }
0x4e9: {  	v1 =	vadd.f32 v3, v1  }
0x4ea: {  	v3 =	vld [tilespmem:s22+$0xA0]  }
0x4eb: {  	v1 =	vadd.f32 v4, v1  }
0x4ec: {  	v4 =	vld [tilespmem:s22+$0xB0]  }
0x4ed: {  	v1 =	vadd.f32 v2, v1  }
0x4ee: {  	v2 =	vld [tilespmem:s22+$0xC0]  }
0x4ef: {  	v1 =	vadd.f32 v3, v1;
	_ =	sdelay $0x1  }
0x4f0: {  	v1 =	vadd.f32 v4, v1;
	_ =	sdelay $0x1  }
0x4f1: {  	v1 =	vadd.f32 v2, v1  }
0x4f2: {  	s6 =	sand.u32 $0xE00, s1;
	s2 =	sadd.s32 $0x10, s2;
	s1 =	smov.u32 s5  }
.Ltmp14:
0x4f3: {  	s7 =	sand.u32 $0x70, s2;
	s6 =	sshrl.u32 s6, $0x2;
	v1 =	vmul.f32 v1, v0;
	(pc) =	sbr.rel @p0 .LBB2_30-.Ltmp14, $4  }
0x4f4: {  	s6 =	sor.u32 s7, s6  }
0x4f5: {  	s22 =	sadd.s32 $0x200, s22;
	[tilespmem:s6+$0x14000] =	vst v1  }
0x4f6: {  	v1 =	vld [tilespmem:s22+$0xFFFFFF40]  }
0x4f7: {  	s5 =	sadd.s32 $0x40, s5;
	v2 =	vld [tilespmem:s22+$0xFFFFFF30]  }
0x4f8: {  	_ = 	snop  }
0x4f9: {  	v3 =	vld [tilespmem:s22+$0xFFFFFF50];
	_ =	sdelay $0x1  }
0x4fa: {  	v4 =	vld [tilespmem:s22+$0xFFFFFF60]  }
0x4fb: {  	v1 =	vadd.f32 v1, v2  }
0x4fc: {  	v2 =	vld [tilespmem:s22+$0xFFFFFF70]  }
0x4fd: {  	v1 =	vadd.f32 v3, v1  }
0x4fe: {  	v3 =	vld [tilespmem:s22+$0xFFFFFF80]  }
0x4ff: {  	v1 =	vadd.f32 v4, v1  }
0x500: {  	v49 =	vld [tilespmem:s22+$0xFFFFFF90]  }
0x501: {  	v1 =	vadd.f32 v2, v1  }
0x502: {  	v2 =	vld [tilespmem:s22+$0xFFFFFFA0]  }
0x503: {  	v1 =	vadd.f32 v3, v1  }
0x504: {  	v3 =	vld [tilespmem:s22+$0xFFFFFFB0]  }
0x505: {  	v1 =	vadd.f32 v49, v1  }
0x506: {  	v50 =	vld [tilespmem:s22+$0xFFFFFFC0]  }
0x507: {  	v1 =	vadd.f32 v2, v1  }
0x508: {  	v2 =	vld [tilespmem:s22+$0xFFFFFFD0]  }
0x509: {  	v1 =	vadd.f32 v3, v1  }
0x50a: {  	v3 =	vld [tilespmem:s22+$0xFFFFFFE0]  }
0x50b: {  	v1 =	vadd.f32 v50, v1  }
0x50c: {  	v51 =	vld [tilespmem:s22+$0xFFFFFFF0]  }
0x50d: {  	v1 =	vadd.f32 v2, v1  }
0x50e: {  	v2 =	vld [tilespmem:s22+$0x0]  }
0x50f: {  	v1 =	vadd.f32 v3, v1  }
0x510: {  	v3 =	vld [tilespmem:s22+$0x10]  }
0x511: {  	v1 =	vadd.f32 v51, v1  }
0x512: {  	v52 =	vld [tilespmem:s22+$0x20]  }
0x513: {  	v1 =	vadd.f32 v2, v1  }
0x514: {  	v2 =	vld [tilespmem:s22+$0x30]  }
0x515: {  	v1 =	vadd.f32 v3, v1  }
0x516: {  	v3 =	vld [tilespmem:s22+$0x40]  }
0x517: {  	v1 =	vadd.f32 v52, v1  }
0x518: {  	v53 =	vld [tilespmem:s22+$0x50]  }
0x519: {  	v1 =	vadd.f32 v2, v1  }
0x51a: {  	v2 =	vld [tilespmem:s22+$0x60]  }
0x51b: {  	v1 =	vadd.f32 v3, v1  }
0x51c: {  	v3 =	vld [tilespmem:s22+$0x70]  }
0x51d: {  	v1 =	vadd.f32 v53, v1  }
0x51e: {  	v54 =	vld [tilespmem:s22+$0x80]  }
0x51f: {  	v1 =	vadd.f32 v2, v1  }
0x520: {  	v2 =	vld [tilespmem:s22+$0x90]  }
0x521: {  	v1 =	vadd.f32 v3, v1  }
0x522: {  	v3 =	vld [tilespmem:s22+$0xA0]  }
0x523: {  	v1 =	vadd.f32 v54, v1  }
0x524: {  	v55 =	vld [tilespmem:s22+$0xB0]  }
0x525: {  	v1 =	vadd.f32 v2, v1  }
0x526: {  	v2 =	vld [tilespmem:s22+$0xC0]  }
0x527: {  	v1 =	vadd.f32 v3, v1;
	_ =	sdelay $0x1  }
0x528: {  	v1 =	vadd.f32 v55, v1;
	_ =	sdelay $0x1  }
0x529: {  	v1 =	vadd.f32 v2, v1  }
0x52a: {  	s1 =	sand.u32 $0xE00, s1;
	s2 =	sadd.s32 $0x10, s2  }
0x52b: {  	s2 =	sand.u32 $0x70, s2;
	s1 =	sshrl.u32 s1, $0x2;
	v1 =	vmul.f32 v1, v0  }
0x52c: {  	s1 =	sor.u32 s2, s1  }
0x52d: {  	s2 =	simm.s32 $0x0;
	[tilespmem:s1+$0x14000] =	vst v1  }
0x52e: {  	[hbm4b:s19+s2] =	stream.linear.scatter [tilespmem:s28], [sflag:$0x3], $0x400, $0x38;
	[tilespmem:$0x14810] =	vst v63  }
0x52f: {  	_ =	swait.ge [sflag:s29], $0x8000  }
0x530: {  	[sflag:s29] =	ssyncset.done $0x0  }
0x531: {  	[sflag:s29] =	ssyncadd.s32 $0xFFFF8000  }
0x532: {  	_ =	swait.ge [sflag:s31], $0x400  }
0x533: {  	[sflag:s31] =	ssyncset.done $0x0  }
0x534: {  	s7 =	simm.s32 $0xC0D0;
	[sflag:s31] =	ssyncadd.s32 $0xFFFFFC00  }
0x535: {  	v1 =	vld [tilespmem:s7+$0xFFFFFF40]  }
0x536: {  	v2 =	vld [tilespmem:s7+$0xFFFFFF30];
	_ =	sdelay $0x1  }
0x537: {  	v3 =	vld [tilespmem:s7+$0xFFFFFF50];
	_ =	sdelay $0x1  }
0x538: {  	v56 =	vld [tilespmem:s7+$0xFFFFFF60]  }
0x539: {  	v1 =	vadd.f32 v1, v2  }
0x53a: {  	v2 =	vld [tilespmem:s7+$0xFFFFFF70]  }
0x53b: {  	v1 =	vadd.f32 v3, v1  }
0x53c: {  	v3 =	vld [tilespmem:s7+$0xFFFFFF80]  }
0x53d: {  	v1 =	vadd.f32 v56, v1  }
0x53e: {  	v57 =	vld [tilespmem:s7+$0xFFFFFF90]  }
0x53f: {  	v1 =	vadd.f32 v2, v1  }
0x540: {  	v2 =	vld [tilespmem:s7+$0xFFFFFFA0]  }
0x541: {  	v1 =	vadd.f32 v3, v1  }
0x542: {  	v3 =	vld [tilespmem:s7+$0xFFFFFFB0]  }
0x543: {  	v1 =	vadd.f32 v57, v1  }
0x544: {  	v58 =	vld [tilespmem:s7+$0xFFFFFFC0]  }
0x545: {  	v1 =	vadd.f32 v2, v1  }
0x546: {  	v2 =	vld [tilespmem:s7+$0xFFFFFFD0]  }
0x547: {  	v1 =	vadd.f32 v3, v1  }
0x548: {  	v3 =	vld [tilespmem:s7+$0xFFFFFFE0]  }
0x549: {  	v1 =	vadd.f32 v58, v1  }
0x54a: {  	v59 =	vld [tilespmem:s7+$0xFFFFFFF0]  }
0x54b: {  	v1 =	vadd.f32 v2, v1  }
0x54c: {  	v2 =	vld [tilespmem:s7+$0x0]  }
0x54d: {  	v1 =	vadd.f32 v3, v1  }
0x54e: {  	v3 =	vld [tilespmem:s7+$0x10]  }
0x54f: {  	v1 =	vadd.f32 v59, v1  }
0x550: {  	v60 =	vld [tilespmem:s7+$0x20]  }
0x551: {  	v1 =	vadd.f32 v2, v1  }
0x552: {  	v2 =	vld [tilespmem:s7+$0x30]  }
0x553: {  	v1 =	vadd.f32 v3, v1  }
0x554: {  	v3 =	vld [tilespmem:s7+$0x40]  }
0x555: {  	v1 =	vadd.f32 v60, v1  }
0x556: {  	v61 =	vld [tilespmem:s7+$0x50]  }
0x557: {  	v1 =	vadd.f32 v2, v1  }
0x558: {  	v2 =	vld [tilespmem:s7+$0x60]  }
0x559: {  	v1 =	vadd.f32 v3, v1  }
0x55a: {  	v3 =	vld [tilespmem:s7+$0x70]  }
0x55b: {  	v1 =	vadd.f32 v61, v1  }
0x55c: {  	v62 =	vld [tilespmem:s7+$0x80]  }
0x55d: {  	v1 =	vadd.f32 v2, v1  }
0x55e: {  	v2 =	vld [tilespmem:s7+$0x90]  }
0x55f: {  	v1 =	vadd.f32 v3, v1  }
0x560: {  	v3 =	vld [tilespmem:s7+$0xA0]  }
0x561: {  	v1 =	vadd.f32 v62, v1  }
0x562: {  	v63 =	vld [tilespmem:s7+$0xB0]  }
0x563: {  	v1 =	vadd.f32 v2, v1  }
0x564: {  	v2 =	vld [tilespmem:s7+$0xC0]  }
0x565: {  	v1 =	vadd.f32 v3, v1;
	_ =	sdelay $0x1  }
0x566: {  	v1 =	vadd.f32 v63, v1;
	_ =	sdelay $0x1  }
0x567: {  	v1 =	vadd.f32 v2, v1  }
0x568: {  	s22 =	sand.u32 $0xE00, s2  }
0x569: {  	s5 =	sand.u32 $0x70, s2;
	s1 =	sshrl.u32 s22, $0x2;
	v1 =	vmul.f32 v1, v0  }
0x56a: {  	s1 =	sor.u32 s5, s1  }
0x56b: {  	s22 =	simm.s32 $0xC2D0;
	[tilespmem:s1+$0x14400] =	vst v1  }
0x56c: {  	v1 =	vld [tilespmem:s22+$0xFFFFFF40]  }
0x56d: {  	s5 =	simm.s32 $0x80;
	s1 =	simm.s32 $0x40;
	v2 =	vld [tilespmem:s22+$0xFFFFFF30]  }
.LBB2_32:
0x56e: {  	p0 =	sne.s32 s5, $0xFC0  }
0x56f: {  	v3 =	vld [tilespmem:s22+$0xFFFFFF50];
	_ =	sdelay $0x1  }
0x570: {  	v4 =	vld [tilespmem:s22+$0xFFFFFF60]  }
0x571: {  	v1 =	vadd.f32 v1, v2  }
0x572: {  	v2 =	vld [tilespmem:s22+$0xFFFFFF70]  }
0x573: {  	v1 =	vadd.f32 v3, v1  }
0x574: {  	v3 =	vld [tilespmem:s22+$0xFFFFFF80]  }
0x575: {  	v1 =	vadd.f32 v4, v1  }
0x576: {  	v4 =	vld [tilespmem:s22+$0xFFFFFF90]  }
0x577: {  	v1 =	vadd.f32 v2, v1  }
0x578: {  	v2 =	vld [tilespmem:s22+$0xFFFFFFA0]  }
0x579: {  	v1 =	vadd.f32 v3, v1  }
0x57a: {  	v3 =	vld [tilespmem:s22+$0xFFFFFFB0]  }
0x57b: {  	v1 =	vadd.f32 v4, v1  }
0x57c: {  	v4 =	vld [tilespmem:s22+$0xFFFFFFC0]  }
0x57d: {  	v1 =	vadd.f32 v2, v1  }
0x57e: {  	v2 =	vld [tilespmem:s22+$0xFFFFFFD0]  }
0x57f: {  	v1 =	vadd.f32 v3, v1  }
0x580: {  	v3 =	vld [tilespmem:s22+$0xFFFFFFE0]  }
0x581: {  	v1 =	vadd.f32 v4, v1  }
0x582: {  	v4 =	vld [tilespmem:s22+$0xFFFFFFF0]  }
0x583: {  	v1 =	vadd.f32 v2, v1  }
0x584: {  	v2 =	vld [tilespmem:s22+$0x0]  }
0x585: {  	v1 =	vadd.f32 v3, v1  }
0x586: {  	v3 =	vld [tilespmem:s22+$0x10]  }
0x587: {  	v1 =	vadd.f32 v4, v1  }
0x588: {  	v4 =	vld [tilespmem:s22+$0x20]  }
0x589: {  	v1 =	vadd.f32 v2, v1  }
0x58a: {  	v2 =	vld [tilespmem:s22+$0x30]  }
0x58b: {  	v1 =	vadd.f32 v3, v1  }
0x58c: {  	v3 =	vld [tilespmem:s22+$0x40]  }
0x58d: {  	v1 =	vadd.f32 v4, v1  }
0x58e: {  	v4 =	vld [tilespmem:s22+$0x50]  }
0x58f: {  	v1 =	vadd.f32 v2, v1  }
0x590: {  	v2 =	vld [tilespmem:s22+$0x60]  }
0x591: {  	v1 =	vadd.f32 v3, v1  }
0x592: {  	v3 =	vld [tilespmem:s22+$0x70]  }
0x593: {  	v1 =	vadd.f32 v4, v1  }
0x594: {  	v4 =	vld [tilespmem:s22+$0x80]  }
0x595: {  	v1 =	vadd.f32 v2, v1  }
0x596: {  	v2 =	vld [tilespmem:s22+$0x90]  }
0x597: {  	v1 =	vadd.f32 v3, v1  }
0x598: {  	v3 =	vld [tilespmem:s22+$0xA0]  }
0x599: {  	v1 =	vadd.f32 v4, v1  }
0x59a: {  	v4 =	vld [tilespmem:s22+$0xB0]  }
0x59b: {  	v1 =	vadd.f32 v2, v1  }
0x59c: {  	v2 =	vld [tilespmem:s22+$0xC0]  }
0x59d: {  	v1 =	vadd.f32 v3, v1;
	_ =	sdelay $0x1  }
0x59e: {  	v1 =	vadd.f32 v4, v1;
	_ =	sdelay $0x1  }
0x59f: {  	v1 =	vadd.f32 v2, v1  }
0x5a0: {  	s6 =	sand.u32 $0xE00, s1;
	s2 =	sadd.s32 $0x10, s2;
	s1 =	smov.u32 s5  }
.Ltmp15:
0x5a1: {  	s7 =	sand.u32 $0x70, s2;
	s6 =	sshrl.u32 s6, $0x2;
	v1 =	vmul.f32 v1, v0;
	(pc) =	sbr.rel @p0 .LBB2_32-.Ltmp15, $4  }
0x5a2: {  	s6 =	sor.u32 s7, s6  }
0x5a3: {  	s22 =	sadd.s32 $0x200, s22;
	[tilespmem:s6+$0x14400] =	vst v1  }
0x5a4: {  	v1 =	vld [tilespmem:s22+$0xFFFFFF40]  }
0x5a5: {  	s5 =	sadd.s32 $0x40, s5;
	v2 =	vld [tilespmem:s22+$0xFFFFFF30]  }
0x5a6: {  	_ = 	snop  }
0x5a7: {  	v3 =	vld [tilespmem:s22+$0xFFFFFF50];
	_ =	sdelay $0x1  }
0x5a8: {  	v4 =	vld [tilespmem:s22+$0xFFFFFF60]  }
0x5a9: {  	v1 =	vadd.f32 v1, v2  }
0x5aa: {  	v42 =	vld [tilespmem:s22+$0xFFFFFF70]  }
0x5ab: {  	v1 =	vadd.f32 v3, v1  }
0x5ac: {  	v43 =	vld [tilespmem:s22+$0xFFFFFF80]  }
0x5ad: {  	v1 =	vadd.f32 v4, v1  }
0x5ae: {  	v44 =	vld [tilespmem:s22+$0xFFFFFF90]  }
0x5af: {  	v1 =	vadd.f32 v42, v1  }
0x5b0: {  	v45 =	vld [tilespmem:s22+$0xFFFFFFA0]  }
0x5b1: {  	v1 =	vadd.f32 v43, v1  }
0x5b2: {  	v46 =	vld [tilespmem:s22+$0xFFFFFFB0]  }
0x5b3: {  	v1 =	vadd.f32 v44, v1  }
0x5b4: {  	v47 =	vld [tilespmem:s22+$0xFFFFFFC0]  }
0x5b5: {  	v1 =	vadd.f32 v45, v1  }
0x5b6: {  	v48 =	vld [tilespmem:s22+$0xFFFFFFD0]  }
0x5b7: {  	v1 =	vadd.f32 v46, v1  }
0x5b8: {  	v49 =	vld [tilespmem:s22+$0xFFFFFFE0]  }
0x5b9: {  	v1 =	vadd.f32 v47, v1  }
0x5ba: {  	v50 =	vld [tilespmem:s22+$0xFFFFFFF0]  }
0x5bb: {  	v1 =	vadd.f32 v48, v1  }
0x5bc: {  	v51 =	vld [tilespmem:s22+$0x0]  }
0x5bd: {  	v1 =	vadd.f32 v49, v1  }
0x5be: {  	v52 =	vld [tilespmem:s22+$0x10]  }
0x5bf: {  	v1 =	vadd.f32 v50, v1  }
0x5c0: {  	v53 =	vld [tilespmem:s22+$0x20]  }
0x5c1: {  	v1 =	vadd.f32 v51, v1  }
0x5c2: {  	v54 =	vld [tilespmem:s22+$0x30]  }
0x5c3: {  	v1 =	vadd.f32 v52, v1  }
0x5c4: {  	v55 =	vld [tilespmem:s22+$0x40]  }
0x5c5: {  	v1 =	vadd.f32 v53, v1  }
0x5c6: {  	v56 =	vld [tilespmem:s22+$0x50]  }
0x5c7: {  	v1 =	vadd.f32 v54, v1  }
0x5c8: {  	v57 =	vld [tilespmem:s22+$0x60]  }
0x5c9: {  	v1 =	vadd.f32 v55, v1  }
0x5ca: {  	v58 =	vld [tilespmem:s22+$0x70]  }
0x5cb: {  	v1 =	vadd.f32 v56, v1  }
0x5cc: {  	v59 =	vld [tilespmem:s22+$0x80]  }
0x5cd: {  	v1 =	vadd.f32 v57, v1  }
0x5ce: {  	v60 =	vld [tilespmem:s22+$0x90]  }
0x5cf: {  	v1 =	vadd.f32 v58, v1  }
0x5d0: {  	v61 =	vld [tilespmem:s22+$0xA0]  }
0x5d1: {  	v1 =	vadd.f32 v59, v1  }
0x5d2: {  	v62 =	vld [tilespmem:s22+$0xB0]  }
0x5d3: {  	v1 =	vadd.f32 v60, v1  }
0x5d4: {  	v63 =	vld [tilespmem:s22+$0xC0]  }
0x5d5: {  	v1 =	vadd.f32 v61, v1;
	_ =	sdelay $0x1  }
0x5d6: {  	v1 =	vadd.f32 v62, v1;
	_ =	sdelay $0x1  }
0x5d7: {  	v1 =	vadd.f32 v63, v1  }
0x5d8: {  	s1 =	sand.u32 $0xE00, s1;
	s2 =	sadd.s32 $0x10, s2  }
0x5d9: {  	s2 =	sand.u32 $0x70, s2;
	s1 =	sshrl.u32 s1, $0x2;
	v0 =	vmul.f32 v1, v0  }
0x5da: {  	s1 =	sor.u32 s2, s1  }
0x5db: {  	s0 =	sadd.s32 $0x1, s0;
	[tilespmem:s1+$0x14400] =	vst v0  }
0x5dc: {  	[hbm4b:s20+s3] =	stream.linear.scatter [tilespmem:s30], [sflag:$0x3], $0x400, $0x38;
	[tilespmem:$0x14810] =	vst v63  }
0x5dd: {  	p0 =	sne.s32 s0, s21;
	_ =	swait.ge [sflag:s31], $0x400  }
.Ltmp16:
0x5de: {  	[sflag:s31] =	ssyncset.done $0x0;
	(pc) =	sbr.rel @p0 .LBB2_1-.Ltmp16, $4  }
0x5df: {  	[sflag:s31] =	ssyncadd.s32 $0xFFFFFC00  }
0x5e0: {  	_ =	swait.ge [sflag:s31], $0x400  }
0x5e1: {  	[sflag:s31] =	ssyncset.done $0x0  }
0x5e2: {  	[sflag:s31] =	ssyncadd.s32 $0xFFFFFC00  }
0x5e3: {  	_ =	sfence.sel $0x180000  }
0x5e4: {  	[bflag:$0x0] =	sbarrier.arrive $0xFFFF  }
0x5e5: {  	_ =	strace $0x90000047  }
0x5e6: {  	s0 =	stileid.u32;
	[bflag:$0x2] =	sbarrier.arrive $0xFFFF  }
0x5e7: {  	p0 =	sne.s32 s0, $0x0;
	s0 =	rddreg [dreg:$0x3]  }
0x5e8: {  	s0 =	sadd.s32 @!p0 $0x100000, s0  }
0x5e9: {  	[sflag:s0] =	ssyncadd.tile.s32 @!p0 $0x1;
	_ =	shalt  }
.Lfunc_end2:
_tile_overlayer_lowered:
.L_overlay_start_2:
0x5ea: {  	(tag) =	ssettag $0x2  }
0x5eb: {  	s0 =	rddreg [dreg:$0x0];
	s2 =	stileid.u32  }
0x5ec: {  	s1 =	rddreg [dreg:$0x1];
	p0 =	sne.s32 s2, $0x0  }
0x5ed: {  	s3 =	rddreg [dreg:$0x2];
	[bflag:$0x3] =	sbarrier.arrive $0xFFFF;
	s2 =	simm.s32 @!p0 $0x1C04  }
0x5ee: {  	[timem:s3], [sflag:s2] =	dma.local @!p0 [hbm:s0], s1  }
0x5ef: {  	s0 =	simm.s32 @!p0 $0x4  }
0x5f0: {  	_ =	swait.ge @!p0 [sflag:s0], s1  }
0x5f1: {  	s1 =	ssub.s32 @!p0 $0x0, s1;
	[sflag:s0] =	ssyncset.done @!p0 $0x0  }
0x5f2: {  	[sflag:s0] =	ssyncadd.s32 @!p0 s1  }
0x5f3: {  	[bflag:$0x3] =	sbarrier.arrive $0xFFFF  }
0x5f4: {  	_ =	shalt  }

</sc_bundles>
